<compile_context>
chip_gen: v7x
topology: tpu7x:2x2x1
jax: 0.10.2.dev20260603
libtpu: 0.0.44.dev20260713+nightly
codegen_flags: <defaults>
</compile_context>

<pallas_src>
import jax
import jax.numpy as jnp
from jax import lax
from jax.experimental import pallas as pl
from jax.experimental.pallas import tpu as pltpu
from jax.experimental.pallas import tpu_sc as plsc

_N = 10000
_E = 320000
_NC = 2
_NS = 16
_CH = 125
_R = _E // _CH
_TPW = _R // (_NC * _NS)
_NACC = 10240
_NPT = _NACC // _NS
_ZROWS = 128


def _sc_mesh():
    return plsc.VectorSubcoreMesh(core_axis_name="c", subcore_axis_name="s")


def _make_agg(F):

    nb = 8

    def body(u_hbm, src_hbm, dst_hbm, out_hbm, src_v, dst_v, *rest):
        bufs = rest[:nb]
        zbuf = rest[nb]
        acc = rest[nb + 1]
        sg = rest[nb + 2:2 * nb + 2]
        ss = rest[2 * nb + 2:]
        c = lax.axis_index("c")
        s = lax.axis_index("s")
        tile = c * _NS + s
        base = tile * _TPW
        pltpu.sync_copy(src_hbm.at[pl.ds(base, _TPW)], src_v)
        pltpu.sync_copy(dst_hbm.at[pl.ds(base, _TPW)], dst_v)

        zero = jnp.zeros((16,), jnp.float32)

        def zrow(i, carry):
            for kk in range(F // 16):
                zbuf[i, pl.ds(kk * 16, 16)] = zero
            return carry

        lax.fori_loop(0, _ZROWS, zrow, 0)
        for r in range(_NPT // _ZROWS):
            pltpu.sync_copy(zbuf, acc.at[pl.ds(s * _NPT + r * _ZROWS, _ZROWS)])
        plsc.subcore_barrier()

        def wait_g(b):
            pltpu.make_async_copy(u_hbm.at[src_v.at[0]], bufs[b], sg[b]).wait()

        def wait_s(b):
            pltpu.make_async_copy(bufs[b], acc.at[dst_v.at[0]], ss[b]).wait()

        for b in range(nb):
            pltpu.async_copy(u_hbm.at[src_v.at[b]], bufs[b], sg[b])

        nout = _TPW // nb

        def loop_body(i, carry):
            j0 = nb * i
            for b in range(nb):
                wait_g(b)
                pltpu.async_copy(bufs[b], acc.at[dst_v.at[j0 + b]], ss[b],
                                 add=True)

            @pl.when(i < nout - 1)
            def _():
                for b in range(nb):
                    wait_s(b)
                    pltpu.async_copy(u_hbm.at[src_v.at[j0 + nb + b]],
                                     bufs[b], sg[b])

            return carry

        lax.fori_loop(0, nout, loop_body, 0)
        for b in range(nb):
            wait_s(b)
        plsc.subcore_barrier()
        for r in range(_NPT // _ZROWS):
            off = s * _NPT + r * _ZROWS
            pltpu.sync_copy(acc.at[pl.ds(off, _ZROWS)],
                            out_hbm.at[c].at[pl.ds(off, _ZROWS)])

    return pl.kernel(
        body,
        out_type=jax.ShapeDtypeStruct((_NC, _NACC, F), jnp.float32),
        mesh=_sc_mesh(),
        compiler_params=pltpu.CompilerParams(use_tc_tiling_on_sc=False),
        scratch_types=(
            [pltpu.VMEM((_TPW, _CH), jnp.int32),
             pltpu.VMEM((_TPW, _CH), jnp.int32)]
            + [pltpu.VMEM((_CH, F), jnp.float32) for _ in range(nb)]
            + [pltpu.VMEM((_ZROWS, F), jnp.float32),
               pltpu.VMEM_SHARED((_NACC, F), jnp.float32)]
            + [pltpu.SemaphoreType.DMA for _ in range(2 * nb)]
        ),
    )


def _make_deg():
    F = 16

    def body(dst_hbm, out_hbm, dst_v, ones_v, zbuf, acc, ss0, ss1, ss2, ss3):
        c = lax.axis_index("c")
        s = lax.axis_index("s")
        tile = c * _NS + s
        base = tile * _TPW
        pltpu.sync_copy(dst_hbm.at[pl.ds(base, _TPW)], dst_v)

        ss = (ss0, ss1, ss2, ss3)
        zero = jnp.zeros((16,), jnp.float32)
        one = jnp.ones((16,), jnp.float32)

        def fill_z(i, carry):
            zbuf[i, :] = zero
            return carry

        lax.fori_loop(0, _ZROWS, fill_z, 0)

        def fill_o(i, carry):
            ones_v[i, :] = one
            return carry

        lax.fori_loop(0, _CH, fill_o, 0)
        for r in range(_NPT // _ZROWS):
            pltpu.sync_copy(zbuf, acc.at[pl.ds(s * _NPT + r * _ZROWS, _ZROWS)])
        plsc.subcore_barrier()

        def wait_s(b):
            pltpu.make_async_copy(ones_v.at[pl.ds(0, _CH)],
                                  acc.at[dst_v.at[0]], ss[b]).wait()

        for b in range(4):
            pltpu.async_copy(ones_v.at[pl.ds(0, _CH)], acc.at[dst_v.at[b]],
                             ss[b], add=True)

        def loop_body(i, carry):
            j0 = 4 * (i + 1)
            for b in range(4):
                wait_s(b)
                pltpu.async_copy(ones_v.at[pl.ds(0, _CH)],
                                 acc.at[dst_v.at[j0 + b]], ss[b], add=True)
            return carry

        lax.fori_loop(0, _TPW // 4 - 1, loop_body, 0)
        for b in range(4):
            wait_s(b)
        plsc.subcore_barrier()
        for r in range(_NPT // _ZROWS):
            off = s * _NPT + r * _ZROWS
            pltpu.sync_copy(acc.at[pl.ds(off, _ZROWS)],
                            out_hbm.at[c].at[pl.ds(off, _ZROWS)])

    return pl.kernel(
        body,
        out_type=jax.ShapeDtypeStruct((_NC, _NACC, F), jnp.float32),
        mesh=_sc_mesh(),
        compiler_params=pltpu.CompilerParams(use_tc_tiling_on_sc=False),
        scratch_types=[
            pltpu.VMEM((_TPW, _CH), jnp.int32),
            pltpu.VMEM((_CH, F), jnp.float32),
            pltpu.VMEM((_ZROWS, F), jnp.float32),
            pltpu.VMEM_SHARED((_NACC, F), jnp.float32),
            pltpu.SemaphoreType.DMA,
            pltpu.SemaphoreType.DMA,
            pltpu.SemaphoreType.DMA,
            pltpu.SemaphoreType.DMA,
        ],
    )


_BN = 5000


def _tc_first(degp, x, w1p):
    fin, fout = x.shape[1], w1p.shape[1]

    def body(degp_ref, x_ref, w_ref, u_ref, dinv_ref):
        deg = jnp.maximum(degp_ref[0] + degp_ref[1], 1.0)
        r = lax.rsqrt(deg)
        dinv = r * (1.5 - 0.5 * deg * r * r)
        dinv_ref[...] = dinv
        xw = jnp.dot(x_ref[...], w_ref[...],
                     preferred_element_type=jnp.float32)
        u_ref[...] = xw * dinv[:, 0:1]

    return pl.pallas_call(
        body,
        grid=(_N // _BN,),
        in_specs=[
            pl.BlockSpec((_NC, _BN, 16), lambda i: (0, i, 0)),
            pl.BlockSpec((_BN, fin), lambda i: (i, 0)),
            pl.BlockSpec((fin, fout), lambda i: (0, 0)),
        ],
        out_specs=[
            pl.BlockSpec((_BN, fout), lambda i: (i, 0)),
            pl.BlockSpec((_BN, 16), lambda i: (i, 0)),
        ],
        out_shape=[
            jax.ShapeDtypeStruct((_N, fout), jnp.float32),
            jax.ShapeDtypeStruct((_N, 16), jnp.float32),
        ],
    )(degp, x, w1p)


def _tc_mid(sp, dinv, wp, bp):
    fin, fout = wp.shape

    def body(sp_ref, dinv_ref, w_ref, b_ref, u_ref):
        dinv = dinv_ref[...]
        h = jnp.maximum(dinv[:, 0:1] * (sp_ref[0] + sp_ref[1]) + b_ref[...],
                        0.0)
        hw = jnp.dot(h, w_ref[...], preferred_element_type=jnp.float32)
        u_ref[...] = hw * dinv[:, 0:1]

    return pl.pallas_call(
        body,
        grid=(_N // _BN,),
        in_specs=[
            pl.BlockSpec((_NC, _BN, fin), lambda i: (0, i, 0)),
            pl.BlockSpec((_BN, 16), lambda i: (i, 0)),
            pl.BlockSpec((fin, fout), lambda i: (0, 0)),
            pl.BlockSpec((1, fin), lambda i: (0, 0)),
        ],
        out_specs=pl.BlockSpec((_BN, fout), lambda i: (i, 0)),
        out_shape=jax.ShapeDtypeStruct((_N, fout), jnp.float32),
    )(sp, dinv, wp, bp)


def _tc_last(sp, dinv, bp):
    fin = sp.shape[2]

    def body(sp_ref, dinv_ref, b_ref, o_ref):
        dinv = dinv_ref[...]
        o_ref[...] = dinv[:, 0:1] * (sp_ref[0] + sp_ref[1]) + b_ref[...]

    return pl.pallas_call(
        body,
        grid=(_N // _BN,),
        in_specs=[
            pl.BlockSpec((_NC, _BN, fin), lambda i: (0, i, 0)),
            pl.BlockSpec((_BN, 16), lambda i: (i, 0)),
            pl.BlockSpec((1, fin), lambda i: (0, 0)),
        ],
        out_specs=pl.BlockSpec((_BN, fin), lambda i: (i, 0)),
        out_shape=jax.ShapeDtypeStruct((_N, fin), jnp.float32),
    )(sp, dinv, bp)


_agg32 = _make_agg(32)
_agg48 = _make_agg(48)
_agg16 = _make_agg(16)
_deg = _make_deg()


def kernel(x, edge_index, W1, b1, W2, b2, W3, b3):
    src2d = edge_index[0].reshape(_R, _CH)
    dst2d = edge_index[1].reshape(_R, _CH)

    w1p = jnp.pad(W1, ((0, 0), (0, 32 - W1.shape[1])))
    w2p = jnp.pad(W2, ((0, 32 - W2.shape[0]), (0, 48 - W2.shape[1])))
    w3p = jnp.pad(W3, ((0, 48 - W3.shape[0]), (0, 16 - W3.shape[1])))
    b1p = jnp.pad(b1, (0, 32 - b1.shape[0])).reshape(1, 32)
    b2p = jnp.pad(b2, (0, 48 - b2.shape[0])).reshape(1, 48)
    b3p = jnp.pad(b3, (0, 16 - b3.shape[0])).reshape(1, 16)

    degp = _deg(dst2d)
    u1, dinv = _tc_first(degp, x, w1p)
    s1p = _agg32(u1, src2d, dst2d)
    u2 = _tc_mid(s1p, dinv, w2p, b1p)
    s2p = _agg48(u2, src2d, dst2d)
    u3 = _tc_mid(s2p, dinv, w3p, b2p)
    s3p = _agg16(u3, src2d, dst2d)
    out16 = _tc_last(s3p, dinv, b3p)
    return out16[:, :2]

# --- scband reference (transcript-rebuilt; emitter-appended) ---
"""Pipeline reference for scband-mygcn-11424613008011 (READ-ONLY COPY).

The authoritative reference and input builder live on the scoring server;
editing this copy changes nothing except your own understanding.
"""

import jax, jax.numpy as jnp
import numpy as np

N = 10000
E = 320000
D_IN = 128
H1 = 20
H2 = 40
D_OUT = 2


def _glorot(k, shape):
    lim = np.sqrt(6.0 / (shape[0] + shape[1]))
    return jax.random.uniform(k, shape, jnp.float32, -lim, lim)


def setup_inputs(seed: int = 0) -> dict:
    key = jax.random.key(seed)
    ks = jax.random.split(key, 6)
    x = jax.random.normal(ks[0], (N, D_IN), dtype=jnp.float32)
    edge_index = jax.random.randint(ks[1], (2, E), 0, N, dtype=jnp.int32)
    W1 = _glorot(ks[2], (D_IN, H1))
    b1 = jnp.zeros((H1,), jnp.float32)
    W2 = _glorot(ks[3], (H1, H2))
    b2 = jnp.zeros((H2,), jnp.float32)
    W3 = _glorot(ks[4], (H2, D_OUT))
    b3 = jnp.zeros((D_OUT,), jnp.float32)
    return {"x": x, "edge_index": edge_index, "W1": W1, "b1": b1,
            "W2": W2, "b2": b2, "W3": W3, "b3": b3}


def reference(x, edge_index, W1, b1, W2, b2, W3, b3):
    # 3-layer Kipf GCN: out = A_hat @ relu(A_hat @ relu(A_hat @ X W1 + b1) W2 + b2) W3 + b3
    src = edge_index[0]
    dst = edge_index[1]
    ones = jnp.ones((src.shape[0],), jnp.float32)
    deg = jnp.zeros((N,), jnp.float32).at[dst].add(ones)
    deg = jnp.maximum(deg, 1.0)
    dinv = jax.lax.rsqrt(deg)
    coef = (dinv[src] * dinv[dst])[:, None]  # symmetric D^-1/2 A D^-1/2 normalization

    def gc_layer(h, W, b):
        hw = h @ W                      # dense transform (pre-aggregation, like sparse A @ (XW))
        msgs = hw[src] * coef           # gather over edges
        agg = jax.ops.segment_sum(msgs, dst, num_segments=N)  # scatter-add to dst nodes
        return agg + b

    h1 = jax.nn.relu(gc_layer(x, W1, b1))
    h2 = jax.nn.relu(gc_layer(h1, W2, b2))
    out = gc_layer(h2, W3, b3)          # final layer: act = identity (logits)
    return out

if __name__ == "__main__":
    import jax
    _d = setup_inputs()
    print(jax.jit(kernel)(*tuple(_d.values())))

</pallas_src>

<mosaic_0001>
#map = affine_map<(d0, d1) -> (0, 0)>
#map1 = affine_map<(d0, d1) -> (0, 0, 0)>
module attributes {stable_mosaic.version = 14 : i64} {
  func.func @body(%arg0: i32, %arg1: i32, %arg2: memref<10000x16xf32, #tpu.memory_space<hbm>>, %arg3: memref<2560x125xi32, #tpu.memory_space<hbm>>, %arg4: memref<2560x125xi32, #tpu.memory_space<hbm>>, %arg5: memref<2x10240x16xf32, #tpu.memory_space<hbm>>, %arg6: memref<80x125xi32, #tpu.memory_space<vmem>>, %arg7: memref<80x125xi32, #tpu.memory_space<vmem>>, %arg8: memref<125x16xf32, #tpu.memory_space<vmem>>, %arg9: memref<125x16xf32, #tpu.memory_space<vmem>>, %arg10: memref<125x16xf32, #tpu.memory_space<vmem>>, %arg11: memref<125x16xf32, #tpu.memory_space<vmem>>, %arg12: memref<125x16xf32, #tpu.memory_space<vmem>>, %arg13: memref<125x16xf32, #tpu.memory_space<vmem>>, %arg14: memref<125x16xf32, #tpu.memory_space<vmem>>, %arg15: memref<125x16xf32, #tpu.memory_space<vmem>>, %arg16: memref<128x16xf32, #tpu.memory_space<vmem>>, %arg17: memref<10240x16xf32, #tpu.memory_space<vmem_shared>>, %arg18: memref<!tpu.dma_semaphore, #tpu.memory_space<semaphore_mem>>, %arg19: memref<!tpu.dma_semaphore, #tpu.memory_space<semaphore_mem>>, %arg20: memref<!tpu.dma_semaphore, #tpu.memory_space<semaphore_mem>>, %arg21: memref<!tpu.dma_semaphore, #tpu.memory_space<semaphore_mem>>, %arg22: memref<!tpu.dma_semaphore, #tpu.memory_space<semaphore_mem>>, %arg23: memref<!tpu.dma_semaphore, #tpu.memory_space<semaphore_mem>>, %arg24: memref<!tpu.dma_semaphore, #tpu.memory_space<semaphore_mem>>, %arg25: memref<!tpu.dma_semaphore, #tpu.memory_space<semaphore_mem>>, %arg26: memref<!tpu.dma_semaphore, #tpu.memory_space<semaphore_mem>>, %arg27: memref<!tpu.dma_semaphore, #tpu.memory_space<semaphore_mem>>, %arg28: memref<!tpu.dma_semaphore, #tpu.memory_space<semaphore_mem>>, %arg29: memref<!tpu.dma_semaphore, #tpu.memory_space<semaphore_mem>>, %arg30: memref<!tpu.dma_semaphore, #tpu.memory_space<semaphore_mem>>, %arg31: memref<!tpu.dma_semaphore, #tpu.memory_space<semaphore_mem>>, %arg32: memref<!tpu.dma_semaphore, #tpu.memory_space<semaphore_mem>>, %arg33: memref<!tpu.dma_semaphore, #tpu.memory_space<semaphore_mem>>) attributes {dimension_semantics = [#tpu.dimension_semantics<core_parallel>, #tpu.dimension_semantics<subcore_parallel>], iteration_bounds = array<i64: 2, 16>, scalar_prefetch = 0 : i64, scratch_operands = 28 : i64, tpu.core_type = #tpu.core_type<sc_vector_subcore>, window_params = [{transform_indices = #map}, {transform_indices = #map}, {transform_indices = #map}, {transform_indices = #map1}]} {
    %mul3A = arith.constant 16 : i32
    %mul3A_0 = arith.muli %arg0, %mul3A : i32
    %add3A = arith.addi %mul3A_0, %arg1 : i32
    %mul3A_1 = arith.constant 80 : i32
    %mul3A_2 = arith.muli %add3A, %mul3A_1 : i32
    "tpu.region"() ({
      %run_scoped3A = tpu.sem_alloc : memref<!tpu.dma_semaphore, #tpu.memory_space<semaphore_mem>>
      %dma_start3A_166 = arith.constant 0 : i32
      %dma_start3A_167 = tpu.memref_slice %arg3[%mul3A_2, %dma_start3A_166] : memref<2560x125xi32, #tpu.memory_space<hbm>> -> memref<80x125xi32, #tpu.memory_space<hbm>>
      %dma_start3A_168 = arith.constant 0 : i32
      %dma_start3A_169 = tpu.memref_slice %arg3[%mul3A_2, %dma_start3A_168] : memref<2560x125xi32, #tpu.memory_space<hbm>> -> memref<80x125xi32, #tpu.memory_space<hbm>>
      tpu.enqueue_dma source(%dma_start3A_169 : memref<80x125xi32, #tpu.memory_space<hbm>>) target(%arg6 : memref<80x125xi32, #tpu.memory_space<vmem>>) target_semaphore(%run_scoped3A : memref<!tpu.dma_semaphore, #tpu.memory_space<semaphore_mem>>)
      %dma_wait3A_170 = arith.constant 0 : i32
      %dma_wait3A_171 = tpu.memref_slice %arg3[%mul3A_2, %dma_wait3A_170] : memref<2560x125xi32, #tpu.memory_space<hbm>> -> memref<80x125xi32, #tpu.memory_space<hbm>>
      %dma_wait3A_172 = arith.constant 0 : i32
      %dma_wait3A_173 = tpu.memref_slice %arg3[%mul3A_2, %dma_wait3A_172] : memref<2560x125xi32, #tpu.memory_space<hbm>> -> memref<80x125xi32, #tpu.memory_space<hbm>>
      tpu.wait_dma2 semaphore(%run_scoped3A : memref<!tpu.dma_semaphore, #tpu.memory_space<semaphore_mem>>) src(%dma_wait3A_173 : memref<80x125xi32, #tpu.memory_space<hbm>>) dst(%arg6 : memref<80x125xi32, #tpu.memory_space<vmem>>)
      tpu.yield
    }) : () -> ()
    "tpu.region"() ({
      %run_scoped3A = tpu.sem_alloc : memref<!tpu.dma_semaphore, #tpu.memory_space<semaphore_mem>>
      %dma_start3A_166 = arith.constant 0 : i32
      %dma_start3A_167 = tpu.memref_slice %arg4[%mul3A_2, %dma_start3A_166] : memref<2560x125xi32, #tpu.memory_space<hbm>> -> memref<80x125xi32, #tpu.memory_space<hbm>>
      %dma_start3A_168 = arith.constant 0 : i32
      %dma_start3A_169 = tpu.memref_slice %arg4[%mul3A_2, %dma_start3A_168] : memref<2560x125xi32, #tpu.memory_space<hbm>> -> memref<80x125xi32, #tpu.memory_space<hbm>>
      tpu.enqueue_dma source(%dma_start3A_169 : memref<80x125xi32, #tpu.memory_space<hbm>>) target(%arg7 : memref<80x125xi32, #tpu.memory_space<vmem>>) target_semaphore(%run_scoped3A : memref<!tpu.dma_semaphore, #tpu.memory_space<semaphore_mem>>)
      %dma_wait3A_170 = arith.constant 0 : i32
      %dma_wait3A_171 = tpu.memref_slice %arg4[%mul3A_2, %dma_wait3A_170] : memref<2560x125xi32, #tpu.memory_space<hbm>> -> memref<80x125xi32, #tpu.memory_space<hbm>>
      %dma_wait3A_172 = arith.constant 0 : i32
      %dma_wait3A_173 = tpu.memref_slice %arg4[%mul3A_2, %dma_wait3A_172] : memref<2560x125xi32, #tpu.memory_space<hbm>> -> memref<80x125xi32, #tpu.memory_space<hbm>>
      tpu.wait_dma2 semaphore(%run_scoped3A : memref<!tpu.dma_semaphore, #tpu.memory_space<semaphore_mem>>) src(%dma_wait3A_173 : memref<80x125xi32, #tpu.memory_space<hbm>>) dst(%arg7 : memref<80x125xi32, #tpu.memory_space<vmem>>)
      tpu.yield
    }) : () -> ()
    %broadcast_in_dim3A = arith.constant 0.000000e+00 : f32
    %broadcast_in_dim3A_3 = vector.broadcast %broadcast_in_dim3A : f32 to vector<16xf32>
    %scan3A = arith.constant 0 : i32
    %scan3A_4 = arith.constant 0 : i32
    %scan3A_5 = arith.constant 128 : i32
    %scan3A_6 = arith.addi %scan3A_4, %scan3A_5 : i32
    %scan3A_7 = arith.constant 1 : i32
    scf.for %scan3A_166 = %scan3A_4 to %scan3A_6 step %scan3A_7  : i32 {
      %swap3A = arith.index_cast %scan3A_166 : i32 to index
      %swap3A_167 = arith.constant 0 : index
      %swap3A_168 = tpu.vector_load %arg16[%swap3A, %swap3A_167] {strides = array<i32>} : memref<128x16xf32, #tpu.memory_space<vmem>>, vector<1x16xf32>,
      %swap3A_169 = vector.shape_cast %swap3A_168 : vector<1x16xf32> to vector<16xf32>
      %swap3A_170 = vector.shape_cast %broadcast_in_dim3A_3 : vector<16xf32> to vector<1x16xf32>
      tpu.vector_store %arg16[%swap3A, %swap3A_167], %swap3A_170 {strides = array<i32>} : memref<128x16xf32, #tpu.memory_space<vmem>>, vector<1x16xf32>,
    }
    %scan3A_8 = arith.constant 128 : i32
    %mul3A_9 = arith.constant 640 : i32
    %mul3A_10 = arith.muli %arg1, %mul3A_9 : i32
    %add3A_11 = arith.constant 0 : i32
    %add3A_12 = arith.addi %mul3A_10, %add3A_11 : i32
    "tpu.region"() ({
      %run_scoped3A = tpu.sem_alloc : memref<!tpu.dma_semaphore, #tpu.memory_space<semaphore_mem>>
      %dma_start3A_166 = arith.constant 0 : i32
      %dma_start3A_167 = tpu.memref_slice %arg17[%add3A_12, %dma_start3A_166] : memref<10240x16xf32, #tpu.memory_space<vmem_shared>> -> memref<128x16xf32, #tpu.memory_space<vmem_shared>>
      %dma_start3A_168 = arith.constant 0 : i32
      %dma_start3A_169 = tpu.memref_slice %arg17[%add3A_12, %dma_start3A_168] : memref<10240x16xf32, #tpu.memory_space<vmem_shared>> -> memref<128x16xf32, #tpu.memory_space<vmem_shared>>
      tpu.enqueue_dma source(%arg16 : memref<128x16xf32, #tpu.memory_space<vmem>>) target(%dma_start3A_169 : memref<128x16xf32, #tpu.memory_space<vmem_shared>>) target_semaphore(%run_scoped3A : memref<!tpu.dma_semaphore, #tpu.memory_space<semaphore_mem>>)
      %dma_wait3A_170 = arith.constant 0 : i32
      %dma_wait3A_171 = tpu.memref_slice %arg17[%add3A_12, %dma_wait3A_170] : memref<10240x16xf32, #tpu.memory_space<vmem_shared>> -> memref<128x16xf32, #tpu.memory_space<vmem_shared>>
      %dma_wait3A_172 = arith.constant 0 : i32
      %dma_wait3A_173 = tpu.memref_slice %arg17[%add3A_12, %dma_wait3A_172] : memref<10240x16xf32, #tpu.memory_space<vmem_shared>> -> memref<128x16xf32, #tpu.memory_space<vmem_shared>>
      tpu.wait_dma2 semaphore(%run_scoped3A : memref<!tpu.dma_semaphore, #tpu.memory_space<semaphore_mem>>) src(%arg16 : memref<128x16xf32, #tpu.memory_space<vmem>>) dst(%dma_wait3A_173 : memref<128x16xf32, #tpu.memory_space<vmem_shared>>)
      tpu.yield
    }) : () -> ()
    %mul3A_13 = arith.constant 640 : i32
    %mul3A_14 = arith.muli %arg1, %mul3A_13 : i32
    %add3A_15 = arith.constant 128 : i32
    %add3A_16 = arith.addi %mul3A_14, %add3A_15 : i32
    "tpu.region"() ({
      %run_scoped3A = tpu.sem_alloc : memref<!tpu.dma_semaphore, #tpu.memory_space<semaphore_mem>>
      %dma_start3A_166 = arith.constant 0 : i32
      %dma_start3A_167 = tpu.memref_slice %arg17[%add3A_16, %dma_start3A_166] : memref<10240x16xf32, #tpu.memory_space<vmem_shared>> -> memref<128x16xf32, #tpu.memory_space<vmem_shared>>
      %dma_start3A_168 = arith.constant 0 : i32
      %dma_start3A_169 = tpu.memref_slice %arg17[%add3A_16, %dma_start3A_168] : memref<10240x16xf32, #tpu.memory_space<vmem_shared>> -> memref<128x16xf32, #tpu.memory_space<vmem_shared>>
      tpu.enqueue_dma source(%arg16 : memref<128x16xf32, #tpu.memory_space<vmem>>) target(%dma_start3A_169 : memref<128x16xf32, #tpu.memory_space<vmem_shared>>) target_semaphore(%run_scoped3A : memref<!tpu.dma_semaphore, #tpu.memory_space<semaphore_mem>>)
      %dma_wait3A_170 = arith.constant 0 : i32
      %dma_wait3A_171 = tpu.memref_slice %arg17[%add3A_16, %dma_wait3A_170] : memref<10240x16xf32, #tpu.memory_space<vmem_shared>> -> memref<128x16xf32, #tpu.memory_space<vmem_shared>>
      %dma_wait3A_172 = arith.constant 0 : i32
      %dma_wait3A_173 = tpu.memref_slice %arg17[%add3A_16, %dma_wait3A_172] : memref<10240x16xf32, #tpu.memory_space<vmem_shared>> -> memref<128x16xf32, #tpu.memory_space<vmem_shared>>
      tpu.wait_dma2 semaphore(%run_scoped3A : memref<!tpu.dma_semaphore, #tpu.memory_space<semaphore_mem>>) src(%arg16 : memref<128x16xf32, #tpu.memory_space<vmem>>) dst(%dma_wait3A_173 : memref<128x16xf32, #tpu.memory_space<vmem_shared>>)
      tpu.yield
    }) : () -> ()
    %mul3A_17 = arith.constant 640 : i32
    %mul3A_18 = arith.muli %arg1, %mul3A_17 : i32
    %add3A_19 = arith.constant 256 : i32
    %add3A_20 = arith.addi %mul3A_18, %add3A_19 : i32
    "tpu.region"() ({
      %run_scoped3A = tpu.sem_alloc : memref<!tpu.dma_semaphore, #tpu.memory_space<semaphore_mem>>
      %dma_start3A_166 = arith.constant 0 : i32
      %dma_start3A_167 = tpu.memref_slice %arg17[%add3A_20, %dma_start3A_166] : memref<10240x16xf32, #tpu.memory_space<vmem_shared>> -> memref<128x16xf32, #tpu.memory_space<vmem_shared>>
      %dma_start3A_168 = arith.constant 0 : i32
      %dma_start3A_169 = tpu.memref_slice %arg17[%add3A_20, %dma_start3A_168] : memref<10240x16xf32, #tpu.memory_space<vmem_shared>> -> memref<128x16xf32, #tpu.memory_space<vmem_shared>>
      tpu.enqueue_dma source(%arg16 : memref<128x16xf32, #tpu.memory_space<vmem>>) target(%dma_start3A_169 : memref<128x16xf32, #tpu.memory_space<vmem_shared>>) target_semaphore(%run_scoped3A : memref<!tpu.dma_semaphore, #tpu.memory_space<semaphore_mem>>)
      %dma_wait3A_170 = arith.constant 0 : i32
      %dma_wait3A_171 = tpu.memref_slice %arg17[%add3A_20, %dma_wait3A_170] : memref<10240x16xf32, #tpu.memory_space<vmem_shared>> -> memref<128x16xf32, #tpu.memory_space<vmem_shared>>
      %dma_wait3A_172 = arith.constant 0 : i32
      %dma_wait3A_173 = tpu.memref_slice %arg17[%add3A_20, %dma_wait3A_172] : memref<10240x16xf32, #tpu.memory_space<vmem_shared>> -> memref<128x16xf32, #tpu.memory_space<vmem_shared>>
      tpu.wait_dma2 semaphore(%run_scoped3A : memref<!tpu.dma_semaphore, #tpu.memory_space<semaphore_mem>>) src(%arg16 : memref<128x16xf32, #tpu.memory_space<vmem>>) dst(%dma_wait3A_173 : memref<128x16xf32, #tpu.memory_space<vmem_shared>>)
      tpu.yield
    }) : () -> ()
    %mul3A_21 = arith.constant 640 : i32
    %mul3A_22 = arith.muli %arg1, %mul3A_21 : i32
    %add3A_23 = arith.constant 384 : i32
    %add3A_24 = arith.addi %mul3A_22, %add3A_23 : i32
    "tpu.region"() ({
      %run_scoped3A = tpu.sem_alloc : memref<!tpu.dma_semaphore, #tpu.memory_space<semaphore_mem>>
      %dma_start3A_166 = arith.constant 0 : i32
      %dma_start3A_167 = tpu.memref_slice %arg17[%add3A_24, %dma_start3A_166] : memref<10240x16xf32, #tpu.memory_space<vmem_shared>> -> memref<128x16xf32, #tpu.memory_space<vmem_shared>>
      %dma_start3A_168 = arith.constant 0 : i32
      %dma_start3A_169 = tpu.memref_slice %arg17[%add3A_24, %dma_start3A_168] : memref<10240x16xf32, #tpu.memory_space<vmem_shared>> -> memref<128x16xf32, #tpu.memory_space<vmem_shared>>
      tpu.enqueue_dma source(%arg16 : memref<128x16xf32, #tpu.memory_space<vmem>>) target(%dma_start3A_169 : memref<128x16xf32, #tpu.memory_space<vmem_shared>>) target_semaphore(%run_scoped3A : memref<!tpu.dma_semaphore, #tpu.memory_space<semaphore_mem>>)
      %dma_wait3A_170 = arith.constant 0 : i32
      %dma_wait3A_171 = tpu.memref_slice %arg17[%add3A_24, %dma_wait3A_170] : memref<10240x16xf32, #tpu.memory_space<vmem_shared>> -> memref<128x16xf32, #tpu.memory_space<vmem_shared>>
      %dma_wait3A_172 = arith.constant 0 : i32
      %dma_wait3A_173 = tpu.memref_slice %arg17[%add3A_24, %dma_wait3A_172] : memref<10240x16xf32, #tpu.memory_space<vmem_shared>> -> memref<128x16xf32, #tpu.memory_space<vmem_shared>>
      tpu.wait_dma2 semaphore(%run_scoped3A : memref<!tpu.dma_semaphore, #tpu.memory_space<semaphore_mem>>) src(%arg16 : memref<128x16xf32, #tpu.memory_space<vmem>>) dst(%dma_wait3A_173 : memref<128x16xf32, #tpu.memory_space<vmem_shared>>)
      tpu.yield
    }) : () -> ()
    %mul3A_25 = arith.constant 640 : i32
    %mul3A_26 = arith.muli %arg1, %mul3A_25 : i32
    %add3A_27 = arith.constant 512 : i32
    %add3A_28 = arith.addi %mul3A_26, %add3A_27 : i32
    "tpu.region"() ({
      %run_scoped3A = tpu.sem_alloc : memref<!tpu.dma_semaphore, #tpu.memory_space<semaphore_mem>>
      %dma_start3A_166 = arith.constant 0 : i32
      %dma_start3A_167 = tpu.memref_slice %arg17[%add3A_28, %dma_start3A_166] : memref<10240x16xf32, #tpu.memory_space<vmem_shared>> -> memref<128x16xf32, #tpu.memory_space<vmem_shared>>
      %dma_start3A_168 = arith.constant 0 : i32
      %dma_start3A_169 = tpu.memref_slice %arg17[%add3A_28, %dma_start3A_168] : memref<10240x16xf32, #tpu.memory_space<vmem_shared>> -> memref<128x16xf32, #tpu.memory_space<vmem_shared>>
      tpu.enqueue_dma source(%arg16 : memref<128x16xf32, #tpu.memory_space<vmem>>) target(%dma_start3A_169 : memref<128x16xf32, #tpu.memory_space<vmem_shared>>) target_semaphore(%run_scoped3A : memref<!tpu.dma_semaphore, #tpu.memory_space<semaphore_mem>>)
      %dma_wait3A_170 = arith.constant 0 : i32
      %dma_wait3A_171 = tpu.memref_slice %arg17[%add3A_28, %dma_wait3A_170] : memref<10240x16xf32, #tpu.memory_space<vmem_shared>> -> memref<128x16xf32, #tpu.memory_space<vmem_shared>>
      %dma_wait3A_172 = arith.constant 0 : i32
      %dma_wait3A_173 = tpu.memref_slice %arg17[%add3A_28, %dma_wait3A_172] : memref<10240x16xf32, #tpu.memory_space<vmem_shared>> -> memref<128x16xf32, #tpu.memory_space<vmem_shared>>
      tpu.wait_dma2 semaphore(%run_scoped3A : memref<!tpu.dma_semaphore, #tpu.memory_space<semaphore_mem>>) src(%arg16 : memref<128x16xf32, #tpu.memory_space<vmem>>) dst(%dma_wait3A_173 : memref<128x16xf32, #tpu.memory_space<vmem_shared>>)
      tpu.yield
    }) : () -> ()
    %barrier3A = arith.constant 0 : index
    tpu.barrier barrier_id(%barrier3A)
    %dma_start3A = arith.constant 0 : i32
    %dma_start3A_29 = arith.constant 0 : i32
    %dma_start3A_30 = tpu.memref_slice %arg6[%dma_start3A, %dma_start3A_29] : memref<80x125xi32, #tpu.memory_space<vmem>> -> memref<1x125xi32, #tpu.memory_space<vmem>>
    %dma_start3A_31 = tpu.memref_squeeze %dma_start3A_30 : memref<1x125xi32, #tpu.memory_space<vmem>> -> memref<125xi32, #tpu.memory_space<vmem>>
    %dma_start3A_32 = arith.constant 0 : i32
    %dma_start3A_33 = arith.constant 0 : i32
    %dma_start3A_34 = tpu.memref_slice %arg2[%dma_start3A_32, %dma_start3A_33] : memref<10000x16xf32, #tpu.memory_space<hbm>> -> memref<10000x16xf32, #tpu.memory_space<hbm>>
    tpu.enqueue_indirect_dma source(%dma_start3A_34 : memref<10000x16xf32, #tpu.memory_space<hbm>>) target(%arg8 : memref<125x16xf32, #tpu.memory_space<vmem>>) offsets(%dma_start3A_31 : memref<125xi32, #tpu.memory_space<vmem>>) semaphore(%arg18 : memref<!tpu.dma_semaphore, #tpu.memory_space<semaphore_mem>>)
    %dma_start3A_35 = arith.constant 1 : i32
    %dma_start3A_36 = arith.constant 0 : i32
    %dma_start3A_37 = tpu.memref_slice %arg6[%dma_start3A_35, %dma_start3A_36] : memref<80x125xi32, #tpu.memory_space<vmem>> -> memref<1x125xi32, #tpu.memory_space<vmem>>
    %dma_start3A_38 = tpu.memref_squeeze %dma_start3A_37 : memref<1x125xi32, #tpu.memory_space<vmem>> -> memref<125xi32, #tpu.memory_space<vmem>>
    %dma_start3A_39 = arith.constant 0 : i32
    %dma_start3A_40 = arith.constant 0 : i32
    %dma_start3A_41 = tpu.memref_slice %arg2[%dma_start3A_39, %dma_start3A_40] : memref<10000x16xf32, #tpu.memory_space<hbm>> -> memref<10000x16xf32, #tpu.memory_space<hbm>>
    tpu.enqueue_indirect_dma source(%dma_start3A_41 : memref<10000x16xf32, #tpu.memory_space<hbm>>) target(%arg9 : memref<125x16xf32, #tpu.memory_space<vmem>>) offsets(%dma_start3A_38 : memref<125xi32, #tpu.memory_space<vmem>>) semaphore(%arg19 : memref<!tpu.dma_semaphore, #tpu.memory_space<semaphore_mem>>)
    %dma_start3A_42 = arith.constant 2 : i32
    %dma_start3A_43 = arith.constant 0 : i32
    %dma_start3A_44 = tpu.memref_slice %arg6[%dma_start3A_42, %dma_start3A_43] : memref<80x125xi32, #tpu.memory_space<vmem>> -> memref<1x125xi32, #tpu.memory_space<vmem>>
    %dma_start3A_45 = tpu.memref_squeeze %dma_start3A_44 : memref<1x125xi32, #tpu.memory_space<vmem>> -> memref<125xi32, #tpu.memory_space<vmem>>
    %dma_start3A_46 = arith.constant 0 : i32
    %dma_start3A_47 = arith.constant 0 : i32
    %dma_start3A_48 = tpu.memref_slice %arg2[%dma_start3A_46, %dma_start3A_47] : memref<10000x16xf32, #tpu.memory_space<hbm>> -> memref<10000x16xf32, #tpu.memory_space<hbm>>
    tpu.enqueue_indirect_dma source(%dma_start3A_48 : memref<10000x16xf32, #tpu.memory_space<hbm>>) target(%arg10 : memref<125x16xf32, #tpu.memory_space<vmem>>) offsets(%dma_start3A_45 : memref<125xi32, #tpu.memory_space<vmem>>) semaphore(%arg20 : memref<!tpu.dma_semaphore, #tpu.memory_space<semaphore_mem>>)
    %dma_start3A_49 = arith.constant 3 : i32
    %dma_start3A_50 = arith.constant 0 : i32
    %dma_start3A_51 = tpu.memref_slice %arg6[%dma_start3A_49, %dma_start3A_50] : memref<80x125xi32, #tpu.memory_space<vmem>> -> memref<1x125xi32, #tpu.memory_space<vmem>>
    %dma_start3A_52 = tpu.memref_squeeze %dma_start3A_51 : memref<1x125xi32, #tpu.memory_space<vmem>> -> memref<125xi32, #tpu.memory_space<vmem>>
    %dma_start3A_53 = arith.constant 0 : i32
    %dma_start3A_54 = arith.constant 0 : i32
    %dma_start3A_55 = tpu.memref_slice %arg2[%dma_start3A_53, %dma_start3A_54] : memref<10000x16xf32, #tpu.memory_space<hbm>> -> memref<10000x16xf32, #tpu.memory_space<hbm>>
    tpu.enqueue_indirect_dma source(%dma_start3A_55 : memref<10000x16xf32, #tpu.memory_space<hbm>>) target(%arg11 : memref<125x16xf32, #tpu.memory_space<vmem>>) offsets(%dma_start3A_52 : memref<125xi32, #tpu.memory_space<vmem>>) semaphore(%arg21 : memref<!tpu.dma_semaphore, #tpu.memory_space<semaphore_mem>>)
    %dma_start3A_56 = arith.constant 4 : i32
    %dma_start3A_57 = arith.constant 0 : i32
    %dma_start3A_58 = tpu.memref_slice %arg6[%dma_start3A_56, %dma_start3A_57] : memref<80x125xi32, #tpu.memory_space<vmem>> -> memref<1x125xi32, #tpu.memory_space<vmem>>
    %dma_start3A_59 = tpu.memref_squeeze %dma_start3A_58 : memref<1x125xi32, #tpu.memory_space<vmem>> -> memref<125xi32, #tpu.memory_space<vmem>>
    %dma_start3A_60 = arith.constant 0 : i32
    %dma_start3A_61 = arith.constant 0 : i32
    %dma_start3A_62 = tpu.memref_slice %arg2[%dma_start3A_60, %dma_start3A_61] : memref<10000x16xf32, #tpu.memory_space<hbm>> -> memref<10000x16xf32, #tpu.memory_space<hbm>>
    tpu.enqueue_indirect_dma source(%dma_start3A_62 : memref<10000x16xf32, #tpu.memory_space<hbm>>) target(%arg12 : memref<125x16xf32, #tpu.memory_space<vmem>>) offsets(%dma_start3A_59 : memref<125xi32, #tpu.memory_space<vmem>>) semaphore(%arg22 : memref<!tpu.dma_semaphore, #tpu.memory_space<semaphore_mem>>)
    %dma_start3A_63 = arith.constant 5 : i32
    %dma_start3A_64 = arith.constant 0 : i32
    %dma_start3A_65 = tpu.memref_slice %arg6[%dma_start3A_63, %dma_start3A_64] : memref<80x125xi32, #tpu.memory_space<vmem>> -> memref<1x125xi32, #tpu.memory_space<vmem>>
    %dma_start3A_66 = tpu.memref_squeeze %dma_start3A_65 : memref<1x125xi32, #tpu.memory_space<vmem>> -> memref<125xi32, #tpu.memory_space<vmem>>
    %dma_start3A_67 = arith.constant 0 : i32
    %dma_start3A_68 = arith.constant 0 : i32
    %dma_start3A_69 = tpu.memref_slice %arg2[%dma_start3A_67, %dma_start3A_68] : memref<10000x16xf32, #tpu.memory_space<hbm>> -> memref<10000x16xf32, #tpu.memory_space<hbm>>
    tpu.enqueue_indirect_dma source(%dma_start3A_69 : memref<10000x16xf32, #tpu.memory_space<hbm>>) target(%arg13 : memref<125x16xf32, #tpu.memory_space<vmem>>) offsets(%dma_start3A_66 : memref<125xi32, #tpu.memory_space<vmem>>) semaphore(%arg23 : memref<!tpu.dma_semaphore, #tpu.memory_space<semaphore_mem>>)
    %dma_start3A_70 = arith.constant 6 : i32
    %dma_start3A_71 = arith.constant 0 : i32
    %dma_start3A_72 = tpu.memref_slice %arg6[%dma_start3A_70, %dma_start3A_71] : memref<80x125xi32, #tpu.memory_space<vmem>> -> memref<1x125xi32, #tpu.memory_space<vmem>>
    %dma_start3A_73 = tpu.memref_squeeze %dma_start3A_72 : memref<1x125xi32, #tpu.memory_space<vmem>> -> memref<125xi32, #tpu.memory_space<vmem>>
    %dma_start3A_74 = arith.constant 0 : i32
    %dma_start3A_75 = arith.constant 0 : i32
    %dma_start3A_76 = tpu.memref_slice %arg2[%dma_start3A_74, %dma_start3A_75] : memref<10000x16xf32, #tpu.memory_space<hbm>> -> memref<10000x16xf32, #tpu.memory_space<hbm>>
    tpu.enqueue_indirect_dma source(%dma_start3A_76 : memref<10000x16xf32, #tpu.memory_space<hbm>>) target(%arg14 : memref<125x16xf32, #tpu.memory_space<vmem>>) offsets(%dma_start3A_73 : memref<125xi32, #tpu.memory_space<vmem>>) semaphore(%arg24 : memref<!tpu.dma_semaphore, #tpu.memory_space<semaphore_mem>>)
    %dma_start3A_77 = arith.constant 7 : i32
    %dma_start3A_78 = arith.constant 0 : i32
    %dma_start3A_79 = tpu.memref_slice %arg6[%dma_start3A_77, %dma_start3A_78] : memref<80x125xi32, #tpu.memory_space<vmem>> -> memref<1x125xi32, #tpu.memory_space<vmem>>
    %dma_start3A_80 = tpu.memref_squeeze %dma_start3A_79 : memref<1x125xi32, #tpu.memory_space<vmem>> -> memref<125xi32, #tpu.memory_space<vmem>>
    %dma_start3A_81 = arith.constant 0 : i32
    %dma_start3A_82 = arith.constant 0 : i32
    %dma_start3A_83 = tpu.memref_slice %arg2[%dma_start3A_81, %dma_start3A_82] : memref<10000x16xf32, #tpu.memory_space<hbm>> -> memref<10000x16xf32, #tpu.memory_space<hbm>>
    tpu.enqueue_indirect_dma source(%dma_start3A_83 : memref<10000x16xf32, #tpu.memory_space<hbm>>) target(%arg15 : memref<125x16xf32, #tpu.memory_space<vmem>>) offsets(%dma_start3A_80 : memref<125xi32, #tpu.memory_space<vmem>>) semaphore(%arg25 : memref<!tpu.dma_semaphore, #tpu.memory_space<semaphore_mem>>)
    %scan3A_84 = arith.constant 0 : i32
    %scan3A_85 = arith.constant 0 : i32
    %scan3A_86 = arith.constant 10 : i32
    %scan3A_87 = arith.addi %scan3A_85, %scan3A_86 : i32
    %scan3A_88 = arith.constant 1 : i32
    scf.for %scan3A_166 = %scan3A_85 to %scan3A_87 step %scan3A_88  : i32 {
      %mul3A_167 = arith.constant 8 : i32
      %mul3A_168 = arith.muli %mul3A_167, %scan3A_166 : i32
      %dma_wait3A_169 = arith.constant 0 : i32
      %dma_wait3A_170 = arith.constant 0 : i32
      %dma_wait3A_171 = tpu.memref_slice %arg6[%dma_wait3A_169, %dma_wait3A_170] : memref<80x125xi32, #tpu.memory_space<vmem>> -> memref<1x125xi32, #tpu.memory_space<vmem>>
      %dma_wait3A_172 = tpu.memref_squeeze %dma_wait3A_171 : memref<1x125xi32, #tpu.memory_space<vmem>> -> memref<125xi32, #tpu.memory_space<vmem>>
      %dma_wait3A_173 = arith.constant 0 : i32
      %dma_wait3A_174 = arith.constant 0 : i32
      %dma_wait3A_175 = tpu.memref_slice %arg2[%dma_wait3A_173, %dma_wait3A_174] : memref<10000x16xf32, #tpu.memory_space<hbm>> -> memref<10000x16xf32, #tpu.memory_space<hbm>>
      tpu.wait_indirect_dma semaphore(%arg18 : memref<!tpu.dma_semaphore, #tpu.memory_space<semaphore_mem>>) src(%dma_wait3A_175 : memref<10000x16xf32, #tpu.memory_space<hbm>>) dst(%arg8 : memref<125x16xf32, #tpu.memory_space<vmem>>)
      %add3A_176 = arith.constant 0 : i32
      %add3A_177 = arith.addi %mul3A_168, %add3A_176 : i32
      %dma_start3A_178 = arith.constant 0 : i32
      %dma_start3A_179 = tpu.memref_slice %arg7[%add3A_177, %dma_start3A_178] : memref<80x125xi32, #tpu.memory_space<vmem>> -> memref<1x125xi32, #tpu.memory_space<vmem>>
      %dma_start3A_180 = tpu.memref_squeeze %dma_start3A_179 : memref<1x125xi32, #tpu.memory_space<vmem>> -> memref<125xi32, #tpu.memory_space<vmem>>
      %dma_start3A_181 = arith.constant 0 : i32
      %dma_start3A_182 = arith.constant 0 : i32
      %dma_start3A_183 = tpu.memref_slice %arg17[%dma_start3A_181, %dma_start3A_182] : memref<10240x16xf32, #tpu.memory_space<vmem_shared>> -> memref<10240x16xf32, #tpu.memory_space<vmem_shared>>
      tpu.enqueue_indirect_dma source(%arg8 : memref<125x16xf32, #tpu.memory_space<vmem>>) target(%dma_start3A_183 : memref<10240x16xf32, #tpu.memory_space<vmem_shared>>) offsets(%dma_start3A_180 : memref<125xi32, #tpu.memory_space<vmem>>) semaphore(%arg26 : memref<!tpu.dma_semaphore, #tpu.memory_space<semaphore_mem>>) {add = true}
      %dma_wait3A_184 = arith.constant 0 : i32
      %dma_wait3A_185 = arith.constant 0 : i32
      %dma_wait3A_186 = tpu.memref_slice %arg6[%dma_wait3A_184, %dma_wait3A_185] : memref<80x125xi32, #tpu.memory_space<vmem>> -> memref<1x125xi32, #tpu.memory_space<vmem>>
      %dma_wait3A_187 = tpu.memref_squeeze %dma_wait3A_186 : memref<1x125xi32, #tpu.memory_space<vmem>> -> memref<125xi32, #tpu.memory_space<vmem>>
      %dma_wait3A_188 = arith.constant 0 : i32
      %dma_wait3A_189 = arith.constant 0 : i32
      %dma_wait3A_190 = tpu.memref_slice %arg2[%dma_wait3A_188, %dma_wait3A_189] : memref<10000x16xf32, #tpu.memory_space<hbm>> -> memref<10000x16xf32, #tpu.memory_space<hbm>>
      tpu.wait_indirect_dma semaphore(%arg19 : memref<!tpu.dma_semaphore, #tpu.memory_space<semaphore_mem>>) src(%dma_wait3A_190 : memref<10000x16xf32, #tpu.memory_space<hbm>>) dst(%arg9 : memref<125x16xf32, #tpu.memory_space<vmem>>)
      %add3A_191 = arith.constant 1 : i32
      %add3A_192 = arith.addi %mul3A_168, %add3A_191 : i32
      %dma_start3A_193 = arith.constant 0 : i32
      %dma_start3A_194 = tpu.memref_slice %arg7[%add3A_192, %dma_start3A_193] : memref<80x125xi32, #tpu.memory_space<vmem>> -> memref<1x125xi32, #tpu.memory_space<vmem>>
      %dma_start3A_195 = tpu.memref_squeeze %dma_start3A_194 : memref<1x125xi32, #tpu.memory_space<vmem>> -> memref<125xi32, #tpu.memory_space<vmem>>
      %dma_start3A_196 = arith.constant 0 : i32
      %dma_start3A_197 = arith.constant 0 : i32
      %dma_start3A_198 = tpu.memref_slice %arg17[%dma_start3A_196, %dma_start3A_197] : memref<10240x16xf32, #tpu.memory_space<vmem_shared>> -> memref<10240x16xf32, #tpu.memory_space<vmem_shared>>
      tpu.enqueue_indirect_dma source(%arg9 : memref<125x16xf32, #tpu.memory_space<vmem>>) target(%dma_start3A_198 : memref<10240x16xf32, #tpu.memory_space<vmem_shared>>) offsets(%dma_start3A_195 : memref<125xi32, #tpu.memory_space<vmem>>) semaphore(%arg27 : memref<!tpu.dma_semaphore, #tpu.memory_space<semaphore_mem>>) {add = true}
      %dma_wait3A_199 = arith.constant 0 : i32
      %dma_wait3A_200 = arith.constant 0 : i32
      %dma_wait3A_201 = tpu.memref_slice %arg6[%dma_wait3A_199, %dma_wait3A_200] : memref<80x125xi32, #tpu.memory_space<vmem>> -> memref<1x125xi32, #tpu.memory_space<vmem>>
      %dma_wait3A_202 = tpu.memref_squeeze %dma_wait3A_201 : memref<1x125xi32, #tpu.memory_space<vmem>> -> memref<125xi32, #tpu.memory_space<vmem>>
      %dma_wait3A_203 = arith.constant 0 : i32
      %dma_wait3A_204 = arith.constant 0 : i32
      %dma_wait3A_205 = tpu.memref_slice %arg2[%dma_wait3A_203, %dma_wait3A_204] : memref<10000x16xf32, #tpu.memory_space<hbm>> -> memref<10000x16xf32, #tpu.memory_space<hbm>>
      tpu.wait_indirect_dma semaphore(%arg20 : memref<!tpu.dma_semaphore, #tpu.memory_space<semaphore_mem>>) src(%dma_wait3A_205 : memref<10000x16xf32, #tpu.memory_space<hbm>>) dst(%arg10 : memref<125x16xf32, #tpu.memory_space<vmem>>)
      %add3A_206 = arith.constant 2 : i32
      %add3A_207 = arith.addi %mul3A_168, %add3A_206 : i32
      %dma_start3A_208 = arith.constant 0 : i32
      %dma_start3A_209 = tpu.memref_slice %arg7[%add3A_207, %dma_start3A_208] : memref<80x125xi32, #tpu.memory_space<vmem>> -> memref<1x125xi32, #tpu.memory_space<vmem>>
      %dma_start3A_210 = tpu.memref_squeeze %dma_start3A_209 : memref<1x125xi32, #tpu.memory_space<vmem>> -> memref<125xi32, #tpu.memory_space<vmem>>
      %dma_start3A_211 = arith.constant 0 : i32
      %dma_start3A_212 = arith.constant 0 : i32
      %dma_start3A_213 = tpu.memref_slice %arg17[%dma_start3A_211, %dma_start3A_212] : memref<10240x16xf32, #tpu.memory_space<vmem_shared>> -> memref<10240x16xf32, #tpu.memory_space<vmem_shared>>
      tpu.enqueue_indirect_dma source(%arg10 : memref<125x16xf32, #tpu.memory_space<vmem>>) target(%dma_start3A_213 : memref<10240x16xf32, #tpu.memory_space<vmem_shared>>) offsets(%dma_start3A_210 : memref<125xi32, #tpu.memory_space<vmem>>) semaphore(%arg28 : memref<!tpu.dma_semaphore, #tpu.memory_space<semaphore_mem>>) {add = true}
      %dma_wait3A_214 = arith.constant 0 : i32
      %dma_wait3A_215 = arith.constant 0 : i32
      %dma_wait3A_216 = tpu.memref_slice %arg6[%dma_wait3A_214, %dma_wait3A_215] : memref<80x125xi32, #tpu.memory_space<vmem>> -> memref<1x125xi32, #tpu.memory_space<vmem>>
      %dma_wait3A_217 = tpu.memref_squeeze %dma_wait3A_216 : memref<1x125xi32, #tpu.memory_space<vmem>> -> memref<125xi32, #tpu.memory_space<vmem>>
      %dma_wait3A_218 = arith.constant 0 : i32
      %dma_wait3A_219 = arith.constant 0 : i32
      %dma_wait3A_220 = tpu.memref_slice %arg2[%dma_wait3A_218, %dma_wait3A_219] : memref<10000x16xf32, #tpu.memory_space<hbm>> -> memref<10000x16xf32, #tpu.memory_space<hbm>>
      tpu.wait_indirect_dma semaphore(%arg21 : memref<!tpu.dma_semaphore, #tpu.memory_space<semaphore_mem>>) src(%dma_wait3A_220 : memref<10000x16xf32, #tpu.memory_space<hbm>>) dst(%arg11 : memref<125x16xf32, #tpu.memory_space<vmem>>)
      %add3A_221 = arith.constant 3 : i32
      %add3A_222 = arith.addi %mul3A_168, %add3A_221 : i32
      %dma_start3A_223 = arith.constant 0 : i32
      %dma_start3A_224 = tpu.memref_slice %arg7[%add3A_222, %dma_start3A_223] : memref<80x125xi32, #tpu.memory_space<vmem>> -> memref<1x125xi32, #tpu.memory_space<vmem>>
      %dma_start3A_225 = tpu.memref_squeeze %dma_start3A_224 : memref<1x125xi32, #tpu.memory_space<vmem>> -> memref<125xi32, #tpu.memory_space<vmem>>
      %dma_start3A_226 = arith.constant 0 : i32
      %dma_start3A_227 = arith.constant 0 : i32
      %dma_start3A_228 = tpu.memref_slice %arg17[%dma_start3A_226, %dma_start3A_227] : memref<10240x16xf32, #tpu.memory_space<vmem_shared>> -> memref<10240x16xf32, #tpu.memory_space<vmem_shared>>
      tpu.enqueue_indirect_dma source(%arg11 : memref<125x16xf32, #tpu.memory_space<vmem>>) target(%dma_start3A_228 : memref<10240x16xf32, #tpu.memory_space<vmem_shared>>) offsets(%dma_start3A_225 : memref<125xi32, #tpu.memory_space<vmem>>) semaphore(%arg29 : memref<!tpu.dma_semaphore, #tpu.memory_space<semaphore_mem>>) {add = true}
      %dma_wait3A_229 = arith.constant 0 : i32
      %dma_wait3A_230 = arith.constant 0 : i32
      %dma_wait3A_231 = tpu.memref_slice %arg6[%dma_wait3A_229, %dma_wait3A_230] : memref<80x125xi32, #tpu.memory_space<vmem>> -> memref<1x125xi32, #tpu.memory_space<vmem>>
      %dma_wait3A_232 = tpu.memref_squeeze %dma_wait3A_231 : memref<1x125xi32, #tpu.memory_space<vmem>> -> memref<125xi32, #tpu.memory_space<vmem>>
      %dma_wait3A_233 = arith.constant 0 : i32
      %dma_wait3A_234 = arith.constant 0 : i32
      %dma_wait3A_235 = tpu.memref_slice %arg2[%dma_wait3A_233, %dma_wait3A_234] : memref<10000x16xf32, #tpu.memory_space<hbm>> -> memref<10000x16xf32, #tpu.memory_space<hbm>>
      tpu.wait_indirect_dma semaphore(%arg22 : memref<!tpu.dma_semaphore, #tpu.memory_space<semaphore_mem>>) src(%dma_wait3A_235 : memref<10000x16xf32, #tpu.memory_space<hbm>>) dst(%arg12 : memref<125x16xf32, #tpu.memory_space<vmem>>)
      %add3A_236 = arith.constant 4 : i32
      %add3A_237 = arith.addi %mul3A_168, %add3A_236 : i32
      %dma_start3A_238 = arith.constant 0 : i32
      %dma_start3A_239 = tpu.memref_slice %arg7[%add3A_237, %dma_start3A_238] : memref<80x125xi32, #tpu.memory_space<vmem>> -> memref<1x125xi32, #tpu.memory_space<vmem>>
      %dma_start3A_240 = tpu.memref_squeeze %dma_start3A_239 : memref<1x125xi32, #tpu.memory_space<vmem>> -> memref<125xi32, #tpu.memory_space<vmem>>
      %dma_start3A_241 = arith.constant 0 : i32
      %dma_start3A_242 = arith.constant 0 : i32
      %dma_start3A_243 = tpu.memref_slice %arg17[%dma_start3A_241, %dma_start3A_242] : memref<10240x16xf32, #tpu.memory_space<vmem_shared>> -> memref<10240x16xf32, #tpu.memory_space<vmem_shared>>
      tpu.enqueue_indirect_dma source(%arg12 : memref<125x16xf32, #tpu.memory_space<vmem>>) target(%dma_start3A_243 : memref<10240x16xf32, #tpu.memory_space<vmem_shared>>) offsets(%dma_start3A_240 : memref<125xi32, #tpu.memory_space<vmem>>) semaphore(%arg30 : memref<!tpu.dma_semaphore, #tpu.memory_space<semaphore_mem>>) {add = true}
      %dma_wait3A_244 = arith.constant 0 : i32
      %dma_wait3A_245 = arith.constant 0 : i32
      %dma_wait3A_246 = tpu.memref_slice %arg6[%dma_wait3A_244, %dma_wait3A_245] : memref<80x125xi32, #tpu.memory_space<vmem>> -> memref<1x125xi32, #tpu.memory_space<vmem>>
      %dma_wait3A_247 = tpu.memref_squeeze %dma_wait3A_246 : memref<1x125xi32, #tpu.memory_space<vmem>> -> memref<125xi32, #tpu.memory_space<vmem>>
      %dma_wait3A_248 = arith.constant 0 : i32
      %dma_wait3A_249 = arith.constant 0 : i32
      %dma_wait3A_250 = tpu.memref_slice %arg2[%dma_wait3A_248, %dma_wait3A_249] : memref<10000x16xf32, #tpu.memory_space<hbm>> -> memref<10000x16xf32, #tpu.memory_space<hbm>>
      tpu.wait_indirect_dma semaphore(%arg23 : memref<!tpu.dma_semaphore, #tpu.memory_space<semaphore_mem>>) src(%dma_wait3A_250 : memref<10000x16xf32, #tpu.memory_space<hbm>>) dst(%arg13 : memref<125x16xf32, #tpu.memory_space<vmem>>)
      %add3A_251 = arith.constant 5 : i32
      %add3A_252 = arith.addi %mul3A_168, %add3A_251 : i32
      %dma_start3A_253 = arith.constant 0 : i32
      %dma_start3A_254 = tpu.memref_slice %arg7[%add3A_252, %dma_start3A_253] : memref<80x125xi32, #tpu.memory_space<vmem>> -> memref<1x125xi32, #tpu.memory_space<vmem>>
      %dma_start3A_255 = tpu.memref_squeeze %dma_start3A_254 : memref<1x125xi32, #tpu.memory_space<vmem>> -> memref<125xi32, #tpu.memory_space<vmem>>
      %dma_start3A_256 = arith.constant 0 : i32
      %dma_start3A_257 = arith.constant 0 : i32
      %dma_start3A_258 = tpu.memref_slice %arg17[%dma_start3A_256, %dma_start3A_257] : memref<10240x16xf32, #tpu.memory_space<vmem_shared>> -> memref<10240x16xf32, #tpu.memory_space<vmem_shared>>
      tpu.enqueue_indirect_dma source(%arg13 : memref<125x16xf32, #tpu.memory_space<vmem>>) target(%dma_start3A_258 : memref<10240x16xf32, #tpu.memory_space<vmem_shared>>) offsets(%dma_start3A_255 : memref<125xi32, #tpu.memory_space<vmem>>) semaphore(%arg31 : memref<!tpu.dma_semaphore, #tpu.memory_space<semaphore_mem>>) {add = true}
      %dma_wait3A_259 = arith.constant 0 : i32
      %dma_wait3A_260 = arith.constant 0 : i32
      %dma_wait3A_261 = tpu.memref_slice %arg6[%dma_wait3A_259, %dma_wait3A_260] : memref<80x125xi32, #tpu.memory_space<vmem>> -> memref<1x125xi32, #tpu.memory_space<vmem>>
      %dma_wait3A_262 = tpu.memref_squeeze %dma_wait3A_261 : memref<1x125xi32, #tpu.memory_space<vmem>> -> memref<125xi32, #tpu.memory_space<vmem>>
      %dma_wait3A_263 = arith.constant 0 : i32
      %dma_wait3A_264 = arith.constant 0 : i32
      %dma_wait3A_265 = tpu.memref_slice %arg2[%dma_wait3A_263, %dma_wait3A_264] : memref<10000x16xf32, #tpu.memory_space<hbm>> -> memref<10000x16xf32, #tpu.memory_space<hbm>>
      tpu.wait_indirect_dma semaphore(%arg24 : memref<!tpu.dma_semaphore, #tpu.memory_space<semaphore_mem>>) src(%dma_wait3A_265 : memref<10000x16xf32, #tpu.memory_space<hbm>>) dst(%arg14 : memref<125x16xf32, #tpu.memory_space<vmem>>)
      %add3A_266 = arith.constant 6 : i32
      %add3A_267 = arith.addi %mul3A_168, %add3A_266 : i32
      %dma_start3A_268 = arith.constant 0 : i32
      %dma_start3A_269 = tpu.memref_slice %arg7[%add3A_267, %dma_start3A_268] : memref<80x125xi32, #tpu.memory_space<vmem>> -> memref<1x125xi32, #tpu.memory_space<vmem>>
      %dma_start3A_270 = tpu.memref_squeeze %dma_start3A_269 : memref<1x125xi32, #tpu.memory_space<vmem>> -> memref<125xi32, #tpu.memory_space<vmem>>
      %dma_start3A_271 = arith.constant 0 : i32
      %dma_start3A_272 = arith.constant 0 : i32
      %dma_start3A_273 = tpu.memref_slice %arg17[%dma_start3A_271, %dma_start3A_272] : memref<10240x16xf32, #tpu.memory_space<vmem_shared>> -> memref<10240x16xf32, #tpu.memory_space<vmem_shared>>
      tpu.enqueue_indirect_dma source(%arg14 : memref<125x16xf32, #tpu.memory_space<vmem>>) target(%dma_start3A_273 : memref<10240x16xf32, #tpu.memory_space<vmem_shared>>) offsets(%dma_start3A_270 : memref<125xi32, #tpu.memory_space<vmem>>) semaphore(%arg32 : memref<!tpu.dma_semaphore, #tpu.memory_space<semaphore_mem>>) {add = true}
      %dma_wait3A_274 = arith.constant 0 : i32
      %dma_wait3A_275 = arith.constant 0 : i32
      %dma_wait3A_276 = tpu.memref_slice %arg6[%dma_wait3A_274, %dma_wait3A_275] : memref<80x125xi32, #tpu.memory_space<vmem>> -> memref<1x125xi32, #tpu.memory_space<vmem>>
      %dma_wait3A_277 = tpu.memref_squeeze %dma_wait3A_276 : memref<1x125xi32, #tpu.memory_space<vmem>> -> memref<125xi32, #tpu.memory_space<vmem>>
      %dma_wait3A_278 = arith.constant 0 : i32
      %dma_wait3A_279 = arith.constant 0 : i32
      %dma_wait3A_280 = tpu.memref_slice %arg2[%dma_wait3A_278, %dma_wait3A_279] : memref<10000x16xf32, #tpu.memory_space<hbm>> -> memref<10000x16xf32, #tpu.memory_space<hbm>>
      tpu.wait_indirect_dma semaphore(%arg25 : memref<!tpu.dma_semaphore, #tpu.memory_space<semaphore_mem>>) src(%dma_wait3A_280 : memref<10000x16xf32, #tpu.memory_space<hbm>>) dst(%arg15 : memref<125x16xf32, #tpu.memory_space<vmem>>)
      %add3A_281 = arith.constant 7 : i32
      %add3A_282 = arith.addi %mul3A_168, %add3A_281 : i32
      %dma_start3A_283 = arith.constant 0 : i32
      %dma_start3A_284 = tpu.memref_slice %arg7[%add3A_282, %dma_start3A_283] : memref<80x125xi32, #tpu.memory_space<vmem>> -> memref<1x125xi32, #tpu.memory_space<vmem>>
      %dma_start3A_285 = tpu.memref_squeeze %dma_start3A_284 : memref<1x125xi32, #tpu.memory_space<vmem>> -> memref<125xi32, #tpu.memory_space<vmem>>
      %dma_start3A_286 = arith.constant 0 : i32
      %dma_start3A_287 = arith.constant 0 : i32
      %dma_start3A_288 = tpu.memref_slice %arg17[%dma_start3A_286, %dma_start3A_287] : memref<10240x16xf32, #tpu.memory_space<vmem_shared>> -> memref<10240x16xf32, #tpu.memory_space<vmem_shared>>
      tpu.enqueue_indirect_dma source(%arg15 : memref<125x16xf32, #tpu.memory_space<vmem>>) target(%dma_start3A_288 : memref<10240x16xf32, #tpu.memory_space<vmem_shared>>) offsets(%dma_start3A_285 : memref<125xi32, #tpu.memory_space<vmem>>) semaphore(%arg33 : memref<!tpu.dma_semaphore, #tpu.memory_space<semaphore_mem>>) {add = true}
      %lt3A = arith.constant 9 : i32
      %lt3A_289 = arith.cmpi slt, %scan3A_166, %lt3A : i32
      %convert_element_type3A = arith.extui %lt3A_289 : i1 to i32
      %cond3A = arith.constant 0 : i32
      %cond3A_290 = arith.cmpi ne, %convert_element_type3A, %cond3A : i32
      scf.if %cond3A_290 {
        %dma_wait3A_291 = arith.constant 0 : i32
        %dma_wait3A_292 = arith.constant 0 : i32
        %dma_wait3A_293 = tpu.memref_slice %arg7[%dma_wait3A_291, %dma_wait3A_292] : memref<80x125xi32, #tpu.memory_space<vmem>> -> memref<1x125xi32, #tpu.memory_space<vmem>>
        %dma_wait3A_294 = tpu.memref_squeeze %dma_wait3A_293 : memref<1x125xi32, #tpu.memory_space<vmem>> -> memref<125xi32, #tpu.memory_space<vmem>>
        %dma_wait3A_295 = arith.constant 0 : i32
        %dma_wait3A_296 = arith.constant 0 : i32
        %dma_wait3A_297 = tpu.memref_slice %arg17[%dma_wait3A_295, %dma_wait3A_296] : memref<10240x16xf32, #tpu.memory_space<vmem_shared>> -> memref<10240x16xf32, #tpu.memory_space<vmem_shared>>
        tpu.wait_indirect_dma semaphore(%arg26 : memref<!tpu.dma_semaphore, #tpu.memory_space<semaphore_mem>>) src(%arg8 : memref<125x16xf32, #tpu.memory_space<vmem>>) dst(%dma_wait3A_297 : memref<10240x16xf32, #tpu.memory_space<vmem_shared>>)
        %add3A_298 = arith.constant 8 : i32
        %add3A_299 = arith.addi %mul3A_168, %add3A_298 : i32
        %add3A_300 = arith.constant 0 : i32
        %add3A_301 = arith.addi %add3A_299, %add3A_300 : i32
        %dma_start3A_302 = arith.constant 0 : i32
        %dma_start3A_303 = tpu.memref_slice %arg6[%add3A_301, %dma_start3A_302] : memref<80x125xi32, #tpu.memory_space<vmem>> -> memref<1x125xi32, #tpu.memory_space<vmem>>
        %dma_start3A_304 = tpu.memref_squeeze %dma_start3A_303 : memref<1x125xi32, #tpu.memory_space<vmem>> -> memref<125xi32, #tpu.memory_space<vmem>>
        %dma_start3A_305 = arith.constant 0 : i32
        %dma_start3A_306 = arith.constant 0 : i32
        %dma_start3A_307 = tpu.memref_slice %arg2[%dma_start3A_305, %dma_start3A_306] : memref<10000x16xf32, #tpu.memory_space<hbm>> -> memref<10000x16xf32, #tpu.memory_space<hbm>>
        tpu.enqueue_indirect_dma source(%dma_start3A_307 : memref<10000x16xf32, #tpu.memory_space<hbm>>) target(%arg8 : memref<125x16xf32, #tpu.memory_space<vmem>>) offsets(%dma_start3A_304 : memref<125xi32, #tpu.memory_space<vmem>>) semaphore(%arg18 : memref<!tpu.dma_semaphore, #tpu.memory_space<semaphore_mem>>)
        %dma_wait3A_308 = arith.constant 0 : i32
        %dma_wait3A_309 = arith.constant 0 : i32
        %dma_wait3A_310 = tpu.memref_slice %arg7[%dma_wait3A_308, %dma_wait3A_309] : memref<80x125xi32, #tpu.memory_space<vmem>> -> memref<1x125xi32, #tpu.memory_space<vmem>>
        %dma_wait3A_311 = tpu.memref_squeeze %dma_wait3A_310 : memref<1x125xi32, #tpu.memory_space<vmem>> -> memref<125xi32, #tpu.memory_space<vmem>>
        %dma_wait3A_312 = arith.constant 0 : i32
        %dma_wait3A_313 = arith.constant 0 : i32
        %dma_wait3A_314 = tpu.memref_slice %arg17[%dma_wait3A_312, %dma_wait3A_313] : memref<10240x16xf32, #tpu.memory_space<vmem_shared>> -> memref<10240x16xf32, #tpu.memory_space<vmem_shared>>
        tpu.wait_indirect_dma semaphore(%arg27 : memref<!tpu.dma_semaphore, #tpu.memory_space<semaphore_mem>>) src(%arg9 : memref<125x16xf32, #tpu.memory_space<vmem>>) dst(%dma_wait3A_314 : memref<10240x16xf32, #tpu.memory_space<vmem_shared>>)
        %add3A_315 = arith.constant 8 : i32
        %add3A_316 = arith.addi %mul3A_168, %add3A_315 : i32
        %add3A_317 = arith.constant 1 : i32
        %add3A_318 = arith.addi %add3A_316, %add3A_317 : i32
        %dma_start3A_319 = arith.constant 0 : i32
        %dma_start3A_320 = tpu.memref_slice %arg6[%add3A_318, %dma_start3A_319] : memref<80x125xi32, #tpu.memory_space<vmem>> -> memref<1x125xi32, #tpu.memory_space<vmem>>
        %dma_start3A_321 = tpu.memref_squeeze %dma_start3A_320 : memref<1x125xi32, #tpu.memory_space<vmem>> -> memref<125xi32, #tpu.memory_space<vmem>>
        %dma_start3A_322 = arith.constant 0 : i32
        %dma_start3A_323 = arith.constant 0 : i32
        %dma_start3A_324 = tpu.memref_slice %arg2[%dma_start3A_322, %dma_start3A_323] : memref<10000x16xf32, #tpu.memory_space<hbm>> -> memref<10000x16xf32, #tpu.memory_space<hbm>>
        tpu.enqueue_indirect_dma source(%dma_start3A_324 : memref<10000x16xf32, #tpu.memory_space<hbm>>) target(%arg9 : memref<125x16xf32, #tpu.memory_space<vmem>>) offsets(%dma_start3A_321 : memref<125xi32, #tpu.memory_space<vmem>>) semaphore(%arg19 : memref<!tpu.dma_semaphore, #tpu.memory_space<semaphore_mem>>)
        %dma_wait3A_325 = arith.constant 0 : i32
        %dma_wait3A_326 = arith.constant 0 : i32
        %dma_wait3A_327 = tpu.memref_slice %arg7[%dma_wait3A_325, %dma_wait3A_326] : memref<80x125xi32, #tpu.memory_space<vmem>> -> memref<1x125xi32, #tpu.memory_space<vmem>>
        %dma_wait3A_328 = tpu.memref_squeeze %dma_wait3A_327 : memref<1x125xi32, #tpu.memory_space<vmem>> -> memref<125xi32, #tpu.memory_space<vmem>>
        %dma_wait3A_329 = arith.constant 0 : i32
        %dma_wait3A_330 = arith.constant 0 : i32
        %dma_wait3A_331 = tpu.memref_slice %arg17[%dma_wait3A_329, %dma_wait3A_330] : memref<10240x16xf32, #tpu.memory_space<vmem_shared>> -> memref<10240x16xf32, #tpu.memory_space<vmem_shared>>
        tpu.wait_indirect_dma semaphore(%arg28 : memref<!tpu.dma_semaphore, #tpu.memory_space<semaphore_mem>>) src(%arg10 : memref<125x16xf32, #tpu.memory_space<vmem>>) dst(%dma_wait3A_331 : memref<10240x16xf32, #tpu.memory_space<vmem_shared>>)
        %add3A_332 = arith.constant 8 : i32
        %add3A_333 = arith.addi %mul3A_168, %add3A_332 : i32
        %add3A_334 = arith.constant 2 : i32
        %add3A_335 = arith.addi %add3A_333, %add3A_334 : i32
        %dma_start3A_336 = arith.constant 0 : i32
        %dma_start3A_337 = tpu.memref_slice %arg6[%add3A_335, %dma_start3A_336] : memref<80x125xi32, #tpu.memory_space<vmem>> -> memref<1x125xi32, #tpu.memory_space<vmem>>
        %dma_start3A_338 = tpu.memref_squeeze %dma_start3A_337 : memref<1x125xi32, #tpu.memory_space<vmem>> -> memref<125xi32, #tpu.memory_space<vmem>>
        %dma_start3A_339 = arith.constant 0 : i32
        %dma_start3A_340 = arith.constant 0 : i32
        %dma_start3A_341 = tpu.memref_slice %arg2[%dma_start3A_339, %dma_start3A_340] : memref<10000x16xf32, #tpu.memory_space<hbm>> -> memref<10000x16xf32, #tpu.memory_space<hbm>>
        tpu.enqueue_indirect_dma source(%dma_start3A_341 : memref<10000x16xf32, #tpu.memory_space<hbm>>) target(%arg10 : memref<125x16xf32, #tpu.memory_space<vmem>>) offsets(%dma_start3A_338 : memref<125xi32, #tpu.memory_space<vmem>>) semaphore(%arg20 : memref<!tpu.dma_semaphore, #tpu.memory_space<semaphore_mem>>)
        %dma_wait3A_342 = arith.constant 0 : i32
        %dma_wait3A_343 = arith.constant 0 : i32
        %dma_wait3A_344 = tpu.memref_slice %arg7[%dma_wait3A_342, %dma_wait3A_343] : memref<80x125xi32, #tpu.memory_space<vmem>> -> memref<1x125xi32, #tpu.memory_space<vmem>>
        %dma_wait3A_345 = tpu.memref_squeeze %dma_wait3A_344 : memref<1x125xi32, #tpu.memory_space<vmem>> -> memref<125xi32, #tpu.memory_space<vmem>>
        %dma_wait3A_346 = arith.constant 0 : i32
        %dma_wait3A_347 = arith.constant 0 : i32
        %dma_wait3A_348 = tpu.memref_slice %arg17[%dma_wait3A_346, %dma_wait3A_347] : memref<10240x16xf32, #tpu.memory_space<vmem_shared>> -> memref<10240x16xf32, #tpu.memory_space<vmem_shared>>
        tpu.wait_indirect_dma semaphore(%arg29 : memref<!tpu.dma_semaphore, #tpu.memory_space<semaphore_mem>>) src(%arg11 : memref<125x16xf32, #tpu.memory_space<vmem>>) dst(%dma_wait3A_348 : memref<10240x16xf32, #tpu.memory_space<vmem_shared>>)
        %add3A_349 = arith.constant 8 : i32
        %add3A_350 = arith.addi %mul3A_168, %add3A_349 : i32
        %add3A_351 = arith.constant 3 : i32
        %add3A_352 = arith.addi %add3A_350, %add3A_351 : i32
        %dma_start3A_353 = arith.constant 0 : i32
        %dma_start3A_354 = tpu.memref_slice %arg6[%add3A_352, %dma_start3A_353] : memref<80x125xi32, #tpu.memory_space<vmem>> -> memref<1x125xi32, #tpu.memory_space<vmem>>
        %dma_start3A_355 = tpu.memref_squeeze %dma_start3A_354 : memref<1x125xi32, #tpu.memory_space<vmem>> -> memref<125xi32, #tpu.memory_space<vmem>>
        %dma_start3A_356 = arith.constant 0 : i32
        %dma_start3A_357 = arith.constant 0 : i32
        %dma_start3A_358 = tpu.memref_slice %arg2[%dma_start3A_356, %dma_start3A_357] : memref<10000x16xf32, #tpu.memory_space<hbm>> -> memref<10000x16xf32, #tpu.memory_space<hbm>>
        tpu.enqueue_indirect_dma source(%dma_start3A_358 : memref<10000x16xf32, #tpu.memory_space<hbm>>) target(%arg11 : memref<125x16xf32, #tpu.memory_space<vmem>>) offsets(%dma_start3A_355 : memref<125xi32, #tpu.memory_space<vmem>>) semaphore(%arg21 : memref<!tpu.dma_semaphore, #tpu.memory_space<semaphore_mem>>)
        %dma_wait3A_359 = arith.constant 0 : i32
        %dma_wait3A_360 = arith.constant 0 : i32
        %dma_wait3A_361 = tpu.memref_slice %arg7[%dma_wait3A_359, %dma_wait3A_360] : memref<80x125xi32, #tpu.memory_space<vmem>> -> memref<1x125xi32, #tpu.memory_space<vmem>>
        %dma_wait3A_362 = tpu.memref_squeeze %dma_wait3A_361 : memref<1x125xi32, #tpu.memory_space<vmem>> -> memref<125xi32, #tpu.memory_space<vmem>>
        %dma_wait3A_363 = arith.constant 0 : i32
        %dma_wait3A_364 = arith.constant 0 : i32
        %dma_wait3A_365 = tpu.memref_slice %arg17[%dma_wait3A_363, %dma_wait3A_364] : memref<10240x16xf32, #tpu.memory_space<vmem_shared>> -> memref<10240x16xf32, #tpu.memory_space<vmem_shared>>
        tpu.wait_indirect_dma semaphore(%arg30 : memref<!tpu.dma_semaphore, #tpu.memory_space<semaphore_mem>>) src(%arg12 : memref<125x16xf32, #tpu.memory_space<vmem>>) dst(%dma_wait3A_365 : memref<10240x16xf32, #tpu.memory_space<vmem_shared>>)
        %add3A_366 = arith.constant 8 : i32
        %add3A_367 = arith.addi %mul3A_168, %add3A_366 : i32
        %add3A_368 = arith.constant 4 : i32
        %add3A_369 = arith.addi %add3A_367, %add3A_368 : i32
        %dma_start3A_370 = arith.constant 0 : i32
        %dma_start3A_371 = tpu.memref_slice %arg6[%add3A_369, %dma_start3A_370] : memref<80x125xi32, #tpu.memory_space<vmem>> -> memref<1x125xi32, #tpu.memory_space<vmem>>
        %dma_start3A_372 = tpu.memref_squeeze %dma_start3A_371 : memref<1x125xi32, #tpu.memory_space<vmem>> -> memref<125xi32, #tpu.memory_space<vmem>>
        %dma_start3A_373 = arith.constant 0 : i32
        %dma_start3A_374 = arith.constant 0 : i32
        %dma_start3A_375 = tpu.memref_slice %arg2[%dma_start3A_373, %dma_start3A_374] : memref<10000x16xf32, #tpu.memory_space<hbm>> -> memref<10000x16xf32, #tpu.memory_space<hbm>>
        tpu.enqueue_indirect_dma source(%dma_start3A_375 : memref<10000x16xf32, #tpu.memory_space<hbm>>) target(%arg12 : memref<125x16xf32, #tpu.memory_space<vmem>>) offsets(%dma_start3A_372 : memref<125xi32, #tpu.memory_space<vmem>>) semaphore(%arg22 : memref<!tpu.dma_semaphore, #tpu.memory_space<semaphore_mem>>)
        %dma_wait3A_376 = arith.constant 0 : i32
        %dma_wait3A_377 = arith.constant 0 : i32
        %dma_wait3A_378 = tpu.memref_slice %arg7[%dma_wait3A_376, %dma_wait3A_377] : memref<80x125xi32, #tpu.memory_space<vmem>> -> memref<1x125xi32, #tpu.memory_space<vmem>>
        %dma_wait3A_379 = tpu.memref_squeeze %dma_wait3A_378 : memref<1x125xi32, #tpu.memory_space<vmem>> -> memref<125xi32, #tpu.memory_space<vmem>>
        %dma_wait3A_380 = arith.constant 0 : i32
        %dma_wait3A_381 = arith.constant 0 : i32
        %dma_wait3A_382 = tpu.memref_slice %arg17[%dma_wait3A_380, %dma_wait3A_381] : memref<10240x16xf32, #tpu.memory_space<vmem_shared>> -> memref<10240x16xf32, #tpu.memory_space<vmem_shared>>
        tpu.wait_indirect_dma semaphore(%arg31 : memref<!tpu.dma_semaphore, #tpu.memory_space<semaphore_mem>>) src(%arg13 : memref<125x16xf32, #tpu.memory_space<vmem>>) dst(%dma_wait3A_382 : memref<10240x16xf32, #tpu.memory_space<vmem_shared>>)
        %add3A_383 = arith.constant 8 : i32
        %add3A_384 = arith.addi %mul3A_168, %add3A_383 : i32
        %add3A_385 = arith.constant 5 : i32
        %add3A_386 = arith.addi %add3A_384, %add3A_385 : i32
        %dma_start3A_387 = arith.constant 0 : i32
        %dma_start3A_388 = tpu.memref_slice %arg6[%add3A_386, %dma_start3A_387] : memref<80x125xi32, #tpu.memory_space<vmem>> -> memref<1x125xi32, #tpu.memory_space<vmem>>
        %dma_start3A_389 = tpu.memref_squeeze %dma_start3A_388 : memref<1x125xi32, #tpu.memory_space<vmem>> -> memref<125xi32, #tpu.memory_space<vmem>>
        %dma_start3A_390 = arith.constant 0 : i32
        %dma_start3A_391 = arith.constant 0 : i32
        %dma_start3A_392 = tpu.memref_slice %arg2[%dma_start3A_390, %dma_start3A_391] : memref<10000x16xf32, #tpu.memory_space<hbm>> -> memref<10000x16xf32, #tpu.memory_space<hbm>>
        tpu.enqueue_indirect_dma source(%dma_start3A_392 : memref<10000x16xf32, #tpu.memory_space<hbm>>) target(%arg13 : memref<125x16xf32, #tpu.memory_space<vmem>>) offsets(%dma_start3A_389 : memref<125xi32, #tpu.memory_space<vmem>>) semaphore(%arg23 : memref<!tpu.dma_semaphore, #tpu.memory_space<semaphore_mem>>)
        %dma_wait3A_393 = arith.constant 0 : i32
        %dma_wait3A_394 = arith.constant 0 : i32
        %dma_wait3A_395 = tpu.memref_slice %arg7[%dma_wait3A_393, %dma_wait3A_394] : memref<80x125xi32, #tpu.memory_space<vmem>> -> memref<1x125xi32, #tpu.memory_space<vmem>>
        %dma_wait3A_396 = tpu.memref_squeeze %dma_wait3A_395 : memref<1x125xi32, #tpu.memory_space<vmem>> -> memref<125xi32, #tpu.memory_space<vmem>>
        %dma_wait3A_397 = arith.constant 0 : i32
        %dma_wait3A_398 = arith.constant 0 : i32
        %dma_wait3A_399 = tpu.memref_slice %arg17[%dma_wait3A_397, %dma_wait3A_398] : memref<10240x16xf32, #tpu.memory_space<vmem_shared>> -> memref<10240x16xf32, #tpu.memory_space<vmem_shared>>
        tpu.wait_indirect_dma semaphore(%arg32 : memref<!tpu.dma_semaphore, #tpu.memory_space<semaphore_mem>>) src(%arg14 : memref<125x16xf32, #tpu.memory_space<vmem>>) dst(%dma_wait3A_399 : memref<10240x16xf32, #tpu.memory_space<vmem_shared>>)
        %add3A_400 = arith.constant 8 : i32
        %add3A_401 = arith.addi %mul3A_168, %add3A_400 : i32
        %add3A_402 = arith.constant 6 : i32
        %add3A_403 = arith.addi %add3A_401, %add3A_402 : i32
        %dma_start3A_404 = arith.constant 0 : i32
        %dma_start3A_405 = tpu.memref_slice %arg6[%add3A_403, %dma_start3A_404] : memref<80x125xi32, #tpu.memory_space<vmem>> -> memref<1x125xi32, #tpu.memory_space<vmem>>
        %dma_start3A_406 = tpu.memref_squeeze %dma_start3A_405 : memref<1x125xi32, #tpu.memory_space<vmem>> -> memref<125xi32, #tpu.memory_space<vmem>>
        %dma_start3A_407 = arith.constant 0 : i32
        %dma_start3A_408 = arith.constant 0 : i32
        %dma_start3A_409 = tpu.memref_slice %arg2[%dma_start3A_407, %dma_start3A_408] : memref<10000x16xf32, #tpu.memory_space<hbm>> -> memref<10000x16xf32, #tpu.memory_space<hbm>>
        tpu.enqueue_indirect_dma source(%dma_start3A_409 : memref<10000x16xf32, #tpu.memory_space<hbm>>) target(%arg14 : memref<125x16xf32, #tpu.memory_space<vmem>>) offsets(%dma_start3A_406 : memref<125xi32, #tpu.memory_space<vmem>>) semaphore(%arg24 : memref<!tpu.dma_semaphore, #tpu.memory_space<semaphore_mem>>)
        %dma_wait3A_410 = arith.constant 0 : i32
        %dma_wait3A_411 = arith.constant 0 : i32
        %dma_wait3A_412 = tpu.memref_slice %arg7[%dma_wait3A_410, %dma_wait3A_411] : memref<80x125xi32, #tpu.memory_space<vmem>> -> memref<1x125xi32, #tpu.memory_space<vmem>>
        %dma_wait3A_413 = tpu.memref_squeeze %dma_wait3A_412 : memref<1x125xi32, #tpu.memory_space<vmem>> -> memref<125xi32, #tpu.memory_space<vmem>>
        %dma_wait3A_414 = arith.constant 0 : i32
        %dma_wait3A_415 = arith.constant 0 : i32
        %dma_wait3A_416 = tpu.memref_slice %arg17[%dma_wait3A_414, %dma_wait3A_415] : memref<10240x16xf32, #tpu.memory_space<vmem_shared>> -> memref<10240x16xf32, #tpu.memory_space<vmem_shared>>
        tpu.wait_indirect_dma semaphore(%arg33 : memref<!tpu.dma_semaphore, #tpu.memory_space<semaphore_mem>>) src(%arg15 : memref<125x16xf32, #tpu.memory_space<vmem>>) dst(%dma_wait3A_416 : memref<10240x16xf32, #tpu.memory_space<vmem_shared>>)
        %add3A_417 = arith.constant 8 : i32
        %add3A_418 = arith.addi %mul3A_168, %add3A_417 : i32
        %add3A_419 = arith.constant 7 : i32
        %add3A_420 = arith.addi %add3A_418, %add3A_419 : i32
        %dma_start3A_421 = arith.constant 0 : i32
        %dma_start3A_422 = tpu.memref_slice %arg6[%add3A_420, %dma_start3A_421] : memref<80x125xi32, #tpu.memory_space<vmem>> -> memref<1x125xi32, #tpu.memory_space<vmem>>
        %dma_start3A_423 = tpu.memref_squeeze %dma_start3A_422 : memref<1x125xi32, #tpu.memory_space<vmem>> -> memref<125xi32, #tpu.memory_space<vmem>>
        %dma_start3A_424 = arith.constant 0 : i32
        %dma_start3A_425 = arith.constant 0 : i32
        %dma_start3A_426 = tpu.memref_slice %arg2[%dma_start3A_424, %dma_start3A_425] : memref<10000x16xf32, #tpu.memory_space<hbm>> -> memref<10000x16xf32, #tpu.memory_space<hbm>>
        tpu.enqueue_indirect_dma source(%dma_start3A_426 : memref<10000x16xf32, #tpu.memory_space<hbm>>) target(%arg15 : memref<125x16xf32, #tpu.memory_space<vmem>>) offsets(%dma_start3A_423 : memref<125xi32, #tpu.memory_space<vmem>>) semaphore(%arg25 : memref<!tpu.dma_semaphore, #tpu.memory_space<semaphore_mem>>)
      } else {
      }
    }
    %scan3A_89 = arith.constant 10 : i32
    %dma_wait3A = arith.constant 0 : i32
    %dma_wait3A_90 = arith.constant 0 : i32
    %dma_wait3A_91 = tpu.memref_slice %arg7[%dma_wait3A, %dma_wait3A_90] : memref<80x125xi32, #tpu.memory_space<vmem>> -> memref<1x125xi32, #tpu.memory_space<vmem>>
    %dma_wait3A_92 = tpu.memref_squeeze %dma_wait3A_91 : memref<1x125xi32, #tpu.memory_space<vmem>> -> memref<125xi32, #tpu.memory_space<vmem>>
    %dma_wait3A_93 = arith.constant 0 : i32
    %dma_wait3A_94 = arith.constant 0 : i32
    %dma_wait3A_95 = tpu.memref_slice %arg17[%dma_wait3A_93, %dma_wait3A_94] : memref<10240x16xf32, #tpu.memory_space<vmem_shared>> -> memref<10240x16xf32, #tpu.memory_space<vmem_shared>>
    tpu.wait_indirect_dma semaphore(%arg26 : memref<!tpu.dma_semaphore, #tpu.memory_space<semaphore_mem>>) src(%arg8 : memref<125x16xf32, #tpu.memory_space<vmem>>) dst(%dma_wait3A_95 : memref<10240x16xf32, #tpu.memory_space<vmem_shared>>)
    %dma_wait3A_96 = arith.constant 0 : i32
    %dma_wait3A_97 = arith.constant 0 : i32
    %dma_wait3A_98 = tpu.memref_slice %arg7[%dma_wait3A_96, %dma_wait3A_97] : memref<80x125xi32, #tpu.memory_space<vmem>> -> memref<1x125xi32, #tpu.memory_space<vmem>>
    %dma_wait3A_99 = tpu.memref_squeeze %dma_wait3A_98 : memref<1x125xi32, #tpu.memory_space<vmem>> -> memref<125xi32, #tpu.memory_space<vmem>>
    %dma_wait3A_100 = arith.constant 0 : i32
    %dma_wait3A_101 = arith.constant 0 : i32
    %dma_wait3A_102 = tpu.memref_slice %arg17[%dma_wait3A_100, %dma_wait3A_101] : memref<10240x16xf32, #tpu.memory_space<vmem_shared>> -> memref<10240x16xf32, #tpu.memory_space<vmem_shared>>
    tpu.wait_indirect_dma semaphore(%arg27 : memref<!tpu.dma_semaphore, #tpu.memory_space<semaphore_mem>>) src(%arg9 : memref<125x16xf32, #tpu.memory_space<vmem>>) dst(%dma_wait3A_102 : memref<10240x16xf32, #tpu.memory_space<vmem_shared>>)
    %dma_wait3A_103 = arith.constant 0 : i32
    %dma_wait3A_104 = arith.constant 0 : i32
    %dma_wait3A_105 = tpu.memref_slice %arg7[%dma_wait3A_103, %dma_wait3A_104] : memref<80x125xi32, #tpu.memory_space<vmem>> -> memref<1x125xi32, #tpu.memory_space<vmem>>
    %dma_wait3A_106 = tpu.memref_squeeze %dma_wait3A_105 : memref<1x125xi32, #tpu.memory_space<vmem>> -> memref<125xi32, #tpu.memory_space<vmem>>
    %dma_wait3A_107 = arith.constant 0 : i32
    %dma_wait3A_108 = arith.constant 0 : i32
    %dma_wait3A_109 = tpu.memref_slice %arg17[%dma_wait3A_107, %dma_wait3A_108] : memref<10240x16xf32, #tpu.memory_space<vmem_shared>> -> memref<10240x16xf32, #tpu.memory_space<vmem_shared>>
    tpu.wait_indirect_dma semaphore(%arg28 : memref<!tpu.dma_semaphore, #tpu.memory_space<semaphore_mem>>) src(%arg10 : memref<125x16xf32, #tpu.memory_space<vmem>>) dst(%dma_wait3A_109 : memref<10240x16xf32, #tpu.memory_space<vmem_shared>>)
    %dma_wait3A_110 = arith.constant 0 : i32
    %dma_wait3A_111 = arith.constant 0 : i32
    %dma_wait3A_112 = tpu.memref_slice %arg7[%dma_wait3A_110, %dma_wait3A_111] : memref<80x125xi32, #tpu.memory_space<vmem>> -> memref<1x125xi32, #tpu.memory_space<vmem>>
    %dma_wait3A_113 = tpu.memref_squeeze %dma_wait3A_112 : memref<1x125xi32, #tpu.memory_space<vmem>> -> memref<125xi32, #tpu.memory_space<vmem>>
    %dma_wait3A_114 = arith.constant 0 : i32
    %dma_wait3A_115 = arith.constant 0 : i32
    %dma_wait3A_116 = tpu.memref_slice %arg17[%dma_wait3A_114, %dma_wait3A_115] : memref<10240x16xf32, #tpu.memory_space<vmem_shared>> -> memref<10240x16xf32, #tpu.memory_space<vmem_shared>>
    tpu.wait_indirect_dma semaphore(%arg29 : memref<!tpu.dma_semaphore, #tpu.memory_space<semaphore_mem>>) src(%arg11 : memref<125x16xf32, #tpu.memory_space<vmem>>) dst(%dma_wait3A_116 : memref<10240x16xf32, #tpu.memory_space<vmem_shared>>)
    %dma_wait3A_117 = arith.constant 0 : i32
    %dma_wait3A_118 = arith.constant 0 : i32
    %dma_wait3A_119 = tpu.memref_slice %arg7[%dma_wait3A_117, %dma_wait3A_118] : memref<80x125xi32, #tpu.memory_space<vmem>> -> memref<1x125xi32, #tpu.memory_space<vmem>>
    %dma_wait3A_120 = tpu.memref_squeeze %dma_wait3A_119 : memref<1x125xi32, #tpu.memory_space<vmem>> -> memref<125xi32, #tpu.memory_space<vmem>>
    %dma_wait3A_121 = arith.constant 0 : i32
    %dma_wait3A_122 = arith.constant 0 : i32
    %dma_wait3A_123 = tpu.memref_slice %arg17[%dma_wait3A_121, %dma_wait3A_122] : memref<10240x16xf32, #tpu.memory_space<vmem_shared>> -> memref<10240x16xf32, #tpu.memory_space<vmem_shared>>
    tpu.wait_indirect_dma semaphore(%arg30 : memref<!tpu.dma_semaphore, #tpu.memory_space<semaphore_mem>>) src(%arg12 : memref<125x16xf32, #tpu.memory_space<vmem>>) dst(%dma_wait3A_123 : memref<10240x16xf32, #tpu.memory_space<vmem_shared>>)
    %dma_wait3A_124 = arith.constant 0 : i32
    %dma_wait3A_125 = arith.constant 0 : i32
    %dma_wait3A_126 = tpu.memref_slice %arg7[%dma_wait3A_124, %dma_wait3A_125] : memref<80x125xi32, #tpu.memory_space<vmem>> -> memref<1x125xi32, #tpu.memory_space<vmem>>
    %dma_wait3A_127 = tpu.memref_squeeze %dma_wait3A_126 : memref<1x125xi32, #tpu.memory_space<vmem>> -> memref<125xi32, #tpu.memory_space<vmem>>
    %dma_wait3A_128 = arith.constant 0 : i32
    %dma_wait3A_129 = arith.constant 0 : i32
    %dma_wait3A_130 = tpu.memref_slice %arg17[%dma_wait3A_128, %dma_wait3A_129] : memref<10240x16xf32, #tpu.memory_space<vmem_shared>> -> memref<10240x16xf32, #tpu.memory_space<vmem_shared>>
    tpu.wait_indirect_dma semaphore(%arg31 : memref<!tpu.dma_semaphore, #tpu.memory_space<semaphore_mem>>) src(%arg13 : memref<125x16xf32, #tpu.memory_space<vmem>>) dst(%dma_wait3A_130 : memref<10240x16xf32, #tpu.memory_space<vmem_shared>>)
    %dma_wait3A_131 = arith.constant 0 : i32
    %dma_wait3A_132 = arith.constant 0 : i32
    %dma_wait3A_133 = tpu.memref_slice %arg7[%dma_wait3A_131, %dma_wait3A_132] : memref<80x125xi32, #tpu.memory_space<vmem>> -> memref<1x125xi32, #tpu.memory_space<vmem>>
    %dma_wait3A_134 = tpu.memref_squeeze %dma_wait3A_133 : memref<1x125xi32, #tpu.memory_space<vmem>> -> memref<125xi32, #tpu.memory_space<vmem>>
    %dma_wait3A_135 = arith.constant 0 : i32
    %dma_wait3A_136 = arith.constant 0 : i32
    %dma_wait3A_137 = tpu.memref_slice %arg17[%dma_wait3A_135, %dma_wait3A_136] : memref<10240x16xf32, #tpu.memory_space<vmem_shared>> -> memref<10240x16xf32, #tpu.memory_space<vmem_shared>>
    tpu.wait_indirect_dma semaphore(%arg32 : memref<!tpu.dma_semaphore, #tpu.memory_space<semaphore_mem>>) src(%arg14 : memref<125x16xf32, #tpu.memory_space<vmem>>) dst(%dma_wait3A_137 : memref<10240x16xf32, #tpu.memory_space<vmem_shared>>)
    %dma_wait3A_138 = arith.constant 0 : i32
    %dma_wait3A_139 = arith.constant 0 : i32
    %dma_wait3A_140 = tpu.memref_slice %arg7[%dma_wait3A_138, %dma_wait3A_139] : memref<80x125xi32, #tpu.memory_space<vmem>> -> memref<1x125xi32, #tpu.memory_space<vmem>>
    %dma_wait3A_141 = tpu.memref_squeeze %dma_wait3A_140 : memref<1x125xi32, #tpu.memory_space<vmem>> -> memref<125xi32, #tpu.memory_space<vmem>>
    %dma_wait3A_142 = arith.constant 0 : i32
    %dma_wait3A_143 = arith.constant 0 : i32
    %dma_wait3A_144 = tpu.memref_slice %arg17[%dma_wait3A_142, %dma_wait3A_143] : memref<10240x16xf32, #tpu.memory_space<vmem_shared>> -> memref<10240x16xf32, #tpu.memory_space<vmem_shared>>
    tpu.wait_indirect_dma semaphore(%arg33 : memref<!tpu.dma_semaphore, #tpu.memory_space<semaphore_mem>>) src(%arg15 : memref<125x16xf32, #tpu.memory_space<vmem>>) dst(%dma_wait3A_144 : memref<10240x16xf32, #tpu.memory_space<vmem_shared>>)
    %barrier3A_145 = arith.constant 0 : index
    tpu.barrier barrier_id(%barrier3A_145)
    %mul3A_146 = arith.constant 640 : i32
    %mul3A_147 = arith.muli %arg1, %mul3A_146 : i32
    %add3A_148 = arith.constant 0 : i32
    %add3A_149 = arith.addi %mul3A_147, %add3A_148 : i32
    "tpu.region"() ({
      %run_scoped3A = tpu.sem_alloc : memref<!tpu.dma_semaphore, #tpu.memory_space<semaphore_mem>>
      %dma_start3A_166 = arith.constant 0 : i32
      %dma_start3A_167 = arith.constant 0 : i32
      %dma_start3A_168 = tpu.memref_slice %arg5[%arg0, %dma_start3A_166, %dma_start3A_167] : memref<2x10240x16xf32, #tpu.memory_space<hbm>> -> memref<1x10240x16xf32, #tpu.memory_space<hbm>>
      %dma_start3A_169 = tpu.memref_squeeze %dma_start3A_168 : memref<1x10240x16xf32, #tpu.memory_space<hbm>> -> memref<10240x16xf32, #tpu.memory_space<hbm>>
      %dma_start3A_170 = arith.constant 0 : i32
      %dma_start3A_171 = tpu.memref_slice %dma_start3A_169[%add3A_149, %dma_start3A_170] : memref<10240x16xf32, #tpu.memory_space<hbm>> -> memref<128x16xf32, #tpu.memory_space<hbm>>
      %dma_start3A_172 = arith.constant 0 : i32
      %dma_start3A_173 = tpu.memref_slice %arg17[%add3A_149, %dma_start3A_172] : memref<10240x16xf32, #tpu.memory_space<vmem_shared>> -> memref<128x16xf32, #tpu.memory_space<vmem_shared>>
      tpu.enqueue_dma source(%dma_start3A_173 : memref<128x16xf32, #tpu.memory_space<vmem_shared>>) target(%dma_start3A_171 : memref<128x16xf32, #tpu.memory_space<hbm>>) target_semaphore(%run_scoped3A : memref<!tpu.dma_semaphore, #tpu.memory_space<semaphore_mem>>)
      %dma_wait3A_174 = arith.constant 0 : i32
      %dma_wait3A_175 = arith.constant 0 : i32
      %dma_wait3A_176 = tpu.memref_slice %arg5[%arg0, %dma_wait3A_174, %dma_wait3A_175] : memref<2x10240x16xf32, #tpu.memory_space<hbm>> -> memref<1x10240x16xf32, #tpu.memory_space<hbm>>
      %dma_wait3A_177 = tpu.memref_squeeze %dma_wait3A_176 : memref<1x10240x16xf32, #tpu.memory_space<hbm>> -> memref<10240x16xf32, #tpu.memory_space<hbm>>
      %dma_wait3A_178 = arith.constant 0 : i32
      %dma_wait3A_179 = tpu.memref_slice %dma_wait3A_177[%add3A_149, %dma_wait3A_178] : memref<10240x16xf32, #tpu.memory_space<hbm>> -> memref<128x16xf32, #tpu.memory_space<hbm>>
      %dma_wait3A_180 = arith.constant 0 : i32
      %dma_wait3A_181 = tpu.memref_slice %arg17[%add3A_149, %dma_wait3A_180] : memref<10240x16xf32, #tpu.memory_space<vmem_shared>> -> memref<128x16xf32, #tpu.memory_space<vmem_shared>>
      tpu.wait_dma2 semaphore(%run_scoped3A : memref<!tpu.dma_semaphore, #tpu.memory_space<semaphore_mem>>) src(%dma_wait3A_181 : memref<128x16xf32, #tpu.memory_space<vmem_shared>>) dst(%dma_wait3A_179 : memref<128x16xf32, #tpu.memory_space<hbm>>)
      tpu.yield
    }) : () -> ()
    %mul3A_150 = arith.constant 640 : i32
    %mul3A_151 = arith.muli %arg1, %mul3A_150 : i32
    %add3A_152 = arith.constant 128 : i32
    %add3A_153 = arith.addi %mul3A_151, %add3A_152 : i32
    "tpu.region"() ({
      %run_scoped3A = tpu.sem_alloc : memref<!tpu.dma_semaphore, #tpu.memory_space<semaphore_mem>>
      %dma_start3A_166 = arith.constant 0 : i32
      %dma_start3A_167 = arith.constant 0 : i32
      %dma_start3A_168 = tpu.memref_slice %arg5[%arg0, %dma_start3A_166, %dma_start3A_167] : memref<2x10240x16xf32, #tpu.memory_space<hbm>> -> memref<1x10240x16xf32, #tpu.memory_space<hbm>>
      %dma_start3A_169 = tpu.memref_squeeze %dma_start3A_168 : memref<1x10240x16xf32, #tpu.memory_space<hbm>> -> memref<10240x16xf32, #tpu.memory_space<hbm>>
      %dma_start3A_170 = arith.constant 0 : i32
      %dma_start3A_171 = tpu.memref_slice %dma_start3A_169[%add3A_153, %dma_start3A_170] : memref<10240x16xf32, #tpu.memory_space<hbm>> -> memref<128x16xf32, #tpu.memory_space<hbm>>
      %dma_start3A_172 = arith.constant 0 : i32
      %dma_start3A_173 = tpu.memref_slice %arg17[%add3A_153, %dma_start3A_172] : memref<10240x16xf32, #tpu.memory_space<vmem_shared>> -> memref<128x16xf32, #tpu.memory_space<vmem_shared>>
      tpu.enqueue_dma source(%dma_start3A_173 : memref<128x16xf32, #tpu.memory_space<vmem_shared>>) target(%dma_start3A_171 : memref<128x16xf32, #tpu.memory_space<hbm>>) target_semaphore(%run_scoped3A : memref<!tpu.dma_semaphore, #tpu.memory_space<semaphore_mem>>)
      %dma_wait3A_174 = arith.constant 0 : i32
      %dma_wait3A_175 = arith.constant 0 : i32
      %dma_wait3A_176 = tpu.memref_slice %arg5[%arg0, %dma_wait3A_174, %dma_wait3A_175] : memref<2x10240x16xf32, #tpu.memory_space<hbm>> -> memref<1x10240x16xf32, #tpu.memory_space<hbm>>
      %dma_wait3A_177 = tpu.memref_squeeze %dma_wait3A_176 : memref<1x10240x16xf32, #tpu.memory_space<hbm>> -> memref<10240x16xf32, #tpu.memory_space<hbm>>
      %dma_wait3A_178 = arith.constant 0 : i32
      %dma_wait3A_179 = tpu.memref_slice %dma_wait3A_177[%add3A_153, %dma_wait3A_178] : memref<10240x16xf32, #tpu.memory_space<hbm>> -> memref<128x16xf32, #tpu.memory_space<hbm>>
      %dma_wait3A_180 = arith.constant 0 : i32
      %dma_wait3A_181 = tpu.memref_slice %arg17[%add3A_153, %dma_wait3A_180] : memref<10240x16xf32, #tpu.memory_space<vmem_shared>> -> memref<128x16xf32, #tpu.memory_space<vmem_shared>>
      tpu.wait_dma2 semaphore(%run_scoped3A : memref<!tpu.dma_semaphore, #tpu.memory_space<semaphore_mem>>) src(%dma_wait3A_181 : memref<128x16xf32, #tpu.memory_space<vmem_shared>>) dst(%dma_wait3A_179 : memref<128x16xf32, #tpu.memory_space<hbm>>)
      tpu.yield
    }) : () -> ()
    %mul3A_154 = arith.constant 640 : i32
    %mul3A_155 = arith.muli %arg1, %mul3A_154 : i32
    %add3A_156 = arith.constant 256 : i32
    %add3A_157 = arith.addi %mul3A_155, %add3A_156 : i32
    "tpu.region"() ({
      %run_scoped3A = tpu.sem_alloc : memref<!tpu.dma_semaphore, #tpu.memory_space<semaphore_mem>>
      %dma_start3A_166 = arith.constant 0 : i32
      %dma_start3A_167 = arith.constant 0 : i32
      %dma_start3A_168 = tpu.memref_slice %arg5[%arg0, %dma_start3A_166, %dma_start3A_167] : memref<2x10240x16xf32, #tpu.memory_space<hbm>> -> memref<1x10240x16xf32, #tpu.memory_space<hbm>>
      %dma_start3A_169 = tpu.memref_squeeze %dma_start3A_168 : memref<1x10240x16xf32, #tpu.memory_space<hbm>> -> memref<10240x16xf32, #tpu.memory_space<hbm>>
      %dma_start3A_170 = arith.constant 0 : i32
      %dma_start3A_171 = tpu.memref_slice %dma_start3A_169[%add3A_157, %dma_start3A_170] : memref<10240x16xf32, #tpu.memory_space<hbm>> -> memref<128x16xf32, #tpu.memory_space<hbm>>
      %dma_start3A_172 = arith.constant 0 : i32
      %dma_start3A_173 = tpu.memref_slice %arg17[%add3A_157, %dma_start3A_172] : memref<10240x16xf32, #tpu.memory_space<vmem_shared>> -> memref<128x16xf32, #tpu.memory_space<vmem_shared>>
      tpu.enqueue_dma source(%dma_start3A_173 : memref<128x16xf32, #tpu.memory_space<vmem_shared>>) target(%dma_start3A_171 : memref<128x16xf32, #tpu.memory_space<hbm>>) target_semaphore(%run_scoped3A : memref<!tpu.dma_semaphore, #tpu.memory_space<semaphore_mem>>)
      %dma_wait3A_174 = arith.constant 0 : i32
      %dma_wait3A_175 = arith.constant 0 : i32
      %dma_wait3A_176 = tpu.memref_slice %arg5[%arg0, %dma_wait3A_174, %dma_wait3A_175] : memref<2x10240x16xf32, #tpu.memory_space<hbm>> -> memref<1x10240x16xf32, #tpu.memory_space<hbm>>
      %dma_wait3A_177 = tpu.memref_squeeze %dma_wait3A_176 : memref<1x10240x16xf32, #tpu.memory_space<hbm>> -> memref<10240x16xf32, #tpu.memory_space<hbm>>
      %dma_wait3A_178 = arith.constant 0 : i32
      %dma_wait3A_179 = tpu.memref_slice %dma_wait3A_177[%add3A_157, %dma_wait3A_178] : memref<10240x16xf32, #tpu.memory_space<hbm>> -> memref<128x16xf32, #tpu.memory_space<hbm>>
      %dma_wait3A_180 = arith.constant 0 : i32
      %dma_wait3A_181 = tpu.memref_slice %arg17[%add3A_157, %dma_wait3A_180] : memref<10240x16xf32, #tpu.memory_space<vmem_shared>> -> memref<128x16xf32, #tpu.memory_space<vmem_shared>>
      tpu.wait_dma2 semaphore(%run_scoped3A : memref<!tpu.dma_semaphore, #tpu.memory_space<semaphore_mem>>) src(%dma_wait3A_181 : memref<128x16xf32, #tpu.memory_space<vmem_shared>>) dst(%dma_wait3A_179 : memref<128x16xf32, #tpu.memory_space<hbm>>)
      tpu.yield
    }) : () -> ()
    %mul3A_158 = arith.constant 640 : i32
    %mul3A_159 = arith.muli %arg1, %mul3A_158 : i32
    %add3A_160 = arith.constant 384 : i32
    %add3A_161 = arith.addi %mul3A_159, %add3A_160 : i32
    "tpu.region"() ({
      %run_scoped3A = tpu.sem_alloc : memref<!tpu.dma_semaphore, #tpu.memory_space<semaphore_mem>>
      %dma_start3A_166 = arith.constant 0 : i32
      %dma_start3A_167 = arith.constant 0 : i32
      %dma_start3A_168 = tpu.memref_slice %arg5[%arg0, %dma_start3A_166, %dma_start3A_167] : memref<2x10240x16xf32, #tpu.memory_space<hbm>> -> memref<1x10240x16xf32, #tpu.memory_space<hbm>>
      %dma_start3A_169 = tpu.memref_squeeze %dma_start3A_168 : memref<1x10240x16xf32, #tpu.memory_space<hbm>> -> memref<10240x16xf32, #tpu.memory_space<hbm>>
      %dma_start3A_170 = arith.constant 0 : i32
      %dma_start3A_171 = tpu.memref_slice %dma_start3A_169[%add3A_161, %dma_start3A_170] : memref<10240x16xf32, #tpu.memory_space<hbm>> -> memref<128x16xf32, #tpu.memory_space<hbm>>
      %dma_start3A_172 = arith.constant 0 : i32
      %dma_start3A_173 = tpu.memref_slice %arg17[%add3A_161, %dma_start3A_172] : memref<10240x16xf32, #tpu.memory_space<vmem_shared>> -> memref<128x16xf32, #tpu.memory_space<vmem_shared>>
      tpu.enqueue_dma source(%dma_start3A_173 : memref<128x16xf32, #tpu.memory_space<vmem_shared>>) target(%dma_start3A_171 : memref<128x16xf32, #tpu.memory_space<hbm>>) target_semaphore(%run_scoped3A : memref<!tpu.dma_semaphore, #tpu.memory_space<semaphore_mem>>)
      %dma_wait3A_174 = arith.constant 0 : i32
      %dma_wait3A_175 = arith.constant 0 : i32
      %dma_wait3A_176 = tpu.memref_slice %arg5[%arg0, %dma_wait3A_174, %dma_wait3A_175] : memref<2x10240x16xf32, #tpu.memory_space<hbm>> -> memref<1x10240x16xf32, #tpu.memory_space<hbm>>
      %dma_wait3A_177 = tpu.memref_squeeze %dma_wait3A_176 : memref<1x10240x16xf32, #tpu.memory_space<hbm>> -> memref<10240x16xf32, #tpu.memory_space<hbm>>
      %dma_wait3A_178 = arith.constant 0 : i32
      %dma_wait3A_179 = tpu.memref_slice %dma_wait3A_177[%add3A_161, %dma_wait3A_178] : memref<10240x16xf32, #tpu.memory_space<hbm>> -> memref<128x16xf32, #tpu.memory_space<hbm>>
      %dma_wait3A_180 = arith.constant 0 : i32
      %dma_wait3A_181 = tpu.memref_slice %arg17[%add3A_161, %dma_wait3A_180] : memref<10240x16xf32, #tpu.memory_space<vmem_shared>> -> memref<128x16xf32, #tpu.memory_space<vmem_shared>>
      tpu.wait_dma2 semaphore(%run_scoped3A : memref<!tpu.dma_semaphore, #tpu.memory_space<semaphore_mem>>) src(%dma_wait3A_181 : memref<128x16xf32, #tpu.memory_space<vmem_shared>>) dst(%dma_wait3A_179 : memref<128x16xf32, #tpu.memory_space<hbm>>)
      tpu.yield
    }) : () -> ()
    %mul3A_162 = arith.constant 640 : i32
    %mul3A_163 = arith.muli %arg1, %mul3A_162 : i32
    %add3A_164 = arith.constant 512 : i32
    %add3A_165 = arith.addi %mul3A_163, %add3A_164 : i32
    "tpu.region"() ({
      %run_scoped3A = tpu.sem_alloc : memref<!tpu.dma_semaphore, #tpu.memory_space<semaphore_mem>>
      %dma_start3A_166 = arith.constant 0 : i32
      %dma_start3A_167 = arith.constant 0 : i32
      %dma_start3A_168 = tpu.memref_slice %arg5[%arg0, %dma_start3A_166, %dma_start3A_167] : memref<2x10240x16xf32, #tpu.memory_space<hbm>> -> memref<1x10240x16xf32, #tpu.memory_space<hbm>>
      %dma_start3A_169 = tpu.memref_squeeze %dma_start3A_168 : memref<1x10240x16xf32, #tpu.memory_space<hbm>> -> memref<10240x16xf32, #tpu.memory_space<hbm>>
      %dma_start3A_170 = arith.constant 0 : i32
      %dma_start3A_171 = tpu.memref_slice %dma_start3A_169[%add3A_165, %dma_start3A_170] : memref<10240x16xf32, #tpu.memory_space<hbm>> -> memref<128x16xf32, #tpu.memory_space<hbm>>
      %dma_start3A_172 = arith.constant 0 : i32
      %dma_start3A_173 = tpu.memref_slice %arg17[%add3A_165, %dma_start3A_172] : memref<10240x16xf32, #tpu.memory_space<vmem_shared>> -> memref<128x16xf32, #tpu.memory_space<vmem_shared>>
      tpu.enqueue_dma source(%dma_start3A_173 : memref<128x16xf32, #tpu.memory_space<vmem_shared>>) target(%dma_start3A_171 : memref<128x16xf32, #tpu.memory_space<hbm>>) target_semaphore(%run_scoped3A : memref<!tpu.dma_semaphore, #tpu.memory_space<semaphore_mem>>)
      %dma_wait3A_174 = arith.constant 0 : i32
      %dma_wait3A_175 = arith.constant 0 : i32
      %dma_wait3A_176 = tpu.memref_slice %arg5[%arg0, %dma_wait3A_174, %dma_wait3A_175] : memref<2x10240x16xf32, #tpu.memory_space<hbm>> -> memref<1x10240x16xf32, #tpu.memory_space<hbm>>
      %dma_wait3A_177 = tpu.memref_squeeze %dma_wait3A_176 : memref<1x10240x16xf32, #tpu.memory_space<hbm>> -> memref<10240x16xf32, #tpu.memory_space<hbm>>
      %dma_wait3A_178 = arith.constant 0 : i32
      %dma_wait3A_179 = tpu.memref_slice %dma_wait3A_177[%add3A_165, %dma_wait3A_178] : memref<10240x16xf32, #tpu.memory_space<hbm>> -> memref<128x16xf32, #tpu.memory_space<hbm>>
      %dma_wait3A_180 = arith.constant 0 : i32
      %dma_wait3A_181 = tpu.memref_slice %arg17[%add3A_165, %dma_wait3A_180] : memref<10240x16xf32, #tpu.memory_space<vmem_shared>> -> memref<128x16xf32, #tpu.memory_space<vmem_shared>>
      tpu.wait_dma2 semaphore(%run_scoped3A : memref<!tpu.dma_semaphore, #tpu.memory_space<semaphore_mem>>) src(%dma_wait3A_181 : memref<128x16xf32, #tpu.memory_space<vmem_shared>>) dst(%dma_wait3A_179 : memref<128x16xf32, #tpu.memory_space<hbm>>)
      tpu.yield
    }) : () -> ()
    return
  }
}

#map = affine_map<(d0, d1) -> (0, 0)>
#map1 = affine_map<(d0, d1) -> (0, 0, 0)>
module attributes {stable_mosaic.version = 14 : i64} {
  func.func @body(%arg0: i32, %arg1: i32, %arg2: memref<2560x125xi32, #tpu.memory_space<hbm>>, %arg3: memref<2x10240x16xf32, #tpu.memory_space<hbm>>, %arg4: memref<80x125xi32, #tpu.memory_space<vmem>>, %arg5: memref<125x16xf32, #tpu.memory_space<vmem>>, %arg6: memref<128x16xf32, #tpu.memory_space<vmem>>, %arg7: memref<10240x16xf32, #tpu.memory_space<vmem_shared>>, %arg8: memref<!tpu.dma_semaphore, #tpu.memory_space<semaphore_mem>>, %arg9: memref<!tpu.dma_semaphore, #tpu.memory_space<semaphore_mem>>, %arg10: memref<!tpu.dma_semaphore, #tpu.memory_space<semaphore_mem>>, %arg11: memref<!tpu.dma_semaphore, #tpu.memory_space<semaphore_mem>>) attributes {dimension_semantics = [#tpu.dimension_semantics<core_parallel>, #tpu.dimension_semantics<subcore_parallel>], iteration_bounds = array<i64: 2, 16>, scalar_prefetch = 0 : i64, scratch_operands = 8 : i64, tpu.core_type = #tpu.core_type<sc_vector_subcore>, window_params = [{transform_indices = #map}, {transform_indices = #map1}]} {
    %mul3A = arith.constant 16 : i32
    %mul3A_0 = arith.muli %arg0, %mul3A : i32
    %add3A = arith.addi %mul3A_0, %arg1 : i32
    %mul3A_1 = arith.constant 80 : i32
    %mul3A_2 = arith.muli %add3A, %mul3A_1 : i32
    "tpu.region"() ({
      %run_scoped3A = tpu.sem_alloc : memref<!tpu.dma_semaphore, #tpu.memory_space<semaphore_mem>>
      %dma_start3A_142 = arith.constant 0 : i32
      %dma_start3A_143 = tpu.memref_slice %arg2[%mul3A_2, %dma_start3A_142] : memref<2560x125xi32, #tpu.memory_space<hbm>> -> memref<80x125xi32, #tpu.memory_space<hbm>>
      %dma_start3A_144 = arith.constant 0 : i32
      %dma_start3A_145 = tpu.memref_slice %arg2[%mul3A_2, %dma_start3A_144] : memref<2560x125xi32, #tpu.memory_space<hbm>> -> memref<80x125xi32, #tpu.memory_space<hbm>>
      tpu.enqueue_dma source(%dma_start3A_145 : memref<80x125xi32, #tpu.memory_space<hbm>>) target(%arg4 : memref<80x125xi32, #tpu.memory_space<vmem>>) target_semaphore(%run_scoped3A : memref<!tpu.dma_semaphore, #tpu.memory_space<semaphore_mem>>)
      %dma_wait3A_146 = arith.constant 0 : i32
      %dma_wait3A_147 = tpu.memref_slice %arg2[%mul3A_2, %dma_wait3A_146] : memref<2560x125xi32, #tpu.memory_space<hbm>> -> memref<80x125xi32, #tpu.memory_space<hbm>>
      %dma_wait3A_148 = arith.constant 0 : i32
      %dma_wait3A_149 = tpu.memref_slice %arg2[%mul3A_2, %dma_wait3A_148] : memref<2560x125xi32, #tpu.memory_space<hbm>> -> memref<80x125xi32, #tpu.memory_space<hbm>>
      tpu.wait_dma2 semaphore(%run_scoped3A : memref<!tpu.dma_semaphore, #tpu.memory_space<semaphore_mem>>) src(%dma_wait3A_149 : memref<80x125xi32, #tpu.memory_space<hbm>>) dst(%arg4 : memref<80x125xi32, #tpu.memory_space<vmem>>)
      tpu.yield
    }) : () -> ()
    %broadcast_in_dim3A = arith.constant 0.000000e+00 : f32
    %broadcast_in_dim3A_3 = vector.broadcast %broadcast_in_dim3A : f32 to vector<16xf32>
    %broadcast_in_dim3A_4 = arith.constant 1.000000e+00 : f32
    %broadcast_in_dim3A_5 = vector.broadcast %broadcast_in_dim3A_4 : f32 to vector<16xf32>
    %scan3A = arith.constant 0 : i32
    %scan3A_6 = arith.constant 0 : i32
    %scan3A_7 = arith.constant 128 : i32
    %scan3A_8 = arith.addi %scan3A_6, %scan3A_7 : i32
    %scan3A_9 = arith.constant 1 : i32
    scf.for %scan3A_142 = %scan3A_6 to %scan3A_8 step %scan3A_9  : i32 {
      %swap3A = arith.index_cast %scan3A_142 : i32 to index
      %swap3A_143 = arith.constant 0 : index
      %swap3A_144 = tpu.vector_load %arg6[%swap3A, %swap3A_143] {strides = array<i32>} : memref<128x16xf32, #tpu.memory_space<vmem>>, vector<1x16xf32>,
      %swap3A_145 = vector.shape_cast %swap3A_144 : vector<1x16xf32> to vector<16xf32>
      %swap3A_146 = vector.shape_cast %broadcast_in_dim3A_3 : vector<16xf32> to vector<1x16xf32>
      tpu.vector_store %arg6[%swap3A, %swap3A_143], %swap3A_146 {strides = array<i32>} : memref<128x16xf32, #tpu.memory_space<vmem>>, vector<1x16xf32>,
    }
    %scan3A_10 = arith.constant 128 : i32
    %scan3A_11 = arith.constant 0 : i32
    %scan3A_12 = arith.constant 0 : i32
    %scan3A_13 = arith.constant 125 : i32
    %scan3A_14 = arith.addi %scan3A_12, %scan3A_13 : i32
    %scan3A_15 = arith.constant 1 : i32
    scf.for %scan3A_142 = %scan3A_12 to %scan3A_14 step %scan3A_15  : i32 {
      %swap3A = arith.index_cast %scan3A_142 : i32 to index
      %swap3A_143 = arith.constant 0 : index
      %swap3A_144 = tpu.vector_load %arg5[%swap3A, %swap3A_143] {strides = array<i32>} : memref<125x16xf32, #tpu.memory_space<vmem>>, vector<1x16xf32>,
      %swap3A_145 = vector.shape_cast %swap3A_144 : vector<1x16xf32> to vector<16xf32>
      %swap3A_146 = vector.shape_cast %broadcast_in_dim3A_5 : vector<16xf32> to vector<1x16xf32>
      tpu.vector_store %arg5[%swap3A, %swap3A_143], %swap3A_146 {strides = array<i32>} : memref<125x16xf32, #tpu.memory_space<vmem>>, vector<1x16xf32>,
    }
    %scan3A_16 = arith.constant 125 : i32
    %mul3A_17 = arith.constant 640 : i32
    %mul3A_18 = arith.muli %arg1, %mul3A_17 : i32
    %add3A_19 = arith.constant 0 : i32
    %add3A_20 = arith.addi %mul3A_18, %add3A_19 : i32
    "tpu.region"() ({
      %run_scoped3A = tpu.sem_alloc : memref<!tpu.dma_semaphore, #tpu.memory_space<semaphore_mem>>
      %dma_start3A_142 = arith.constant 0 : i32
      %dma_start3A_143 = tpu.memref_slice %arg7[%add3A_20, %dma_start3A_142] : memref<10240x16xf32, #tpu.memory_space<vmem_shared>> -> memref<128x16xf32, #tpu.memory_space<vmem_shared>>
      %dma_start3A_144 = arith.constant 0 : i32
      %dma_start3A_145 = tpu.memref_slice %arg7[%add3A_20, %dma_start3A_144] : memref<10240x16xf32, #tpu.memory_space<vmem_shared>> -> memref<128x16xf32, #tpu.memory_space<vmem_shared>>
      tpu.enqueue_dma source(%arg6 : memref<128x16xf32, #tpu.memory_space<vmem>>) target(%dma_start3A_145 : memref<128x16xf32, #tpu.memory_space<vmem_shared>>) target_semaphore(%run_scoped3A : memref<!tpu.dma_semaphore, #tpu.memory_space<semaphore_mem>>)
      %dma_wait3A_146 = arith.constant 0 : i32
      %dma_wait3A_147 = tpu.memref_slice %arg7[%add3A_20, %dma_wait3A_146] : memref<10240x16xf32, #tpu.memory_space<vmem_shared>> -> memref<128x16xf32, #tpu.memory_space<vmem_shared>>
      %dma_wait3A_148 = arith.constant 0 : i32
      %dma_wait3A_149 = tpu.memref_slice %arg7[%add3A_20, %dma_wait3A_148] : memref<10240x16xf32, #tpu.memory_space<vmem_shared>> -> memref<128x16xf32, #tpu.memory_space<vmem_shared>>
      tpu.wait_dma2 semaphore(%run_scoped3A : memref<!tpu.dma_semaphore, #tpu.memory_space<semaphore_mem>>) src(%arg6 : memref<128x16xf32, #tpu.memory_space<vmem>>) dst(%dma_wait3A_149 : memref<128x16xf32, #tpu.memory_space<vmem_shared>>)
      tpu.yield
    }) : () -> ()
    %mul3A_21 = arith.constant 640 : i32
    %mul3A_22 = arith.muli %arg1, %mul3A_21 : i32
    %add3A_23 = arith.constant 128 : i32
    %add3A_24 = arith.addi %mul3A_22, %add3A_23 : i32
    "tpu.region"() ({
      %run_scoped3A = tpu.sem_alloc : memref<!tpu.dma_semaphore, #tpu.memory_space<semaphore_mem>>
      %dma_start3A_142 = arith.constant 0 : i32
      %dma_start3A_143 = tpu.memref_slice %arg7[%add3A_24, %dma_start3A_142] : memref<10240x16xf32, #tpu.memory_space<vmem_shared>> -> memref<128x16xf32, #tpu.memory_space<vmem_shared>>
      %dma_start3A_144 = arith.constant 0 : i32
      %dma_start3A_145 = tpu.memref_slice %arg7[%add3A_24, %dma_start3A_144] : memref<10240x16xf32, #tpu.memory_space<vmem_shared>> -> memref<128x16xf32, #tpu.memory_space<vmem_shared>>
      tpu.enqueue_dma source(%arg6 : memref<128x16xf32, #tpu.memory_space<vmem>>) target(%dma_start3A_145 : memref<128x16xf32, #tpu.memory_space<vmem_shared>>) target_semaphore(%run_scoped3A : memref<!tpu.dma_semaphore, #tpu.memory_space<semaphore_mem>>)
      %dma_wait3A_146 = arith.constant 0 : i32
      %dma_wait3A_147 = tpu.memref_slice %arg7[%add3A_24, %dma_wait3A_146] : memref<10240x16xf32, #tpu.memory_space<vmem_shared>> -> memref<128x16xf32, #tpu.memory_space<vmem_shared>>
      %dma_wait3A_148 = arith.constant 0 : i32
      %dma_wait3A_149 = tpu.memref_slice %arg7[%add3A_24, %dma_wait3A_148] : memref<10240x16xf32, #tpu.memory_space<vmem_shared>> -> memref<128x16xf32, #tpu.memory_space<vmem_shared>>
      tpu.wait_dma2 semaphore(%run_scoped3A : memref<!tpu.dma_semaphore, #tpu.memory_space<semaphore_mem>>) src(%arg6 : memref<128x16xf32, #tpu.memory_space<vmem>>) dst(%dma_wait3A_149 : memref<128x16xf32, #tpu.memory_space<vmem_shared>>)
      tpu.yield
    }) : () -> ()
    %mul3A_25 = arith.constant 640 : i32
    %mul3A_26 = arith.muli %arg1, %mul3A_25 : i32
    %add3A_27 = arith.constant 256 : i32
    %add3A_28 = arith.addi %mul3A_26, %add3A_27 : i32
    "tpu.region"() ({
      %run_scoped3A = tpu.sem_alloc : memref<!tpu.dma_semaphore, #tpu.memory_space<semaphore_mem>>
      %dma_start3A_142 = arith.constant 0 : i32
      %dma_start3A_143 = tpu.memref_slice %arg7[%add3A_28, %dma_start3A_142] : memref<10240x16xf32, #tpu.memory_space<vmem_shared>> -> memref<128x16xf32, #tpu.memory_space<vmem_shared>>
      %dma_start3A_144 = arith.constant 0 : i32
      %dma_start3A_145 = tpu.memref_slice %arg7[%add3A_28, %dma_start3A_144] : memref<10240x16xf32, #tpu.memory_space<vmem_shared>> -> memref<128x16xf32, #tpu.memory_space<vmem_shared>>
      tpu.enqueue_dma source(%arg6 : memref<128x16xf32, #tpu.memory_space<vmem>>) target(%dma_start3A_145 : memref<128x16xf32, #tpu.memory_space<vmem_shared>>) target_semaphore(%run_scoped3A : memref<!tpu.dma_semaphore, #tpu.memory_space<semaphore_mem>>)
      %dma_wait3A_146 = arith.constant 0 : i32
      %dma_wait3A_147 = tpu.memref_slice %arg7[%add3A_28, %dma_wait3A_146] : memref<10240x16xf32, #tpu.memory_space<vmem_shared>> -> memref<128x16xf32, #tpu.memory_space<vmem_shared>>
      %dma_wait3A_148 = arith.constant 0 : i32
      %dma_wait3A_149 = tpu.memref_slice %arg7[%add3A_28, %dma_wait3A_148] : memref<10240x16xf32, #tpu.memory_space<vmem_shared>> -> memref<128x16xf32, #tpu.memory_space<vmem_shared>>
      tpu.wait_dma2 semaphore(%run_scoped3A : memref<!tpu.dma_semaphore, #tpu.memory_space<semaphore_mem>>) src(%arg6 : memref<128x16xf32, #tpu.memory_space<vmem>>) dst(%dma_wait3A_149 : memref<128x16xf32, #tpu.memory_space<vmem_shared>>)
      tpu.yield
    }) : () -> ()
    %mul3A_29 = arith.constant 640 : i32
    %mul3A_30 = arith.muli %arg1, %mul3A_29 : i32
    %add3A_31 = arith.constant 384 : i32
    %add3A_32 = arith.addi %mul3A_30, %add3A_31 : i32
    "tpu.region"() ({
      %run_scoped3A = tpu.sem_alloc : memref<!tpu.dma_semaphore, #tpu.memory_space<semaphore_mem>>
      %dma_start3A_142 = arith.constant 0 : i32
      %dma_start3A_143 = tpu.memref_slice %arg7[%add3A_32, %dma_start3A_142] : memref<10240x16xf32, #tpu.memory_space<vmem_shared>> -> memref<128x16xf32, #tpu.memory_space<vmem_shared>>
      %dma_start3A_144 = arith.constant 0 : i32
      %dma_start3A_145 = tpu.memref_slice %arg7[%add3A_32, %dma_start3A_144] : memref<10240x16xf32, #tpu.memory_space<vmem_shared>> -> memref<128x16xf32, #tpu.memory_space<vmem_shared>>
      tpu.enqueue_dma source(%arg6 : memref<128x16xf32, #tpu.memory_space<vmem>>) target(%dma_start3A_145 : memref<128x16xf32, #tpu.memory_space<vmem_shared>>) target_semaphore(%run_scoped3A : memref<!tpu.dma_semaphore, #tpu.memory_space<semaphore_mem>>)
      %dma_wait3A_146 = arith.constant 0 : i32
      %dma_wait3A_147 = tpu.memref_slice %arg7[%add3A_32, %dma_wait3A_146] : memref<10240x16xf32, #tpu.memory_space<vmem_shared>> -> memref<128x16xf32, #tpu.memory_space<vmem_shared>>
      %dma_wait3A_148 = arith.constant 0 : i32
      %dma_wait3A_149 = tpu.memref_slice %arg7[%add3A_32, %dma_wait3A_148] : memref<10240x16xf32, #tpu.memory_space<vmem_shared>> -> memref<128x16xf32, #tpu.memory_space<vmem_shared>>
      tpu.wait_dma2 semaphore(%run_scoped3A : memref<!tpu.dma_semaphore, #tpu.memory_space<semaphore_mem>>) src(%arg6 : memref<128x16xf32, #tpu.memory_space<vmem>>) dst(%dma_wait3A_149 : memref<128x16xf32, #tpu.memory_space<vmem_shared>>)
      tpu.yield
    }) : () -> ()
    %mul3A_33 = arith.constant 640 : i32
    %mul3A_34 = arith.muli %arg1, %mul3A_33 : i32
    %add3A_35 = arith.constant 512 : i32
    %add3A_36 = arith.addi %mul3A_34, %add3A_35 : i32
    "tpu.region"() ({
      %run_scoped3A = tpu.sem_alloc : memref<!tpu.dma_semaphore, #tpu.memory_space<semaphore_mem>>
      %dma_start3A_142 = arith.constant 0 : i32
      %dma_start3A_143 = tpu.memref_slice %arg7[%add3A_36, %dma_start3A_142] : memref<10240x16xf32, #tpu.memory_space<vmem_shared>> -> memref<128x16xf32, #tpu.memory_space<vmem_shared>>
      %dma_start3A_144 = arith.constant 0 : i32
      %dma_start3A_145 = tpu.memref_slice %arg7[%add3A_36, %dma_start3A_144] : memref<10240x16xf32, #tpu.memory_space<vmem_shared>> -> memref<128x16xf32, #tpu.memory_space<vmem_shared>>
      tpu.enqueue_dma source(%arg6 : memref<128x16xf32, #tpu.memory_space<vmem>>) target(%dma_start3A_145 : memref<128x16xf32, #tpu.memory_space<vmem_shared>>) target_semaphore(%run_scoped3A : memref<!tpu.dma_semaphore, #tpu.memory_space<semaphore_mem>>)
      %dma_wait3A_146 = arith.constant 0 : i32
      %dma_wait3A_147 = tpu.memref_slice %arg7[%add3A_36, %dma_wait3A_146] : memref<10240x16xf32, #tpu.memory_space<vmem_shared>> -> memref<128x16xf32, #tpu.memory_space<vmem_shared>>
      %dma_wait3A_148 = arith.constant 0 : i32
      %dma_wait3A_149 = tpu.memref_slice %arg7[%add3A_36, %dma_wait3A_148] : memref<10240x16xf32, #tpu.memory_space<vmem_shared>> -> memref<128x16xf32, #tpu.memory_space<vmem_shared>>
      tpu.wait_dma2 semaphore(%run_scoped3A : memref<!tpu.dma_semaphore, #tpu.memory_space<semaphore_mem>>) src(%arg6 : memref<128x16xf32, #tpu.memory_space<vmem>>) dst(%dma_wait3A_149 : memref<128x16xf32, #tpu.memory_space<vmem_shared>>)
      tpu.yield
    }) : () -> ()
    %barrier3A = arith.constant 0 : index
    tpu.barrier barrier_id(%barrier3A)
    %dma_start3A = arith.constant 0 : i32
    %dma_start3A_37 = arith.constant 0 : i32
    %dma_start3A_38 = arith.constant 0 : i32
    %dma_start3A_39 = tpu.memref_slice %arg5[%dma_start3A_37, %dma_start3A_38] : memref<125x16xf32, #tpu.memory_space<vmem>> -> memref<125x16xf32, #tpu.memory_space<vmem>>
    %dma_start3A_40 = arith.constant 0 : i32
    %dma_start3A_41 = tpu.memref_slice %arg4[%dma_start3A, %dma_start3A_40] : memref<80x125xi32, #tpu.memory_space<vmem>> -> memref<1x125xi32, #tpu.memory_space<vmem>>
    %dma_start3A_42 = tpu.memref_squeeze %dma_start3A_41 : memref<1x125xi32, #tpu.memory_space<vmem>> -> memref<125xi32, #tpu.memory_space<vmem>>
    %dma_start3A_43 = arith.constant 0 : i32
    %dma_start3A_44 = arith.constant 0 : i32
    %dma_start3A_45 = tpu.memref_slice %arg7[%dma_start3A_43, %dma_start3A_44] : memref<10240x16xf32, #tpu.memory_space<vmem_shared>> -> memref<10240x16xf32, #tpu.memory_space<vmem_shared>>
    tpu.enqueue_indirect_dma source(%dma_start3A_39 : memref<125x16xf32, #tpu.memory_space<vmem>>) target(%dma_start3A_45 : memref<10240x16xf32, #tpu.memory_space<vmem_shared>>) offsets(%dma_start3A_42 : memref<125xi32, #tpu.memory_space<vmem>>) semaphore(%arg8 : memref<!tpu.dma_semaphore, #tpu.memory_space<semaphore_mem>>) {add = true}
    %dma_start3A_46 = arith.constant 1 : i32
    %dma_start3A_47 = arith.constant 0 : i32
    %dma_start3A_48 = arith.constant 0 : i32
    %dma_start3A_49 = tpu.memref_slice %arg5[%dma_start3A_47, %dma_start3A_48] : memref<125x16xf32, #tpu.memory_space<vmem>> -> memref<125x16xf32, #tpu.memory_space<vmem>>
    %dma_start3A_50 = arith.constant 0 : i32
    %dma_start3A_51 = tpu.memref_slice %arg4[%dma_start3A_46, %dma_start3A_50] : memref<80x125xi32, #tpu.memory_space<vmem>> -> memref<1x125xi32, #tpu.memory_space<vmem>>
    %dma_start3A_52 = tpu.memref_squeeze %dma_start3A_51 : memref<1x125xi32, #tpu.memory_space<vmem>> -> memref<125xi32, #tpu.memory_space<vmem>>
    %dma_start3A_53 = arith.constant 0 : i32
    %dma_start3A_54 = arith.constant 0 : i32
    %dma_start3A_55 = tpu.memref_slice %arg7[%dma_start3A_53, %dma_start3A_54] : memref<10240x16xf32, #tpu.memory_space<vmem_shared>> -> memref<10240x16xf32, #tpu.memory_space<vmem_shared>>
    tpu.enqueue_indirect_dma source(%dma_start3A_49 : memref<125x16xf32, #tpu.memory_space<vmem>>) target(%dma_start3A_55 : memref<10240x16xf32, #tpu.memory_space<vmem_shared>>) offsets(%dma_start3A_52 : memref<125xi32, #tpu.memory_space<vmem>>) semaphore(%arg9 : memref<!tpu.dma_semaphore, #tpu.memory_space<semaphore_mem>>) {add = true}
    %dma_start3A_56 = arith.constant 2 : i32
    %dma_start3A_57 = arith.constant 0 : i32
    %dma_start3A_58 = arith.constant 0 : i32
    %dma_start3A_59 = tpu.memref_slice %arg5[%dma_start3A_57, %dma_start3A_58] : memref<125x16xf32, #tpu.memory_space<vmem>> -> memref<125x16xf32, #tpu.memory_space<vmem>>
    %dma_start3A_60 = arith.constant 0 : i32
    %dma_start3A_61 = tpu.memref_slice %arg4[%dma_start3A_56, %dma_start3A_60] : memref<80x125xi32, #tpu.memory_space<vmem>> -> memref<1x125xi32, #tpu.memory_space<vmem>>
    %dma_start3A_62 = tpu.memref_squeeze %dma_start3A_61 : memref<1x125xi32, #tpu.memory_space<vmem>> -> memref<125xi32, #tpu.memory_space<vmem>>
    %dma_start3A_63 = arith.constant 0 : i32
    %dma_start3A_64 = arith.constant 0 : i32
    %dma_start3A_65 = tpu.memref_slice %arg7[%dma_start3A_63, %dma_start3A_64] : memref<10240x16xf32, #tpu.memory_space<vmem_shared>> -> memref<10240x16xf32, #tpu.memory_space<vmem_shared>>
    tpu.enqueue_indirect_dma source(%dma_start3A_59 : memref<125x16xf32, #tpu.memory_space<vmem>>) target(%dma_start3A_65 : memref<10240x16xf32, #tpu.memory_space<vmem_shared>>) offsets(%dma_start3A_62 : memref<125xi32, #tpu.memory_space<vmem>>) semaphore(%arg10 : memref<!tpu.dma_semaphore, #tpu.memory_space<semaphore_mem>>) {add = true}
    %dma_start3A_66 = arith.constant 3 : i32
    %dma_start3A_67 = arith.constant 0 : i32
    %dma_start3A_68 = arith.constant 0 : i32
    %dma_start3A_69 = tpu.memref_slice %arg5[%dma_start3A_67, %dma_start3A_68] : memref<125x16xf32, #tpu.memory_space<vmem>> -> memref<125x16xf32, #tpu.memory_space<vmem>>
    %dma_start3A_70 = arith.constant 0 : i32
    %dma_start3A_71 = tpu.memref_slice %arg4[%dma_start3A_66, %dma_start3A_70] : memref<80x125xi32, #tpu.memory_space<vmem>> -> memref<1x125xi32, #tpu.memory_space<vmem>>
    %dma_start3A_72 = tpu.memref_squeeze %dma_start3A_71 : memref<1x125xi32, #tpu.memory_space<vmem>> -> memref<125xi32, #tpu.memory_space<vmem>>
    %dma_start3A_73 = arith.constant 0 : i32
    %dma_start3A_74 = arith.constant 0 : i32
    %dma_start3A_75 = tpu.memref_slice %arg7[%dma_start3A_73, %dma_start3A_74] : memref<10240x16xf32, #tpu.memory_space<vmem_shared>> -> memref<10240x16xf32, #tpu.memory_space<vmem_shared>>
    tpu.enqueue_indirect_dma source(%dma_start3A_69 : memref<125x16xf32, #tpu.memory_space<vmem>>) target(%dma_start3A_75 : memref<10240x16xf32, #tpu.memory_space<vmem_shared>>) offsets(%dma_start3A_72 : memref<125xi32, #tpu.memory_space<vmem>>) semaphore(%arg11 : memref<!tpu.dma_semaphore, #tpu.memory_space<semaphore_mem>>) {add = true}
    %scan3A_76 = arith.constant 0 : i32
    %scan3A_77 = arith.constant 0 : i32
    %scan3A_78 = arith.constant 19 : i32
    %scan3A_79 = arith.addi %scan3A_77, %scan3A_78 : i32
    %scan3A_80 = arith.constant 1 : i32
    scf.for %scan3A_142 = %scan3A_77 to %scan3A_79 step %scan3A_80  : i32 {
      %add3A_143 = arith.constant 1 : i32
      %add3A_144 = arith.addi %scan3A_142, %add3A_143 : i32
      %mul3A_145 = arith.constant 4 : i32
      %mul3A_146 = arith.muli %mul3A_145, %add3A_144 : i32
      %dma_wait3A_147 = arith.constant 0 : i32
      %dma_wait3A_148 = arith.constant 0 : i32
      %dma_wait3A_149 = arith.constant 0 : i32
      %dma_wait3A_150 = tpu.memref_slice %arg5[%dma_wait3A_148, %dma_wait3A_149] : memref<125x16xf32, #tpu.memory_space<vmem>> -> memref<125x16xf32, #tpu.memory_space<vmem>>
      %dma_wait3A_151 = arith.constant 0 : i32
      %dma_wait3A_152 = tpu.memref_slice %arg4[%dma_wait3A_147, %dma_wait3A_151] : memref<80x125xi32, #tpu.memory_space<vmem>> -> memref<1x125xi32, #tpu.memory_space<vmem>>
      %dma_wait3A_153 = tpu.memref_squeeze %dma_wait3A_152 : memref<1x125xi32, #tpu.memory_space<vmem>> -> memref<125xi32, #tpu.memory_space<vmem>>
      %dma_wait3A_154 = arith.constant 0 : i32
      %dma_wait3A_155 = arith.constant 0 : i32
      %dma_wait3A_156 = tpu.memref_slice %arg7[%dma_wait3A_154, %dma_wait3A_155] : memref<10240x16xf32, #tpu.memory_space<vmem_shared>> -> memref<10240x16xf32, #tpu.memory_space<vmem_shared>>
      tpu.wait_indirect_dma semaphore(%arg8 : memref<!tpu.dma_semaphore, #tpu.memory_space<semaphore_mem>>) src(%dma_wait3A_150 : memref<125x16xf32, #tpu.memory_space<vmem>>) dst(%dma_wait3A_156 : memref<10240x16xf32, #tpu.memory_space<vmem_shared>>)
      %add3A_157 = arith.constant 0 : i32
      %add3A_158 = arith.addi %mul3A_146, %add3A_157 : i32
      %dma_start3A_159 = arith.constant 0 : i32
      %dma_start3A_160 = arith.constant 0 : i32
      %dma_start3A_161 = tpu.memref_slice %arg5[%dma_start3A_159, %dma_start3A_160] : memref<125x16xf32, #tpu.memory_space<vmem>> -> memref<125x16xf32, #tpu.memory_space<vmem>>
      %dma_start3A_162 = arith.constant 0 : i32
      %dma_start3A_163 = tpu.memref_slice %arg4[%add3A_158, %dma_start3A_162] : memref<80x125xi32, #tpu.memory_space<vmem>> -> memref<1x125xi32, #tpu.memory_space<vmem>>
      %dma_start3A_164 = tpu.memref_squeeze %dma_start3A_163 : memref<1x125xi32, #tpu.memory_space<vmem>> -> memref<125xi32, #tpu.memory_space<vmem>>
      %dma_start3A_165 = arith.constant 0 : i32
      %dma_start3A_166 = arith.constant 0 : i32
      %dma_start3A_167 = tpu.memref_slice %arg7[%dma_start3A_165, %dma_start3A_166] : memref<10240x16xf32, #tpu.memory_space<vmem_shared>> -> memref<10240x16xf32, #tpu.memory_space<vmem_shared>>
      tpu.enqueue_indirect_dma source(%dma_start3A_161 : memref<125x16xf32, #tpu.memory_space<vmem>>) target(%dma_start3A_167 : memref<10240x16xf32, #tpu.memory_space<vmem_shared>>) offsets(%dma_start3A_164 : memref<125xi32, #tpu.memory_space<vmem>>) semaphore(%arg8 : memref<!tpu.dma_semaphore, #tpu.memory_space<semaphore_mem>>) {add = true}
      %dma_wait3A_168 = arith.constant 0 : i32
      %dma_wait3A_169 = arith.constant 0 : i32
      %dma_wait3A_170 = arith.constant 0 : i32
      %dma_wait3A_171 = tpu.memref_slice %arg5[%dma_wait3A_169, %dma_wait3A_170] : memref<125x16xf32, #tpu.memory_space<vmem>> -> memref<125x16xf32, #tpu.memory_space<vmem>>
      %dma_wait3A_172 = arith.constant 0 : i32
      %dma_wait3A_173 = tpu.memref_slice %arg4[%dma_wait3A_168, %dma_wait3A_172] : memref<80x125xi32, #tpu.memory_space<vmem>> -> memref<1x125xi32, #tpu.memory_space<vmem>>
      %dma_wait3A_174 = tpu.memref_squeeze %dma_wait3A_173 : memref<1x125xi32, #tpu.memory_space<vmem>> -> memref<125xi32, #tpu.memory_space<vmem>>
      %dma_wait3A_175 = arith.constant 0 : i32
      %dma_wait3A_176 = arith.constant 0 : i32
      %dma_wait3A_177 = tpu.memref_slice %arg7[%dma_wait3A_175, %dma_wait3A_176] : memref<10240x16xf32, #tpu.memory_space<vmem_shared>> -> memref<10240x16xf32, #tpu.memory_space<vmem_shared>>
      tpu.wait_indirect_dma semaphore(%arg9 : memref<!tpu.dma_semaphore, #tpu.memory_space<semaphore_mem>>) src(%dma_wait3A_171 : memref<125x16xf32, #tpu.memory_space<vmem>>) dst(%dma_wait3A_177 : memref<10240x16xf32, #tpu.memory_space<vmem_shared>>)
      %add3A_178 = arith.constant 1 : i32
      %add3A_179 = arith.addi %mul3A_146, %add3A_178 : i32
      %dma_start3A_180 = arith.constant 0 : i32
      %dma_start3A_181 = arith.constant 0 : i32
      %dma_start3A_182 = tpu.memref_slice %arg5[%dma_start3A_180, %dma_start3A_181] : memref<125x16xf32, #tpu.memory_space<vmem>> -> memref<125x16xf32, #tpu.memory_space<vmem>>
      %dma_start3A_183 = arith.constant 0 : i32
      %dma_start3A_184 = tpu.memref_slice %arg4[%add3A_179, %dma_start3A_183] : memref<80x125xi32, #tpu.memory_space<vmem>> -> memref<1x125xi32, #tpu.memory_space<vmem>>
      %dma_start3A_185 = tpu.memref_squeeze %dma_start3A_184 : memref<1x125xi32, #tpu.memory_space<vmem>> -> memref<125xi32, #tpu.memory_space<vmem>>
      %dma_start3A_186 = arith.constant 0 : i32
      %dma_start3A_187 = arith.constant 0 : i32
      %dma_start3A_188 = tpu.memref_slice %arg7[%dma_start3A_186, %dma_start3A_187] : memref<10240x16xf32, #tpu.memory_space<vmem_shared>> -> memref<10240x16xf32, #tpu.memory_space<vmem_shared>>
      tpu.enqueue_indirect_dma source(%dma_start3A_182 : memref<125x16xf32, #tpu.memory_space<vmem>>) target(%dma_start3A_188 : memref<10240x16xf32, #tpu.memory_space<vmem_shared>>) offsets(%dma_start3A_185 : memref<125xi32, #tpu.memory_space<vmem>>) semaphore(%arg9 : memref<!tpu.dma_semaphore, #tpu.memory_space<semaphore_mem>>) {add = true}
      %dma_wait3A_189 = arith.constant 0 : i32
      %dma_wait3A_190 = arith.constant 0 : i32
      %dma_wait3A_191 = arith.constant 0 : i32
      %dma_wait3A_192 = tpu.memref_slice %arg5[%dma_wait3A_190, %dma_wait3A_191] : memref<125x16xf32, #tpu.memory_space<vmem>> -> memref<125x16xf32, #tpu.memory_space<vmem>>
      %dma_wait3A_193 = arith.constant 0 : i32
      %dma_wait3A_194 = tpu.memref_slice %arg4[%dma_wait3A_189, %dma_wait3A_193] : memref<80x125xi32, #tpu.memory_space<vmem>> -> memref<1x125xi32, #tpu.memory_space<vmem>>
      %dma_wait3A_195 = tpu.memref_squeeze %dma_wait3A_194 : memref<1x125xi32, #tpu.memory_space<vmem>> -> memref<125xi32, #tpu.memory_space<vmem>>
      %dma_wait3A_196 = arith.constant 0 : i32
      %dma_wait3A_197 = arith.constant 0 : i32
      %dma_wait3A_198 = tpu.memref_slice %arg7[%dma_wait3A_196, %dma_wait3A_197] : memref<10240x16xf32, #tpu.memory_space<vmem_shared>> -> memref<10240x16xf32, #tpu.memory_space<vmem_shared>>
      tpu.wait_indirect_dma semaphore(%arg10 : memref<!tpu.dma_semaphore, #tpu.memory_space<semaphore_mem>>) src(%dma_wait3A_192 : memref<125x16xf32, #tpu.memory_space<vmem>>) dst(%dma_wait3A_198 : memref<10240x16xf32, #tpu.memory_space<vmem_shared>>)
      %add3A_199 = arith.constant 2 : i32
      %add3A_200 = arith.addi %mul3A_146, %add3A_199 : i32
      %dma_start3A_201 = arith.constant 0 : i32
      %dma_start3A_202 = arith.constant 0 : i32
      %dma_start3A_203 = tpu.memref_slice %arg5[%dma_start3A_201, %dma_start3A_202] : memref<125x16xf32, #tpu.memory_space<vmem>> -> memref<125x16xf32, #tpu.memory_space<vmem>>
      %dma_start3A_204 = arith.constant 0 : i32
      %dma_start3A_205 = tpu.memref_slice %arg4[%add3A_200, %dma_start3A_204] : memref<80x125xi32, #tpu.memory_space<vmem>> -> memref<1x125xi32, #tpu.memory_space<vmem>>
      %dma_start3A_206 = tpu.memref_squeeze %dma_start3A_205 : memref<1x125xi32, #tpu.memory_space<vmem>> -> memref<125xi32, #tpu.memory_space<vmem>>
      %dma_start3A_207 = arith.constant 0 : i32
      %dma_start3A_208 = arith.constant 0 : i32
      %dma_start3A_209 = tpu.memref_slice %arg7[%dma_start3A_207, %dma_start3A_208] : memref<10240x16xf32, #tpu.memory_space<vmem_shared>> -> memref<10240x16xf32, #tpu.memory_space<vmem_shared>>
      tpu.enqueue_indirect_dma source(%dma_start3A_203 : memref<125x16xf32, #tpu.memory_space<vmem>>) target(%dma_start3A_209 : memref<10240x16xf32, #tpu.memory_space<vmem_shared>>) offsets(%dma_start3A_206 : memref<125xi32, #tpu.memory_space<vmem>>) semaphore(%arg10 : memref<!tpu.dma_semaphore, #tpu.memory_space<semaphore_mem>>) {add = true}
      %dma_wait3A_210 = arith.constant 0 : i32
      %dma_wait3A_211 = arith.constant 0 : i32
      %dma_wait3A_212 = arith.constant 0 : i32
      %dma_wait3A_213 = tpu.memref_slice %arg5[%dma_wait3A_211, %dma_wait3A_212] : memref<125x16xf32, #tpu.memory_space<vmem>> -> memref<125x16xf32, #tpu.memory_space<vmem>>
      %dma_wait3A_214 = arith.constant 0 : i32
      %dma_wait3A_215 = tpu.memref_slice %arg4[%dma_wait3A_210, %dma_wait3A_214] : memref<80x125xi32, #tpu.memory_space<vmem>> -> memref<1x125xi32, #tpu.memory_space<vmem>>
      %dma_wait3A_216 = tpu.memref_squeeze %dma_wait3A_215 : memref<1x125xi32, #tpu.memory_space<vmem>> -> memref<125xi32, #tpu.memory_space<vmem>>
      %dma_wait3A_217 = arith.constant 0 : i32
      %dma_wait3A_218 = arith.constant 0 : i32
      %dma_wait3A_219 = tpu.memref_slice %arg7[%dma_wait3A_217, %dma_wait3A_218] : memref<10240x16xf32, #tpu.memory_space<vmem_shared>> -> memref<10240x16xf32, #tpu.memory_space<vmem_shared>>
      tpu.wait_indirect_dma semaphore(%arg11 : memref<!tpu.dma_semaphore, #tpu.memory_space<semaphore_mem>>) src(%dma_wait3A_213 : memref<125x16xf32, #tpu.memory_space<vmem>>) dst(%dma_wait3A_219 : memref<10240x16xf32, #tpu.memory_space<vmem_shared>>)
      %add3A_220 = arith.constant 3 : i32
      %add3A_221 = arith.addi %mul3A_146, %add3A_220 : i32
      %dma_start3A_222 = arith.constant 0 : i32
      %dma_start3A_223 = arith.constant 0 : i32
      %dma_start3A_224 = tpu.memref_slice %arg5[%dma_start3A_222, %dma_start3A_223] : memref<125x16xf32, #tpu.memory_space<vmem>> -> memref<125x16xf32, #tpu.memory_space<vmem>>
      %dma_start3A_225 = arith.constant 0 : i32
      %dma_start3A_226 = tpu.memref_slice %arg4[%add3A_221, %dma_start3A_225] : memref<80x125xi32, #tpu.memory_space<vmem>> -> memref<1x125xi32, #tpu.memory_space<vmem>>
      %dma_start3A_227 = tpu.memref_squeeze %dma_start3A_226 : memref<1x125xi32, #tpu.memory_space<vmem>> -> memref<125xi32, #tpu.memory_space<vmem>>
      %dma_start3A_228 = arith.constant 0 : i32
      %dma_start3A_229 = arith.constant 0 : i32
      %dma_start3A_230 = tpu.memref_slice %arg7[%dma_start3A_228, %dma_start3A_229] : memref<10240x16xf32, #tpu.memory_space<vmem_shared>> -> memref<10240x16xf32, #tpu.memory_space<vmem_shared>>
      tpu.enqueue_indirect_dma source(%dma_start3A_224 : memref<125x16xf32, #tpu.memory_space<vmem>>) target(%dma_start3A_230 : memref<10240x16xf32, #tpu.memory_space<vmem_shared>>) offsets(%dma_start3A_227 : memref<125xi32, #tpu.memory_space<vmem>>) semaphore(%arg11 : memref<!tpu.dma_semaphore, #tpu.memory_space<semaphore_mem>>) {add = true}
    }
    %scan3A_81 = arith.constant 19 : i32
    %dma_wait3A = arith.constant 0 : i32
    %dma_wait3A_82 = arith.constant 0 : i32
    %dma_wait3A_83 = arith.constant 0 : i32
    %dma_wait3A_84 = tpu.memref_slice %arg5[%dma_wait3A_82, %dma_wait3A_83] : memref<125x16xf32, #tpu.memory_space<vmem>> -> memref<125x16xf32, #tpu.memory_space<vmem>>
    %dma_wait3A_85 = arith.constant 0 : i32
    %dma_wait3A_86 = tpu.memref_slice %arg4[%dma_wait3A, %dma_wait3A_85] : memref<80x125xi32, #tpu.memory_space<vmem>> -> memref<1x125xi32, #tpu.memory_space<vmem>>
    %dma_wait3A_87 = tpu.memref_squeeze %dma_wait3A_86 : memref<1x125xi32, #tpu.memory_space<vmem>> -> memref<125xi32, #tpu.memory_space<vmem>>
    %dma_wait3A_88 = arith.constant 0 : i32
    %dma_wait3A_89 = arith.constant 0 : i32
    %dma_wait3A_90 = tpu.memref_slice %arg7[%dma_wait3A_88, %dma_wait3A_89] : memref<10240x16xf32, #tpu.memory_space<vmem_shared>> -> memref<10240x16xf32, #tpu.memory_space<vmem_shared>>
    tpu.wait_indirect_dma semaphore(%arg8 : memref<!tpu.dma_semaphore, #tpu.memory_space<semaphore_mem>>) src(%dma_wait3A_84 : memref<125x16xf32, #tpu.memory_space<vmem>>) dst(%dma_wait3A_90 : memref<10240x16xf32, #tpu.memory_space<vmem_shared>>)
    %dma_wait3A_91 = arith.constant 0 : i32
    %dma_wait3A_92 = arith.constant 0 : i32
    %dma_wait3A_93 = arith.constant 0 : i32
    %dma_wait3A_94 = tpu.memref_slice %arg5[%dma_wait3A_92, %dma_wait3A_93] : memref<125x16xf32, #tpu.memory_space<vmem>> -> memref<125x16xf32, #tpu.memory_space<vmem>>
    %dma_wait3A_95 = arith.constant 0 : i32
    %dma_wait3A_96 = tpu.memref_slice %arg4[%dma_wait3A_91, %dma_wait3A_95] : memref<80x125xi32, #tpu.memory_space<vmem>> -> memref<1x125xi32, #tpu.memory_space<vmem>>
    %dma_wait3A_97 = tpu.memref_squeeze %dma_wait3A_96 : memref<1x125xi32, #tpu.memory_space<vmem>> -> memref<125xi32, #tpu.memory_space<vmem>>
    %dma_wait3A_98 = arith.constant 0 : i32
    %dma_wait3A_99 = arith.constant 0 : i32
    %dma_wait3A_100 = tpu.memref_slice %arg7[%dma_wait3A_98, %dma_wait3A_99] : memref<10240x16xf32, #tpu.memory_space<vmem_shared>> -> memref<10240x16xf32, #tpu.memory_space<vmem_shared>>
    tpu.wait_indirect_dma semaphore(%arg9 : memref<!tpu.dma_semaphore, #tpu.memory_space<semaphore_mem>>) src(%dma_wait3A_94 : memref<125x16xf32, #tpu.memory_space<vmem>>) dst(%dma_wait3A_100 : memref<10240x16xf32, #tpu.memory_space<vmem_shared>>)
    %dma_wait3A_101 = arith.constant 0 : i32
    %dma_wait3A_102 = arith.constant 0 : i32
    %dma_wait3A_103 = arith.constant 0 : i32
    %dma_wait3A_104 = tpu.memref_slice %arg5[%dma_wait3A_102, %dma_wait3A_103] : memref<125x16xf32, #tpu.memory_space<vmem>> -> memref<125x16xf32, #tpu.memory_space<vmem>>
    %dma_wait3A_105 = arith.constant 0 : i32
    %dma_wait3A_106 = tpu.memref_slice %arg4[%dma_wait3A_101, %dma_wait3A_105] : memref<80x125xi32, #tpu.memory_space<vmem>> -> memref<1x125xi32, #tpu.memory_space<vmem>>
    %dma_wait3A_107 = tpu.memref_squeeze %dma_wait3A_106 : memref<1x125xi32, #tpu.memory_space<vmem>> -> memref<125xi32, #tpu.memory_space<vmem>>
    %dma_wait3A_108 = arith.constant 0 : i32
    %dma_wait3A_109 = arith.constant 0 : i32
    %dma_wait3A_110 = tpu.memref_slice %arg7[%dma_wait3A_108, %dma_wait3A_109] : memref<10240x16xf32, #tpu.memory_space<vmem_shared>> -> memref<10240x16xf32, #tpu.memory_space<vmem_shared>>
    tpu.wait_indirect_dma semaphore(%arg10 : memref<!tpu.dma_semaphore, #tpu.memory_space<semaphore_mem>>) src(%dma_wait3A_104 : memref<125x16xf32, #tpu.memory_space<vmem>>) dst(%dma_wait3A_110 : memref<10240x16xf32, #tpu.memory_space<vmem_shared>>)
    %dma_wait3A_111 = arith.constant 0 : i32
    %dma_wait3A_112 = arith.constant 0 : i32
    %dma_wait3A_113 = arith.constant 0 : i32
    %dma_wait3A_114 = tpu.memref_slice %arg5[%dma_wait3A_112, %dma_wait3A_113] : memref<125x16xf32, #tpu.memory_space<vmem>> -> memref<125x16xf32, #tpu.memory_space<vmem>>
    %dma_wait3A_115 = arith.constant 0 : i32
    %dma_wait3A_116 = tpu.memref_slice %arg4[%dma_wait3A_111, %dma_wait3A_115] : memref<80x125xi32, #tpu.memory_space<vmem>> -> memref<1x125xi32, #tpu.memory_space<vmem>>
    %dma_wait3A_117 = tpu.memref_squeeze %dma_wait3A_116 : memref<1x125xi32, #tpu.memory_space<vmem>> -> memref<125xi32, #tpu.memory_space<vmem>>
    %dma_wait3A_118 = arith.constant 0 : i32
    %dma_wait3A_119 = arith.constant 0 : i32
    %dma_wait3A_120 = tpu.memref_slice %arg7[%dma_wait3A_118, %dma_wait3A_119] : memref<10240x16xf32, #tpu.memory_space<vmem_shared>> -> memref<10240x16xf32, #tpu.memory_space<vmem_shared>>
    tpu.wait_indirect_dma semaphore(%arg11 : memref<!tpu.dma_semaphore, #tpu.memory_space<semaphore_mem>>) src(%dma_wait3A_114 : memref<125x16xf32, #tpu.memory_space<vmem>>) dst(%dma_wait3A_120 : memref<10240x16xf32, #tpu.memory_space<vmem_shared>>)
    %barrier3A_121 = arith.constant 0 : index
    tpu.barrier barrier_id(%barrier3A_121)
    %mul3A_122 = arith.constant 640 : i32
    %mul3A_123 = arith.muli %arg1, %mul3A_122 : i32
    %add3A_124 = arith.constant 0 : i32
    %add3A_125 = arith.addi %mul3A_123, %add3A_124 : i32
    "tpu.region"() ({
      %run_scoped3A = tpu.sem_alloc : memref<!tpu.dma_semaphore, #tpu.memory_space<semaphore_mem>>
      %dma_start3A_142 = arith.constant 0 : i32
      %dma_start3A_143 = arith.constant 0 : i32
      %dma_start3A_144 = tpu.memref_slice %arg3[%arg0, %dma_start3A_142, %dma_start3A_143] : memref<2x10240x16xf32, #tpu.memory_space<hbm>> -> memref<1x10240x16xf32, #tpu.memory_space<hbm>>
      %dma_start3A_145 = tpu.memref_squeeze %dma_start3A_144 : memref<1x10240x16xf32, #tpu.memory_space<hbm>> -> memref<10240x16xf32, #tpu.memory_space<hbm>>
      %dma_start3A_146 = arith.constant 0 : i32
      %dma_start3A_147 = tpu.memref_slice %dma_start3A_145[%add3A_125, %dma_start3A_146] : memref<10240x16xf32, #tpu.memory_space<hbm>> -> memref<128x16xf32, #tpu.memory_space<hbm>>
      %dma_start3A_148 = arith.constant 0 : i32
      %dma_start3A_149 = tpu.memref_slice %arg7[%add3A_125, %dma_start3A_148] : memref<10240x16xf32, #tpu.memory_space<vmem_shared>> -> memref<128x16xf32, #tpu.memory_space<vmem_shared>>
      tpu.enqueue_dma source(%dma_start3A_149 : memref<128x16xf32, #tpu.memory_space<vmem_shared>>) target(%dma_start3A_147 : memref<128x16xf32, #tpu.memory_space<hbm>>) target_semaphore(%run_scoped3A : memref<!tpu.dma_semaphore, #tpu.memory_space<semaphore_mem>>)
      %dma_wait3A_150 = arith.constant 0 : i32
      %dma_wait3A_151 = arith.constant 0 : i32
      %dma_wait3A_152 = tpu.memref_slice %arg3[%arg0, %dma_wait3A_150, %dma_wait3A_151] : memref<2x10240x16xf32, #tpu.memory_space<hbm>> -> memref<1x10240x16xf32, #tpu.memory_space<hbm>>
      %dma_wait3A_153 = tpu.memref_squeeze %dma_wait3A_152 : memref<1x10240x16xf32, #tpu.memory_space<hbm>> -> memref<10240x16xf32, #tpu.memory_space<hbm>>
      %dma_wait3A_154 = arith.constant 0 : i32
      %dma_wait3A_155 = tpu.memref_slice %dma_wait3A_153[%add3A_125, %dma_wait3A_154] : memref<10240x16xf32, #tpu.memory_space<hbm>> -> memref<128x16xf32, #tpu.memory_space<hbm>>
      %dma_wait3A_156 = arith.constant 0 : i32
      %dma_wait3A_157 = tpu.memref_slice %arg7[%add3A_125, %dma_wait3A_156] : memref<10240x16xf32, #tpu.memory_space<vmem_shared>> -> memref<128x16xf32, #tpu.memory_space<vmem_shared>>
      tpu.wait_dma2 semaphore(%run_scoped3A : memref<!tpu.dma_semaphore, #tpu.memory_space<semaphore_mem>>) src(%dma_wait3A_157 : memref<128x16xf32, #tpu.memory_space<vmem_shared>>) dst(%dma_wait3A_155 : memref<128x16xf32, #tpu.memory_space<hbm>>)
      tpu.yield
    }) : () -> ()
    %mul3A_126 = arith.constant 640 : i32
    %mul3A_127 = arith.muli %arg1, %mul3A_126 : i32
    %add3A_128 = arith.constant 128 : i32
    %add3A_129 = arith.addi %mul3A_127, %add3A_128 : i32
    "tpu.region"() ({
      %run_scoped3A = tpu.sem_alloc : memref<!tpu.dma_semaphore, #tpu.memory_space<semaphore_mem>>
      %dma_start3A_142 = arith.constant 0 : i32
      %dma_start3A_143 = arith.constant 0 : i32
      %dma_start3A_144 = tpu.memref_slice %arg3[%arg0, %dma_start3A_142, %dma_start3A_143] : memref<2x10240x16xf32, #tpu.memory_space<hbm>> -> memref<1x10240x16xf32, #tpu.memory_space<hbm>>
      %dma_start3A_145 = tpu.memref_squeeze %dma_start3A_144 : memref<1x10240x16xf32, #tpu.memory_space<hbm>> -> memref<10240x16xf32, #tpu.memory_space<hbm>>
      %dma_start3A_146 = arith.constant 0 : i32
      %dma_start3A_147 = tpu.memref_slice %dma_start3A_145[%add3A_129, %dma_start3A_146] : memref<10240x16xf32, #tpu.memory_space<hbm>> -> memref<128x16xf32, #tpu.memory_space<hbm>>
      %dma_start3A_148 = arith.constant 0 : i32
      %dma_start3A_149 = tpu.memref_slice %arg7[%add3A_129, %dma_start3A_148] : memref<10240x16xf32, #tpu.memory_space<vmem_shared>> -> memref<128x16xf32, #tpu.memory_space<vmem_shared>>
      tpu.enqueue_dma source(%dma_start3A_149 : memref<128x16xf32, #tpu.memory_space<vmem_shared>>) target(%dma_start3A_147 : memref<128x16xf32, #tpu.memory_space<hbm>>) target_semaphore(%run_scoped3A : memref<!tpu.dma_semaphore, #tpu.memory_space<semaphore_mem>>)
      %dma_wait3A_150 = arith.constant 0 : i32
      %dma_wait3A_151 = arith.constant 0 : i32
      %dma_wait3A_152 = tpu.memref_slice %arg3[%arg0, %dma_wait3A_150, %dma_wait3A_151] : memref<2x10240x16xf32, #tpu.memory_space<hbm>> -> memref<1x10240x16xf32, #tpu.memory_space<hbm>>
      %dma_wait3A_153 = tpu.memref_squeeze %dma_wait3A_152 : memref<1x10240x16xf32, #tpu.memory_space<hbm>> -> memref<10240x16xf32, #tpu.memory_space<hbm>>
      %dma_wait3A_154 = arith.constant 0 : i32
      %dma_wait3A_155 = tpu.memref_slice %dma_wait3A_153[%add3A_129, %dma_wait3A_154] : memref<10240x16xf32, #tpu.memory_space<hbm>> -> memref<128x16xf32, #tpu.memory_space<hbm>>
      %dma_wait3A_156 = arith.constant 0 : i32
      %dma_wait3A_157 = tpu.memref_slice %arg7[%add3A_129, %dma_wait3A_156] : memref<10240x16xf32, #tpu.memory_space<vmem_shared>> -> memref<128x16xf32, #tpu.memory_space<vmem_shared>>
      tpu.wait_dma2 semaphore(%run_scoped3A : memref<!tpu.dma_semaphore, #tpu.memory_space<semaphore_mem>>) src(%dma_wait3A_157 : memref<128x16xf32, #tpu.memory_space<vmem_shared>>) dst(%dma_wait3A_155 : memref<128x16xf32, #tpu.memory_space<hbm>>)
      tpu.yield
    }) : () -> ()
    %mul3A_130 = arith.constant 640 : i32
    %mul3A_131 = arith.muli %arg1, %mul3A_130 : i32
    %add3A_132 = arith.constant 256 : i32
    %add3A_133 = arith.addi %mul3A_131, %add3A_132 : i32
    "tpu.region"() ({
      %run_scoped3A = tpu.sem_alloc : memref<!tpu.dma_semaphore, #tpu.memory_space<semaphore_mem>>
      %dma_start3A_142 = arith.constant 0 : i32
      %dma_start3A_143 = arith.constant 0 : i32
      %dma_start3A_144 = tpu.memref_slice %arg3[%arg0, %dma_start3A_142, %dma_start3A_143] : memref<2x10240x16xf32, #tpu.memory_space<hbm>> -> memref<1x10240x16xf32, #tpu.memory_space<hbm>>
      %dma_start3A_145 = tpu.memref_squeeze %dma_start3A_144 : memref<1x10240x16xf32, #tpu.memory_space<hbm>> -> memref<10240x16xf32, #tpu.memory_space<hbm>>
      %dma_start3A_146 = arith.constant 0 : i32
      %dma_start3A_147 = tpu.memref_slice %dma_start3A_145[%add3A_133, %dma_start3A_146] : memref<10240x16xf32, #tpu.memory_space<hbm>> -> memref<128x16xf32, #tpu.memory_space<hbm>>
      %dma_start3A_148 = arith.constant 0 : i32
      %dma_start3A_149 = tpu.memref_slice %arg7[%add3A_133, %dma_start3A_148] : memref<10240x16xf32, #tpu.memory_space<vmem_shared>> -> memref<128x16xf32, #tpu.memory_space<vmem_shared>>
      tpu.enqueue_dma source(%dma_start3A_149 : memref<128x16xf32, #tpu.memory_space<vmem_shared>>) target(%dma_start3A_147 : memref<128x16xf32, #tpu.memory_space<hbm>>) target_semaphore(%run_scoped3A : memref<!tpu.dma_semaphore, #tpu.memory_space<semaphore_mem>>)
      %dma_wait3A_150 = arith.constant 0 : i32
      %dma_wait3A_151 = arith.constant 0 : i32
      %dma_wait3A_152 = tpu.memref_slice %arg3[%arg0, %dma_wait3A_150, %dma_wait3A_151] : memref<2x10240x16xf32, #tpu.memory_space<hbm>> -> memref<1x10240x16xf32, #tpu.memory_space<hbm>>
      %dma_wait3A_153 = tpu.memref_squeeze %dma_wait3A_152 : memref<1x10240x16xf32, #tpu.memory_space<hbm>> -> memref<10240x16xf32, #tpu.memory_space<hbm>>
      %dma_wait3A_154 = arith.constant 0 : i32
      %dma_wait3A_155 = tpu.memref_slice %dma_wait3A_153[%add3A_133, %dma_wait3A_154] : memref<10240x16xf32, #tpu.memory_space<hbm>> -> memref<128x16xf32, #tpu.memory_space<hbm>>
      %dma_wait3A_156 = arith.constant 0 : i32
      %dma_wait3A_157 = tpu.memref_slice %arg7[%add3A_133, %dma_wait3A_156] : memref<10240x16xf32, #tpu.memory_space<vmem_shared>> -> memref<128x16xf32, #tpu.memory_space<vmem_shared>>
      tpu.wait_dma2 semaphore(%run_scoped3A : memref<!tpu.dma_semaphore, #tpu.memory_space<semaphore_mem>>) src(%dma_wait3A_157 : memref<128x16xf32, #tpu.memory_space<vmem_shared>>) dst(%dma_wait3A_155 : memref<128x16xf32, #tpu.memory_space<hbm>>)
      tpu.yield
    }) : () -> ()
    %mul3A_134 = arith.constant 640 : i32
    %mul3A_135 = arith.muli %arg1, %mul3A_134 : i32
    %add3A_136 = arith.constant 384 : i32
    %add3A_137 = arith.addi %mul3A_135, %add3A_136 : i32
    "tpu.region"() ({
      %run_scoped3A = tpu.sem_alloc : memref<!tpu.dma_semaphore, #tpu.memory_space<semaphore_mem>>
      %dma_start3A_142 = arith.constant 0 : i32
      %dma_start3A_143 = arith.constant 0 : i32
      %dma_start3A_144 = tpu.memref_slice %arg3[%arg0, %dma_start3A_142, %dma_start3A_143] : memref<2x10240x16xf32, #tpu.memory_space<hbm>> -> memref<1x10240x16xf32, #tpu.memory_space<hbm>>
      %dma_start3A_145 = tpu.memref_squeeze %dma_start3A_144 : memref<1x10240x16xf32, #tpu.memory_space<hbm>> -> memref<10240x16xf32, #tpu.memory_space<hbm>>
      %dma_start3A_146 = arith.constant 0 : i32
      %dma_start3A_147 = tpu.memref_slice %dma_start3A_145[%add3A_137, %dma_start3A_146] : memref<10240x16xf32, #tpu.memory_space<hbm>> -> memref<128x16xf32, #tpu.memory_space<hbm>>
      %dma_start3A_148 = arith.constant 0 : i32
      %dma_start3A_149 = tpu.memref_slice %arg7[%add3A_137, %dma_start3A_148] : memref<10240x16xf32, #tpu.memory_space<vmem_shared>> -> memref<128x16xf32, #tpu.memory_space<vmem_shared>>
      tpu.enqueue_dma source(%dma_start3A_149 : memref<128x16xf32, #tpu.memory_space<vmem_shared>>) target(%dma_start3A_147 : memref<128x16xf32, #tpu.memory_space<hbm>>) target_semaphore(%run_scoped3A : memref<!tpu.dma_semaphore, #tpu.memory_space<semaphore_mem>>)
      %dma_wait3A_150 = arith.constant 0 : i32
      %dma_wait3A_151 = arith.constant 0 : i32
      %dma_wait3A_152 = tpu.memref_slice %arg3[%arg0, %dma_wait3A_150, %dma_wait3A_151] : memref<2x10240x16xf32, #tpu.memory_space<hbm>> -> memref<1x10240x16xf32, #tpu.memory_space<hbm>>
      %dma_wait3A_153 = tpu.memref_squeeze %dma_wait3A_152 : memref<1x10240x16xf32, #tpu.memory_space<hbm>> -> memref<10240x16xf32, #tpu.memory_space<hbm>>
      %dma_wait3A_154 = arith.constant 0 : i32
      %dma_wait3A_155 = tpu.memref_slice %dma_wait3A_153[%add3A_137, %dma_wait3A_154] : memref<10240x16xf32, #tpu.memory_space<hbm>> -> memref<128x16xf32, #tpu.memory_space<hbm>>
      %dma_wait3A_156 = arith.constant 0 : i32
      %dma_wait3A_157 = tpu.memref_slice %arg7[%add3A_137, %dma_wait3A_156] : memref<10240x16xf32, #tpu.memory_space<vmem_shared>> -> memref<128x16xf32, #tpu.memory_space<vmem_shared>>
      tpu.wait_dma2 semaphore(%run_scoped3A : memref<!tpu.dma_semaphore, #tpu.memory_space<semaphore_mem>>) src(%dma_wait3A_157 : memref<128x16xf32, #tpu.memory_space<vmem_shared>>) dst(%dma_wait3A_155 : memref<128x16xf32, #tpu.memory_space<hbm>>)
      tpu.yield
    }) : () -> ()
    %mul3A_138 = arith.constant 640 : i32
    %mul3A_139 = arith.muli %arg1, %mul3A_138 : i32
    %add3A_140 = arith.constant 512 : i32
    %add3A_141 = arith.addi %mul3A_139, %add3A_140 : i32
    "tpu.region"() ({
      %run_scoped3A = tpu.sem_alloc : memref<!tpu.dma_semaphore, #tpu.memory_space<semaphore_mem>>
      %dma_start3A_142 = arith.constant 0 : i32
      %dma_start3A_143 = arith.constant 0 : i32
      %dma_start3A_144 = tpu.memref_slice %arg3[%arg0, %dma_start3A_142, %dma_start3A_143] : memref<2x10240x16xf32, #tpu.memory_space<hbm>> -> memref<1x10240x16xf32, #tpu.memory_space<hbm>>
      %dma_start3A_145 = tpu.memref_squeeze %dma_start3A_144 : memref<1x10240x16xf32, #tpu.memory_space<hbm>> -> memref<10240x16xf32, #tpu.memory_space<hbm>>
      %dma_start3A_146 = arith.constant 0 : i32
      %dma_start3A_147 = tpu.memref_slice %dma_start3A_145[%add3A_141, %dma_start3A_146] : memref<10240x16xf32, #tpu.memory_space<hbm>> -> memref<128x16xf32, #tpu.memory_space<hbm>>
      %dma_start3A_148 = arith.constant 0 : i32
      %dma_start3A_149 = tpu.memref_slice %arg7[%add3A_141, %dma_start3A_148] : memref<10240x16xf32, #tpu.memory_space<vmem_shared>> -> memref<128x16xf32, #tpu.memory_space<vmem_shared>>
      tpu.enqueue_dma source(%dma_start3A_149 : memref<128x16xf32, #tpu.memory_space<vmem_shared>>) target(%dma_start3A_147 : memref<128x16xf32, #tpu.memory_space<hbm>>) target_semaphore(%run_scoped3A : memref<!tpu.dma_semaphore, #tpu.memory_space<semaphore_mem>>)
      %dma_wait3A_150 = arith.constant 0 : i32
      %dma_wait3A_151 = arith.constant 0 : i32
      %dma_wait3A_152 = tpu.memref_slice %arg3[%arg0, %dma_wait3A_150, %dma_wait3A_151] : memref<2x10240x16xf32, #tpu.memory_space<hbm>> -> memref<1x10240x16xf32, #tpu.memory_space<hbm>>
      %dma_wait3A_153 = tpu.memref_squeeze %dma_wait3A_152 : memref<1x10240x16xf32, #tpu.memory_space<hbm>> -> memref<10240x16xf32, #tpu.memory_space<hbm>>
      %dma_wait3A_154 = arith.constant 0 : i32
      %dma_wait3A_155 = tpu.memref_slice %dma_wait3A_153[%add3A_141, %dma_wait3A_154] : memref<10240x16xf32, #tpu.memory_space<hbm>> -> memref<128x16xf32, #tpu.memory_space<hbm>>
      %dma_wait3A_156 = arith.constant 0 : i32
      %dma_wait3A_157 = tpu.memref_slice %arg7[%add3A_141, %dma_wait3A_156] : memref<10240x16xf32, #tpu.memory_space<vmem_shared>> -> memref<128x16xf32, #tpu.memory_space<vmem_shared>>
      tpu.wait_dma2 semaphore(%run_scoped3A : memref<!tpu.dma_semaphore, #tpu.memory_space<semaphore_mem>>) src(%dma_wait3A_157 : memref<128x16xf32, #tpu.memory_space<vmem_shared>>) dst(%dma_wait3A_155 : memref<128x16xf32, #tpu.memory_space<hbm>>)
      tpu.yield
    }) : () -> ()
    return
  }
}

#map = affine_map<(d0, d1) -> (0, 0)>
#map1 = affine_map<(d0, d1) -> (0, 0, 0)>
module attributes {stable_mosaic.version = 14 : i64} {
  func.func @body(%arg0: i32, %arg1: i32, %arg2: memref<10000x32xf32, #tpu.memory_space<hbm>>, %arg3: memref<2560x125xi32, #tpu.memory_space<hbm>>, %arg4: memref<2560x125xi32, #tpu.memory_space<hbm>>, %arg5: memref<2x10240x32xf32, #tpu.memory_space<hbm>>, %arg6: memref<80x125xi32, #tpu.memory_space<vmem>>, %arg7: memref<80x125xi32, #tpu.memory_space<vmem>>, %arg8: memref<125x32xf32, #tpu.memory_space<vmem>>, %arg9: memref<125x32xf32, #tpu.memory_space<vmem>>, %arg10: memref<125x32xf32, #tpu.memory_space<vmem>>, %arg11: memref<125x32xf32, #tpu.memory_space<vmem>>, %arg12: memref<125x32xf32, #tpu.memory_space<vmem>>, %arg13: memref<125x32xf32, #tpu.memory_space<vmem>>, %arg14: memref<125x32xf32, #tpu.memory_space<vmem>>, %arg15: memref<125x32xf32, #tpu.memory_space<vmem>>, %arg16: memref<128x32xf32, #tpu.memory_space<vmem>>, %arg17: memref<10240x32xf32, #tpu.memory_space<vmem_shared>>, %arg18: memref<!tpu.dma_semaphore, #tpu.memory_space<semaphore_mem>>, %arg19: memref<!tpu.dma_semaphore, #tpu.memory_space<semaphore_mem>>, %arg20: memref<!tpu.dma_semaphore, #tpu.memory_space<semaphore_mem>>, %arg21: memref<!tpu.dma_semaphore, #tpu.memory_space<semaphore_mem>>, %arg22: memref<!tpu.dma_semaphore, #tpu.memory_space<semaphore_mem>>, %arg23: memref<!tpu.dma_semaphore, #tpu.memory_space<semaphore_mem>>, %arg24: memref<!tpu.dma_semaphore, #tpu.memory_space<semaphore_mem>>, %arg25: memref<!tpu.dma_semaphore, #tpu.memory_space<semaphore_mem>>, %arg26: memref<!tpu.dma_semaphore, #tpu.memory_space<semaphore_mem>>, %arg27: memref<!tpu.dma_semaphore, #tpu.memory_space<semaphore_mem>>, %arg28: memref<!tpu.dma_semaphore, #tpu.memory_space<semaphore_mem>>, %arg29: memref<!tpu.dma_semaphore, #tpu.memory_space<semaphore_mem>>, %arg30: memref<!tpu.dma_semaphore, #tpu.memory_space<semaphore_mem>>, %arg31: memref<!tpu.dma_semaphore, #tpu.memory_space<semaphore_mem>>, %arg32: memref<!tpu.dma_semaphore, #tpu.memory_space<semaphore_mem>>, %arg33: memref<!tpu.dma_semaphore, #tpu.memory_space<semaphore_mem>>) attributes {dimension_semantics = [#tpu.dimension_semantics<core_parallel>, #tpu.dimension_semantics<subcore_parallel>], iteration_bounds = array<i64: 2, 16>, scalar_prefetch = 0 : i64, scratch_operands = 28 : i64, tpu.core_type = #tpu.core_type<sc_vector_subcore>, window_params = [{transform_indices = #map}, {transform_indices = #map}, {transform_indices = #map}, {transform_indices = #map1}]} {
    %mul3A = arith.constant 16 : i32
    %mul3A_0 = arith.muli %arg0, %mul3A : i32
    %add3A = arith.addi %mul3A_0, %arg1 : i32
    %mul3A_1 = arith.constant 80 : i32
    %mul3A_2 = arith.muli %add3A, %mul3A_1 : i32
    "tpu.region"() ({
      %run_scoped3A = tpu.sem_alloc : memref<!tpu.dma_semaphore, #tpu.memory_space<semaphore_mem>>
      %dma_start3A_166 = arith.constant 0 : i32
      %dma_start3A_167 = tpu.memref_slice %arg3[%mul3A_2, %dma_start3A_166] : memref<2560x125xi32, #tpu.memory_space<hbm>> -> memref<80x125xi32, #tpu.memory_space<hbm>>
      %dma_start3A_168 = arith.constant 0 : i32
      %dma_start3A_169 = tpu.memref_slice %arg3[%mul3A_2, %dma_start3A_168] : memref<2560x125xi32, #tpu.memory_space<hbm>> -> memref<80x125xi32, #tpu.memory_space<hbm>>
      tpu.enqueue_dma source(%dma_start3A_169 : memref<80x125xi32, #tpu.memory_space<hbm>>) target(%arg6 : memref<80x125xi32, #tpu.memory_space<vmem>>) target_semaphore(%run_scoped3A : memref<!tpu.dma_semaphore, #tpu.memory_space<semaphore_mem>>)
      %dma_wait3A_170 = arith.constant 0 : i32
      %dma_wait3A_171 = tpu.memref_slice %arg3[%mul3A_2, %dma_wait3A_170] : memref<2560x125xi32, #tpu.memory_space<hbm>> -> memref<80x125xi32, #tpu.memory_space<hbm>>
      %dma_wait3A_172 = arith.constant 0 : i32
      %dma_wait3A_173 = tpu.memref_slice %arg3[%mul3A_2, %dma_wait3A_172] : memref<2560x125xi32, #tpu.memory_space<hbm>> -> memref<80x125xi32, #tpu.memory_space<hbm>>
      tpu.wait_dma2 semaphore(%run_scoped3A : memref<!tpu.dma_semaphore, #tpu.memory_space<semaphore_mem>>) src(%dma_wait3A_173 : memref<80x125xi32, #tpu.memory_space<hbm>>) dst(%arg6 : memref<80x125xi32, #tpu.memory_space<vmem>>)
      tpu.yield
    }) : () -> ()
    "tpu.region"() ({
      %run_scoped3A = tpu.sem_alloc : memref<!tpu.dma_semaphore, #tpu.memory_space<semaphore_mem>>
      %dma_start3A_166 = arith.constant 0 : i32
      %dma_start3A_167 = tpu.memref_slice %arg4[%mul3A_2, %dma_start3A_166] : memref<2560x125xi32, #tpu.memory_space<hbm>> -> memref<80x125xi32, #tpu.memory_space<hbm>>
      %dma_start3A_168 = arith.constant 0 : i32
      %dma_start3A_169 = tpu.memref_slice %arg4[%mul3A_2, %dma_start3A_168] : memref<2560x125xi32, #tpu.memory_space<hbm>> -> memref<80x125xi32, #tpu.memory_space<hbm>>
      tpu.enqueue_dma source(%dma_start3A_169 : memref<80x125xi32, #tpu.memory_space<hbm>>) target(%arg7 : memref<80x125xi32, #tpu.memory_space<vmem>>) target_semaphore(%run_scoped3A : memref<!tpu.dma_semaphore, #tpu.memory_space<semaphore_mem>>)
      %dma_wait3A_170 = arith.constant 0 : i32
      %dma_wait3A_171 = tpu.memref_slice %arg4[%mul3A_2, %dma_wait3A_170] : memref<2560x125xi32, #tpu.memory_space<hbm>> -> memref<80x125xi32, #tpu.memory_space<hbm>>
      %dma_wait3A_172 = arith.constant 0 : i32
      %dma_wait3A_173 = tpu.memref_slice %arg4[%mul3A_2, %dma_wait3A_172] : memref<2560x125xi32, #tpu.memory_space<hbm>> -> memref<80x125xi32, #tpu.memory_space<hbm>>
      tpu.wait_dma2 semaphore(%run_scoped3A : memref<!tpu.dma_semaphore, #tpu.memory_space<semaphore_mem>>) src(%dma_wait3A_173 : memref<80x125xi32, #tpu.memory_space<hbm>>) dst(%arg7 : memref<80x125xi32, #tpu.memory_space<vmem>>)
      tpu.yield
    }) : () -> ()
    %broadcast_in_dim3A = arith.constant 0.000000e+00 : f32
    %broadcast_in_dim3A_3 = vector.broadcast %broadcast_in_dim3A : f32 to vector<16xf32>
    %scan3A = arith.constant 0 : i32
    %scan3A_4 = arith.constant 0 : i32
    %scan3A_5 = arith.constant 128 : i32
    %scan3A_6 = arith.addi %scan3A_4, %scan3A_5 : i32
    %scan3A_7 = arith.constant 1 : i32
    scf.for %scan3A_166 = %scan3A_4 to %scan3A_6 step %scan3A_7  : i32 {
      %swap3A = arith.index_cast %scan3A_166 : i32 to index
      %swap3A_167 = arith.constant 0 : index
      %swap3A_168 = tpu.vector_load %arg16[%swap3A, %swap3A_167] {strides = array<i32>} : memref<128x32xf32, #tpu.memory_space<vmem>>, vector<1x16xf32>,
      %swap3A_169 = vector.shape_cast %swap3A_168 : vector<1x16xf32> to vector<16xf32>
      %swap3A_170 = vector.shape_cast %broadcast_in_dim3A_3 : vector<16xf32> to vector<1x16xf32>
      tpu.vector_store %arg16[%swap3A, %swap3A_167], %swap3A_170 {strides = array<i32>} : memref<128x32xf32, #tpu.memory_space<vmem>>, vector<1x16xf32>,
      %swap3A_171 = arith.index_cast %scan3A_166 : i32 to index
      %swap3A_172 = arith.constant 16 : index
      %swap3A_173 = tpu.vector_load %arg16[%swap3A_171, %swap3A_172] {strides = array<i32>} : memref<128x32xf32, #tpu.memory_space<vmem>>, vector<1x16xf32>,
      %swap3A_174 = vector.shape_cast %swap3A_173 : vector<1x16xf32> to vector<16xf32>
      %swap3A_175 = vector.shape_cast %broadcast_in_dim3A_3 : vector<16xf32> to vector<1x16xf32>
      tpu.vector_store %arg16[%swap3A_171, %swap3A_172], %swap3A_175 {strides = array<i32>} : memref<128x32xf32, #tpu.memory_space<vmem>>, vector<1x16xf32>,
    }
    %scan3A_8 = arith.constant 128 : i32
    %mul3A_9 = arith.constant 640 : i32
    %mul3A_10 = arith.muli %arg1, %mul3A_9 : i32
    %add3A_11 = arith.constant 0 : i32
    %add3A_12 = arith.addi %mul3A_10, %add3A_11 : i32
    "tpu.region"() ({
      %run_scoped3A = tpu.sem_alloc : memref<!tpu.dma_semaphore, #tpu.memory_space<semaphore_mem>>
      %dma_start3A_166 = arith.constant 0 : i32
      %dma_start3A_167 = tpu.memref_slice %arg17[%add3A_12, %dma_start3A_166] : memref<10240x32xf32, #tpu.memory_space<vmem_shared>> -> memref<128x32xf32, #tpu.memory_space<vmem_shared>>
      %dma_start3A_168 = arith.constant 0 : i32
      %dma_start3A_169 = tpu.memref_slice %arg17[%add3A_12, %dma_start3A_168] : memref<10240x32xf32, #tpu.memory_space<vmem_shared>> -> memref<128x32xf32, #tpu.memory_space<vmem_shared>>
      tpu.enqueue_dma source(%arg16 : memref<128x32xf32, #tpu.memory_space<vmem>>) target(%dma_start3A_169 : memref<128x32xf32, #tpu.memory_space<vmem_shared>>) target_semaphore(%run_scoped3A : memref<!tpu.dma_semaphore, #tpu.memory_space<semaphore_mem>>)
      %dma_wait3A_170 = arith.constant 0 : i32
      %dma_wait3A_171 = tpu.memref_slice %arg17[%add3A_12, %dma_wait3A_170] : memref<10240x32xf32, #tpu.memory_space<vmem_shared>> -> memref<128x32xf32, #tpu.memory_space<vmem_shared>>
      %dma_wait3A_172 = arith.constant 0 : i32
      %dma_wait3A_173 = tpu.memref_slice %arg17[%add3A_12, %dma_wait3A_172] : memref<10240x32xf32, #tpu.memory_space<vmem_shared>> -> memref<128x32xf32, #tpu.memory_space<vmem_shared>>
      tpu.wait_dma2 semaphore(%run_scoped3A : memref<!tpu.dma_semaphore, #tpu.memory_space<semaphore_mem>>) src(%arg16 : memref<128x32xf32, #tpu.memory_space<vmem>>) dst(%dma_wait3A_173 : memref<128x32xf32, #tpu.memory_space<vmem_shared>>)
      tpu.yield
    }) : () -> ()
    %mul3A_13 = arith.constant 640 : i32
    %mul3A_14 = arith.muli %arg1, %mul3A_13 : i32
    %add3A_15 = arith.constant 128 : i32
    %add3A_16 = arith.addi %mul3A_14, %add3A_15 : i32
    "tpu.region"() ({
      %run_scoped3A = tpu.sem_alloc : memref<!tpu.dma_semaphore, #tpu.memory_space<semaphore_mem>>
      %dma_start3A_166 = arith.constant 0 : i32
      %dma_start3A_167 = tpu.memref_slice %arg17[%add3A_16, %dma_start3A_166] : memref<10240x32xf32, #tpu.memory_space<vmem_shared>> -> memref<128x32xf32, #tpu.memory_space<vmem_shared>>
      %dma_start3A_168 = arith.constant 0 : i32
      %dma_start3A_169 = tpu.memref_slice %arg17[%add3A_16, %dma_start3A_168] : memref<10240x32xf32, #tpu.memory_space<vmem_shared>> -> memref<128x32xf32, #tpu.memory_space<vmem_shared>>
      tpu.enqueue_dma source(%arg16 : memref<128x32xf32, #tpu.memory_space<vmem>>) target(%dma_start3A_169 : memref<128x32xf32, #tpu.memory_space<vmem_shared>>) target_semaphore(%run_scoped3A : memref<!tpu.dma_semaphore, #tpu.memory_space<semaphore_mem>>)
      %dma_wait3A_170 = arith.constant 0 : i32
      %dma_wait3A_171 = tpu.memref_slice %arg17[%add3A_16, %dma_wait3A_170] : memref<10240x32xf32, #tpu.memory_space<vmem_shared>> -> memref<128x32xf32, #tpu.memory_space<vmem_shared>>
      %dma_wait3A_172 = arith.constant 0 : i32
      %dma_wait3A_173 = tpu.memref_slice %arg17[%add3A_16, %dma_wait3A_172] : memref<10240x32xf32, #tpu.memory_space<vmem_shared>> -> memref<128x32xf32, #tpu.memory_space<vmem_shared>>
      tpu.wait_dma2 semaphore(%run_scoped3A : memref<!tpu.dma_semaphore, #tpu.memory_space<semaphore_mem>>) src(%arg16 : memref<128x32xf32, #tpu.memory_space<vmem>>) dst(%dma_wait3A_173 : memref<128x32xf32, #tpu.memory_space<vmem_shared>>)
      tpu.yield
    }) : () -> ()
    %mul3A_17 = arith.constant 640 : i32
    %mul3A_18 = arith.muli %arg1, %mul3A_17 : i32
    %add3A_19 = arith.constant 256 : i32
    %add3A_20 = arith.addi %mul3A_18, %add3A_19 : i32
    "tpu.region"() ({
      %run_scoped3A = tpu.sem_alloc : memref<!tpu.dma_semaphore, #tpu.memory_space<semaphore_mem>>
      %dma_start3A_166 = arith.constant 0 : i32
      %dma_start3A_167 = tpu.memref_slice %arg17[%add3A_20, %dma_start3A_166] : memref<10240x32xf32, #tpu.memory_space<vmem_shared>> -> memref<128x32xf32, #tpu.memory_space<vmem_shared>>
      %dma_start3A_168 = arith.constant 0 : i32
      %dma_start3A_169 = tpu.memref_slice %arg17[%add3A_20, %dma_start3A_168] : memref<10240x32xf32, #tpu.memory_space<vmem_shared>> -> memref<128x32xf32, #tpu.memory_space<vmem_shared>>
      tpu.enqueue_dma source(%arg16 : memref<128x32xf32, #tpu.memory_space<vmem>>) target(%dma_start3A_169 : memref<128x32xf32, #tpu.memory_space<vmem_shared>>) target_semaphore(%run_scoped3A : memref<!tpu.dma_semaphore, #tpu.memory_space<semaphore_mem>>)
      %dma_wait3A_170 = arith.constant 0 : i32
      %dma_wait3A_171 = tpu.memref_slice %arg17[%add3A_20, %dma_wait3A_170] : memref<10240x32xf32, #tpu.memory_space<vmem_shared>> -> memref<128x32xf32, #tpu.memory_space<vmem_shared>>
      %dma_wait3A_172 = arith.constant 0 : i32
      %dma_wait3A_173 = tpu.memref_slice %arg17[%add3A_20, %dma_wait3A_172] : memref<10240x32xf32, #tpu.memory_space<vmem_shared>> -> memref<128x32xf32, #tpu.memory_space<vmem_shared>>
      tpu.wait_dma2 semaphore(%run_scoped3A : memref<!tpu.dma_semaphore, #tpu.memory_space<semaphore_mem>>) src(%arg16 : memref<128x32xf32, #tpu.memory_space<vmem>>) dst(%dma_wait3A_173 : memref<128x32xf32, #tpu.memory_space<vmem_shared>>)
      tpu.yield
    }) : () -> ()
    %mul3A_21 = arith.constant 640 : i32
    %mul3A_22 = arith.muli %arg1, %mul3A_21 : i32
    %add3A_23 = arith.constant 384 : i32
    %add3A_24 = arith.addi %mul3A_22, %add3A_23 : i32
    "tpu.region"() ({
      %run_scoped3A = tpu.sem_alloc : memref<!tpu.dma_semaphore, #tpu.memory_space<semaphore_mem>>
      %dma_start3A_166 = arith.constant 0 : i32
      %dma_start3A_167 = tpu.memref_slice %arg17[%add3A_24, %dma_start3A_166] : memref<10240x32xf32, #tpu.memory_space<vmem_shared>> -> memref<128x32xf32, #tpu.memory_space<vmem_shared>>
      %dma_start3A_168 = arith.constant 0 : i32
      %dma_start3A_169 = tpu.memref_slice %arg17[%add3A_24, %dma_start3A_168] : memref<10240x32xf32, #tpu.memory_space<vmem_shared>> -> memref<128x32xf32, #tpu.memory_space<vmem_shared>>
      tpu.enqueue_dma source(%arg16 : memref<128x32xf32, #tpu.memory_space<vmem>>) target(%dma_start3A_169 : memref<128x32xf32, #tpu.memory_space<vmem_shared>>) target_semaphore(%run_scoped3A : memref<!tpu.dma_semaphore, #tpu.memory_space<semaphore_mem>>)
      %dma_wait3A_170 = arith.constant 0 : i32
      %dma_wait3A_171 = tpu.memref_slice %arg17[%add3A_24, %dma_wait3A_170] : memref<10240x32xf32, #tpu.memory_space<vmem_shared>> -> memref<128x32xf32, #tpu.memory_space<vmem_shared>>
      %dma_wait3A_172 = arith.constant 0 : i32
      %dma_wait3A_173 = tpu.memref_slice %arg17[%add3A_24, %dma_wait3A_172] : memref<10240x32xf32, #tpu.memory_space<vmem_shared>> -> memref<128x32xf32, #tpu.memory_space<vmem_shared>>
      tpu.wait_dma2 semaphore(%run_scoped3A : memref<!tpu.dma_semaphore, #tpu.memory_space<semaphore_mem>>) src(%arg16 : memref<128x32xf32, #tpu.memory_space<vmem>>) dst(%dma_wait3A_173 : memref<128x32xf32, #tpu.memory_space<vmem_shared>>)
      tpu.yield
    }) : () -> ()
    %mul3A_25 = arith.constant 640 : i32
    %mul3A_26 = arith.muli %arg1, %mul3A_25 : i32
    %add3A_27 = arith.constant 512 : i32
    %add3A_28 = arith.addi %mul3A_26, %add3A_27 : i32
    "tpu.region"() ({
      %run_scoped3A = tpu.sem_alloc : memref<!tpu.dma_semaphore, #tpu.memory_space<semaphore_mem>>
      %dma_start3A_166 = arith.constant 0 : i32
      %dma_start3A_167 = tpu.memref_slice %arg17[%add3A_28, %dma_start3A_166] : memref<10240x32xf32, #tpu.memory_space<vmem_shared>> -> memref<128x32xf32, #tpu.memory_space<vmem_shared>>
      %dma_start3A_168 = arith.constant 0 : i32
      %dma_start3A_169 = tpu.memref_slice %arg17[%add3A_28, %dma_start3A_168] : memref<10240x32xf32, #tpu.memory_space<vmem_shared>> -> memref<128x32xf32, #tpu.memory_space<vmem_shared>>
      tpu.enqueue_dma source(%arg16 : memref<128x32xf32, #tpu.memory_space<vmem>>) target(%dma_start3A_169 : memref<128x32xf32, #tpu.memory_space<vmem_shared>>) target_semaphore(%run_scoped3A : memref<!tpu.dma_semaphore, #tpu.memory_space<semaphore_mem>>)
      %dma_wait3A_170 = arith.constant 0 : i32
      %dma_wait3A_171 = tpu.memref_slice %arg17[%add3A_28, %dma_wait3A_170] : memref<10240x32xf32, #tpu.memory_space<vmem_shared>> -> memref<128x32xf32, #tpu.memory_space<vmem_shared>>
      %dma_wait3A_172 = arith.constant 0 : i32
      %dma_wait3A_173 = tpu.memref_slice %arg17[%add3A_28, %dma_wait3A_172] : memref<10240x32xf32, #tpu.memory_space<vmem_shared>> -> memref<128x32xf32, #tpu.memory_space<vmem_shared>>
      tpu.wait_dma2 semaphore(%run_scoped3A : memref<!tpu.dma_semaphore, #tpu.memory_space<semaphore_mem>>) src(%arg16 : memref<128x32xf32, #tpu.memory_space<vmem>>) dst(%dma_wait3A_173 : memref<128x32xf32, #tpu.memory_space<vmem_shared>>)
      tpu.yield
    }) : () -> ()
    %barrier3A = arith.constant 0 : index
    tpu.barrier barrier_id(%barrier3A)
    %dma_start3A = arith.constant 0 : i32
    %dma_start3A_29 = arith.constant 0 : i32
    %dma_start3A_30 = tpu.memref_slice %arg6[%dma_start3A, %dma_start3A_29] : memref<80x125xi32, #tpu.memory_space<vmem>> -> memref<1x125xi32, #tpu.memory_space<vmem>>
    %dma_start3A_31 = tpu.memref_squeeze %dma_start3A_30 : memref<1x125xi32, #tpu.memory_space<vmem>> -> memref<125xi32, #tpu.memory_space<vmem>>
    %dma_start3A_32 = arith.constant 0 : i32
    %dma_start3A_33 = arith.constant 0 : i32
    %dma_start3A_34 = tpu.memref_slice %arg2[%dma_start3A_32, %dma_start3A_33] : memref<10000x32xf32, #tpu.memory_space<hbm>> -> memref<10000x32xf32, #tpu.memory_space<hbm>>
    tpu.enqueue_indirect_dma source(%dma_start3A_34 : memref<10000x32xf32, #tpu.memory_space<hbm>>) target(%arg8 : memref<125x32xf32, #tpu.memory_space<vmem>>) offsets(%dma_start3A_31 : memref<125xi32, #tpu.memory_space<vmem>>) semaphore(%arg18 : memref<!tpu.dma_semaphore, #tpu.memory_space<semaphore_mem>>)
    %dma_start3A_35 = arith.constant 1 : i32
    %dma_start3A_36 = arith.constant 0 : i32
    %dma_start3A_37 = tpu.memref_slice %arg6[%dma_start3A_35, %dma_start3A_36] : memref<80x125xi32, #tpu.memory_space<vmem>> -> memref<1x125xi32, #tpu.memory_space<vmem>>
    %dma_start3A_38 = tpu.memref_squeeze %dma_start3A_37 : memref<1x125xi32, #tpu.memory_space<vmem>> -> memref<125xi32, #tpu.memory_space<vmem>>
    %dma_start3A_39 = arith.constant 0 : i32
    %dma_start3A_40 = arith.constant 0 : i32
    %dma_start3A_41 = tpu.memref_slice %arg2[%dma_start3A_39, %dma_start3A_40] : memref<10000x32xf32, #tpu.memory_space<hbm>> -> memref<10000x32xf32, #tpu.memory_space<hbm>>
    tpu.enqueue_indirect_dma source(%dma_start3A_41 : memref<10000x32xf32, #tpu.memory_space<hbm>>) target(%arg9 : memref<125x32xf32, #tpu.memory_space<vmem>>) offsets(%dma_start3A_38 : memref<125xi32, #tpu.memory_space<vmem>>) semaphore(%arg19 : memref<!tpu.dma_semaphore, #tpu.memory_space<semaphore_mem>>)
    %dma_start3A_42 = arith.constant 2 : i32
    %dma_start3A_43 = arith.constant 0 : i32
    %dma_start3A_44 = tpu.memref_slice %arg6[%dma_start3A_42, %dma_start3A_43] : memref<80x125xi32, #tpu.memory_space<vmem>> -> memref<1x125xi32, #tpu.memory_space<vmem>>
    %dma_start3A_45 = tpu.memref_squeeze %dma_start3A_44 : memref<1x125xi32, #tpu.memory_space<vmem>> -> memref<125xi32, #tpu.memory_space<vmem>>
    %dma_start3A_46 = arith.constant 0 : i32
    %dma_start3A_47 = arith.constant 0 : i32
    %dma_start3A_48 = tpu.memref_slice %arg2[%dma_start3A_46, %dma_start3A_47] : memref<10000x32xf32, #tpu.memory_space<hbm>> -> memref<10000x32xf32, #tpu.memory_space<hbm>>
    tpu.enqueue_indirect_dma source(%dma_start3A_48 : memref<10000x32xf32, #tpu.memory_space<hbm>>) target(%arg10 : memref<125x32xf32, #tpu.memory_space<vmem>>) offsets(%dma_start3A_45 : memref<125xi32, #tpu.memory_space<vmem>>) semaphore(%arg20 : memref<!tpu.dma_semaphore, #tpu.memory_space<semaphore_mem>>)
    %dma_start3A_49 = arith.constant 3 : i32
    %dma_start3A_50 = arith.constant 0 : i32
    %dma_start3A_51 = tpu.memref_slice %arg6[%dma_start3A_49, %dma_start3A_50] : memref<80x125xi32, #tpu.memory_space<vmem>> -> memref<1x125xi32, #tpu.memory_space<vmem>>
    %dma_start3A_52 = tpu.memref_squeeze %dma_start3A_51 : memref<1x125xi32, #tpu.memory_space<vmem>> -> memref<125xi32, #tpu.memory_space<vmem>>
    %dma_start3A_53 = arith.constant 0 : i32
    %dma_start3A_54 = arith.constant 0 : i32
    %dma_start3A_55 = tpu.memref_slice %arg2[%dma_start3A_53, %dma_start3A_54] : memref<10000x32xf32, #tpu.memory_space<hbm>> -> memref<10000x32xf32, #tpu.memory_space<hbm>>
    tpu.enqueue_indirect_dma source(%dma_start3A_55 : memref<10000x32xf32, #tpu.memory_space<hbm>>) target(%arg11 : memref<125x32xf32, #tpu.memory_space<vmem>>) offsets(%dma_start3A_52 : memref<125xi32, #tpu.memory_space<vmem>>) semaphore(%arg21 : memref<!tpu.dma_semaphore, #tpu.memory_space<semaphore_mem>>)
    %dma_start3A_56 = arith.constant 4 : i32
    %dma_start3A_57 = arith.constant 0 : i32
    %dma_start3A_58 = tpu.memref_slice %arg6[%dma_start3A_56, %dma_start3A_57] : memref<80x125xi32, #tpu.memory_space<vmem>> -> memref<1x125xi32, #tpu.memory_space<vmem>>
    %dma_start3A_59 = tpu.memref_squeeze %dma_start3A_58 : memref<1x125xi32, #tpu.memory_space<vmem>> -> memref<125xi32, #tpu.memory_space<vmem>>
    %dma_start3A_60 = arith.constant 0 : i32
    %dma_start3A_61 = arith.constant 0 : i32
    %dma_start3A_62 = tpu.memref_slice %arg2[%dma_start3A_60, %dma_start3A_61] : memref<10000x32xf32, #tpu.memory_space<hbm>> -> memref<10000x32xf32, #tpu.memory_space<hbm>>
    tpu.enqueue_indirect_dma source(%dma_start3A_62 : memref<10000x32xf32, #tpu.memory_space<hbm>>) target(%arg12 : memref<125x32xf32, #tpu.memory_space<vmem>>) offsets(%dma_start3A_59 : memref<125xi32, #tpu.memory_space<vmem>>) semaphore(%arg22 : memref<!tpu.dma_semaphore, #tpu.memory_space<semaphore_mem>>)
    %dma_start3A_63 = arith.constant 5 : i32
    %dma_start3A_64 = arith.constant 0 : i32
    %dma_start3A_65 = tpu.memref_slice %arg6[%dma_start3A_63, %dma_start3A_64] : memref<80x125xi32, #tpu.memory_space<vmem>> -> memref<1x125xi32, #tpu.memory_space<vmem>>
    %dma_start3A_66 = tpu.memref_squeeze %dma_start3A_65 : memref<1x125xi32, #tpu.memory_space<vmem>> -> memref<125xi32, #tpu.memory_space<vmem>>
    %dma_start3A_67 = arith.constant 0 : i32
    %dma_start3A_68 = arith.constant 0 : i32
    %dma_start3A_69 = tpu.memref_slice %arg2[%dma_start3A_67, %dma_start3A_68] : memref<10000x32xf32, #tpu.memory_space<hbm>> -> memref<10000x32xf32, #tpu.memory_space<hbm>>
    tpu.enqueue_indirect_dma source(%dma_start3A_69 : memref<10000x32xf32, #tpu.memory_space<hbm>>) target(%arg13 : memref<125x32xf32, #tpu.memory_space<vmem>>) offsets(%dma_start3A_66 : memref<125xi32, #tpu.memory_space<vmem>>) semaphore(%arg23 : memref<!tpu.dma_semaphore, #tpu.memory_space<semaphore_mem>>)
    %dma_start3A_70 = arith.constant 6 : i32
    %dma_start3A_71 = arith.constant 0 : i32
    %dma_start3A_72 = tpu.memref_slice %arg6[%dma_start3A_70, %dma_start3A_71] : memref<80x125xi32, #tpu.memory_space<vmem>> -> memref<1x125xi32, #tpu.memory_space<vmem>>
    %dma_start3A_73 = tpu.memref_squeeze %dma_start3A_72 : memref<1x125xi32, #tpu.memory_space<vmem>> -> memref<125xi32, #tpu.memory_space<vmem>>
    %dma_start3A_74 = arith.constant 0 : i32
    %dma_start3A_75 = arith.constant 0 : i32
    %dma_start3A_76 = tpu.memref_slice %arg2[%dma_start3A_74, %dma_start3A_75] : memref<10000x32xf32, #tpu.memory_space<hbm>> -> memref<10000x32xf32, #tpu.memory_space<hbm>>
    tpu.enqueue_indirect_dma source(%dma_start3A_76 : memref<10000x32xf32, #tpu.memory_space<hbm>>) target(%arg14 : memref<125x32xf32, #tpu.memory_space<vmem>>) offsets(%dma_start3A_73 : memref<125xi32, #tpu.memory_space<vmem>>) semaphore(%arg24 : memref<!tpu.dma_semaphore, #tpu.memory_space<semaphore_mem>>)
    %dma_start3A_77 = arith.constant 7 : i32
    %dma_start3A_78 = arith.constant 0 : i32
    %dma_start3A_79 = tpu.memref_slice %arg6[%dma_start3A_77, %dma_start3A_78] : memref<80x125xi32, #tpu.memory_space<vmem>> -> memref<1x125xi32, #tpu.memory_space<vmem>>
    %dma_start3A_80 = tpu.memref_squeeze %dma_start3A_79 : memref<1x125xi32, #tpu.memory_space<vmem>> -> memref<125xi32, #tpu.memory_space<vmem>>
    %dma_start3A_81 = arith.constant 0 : i32
    %dma_start3A_82 = arith.constant 0 : i32
    %dma_start3A_83 = tpu.memref_slice %arg2[%dma_start3A_81, %dma_start3A_82] : memref<10000x32xf32, #tpu.memory_space<hbm>> -> memref<10000x32xf32, #tpu.memory_space<hbm>>
    tpu.enqueue_indirect_dma source(%dma_start3A_83 : memref<10000x32xf32, #tpu.memory_space<hbm>>) target(%arg15 : memref<125x32xf32, #tpu.memory_space<vmem>>) offsets(%dma_start3A_80 : memref<125xi32, #tpu.memory_space<vmem>>) semaphore(%arg25 : memref<!tpu.dma_semaphore, #tpu.memory_space<semaphore_mem>>)
    %scan3A_84 = arith.constant 0 : i32
    %scan3A_85 = arith.constant 0 : i32
    %scan3A_86 = arith.constant 10 : i32
    %scan3A_87 = arith.addi %scan3A_85, %scan3A_86 : i32
    %scan3A_88 = arith.constant 1 : i32
    scf.for %scan3A_166 = %scan3A_85 to %scan3A_87 step %scan3A_88  : i32 {
      %mul3A_167 = arith.constant 8 : i32
      %mul3A_168 = arith.muli %mul3A_167, %scan3A_166 : i32
      %dma_wait3A_169 = arith.constant 0 : i32
      %dma_wait3A_170 = arith.constant 0 : i32
      %dma_wait3A_171 = tpu.memref_slice %arg6[%dma_wait3A_169, %dma_wait3A_170] : memref<80x125xi32, #tpu.memory_space<vmem>> -> memref<1x125xi32, #tpu.memory_space<vmem>>
      %dma_wait3A_172 = tpu.memref_squeeze %dma_wait3A_171 : memref<1x125xi32, #tpu.memory_space<vmem>> -> memref<125xi32, #tpu.memory_space<vmem>>
      %dma_wait3A_173 = arith.constant 0 : i32
      %dma_wait3A_174 = arith.constant 0 : i32
      %dma_wait3A_175 = tpu.memref_slice %arg2[%dma_wait3A_173, %dma_wait3A_174] : memref<10000x32xf32, #tpu.memory_space<hbm>> -> memref<10000x32xf32, #tpu.memory_space<hbm>>
      tpu.wait_indirect_dma semaphore(%arg18 : memref<!tpu.dma_semaphore, #tpu.memory_space<semaphore_mem>>) src(%dma_wait3A_175 : memref<10000x32xf32, #tpu.memory_space<hbm>>) dst(%arg8 : memref<125x32xf32, #tpu.memory_space<vmem>>)
      %add3A_176 = arith.constant 0 : i32
      %add3A_177 = arith.addi %mul3A_168, %add3A_176 : i32
      %dma_start3A_178 = arith.constant 0 : i32
      %dma_start3A_179 = tpu.memref_slice %arg7[%add3A_177, %dma_start3A_178] : memref<80x125xi32, #tpu.memory_space<vmem>> -> memref<1x125xi32, #tpu.memory_space<vmem>>
      %dma_start3A_180 = tpu.memref_squeeze %dma_start3A_179 : memref<1x125xi32, #tpu.memory_space<vmem>> -> memref<125xi32, #tpu.memory_space<vmem>>
      %dma_start3A_181 = arith.constant 0 : i32
      %dma_start3A_182 = arith.constant 0 : i32
      %dma_start3A_183 = tpu.memref_slice %arg17[%dma_start3A_181, %dma_start3A_182] : memref<10240x32xf32, #tpu.memory_space<vmem_shared>> -> memref<10240x32xf32, #tpu.memory_space<vmem_shared>>
      tpu.enqueue_indirect_dma source(%arg8 : memref<125x32xf32, #tpu.memory_space<vmem>>) target(%dma_start3A_183 : memref<10240x32xf32, #tpu.memory_space<vmem_shared>>) offsets(%dma_start3A_180 : memref<125xi32, #tpu.memory_space<vmem>>) semaphore(%arg26 : memref<!tpu.dma_semaphore, #tpu.memory_space<semaphore_mem>>) {add = true}
      %dma_wait3A_184 = arith.constant 0 : i32
      %dma_wait3A_185 = arith.constant 0 : i32
      %dma_wait3A_186 = tpu.memref_slice %arg6[%dma_wait3A_184, %dma_wait3A_185] : memref<80x125xi32, #tpu.memory_space<vmem>> -> memref<1x125xi32, #tpu.memory_space<vmem>>
      %dma_wait3A_187 = tpu.memref_squeeze %dma_wait3A_186 : memref<1x125xi32, #tpu.memory_space<vmem>> -> memref<125xi32, #tpu.memory_space<vmem>>
      %dma_wait3A_188 = arith.constant 0 : i32
      %dma_wait3A_189 = arith.constant 0 : i32
      %dma_wait3A_190 = tpu.memref_slice %arg2[%dma_wait3A_188, %dma_wait3A_189] : memref<10000x32xf32, #tpu.memory_space<hbm>> -> memref<10000x32xf32, #tpu.memory_space<hbm>>
      tpu.wait_indirect_dma semaphore(%arg19 : memref<!tpu.dma_semaphore, #tpu.memory_space<semaphore_mem>>) src(%dma_wait3A_190 : memref<10000x32xf32, #tpu.memory_space<hbm>>) dst(%arg9 : memref<125x32xf32, #tpu.memory_space<vmem>>)
      %add3A_191 = arith.constant 1 : i32
      %add3A_192 = arith.addi %mul3A_168, %add3A_191 : i32
      %dma_start3A_193 = arith.constant 0 : i32
      %dma_start3A_194 = tpu.memref_slice %arg7[%add3A_192, %dma_start3A_193] : memref<80x125xi32, #tpu.memory_space<vmem>> -> memref<1x125xi32, #tpu.memory_space<vmem>>
      %dma_start3A_195 = tpu.memref_squeeze %dma_start3A_194 : memref<1x125xi32, #tpu.memory_space<vmem>> -> memref<125xi32, #tpu.memory_space<vmem>>
      %dma_start3A_196 = arith.constant 0 : i32
      %dma_start3A_197 = arith.constant 0 : i32
      %dma_start3A_198 = tpu.memref_slice %arg17[%dma_start3A_196, %dma_start3A_197] : memref<10240x32xf32, #tpu.memory_space<vmem_shared>> -> memref<10240x32xf32, #tpu.memory_space<vmem_shared>>
      tpu.enqueue_indirect_dma source(%arg9 : memref<125x32xf32, #tpu.memory_space<vmem>>) target(%dma_start3A_198 : memref<10240x32xf32, #tpu.memory_space<vmem_shared>>) offsets(%dma_start3A_195 : memref<125xi32, #tpu.memory_space<vmem>>) semaphore(%arg27 : memref<!tpu.dma_semaphore, #tpu.memory_space<semaphore_mem>>) {add = true}
      %dma_wait3A_199 = arith.constant 0 : i32
      %dma_wait3A_200 = arith.constant 0 : i32
      %dma_wait3A_201 = tpu.memref_slice %arg6[%dma_wait3A_199, %dma_wait3A_200] : memref<80x125xi32, #tpu.memory_space<vmem>> -> memref<1x125xi32, #tpu.memory_space<vmem>>
      %dma_wait3A_202 = tpu.memref_squeeze %dma_wait3A_201 : memref<1x125xi32, #tpu.memory_space<vmem>> -> memref<125xi32, #tpu.memory_space<vmem>>
      %dma_wait3A_203 = arith.constant 0 : i32
      %dma_wait3A_204 = arith.constant 0 : i32
      %dma_wait3A_205 = tpu.memref_slice %arg2[%dma_wait3A_203, %dma_wait3A_204] : memref<10000x32xf32, #tpu.memory_space<hbm>> -> memref<10000x32xf32, #tpu.memory_space<hbm>>
      tpu.wait_indirect_dma semaphore(%arg20 : memref<!tpu.dma_semaphore, #tpu.memory_space<semaphore_mem>>) src(%dma_wait3A_205 : memref<10000x32xf32, #tpu.memory_space<hbm>>) dst(%arg10 : memref<125x32xf32, #tpu.memory_space<vmem>>)
      %add3A_206 = arith.constant 2 : i32
      %add3A_207 = arith.addi %mul3A_168, %add3A_206 : i32
      %dma_start3A_208 = arith.constant 0 : i32
      %dma_start3A_209 = tpu.memref_slice %arg7[%add3A_207, %dma_start3A_208] : memref<80x125xi32, #tpu.memory_space<vmem>> -> memref<1x125xi32, #tpu.memory_space<vmem>>
      %dma_start3A_210 = tpu.memref_squeeze %dma_start3A_209 : memref<1x125xi32, #tpu.memory_space<vmem>> -> memref<125xi32, #tpu.memory_space<vmem>>
      %dma_start3A_211 = arith.constant 0 : i32
      %dma_start3A_212 = arith.constant 0 : i32
      %dma_start3A_213 = tpu.memref_slice %arg17[%dma_start3A_211, %dma_start3A_212] : memref<10240x32xf32, #tpu.memory_space<vmem_shared>> -> memref<10240x32xf32, #tpu.memory_space<vmem_shared>>
      tpu.enqueue_indirect_dma source(%arg10 : memref<125x32xf32, #tpu.memory_space<vmem>>) target(%dma_start3A_213 : memref<10240x32xf32, #tpu.memory_space<vmem_shared>>) offsets(%dma_start3A_210 : memref<125xi32, #tpu.memory_space<vmem>>) semaphore(%arg28 : memref<!tpu.dma_semaphore, #tpu.memory_space<semaphore_mem>>) {add = true}
      %dma_wait3A_214 = arith.constant 0 : i32
      %dma_wait3A_215 = arith.constant 0 : i32
      %dma_wait3A_216 = tpu.memref_slice %arg6[%dma_wait3A_214, %dma_wait3A_215] : memref<80x125xi32, #tpu.memory_space<vmem>> -> memref<1x125xi32, #tpu.memory_space<vmem>>
      %dma_wait3A_217 = tpu.memref_squeeze %dma_wait3A_216 : memref<1x125xi32, #tpu.memory_space<vmem>> -> memref<125xi32, #tpu.memory_space<vmem>>
      %dma_wait3A_218 = arith.constant 0 : i32
      %dma_wait3A_219 = arith.constant 0 : i32
      %dma_wait3A_220 = tpu.memref_slice %arg2[%dma_wait3A_218, %dma_wait3A_219] : memref<10000x32xf32, #tpu.memory_space<hbm>> -> memref<10000x32xf32, #tpu.memory_space<hbm>>
      tpu.wait_indirect_dma semaphore(%arg21 : memref<!tpu.dma_semaphore, #tpu.memory_space<semaphore_mem>>) src(%dma_wait3A_220 : memref<10000x32xf32, #tpu.memory_space<hbm>>) dst(%arg11 : memref<125x32xf32, #tpu.memory_space<vmem>>)
      %add3A_221 = arith.constant 3 : i32
      %add3A_222 = arith.addi %mul3A_168, %add3A_221 : i32
      %dma_start3A_223 = arith.constant 0 : i32
      %dma_start3A_224 = tpu.memref_slice %arg7[%add3A_222, %dma_start3A_223] : memref<80x125xi32, #tpu.memory_space<vmem>> -> memref<1x125xi32, #tpu.memory_space<vmem>>
      %dma_start3A_225 = tpu.memref_squeeze %dma_start3A_224 : memref<1x125xi32, #tpu.memory_space<vmem>> -> memref<125xi32, #tpu.memory_space<vmem>>
      %dma_start3A_226 = arith.constant 0 : i32
      %dma_start3A_227 = arith.constant 0 : i32
      %dma_start3A_228 = tpu.memref_slice %arg17[%dma_start3A_226, %dma_start3A_227] : memref<10240x32xf32, #tpu.memory_space<vmem_shared>> -> memref<10240x32xf32, #tpu.memory_space<vmem_shared>>
      tpu.enqueue_indirect_dma source(%arg11 : memref<125x32xf32, #tpu.memory_space<vmem>>) target(%dma_start3A_228 : memref<10240x32xf32, #tpu.memory_space<vmem_shared>>) offsets(%dma_start3A_225 : memref<125xi32, #tpu.memory_space<vmem>>) semaphore(%arg29 : memref<!tpu.dma_semaphore, #tpu.memory_space<semaphore_mem>>) {add = true}
      %dma_wait3A_229 = arith.constant 0 : i32
      %dma_wait3A_230 = arith.constant 0 : i32
      %dma_wait3A_231 = tpu.memref_slice %arg6[%dma_wait3A_229, %dma_wait3A_230] : memref<80x125xi32, #tpu.memory_space<vmem>> -> memref<1x125xi32, #tpu.memory_space<vmem>>
      %dma_wait3A_232 = tpu.memref_squeeze %dma_wait3A_231 : memref<1x125xi32, #tpu.memory_space<vmem>> -> memref<125xi32, #tpu.memory_space<vmem>>
      %dma_wait3A_233 = arith.constant 0 : i32
      %dma_wait3A_234 = arith.constant 0 : i32
      %dma_wait3A_235 = tpu.memref_slice %arg2[%dma_wait3A_233, %dma_wait3A_234] : memref<10000x32xf32, #tpu.memory_space<hbm>> -> memref<10000x32xf32, #tpu.memory_space<hbm>>
      tpu.wait_indirect_dma semaphore(%arg22 : memref<!tpu.dma_semaphore, #tpu.memory_space<semaphore_mem>>) src(%dma_wait3A_235 : memref<10000x32xf32, #tpu.memory_space<hbm>>) dst(%arg12 : memref<125x32xf32, #tpu.memory_space<vmem>>)
      %add3A_236 = arith.constant 4 : i32
      %add3A_237 = arith.addi %mul3A_168, %add3A_236 : i32
      %dma_start3A_238 = arith.constant 0 : i32
      %dma_start3A_239 = tpu.memref_slice %arg7[%add3A_237, %dma_start3A_238] : memref<80x125xi32, #tpu.memory_space<vmem>> -> memref<1x125xi32, #tpu.memory_space<vmem>>
      %dma_start3A_240 = tpu.memref_squeeze %dma_start3A_239 : memref<1x125xi32, #tpu.memory_space<vmem>> -> memref<125xi32, #tpu.memory_space<vmem>>
      %dma_start3A_241 = arith.constant 0 : i32
      %dma_start3A_242 = arith.constant 0 : i32
      %dma_start3A_243 = tpu.memref_slice %arg17[%dma_start3A_241, %dma_start3A_242] : memref<10240x32xf32, #tpu.memory_space<vmem_shared>> -> memref<10240x32xf32, #tpu.memory_space<vmem_shared>>
      tpu.enqueue_indirect_dma source(%arg12 : memref<125x32xf32, #tpu.memory_space<vmem>>) target(%dma_start3A_243 : memref<10240x32xf32, #tpu.memory_space<vmem_shared>>) offsets(%dma_start3A_240 : memref<125xi32, #tpu.memory_space<vmem>>) semaphore(%arg30 : memref<!tpu.dma_semaphore, #tpu.memory_space<semaphore_mem>>) {add = true}
      %dma_wait3A_244 = arith.constant 0 : i32
      %dma_wait3A_245 = arith.constant 0 : i32
      %dma_wait3A_246 = tpu.memref_slice %arg6[%dma_wait3A_244, %dma_wait3A_245] : memref<80x125xi32, #tpu.memory_space<vmem>> -> memref<1x125xi32, #tpu.memory_space<vmem>>
      %dma_wait3A_247 = tpu.memref_squeeze %dma_wait3A_246 : memref<1x125xi32, #tpu.memory_space<vmem>> -> memref<125xi32, #tpu.memory_space<vmem>>
      %dma_wait3A_248 = arith.constant 0 : i32
      %dma_wait3A_249 = arith.constant 0 : i32
      %dma_wait3A_250 = tpu.memref_slice %arg2[%dma_wait3A_248, %dma_wait3A_249] : memref<10000x32xf32, #tpu.memory_space<hbm>> -> memref<10000x32xf32, #tpu.memory_space<hbm>>
      tpu.wait_indirect_dma semaphore(%arg23 : memref<!tpu.dma_semaphore, #tpu.memory_space<semaphore_mem>>) src(%dma_wait3A_250 : memref<10000x32xf32, #tpu.memory_space<hbm>>) dst(%arg13 : memref<125x32xf32, #tpu.memory_space<vmem>>)
      %add3A_251 = arith.constant 5 : i32
      %add3A_252 = arith.addi %mul3A_168, %add3A_251 : i32
      %dma_start3A_253 = arith.constant 0 : i32
      %dma_start3A_254 = tpu.memref_slice %arg7[%add3A_252, %dma_start3A_253] : memref<80x125xi32, #tpu.memory_space<vmem>> -> memref<1x125xi32, #tpu.memory_space<vmem>>
      %dma_start3A_255 = tpu.memref_squeeze %dma_start3A_254 : memref<1x125xi32, #tpu.memory_space<vmem>> -> memref<125xi32, #tpu.memory_space<vmem>>
      %dma_start3A_256 = arith.constant 0 : i32
      %dma_start3A_257 = arith.constant 0 : i32
      %dma_start3A_258 = tpu.memref_slice %arg17[%dma_start3A_256, %dma_start3A_257] : memref<10240x32xf32, #tpu.memory_space<vmem_shared>> -> memref<10240x32xf32, #tpu.memory_space<vmem_shared>>
      tpu.enqueue_indirect_dma source(%arg13 : memref<125x32xf32, #tpu.memory_space<vmem>>) target(%dma_start3A_258 : memref<10240x32xf32, #tpu.memory_space<vmem_shared>>) offsets(%dma_start3A_255 : memref<125xi32, #tpu.memory_space<vmem>>) semaphore(%arg31 : memref<!tpu.dma_semaphore, #tpu.memory_space<semaphore_mem>>) {add = true}
      %dma_wait3A_259 = arith.constant 0 : i32
      %dma_wait3A_260 = arith.constant 0 : i32
      %dma_wait3A_261 = tpu.memref_slice %arg6[%dma_wait3A_259, %dma_wait3A_260] : memref<80x125xi32, #tpu.memory_space<vmem>> -> memref<1x125xi32, #tpu.memory_space<vmem>>
      %dma_wait3A_262 = tpu.memref_squeeze %dma_wait3A_261 : memref<1x125xi32, #tpu.memory_space<vmem>> -> memref<125xi32, #tpu.memory_space<vmem>>
      %dma_wait3A_263 = arith.constant 0 : i32
      %dma_wait3A_264 = arith.constant 0 : i32
      %dma_wait3A_265 = tpu.memref_slice %arg2[%dma_wait3A_263, %dma_wait3A_264] : memref<10000x32xf32, #tpu.memory_space<hbm>> -> memref<10000x32xf32, #tpu.memory_space<hbm>>
      tpu.wait_indirect_dma semaphore(%arg24 : memref<!tpu.dma_semaphore, #tpu.memory_space<semaphore_mem>>) src(%dma_wait3A_265 : memref<10000x32xf32, #tpu.memory_space<hbm>>) dst(%arg14 : memref<125x32xf32, #tpu.memory_space<vmem>>)
      %add3A_266 = arith.constant 6 : i32
      %add3A_267 = arith.addi %mul3A_168, %add3A_266 : i32
      %dma_start3A_268 = arith.constant 0 : i32
      %dma_start3A_269 = tpu.memref_slice %arg7[%add3A_267, %dma_start3A_268] : memref<80x125xi32, #tpu.memory_space<vmem>> -> memref<1x125xi32, #tpu.memory_space<vmem>>
      %dma_start3A_270 = tpu.memref_squeeze %dma_start3A_269 : memref<1x125xi32, #tpu.memory_space<vmem>> -> memref<125xi32, #tpu.memory_space<vmem>>
      %dma_start3A_271 = arith.constant 0 : i32
      %dma_start3A_272 = arith.constant 0 : i32
      %dma_start3A_273 = tpu.memref_slice %arg17[%dma_start3A_271, %dma_start3A_272] : memref<10240x32xf32, #tpu.memory_space<vmem_shared>> -> memref<10240x32xf32, #tpu.memory_space<vmem_shared>>
      tpu.enqueue_indirect_dma source(%arg14 : memref<125x32xf32, #tpu.memory_space<vmem>>) target(%dma_start3A_273 : memref<10240x32xf32, #tpu.memory_space<vmem_shared>>) offsets(%dma_start3A_270 : memref<125xi32, #tpu.memory_space<vmem>>) semaphore(%arg32 : memref<!tpu.dma_semaphore, #tpu.memory_space<semaphore_mem>>) {add = true}
      %dma_wait3A_274 = arith.constant 0 : i32
      %dma_wait3A_275 = arith.constant 0 : i32
      %dma_wait3A_276 = tpu.memref_slice %arg6[%dma_wait3A_274, %dma_wait3A_275] : memref<80x125xi32, #tpu.memory_space<vmem>> -> memref<1x125xi32, #tpu.memory_space<vmem>>
      %dma_wait3A_277 = tpu.memref_squeeze %dma_wait3A_276 : memref<1x125xi32, #tpu.memory_space<vmem>> -> memref<125xi32, #tpu.memory_space<vmem>>
      %dma_wait3A_278 = arith.constant 0 : i32
      %dma_wait3A_279 = arith.constant 0 : i32
      %dma_wait3A_280 = tpu.memref_slice %arg2[%dma_wait3A_278, %dma_wait3A_279] : memref<10000x32xf32, #tpu.memory_space<hbm>> -> memref<10000x32xf32, #tpu.memory_space<hbm>>
      tpu.wait_indirect_dma semaphore(%arg25 : memref<!tpu.dma_semaphore, #tpu.memory_space<semaphore_mem>>) src(%dma_wait3A_280 : memref<10000x32xf32, #tpu.memory_space<hbm>>) dst(%arg15 : memref<125x32xf32, #tpu.memory_space<vmem>>)
      %add3A_281 = arith.constant 7 : i32
      %add3A_282 = arith.addi %mul3A_168, %add3A_281 : i32
      %dma_start3A_283 = arith.constant 0 : i32
      %dma_start3A_284 = tpu.memref_slice %arg7[%add3A_282, %dma_start3A_283] : memref<80x125xi32, #tpu.memory_space<vmem>> -> memref<1x125xi32, #tpu.memory_space<vmem>>
      %dma_start3A_285 = tpu.memref_squeeze %dma_start3A_284 : memref<1x125xi32, #tpu.memory_space<vmem>> -> memref<125xi32, #tpu.memory_space<vmem>>
      %dma_start3A_286 = arith.constant 0 : i32
      %dma_start3A_287 = arith.constant 0 : i32
      %dma_start3A_288 = tpu.memref_slice %arg17[%dma_start3A_286, %dma_start3A_287] : memref<10240x32xf32, #tpu.memory_space<vmem_shared>> -> memref<10240x32xf32, #tpu.memory_space<vmem_shared>>
      tpu.enqueue_indirect_dma source(%arg15 : memref<125x32xf32, #tpu.memory_space<vmem>>) target(%dma_start3A_288 : memref<10240x32xf32, #tpu.memory_space<vmem_shared>>) offsets(%dma_start3A_285 : memref<125xi32, #tpu.memory_space<vmem>>) semaphore(%arg33 : memref<!tpu.dma_semaphore, #tpu.memory_space<semaphore_mem>>) {add = true}
      %lt3A = arith.constant 9 : i32
      %lt3A_289 = arith.cmpi slt, %scan3A_166, %lt3A : i32
      %convert_element_type3A = arith.extui %lt3A_289 : i1 to i32
      %cond3A = arith.constant 0 : i32
      %cond3A_290 = arith.cmpi ne, %convert_element_type3A, %cond3A : i32
      scf.if %cond3A_290 {
        %dma_wait3A_291 = arith.constant 0 : i32
        %dma_wait3A_292 = arith.constant 0 : i32
        %dma_wait3A_293 = tpu.memref_slice %arg7[%dma_wait3A_291, %dma_wait3A_292] : memref<80x125xi32, #tpu.memory_space<vmem>> -> memref<1x125xi32, #tpu.memory_space<vmem>>
        %dma_wait3A_294 = tpu.memref_squeeze %dma_wait3A_293 : memref<1x125xi32, #tpu.memory_space<vmem>> -> memref<125xi32, #tpu.memory_space<vmem>>
        %dma_wait3A_295 = arith.constant 0 : i32
        %dma_wait3A_296 = arith.constant 0 : i32
        %dma_wait3A_297 = tpu.memref_slice %arg17[%dma_wait3A_295, %dma_wait3A_296] : memref<10240x32xf32, #tpu.memory_space<vmem_shared>> -> memref<10240x32xf32, #tpu.memory_space<vmem_shared>>
        tpu.wait_indirect_dma semaphore(%arg26 : memref<!tpu.dma_semaphore, #tpu.memory_space<semaphore_mem>>) src(%arg8 : memref<125x32xf32, #tpu.memory_space<vmem>>) dst(%dma_wait3A_297 : memref<10240x32xf32, #tpu.memory_space<vmem_shared>>)
        %add3A_298 = arith.constant 8 : i32
        %add3A_299 = arith.addi %mul3A_168, %add3A_298 : i32
        %add3A_300 = arith.constant 0 : i32
        %add3A_301 = arith.addi %add3A_299, %add3A_300 : i32
        %dma_start3A_302 = arith.constant 0 : i32
        %dma_start3A_303 = tpu.memref_slice %arg6[%add3A_301, %dma_start3A_302] : memref<80x125xi32, #tpu.memory_space<vmem>> -> memref<1x125xi32, #tpu.memory_space<vmem>>
        %dma_start3A_304 = tpu.memref_squeeze %dma_start3A_303 : memref<1x125xi32, #tpu.memory_space<vmem>> -> memref<125xi32, #tpu.memory_space<vmem>>
        %dma_start3A_305 = arith.constant 0 : i32
        %dma_start3A_306 = arith.constant 0 : i32
        %dma_start3A_307 = tpu.memref_slice %arg2[%dma_start3A_305, %dma_start3A_306] : memref<10000x32xf32, #tpu.memory_space<hbm>> -> memref<10000x32xf32, #tpu.memory_space<hbm>>
        tpu.enqueue_indirect_dma source(%dma_start3A_307 : memref<10000x32xf32, #tpu.memory_space<hbm>>) target(%arg8 : memref<125x32xf32, #tpu.memory_space<vmem>>) offsets(%dma_start3A_304 : memref<125xi32, #tpu.memory_space<vmem>>) semaphore(%arg18 : memref<!tpu.dma_semaphore, #tpu.memory_space<semaphore_mem>>)
        %dma_wait3A_308 = arith.constant 0 : i32
        %dma_wait3A_309 = arith.constant 0 : i32
        %dma_wait3A_310 = tpu.memref_slice %arg7[%dma_wait3A_308, %dma_wait3A_309] : memref<80x125xi32, #tpu.memory_space<vmem>> -> memref<1x125xi32, #tpu.memory_space<vmem>>
        %dma_wait3A_311 = tpu.memref_squeeze %dma_wait3A_310 : memref<1x125xi32, #tpu.memory_space<vmem>> -> memref<125xi32, #tpu.memory_space<vmem>>
        %dma_wait3A_312 = arith.constant 0 : i32
        %dma_wait3A_313 = arith.constant 0 : i32
        %dma_wait3A_314 = tpu.memref_slice %arg17[%dma_wait3A_312, %dma_wait3A_313] : memref<10240x32xf32, #tpu.memory_space<vmem_shared>> -> memref<10240x32xf32, #tpu.memory_space<vmem_shared>>
        tpu.wait_indirect_dma semaphore(%arg27 : memref<!tpu.dma_semaphore, #tpu.memory_space<semaphore_mem>>) src(%arg9 : memref<125x32xf32, #tpu.memory_space<vmem>>) dst(%dma_wait3A_314 : memref<10240x32xf32, #tpu.memory_space<vmem_shared>>)
        %add3A_315 = arith.constant 8 : i32
        %add3A_316 = arith.addi %mul3A_168, %add3A_315 : i32
        %add3A_317 = arith.constant 1 : i32
        %add3A_318 = arith.addi %add3A_316, %add3A_317 : i32
        %dma_start3A_319 = arith.constant 0 : i32
        %dma_start3A_320 = tpu.memref_slice %arg6[%add3A_318, %dma_start3A_319] : memref<80x125xi32, #tpu.memory_space<vmem>> -> memref<1x125xi32, #tpu.memory_space<vmem>>
        %dma_start3A_321 = tpu.memref_squeeze %dma_start3A_320 : memref<1x125xi32, #tpu.memory_space<vmem>> -> memref<125xi32, #tpu.memory_space<vmem>>
        %dma_start3A_322 = arith.constant 0 : i32
        %dma_start3A_323 = arith.constant 0 : i32
        %dma_start3A_324 = tpu.memref_slice %arg2[%dma_start3A_322, %dma_start3A_323] : memref<10000x32xf32, #tpu.memory_space<hbm>> -> memref<10000x32xf32, #tpu.memory_space<hbm>>
        tpu.enqueue_indirect_dma source(%dma_start3A_324 : memref<10000x32xf32, #tpu.memory_space<hbm>>) target(%arg9 : memref<125x32xf32, #tpu.memory_space<vmem>>) offsets(%dma_start3A_321 : memref<125xi32, #tpu.memory_space<vmem>>) semaphore(%arg19 : memref<!tpu.dma_semaphore, #tpu.memory_space<semaphore_mem>>)
        %dma_wait3A_325 = arith.constant 0 : i32
        %dma_wait3A_326 = arith.constant 0 : i32
        %dma_wait3A_327 = tpu.memref_slice %arg7[%dma_wait3A_325, %dma_wait3A_326] : memref<80x125xi32, #tpu.memory_space<vmem>> -> memref<1x125xi32, #tpu.memory_space<vmem>>
        %dma_wait3A_328 = tpu.memref_squeeze %dma_wait3A_327 : memref<1x125xi32, #tpu.memory_space<vmem>> -> memref<125xi32, #tpu.memory_space<vmem>>
        %dma_wait3A_329 = arith.constant 0 : i32
        %dma_wait3A_330 = arith.constant 0 : i32
        %dma_wait3A_331 = tpu.memref_slice %arg17[%dma_wait3A_329, %dma_wait3A_330] : memref<10240x32xf32, #tpu.memory_space<vmem_shared>> -> memref<10240x32xf32, #tpu.memory_space<vmem_shared>>
        tpu.wait_indirect_dma semaphore(%arg28 : memref<!tpu.dma_semaphore, #tpu.memory_space<semaphore_mem>>) src(%arg10 : memref<125x32xf32, #tpu.memory_space<vmem>>) dst(%dma_wait3A_331 : memref<10240x32xf32, #tpu.memory_space<vmem_shared>>)
        %add3A_332 = arith.constant 8 : i32
        %add3A_333 = arith.addi %mul3A_168, %add3A_332 : i32
        %add3A_334 = arith.constant 2 : i32
        %add3A_335 = arith.addi %add3A_333, %add3A_334 : i32
        %dma_start3A_336 = arith.constant 0 : i32
        %dma_start3A_337 = tpu.memref_slice %arg6[%add3A_335, %dma_start3A_336] : memref<80x125xi32, #tpu.memory_space<vmem>> -> memref<1x125xi32, #tpu.memory_space<vmem>>
        %dma_start3A_338 = tpu.memref_squeeze %dma_start3A_337 : memref<1x125xi32, #tpu.memory_space<vmem>> -> memref<125xi32, #tpu.memory_space<vmem>>
        %dma_start3A_339 = arith.constant 0 : i32
        %dma_start3A_340 = arith.constant 0 : i32
        %dma_start3A_341 = tpu.memref_slice %arg2[%dma_start3A_339, %dma_start3A_340] : memref<10000x32xf32, #tpu.memory_space<hbm>> -> memref<10000x32xf32, #tpu.memory_space<hbm>>
        tpu.enqueue_indirect_dma source(%dma_start3A_341 : memref<10000x32xf32, #tpu.memory_space<hbm>>) target(%arg10 : memref<125x32xf32, #tpu.memory_space<vmem>>) offsets(%dma_start3A_338 : memref<125xi32, #tpu.memory_space<vmem>>) semaphore(%arg20 : memref<!tpu.dma_semaphore, #tpu.memory_space<semaphore_mem>>)
        %dma_wait3A_342 = arith.constant 0 : i32
        %dma_wait3A_343 = arith.constant 0 : i32
        %dma_wait3A_344 = tpu.memref_slice %arg7[%dma_wait3A_342, %dma_wait3A_343] : memref<80x125xi32, #tpu.memory_space<vmem>> -> memref<1x125xi32, #tpu.memory_space<vmem>>
        %dma_wait3A_345 = tpu.memref_squeeze %dma_wait3A_344 : memref<1x125xi32, #tpu.memory_space<vmem>> -> memref<125xi32, #tpu.memory_space<vmem>>
        %dma_wait3A_346 = arith.constant 0 : i32
        %dma_wait3A_347 = arith.constant 0 : i32
        %dma_wait3A_348 = tpu.memref_slice %arg17[%dma_wait3A_346, %dma_wait3A_347] : memref<10240x32xf32, #tpu.memory_space<vmem_shared>> -> memref<10240x32xf32, #tpu.memory_space<vmem_shared>>
        tpu.wait_indirect_dma semaphore(%arg29 : memref<!tpu.dma_semaphore, #tpu.memory_space<semaphore_mem>>) src(%arg11 : memref<125x32xf32, #tpu.memory_space<vmem>>) dst(%dma_wait3A_348 : memref<10240x32xf32, #tpu.memory_space<vmem_shared>>)
        %add3A_349 = arith.constant 8 : i32
        %add3A_350 = arith.addi %mul3A_168, %add3A_349 : i32
        %add3A_351 = arith.constant 3 : i32
        %add3A_352 = arith.addi %add3A_350, %add3A_351 : i32
        %dma_start3A_353 = arith.constant 0 : i32
        %dma_start3A_354 = tpu.memref_slice %arg6[%add3A_352, %dma_start3A_353] : memref<80x125xi32, #tpu.memory_space<vmem>> -> memref<1x125xi32, #tpu.memory_space<vmem>>
        %dma_start3A_355 = tpu.memref_squeeze %dma_start3A_354 : memref<1x125xi32, #tpu.memory_space<vmem>> -> memref<125xi32, #tpu.memory_space<vmem>>
        %dma_start3A_356 = arith.constant 0 : i32
        %dma_start3A_357 = arith.constant 0 : i32
        %dma_start3A_358 = tpu.memref_slice %arg2[%dma_start3A_356, %dma_start3A_357] : memref<10000x32xf32, #tpu.memory_space<hbm>> -> memref<10000x32xf32, #tpu.memory_space<hbm>>
        tpu.enqueue_indirect_dma source(%dma_start3A_358 : memref<10000x32xf32, #tpu.memory_space<hbm>>) target(%arg11 : memref<125x32xf32, #tpu.memory_space<vmem>>) offsets(%dma_start3A_355 : memref<125xi32, #tpu.memory_space<vmem>>) semaphore(%arg21 : memref<!tpu.dma_semaphore, #tpu.memory_space<semaphore_mem>>)
        %dma_wait3A_359 = arith.constant 0 : i32
        %dma_wait3A_360 = arith.constant 0 : i32
        %dma_wait3A_361 = tpu.memref_slice %arg7[%dma_wait3A_359, %dma_wait3A_360] : memref<80x125xi32, #tpu.memory_space<vmem>> -> memref<1x125xi32, #tpu.memory_space<vmem>>
        %dma_wait3A_362 = tpu.memref_squeeze %dma_wait3A_361 : memref<1x125xi32, #tpu.memory_space<vmem>> -> memref<125xi32, #tpu.memory_space<vmem>>
        %dma_wait3A_363 = arith.constant 0 : i32
        %dma_wait3A_364 = arith.constant 0 : i32
        %dma_wait3A_365 = tpu.memref_slice %arg17[%dma_wait3A_363, %dma_wait3A_364] : memref<10240x32xf32, #tpu.memory_space<vmem_shared>> -> memref<10240x32xf32, #tpu.memory_space<vmem_shared>>
        tpu.wait_indirect_dma semaphore(%arg30 : memref<!tpu.dma_semaphore, #tpu.memory_space<semaphore_mem>>) src(%arg12 : memref<125x32xf32, #tpu.memory_space<vmem>>) dst(%dma_wait3A_365 : memref<10240x32xf32, #tpu.memory_space<vmem_shared>>)
        %add3A_366 = arith.constant 8 : i32
        %add3A_367 = arith.addi %mul3A_168, %add3A_366 : i32
        %add3A_368 = arith.constant 4 : i32
        %add3A_369 = arith.addi %add3A_367, %add3A_368 : i32
        %dma_start3A_370 = arith.constant 0 : i32
        %dma_start3A_371 = tpu.memref_slice %arg6[%add3A_369, %dma_start3A_370] : memref<80x125xi32, #tpu.memory_space<vmem>> -> memref<1x125xi32, #tpu.memory_space<vmem>>
        %dma_start3A_372 = tpu.memref_squeeze %dma_start3A_371 : memref<1x125xi32, #tpu.memory_space<vmem>> -> memref<125xi32, #tpu.memory_space<vmem>>
        %dma_start3A_373 = arith.constant 0 : i32
        %dma_start3A_374 = arith.constant 0 : i32
        %dma_start3A_375 = tpu.memref_slice %arg2[%dma_start3A_373, %dma_start3A_374] : memref<10000x32xf32, #tpu.memory_space<hbm>> -> memref<10000x32xf32, #tpu.memory_space<hbm>>
        tpu.enqueue_indirect_dma source(%dma_start3A_375 : memref<10000x32xf32, #tpu.memory_space<hbm>>) target(%arg12 : memref<125x32xf32, #tpu.memory_space<vmem>>) offsets(%dma_start3A_372 : memref<125xi32, #tpu.memory_space<vmem>>) semaphore(%arg22 : memref<!tpu.dma_semaphore, #tpu.memory_space<semaphore_mem>>)
        %dma_wait3A_376 = arith.constant 0 : i32
        %dma_wait3A_377 = arith.constant 0 : i32
        %dma_wait3A_378 = tpu.memref_slice %arg7[%dma_wait3A_376, %dma_wait3A_377] : memref<80x125xi32, #tpu.memory_space<vmem>> -> memref<1x125xi32, #tpu.memory_space<vmem>>
        %dma_wait3A_379 = tpu.memref_squeeze %dma_wait3A_378 : memref<1x125xi32, #tpu.memory_space<vmem>> -> memref<125xi32, #tpu.memory_space<vmem>>
        %dma_wait3A_380 = arith.constant 0 : i32
        %dma_wait3A_381 = arith.constant 0 : i32
        %dma_wait3A_382 = tpu.memref_slice %arg17[%dma_wait3A_380, %dma_wait3A_381] : memref<10240x32xf32, #tpu.memory_space<vmem_shared>> -> memref<10240x32xf32, #tpu.memory_space<vmem_shared>>
        tpu.wait_indirect_dma semaphore(%arg31 : memref<!tpu.dma_semaphore, #tpu.memory_space<semaphore_mem>>) src(%arg13 : memref<125x32xf32, #tpu.memory_space<vmem>>) dst(%dma_wait3A_382 : memref<10240x32xf32, #tpu.memory_space<vmem_shared>>)
        %add3A_383 = arith.constant 8 : i32
        %add3A_384 = arith.addi %mul3A_168, %add3A_383 : i32
        %add3A_385 = arith.constant 5 : i32
        %add3A_386 = arith.addi %add3A_384, %add3A_385 : i32
        %dma_start3A_387 = arith.constant 0 : i32
        %dma_start3A_388 = tpu.memref_slice %arg6[%add3A_386, %dma_start3A_387] : memref<80x125xi32, #tpu.memory_space<vmem>> -> memref<1x125xi32, #tpu.memory_space<vmem>>
        %dma_start3A_389 = tpu.memref_squeeze %dma_start3A_388 : memref<1x125xi32, #tpu.memory_space<vmem>> -> memref<125xi32, #tpu.memory_space<vmem>>
        %dma_start3A_390 = arith.constant 0 : i32
        %dma_start3A_391 = arith.constant 0 : i32
        %dma_start3A_392 = tpu.memref_slice %arg2[%dma_start3A_390, %dma_start3A_391] : memref<10000x32xf32, #tpu.memory_space<hbm>> -> memref<10000x32xf32, #tpu.memory_space<hbm>>
        tpu.enqueue_indirect_dma source(%dma_start3A_392 : memref<10000x32xf32, #tpu.memory_space<hbm>>) target(%arg13 : memref<125x32xf32, #tpu.memory_space<vmem>>) offsets(%dma_start3A_389 : memref<125xi32, #tpu.memory_space<vmem>>) semaphore(%arg23 : memref<!tpu.dma_semaphore, #tpu.memory_space<semaphore_mem>>)
        %dma_wait3A_393 = arith.constant 0 : i32
        %dma_wait3A_394 = arith.constant 0 : i32
        %dma_wait3A_395 = tpu.memref_slice %arg7[%dma_wait3A_393, %dma_wait3A_394] : memref<80x125xi32, #tpu.memory_space<vmem>> -> memref<1x125xi32, #tpu.memory_space<vmem>>
        %dma_wait3A_396 = tpu.memref_squeeze %dma_wait3A_395 : memref<1x125xi32, #tpu.memory_space<vmem>> -> memref<125xi32, #tpu.memory_space<vmem>>
        %dma_wait3A_397 = arith.constant 0 : i32
        %dma_wait3A_398 = arith.constant 0 : i32
        %dma_wait3A_399 = tpu.memref_slice %arg17[%dma_wait3A_397, %dma_wait3A_398] : memref<10240x32xf32, #tpu.memory_space<vmem_shared>> -> memref<10240x32xf32, #tpu.memory_space<vmem_shared>>
        tpu.wait_indirect_dma semaphore(%arg32 : memref<!tpu.dma_semaphore, #tpu.memory_space<semaphore_mem>>) src(%arg14 : memref<125x32xf32, #tpu.memory_space<vmem>>) dst(%dma_wait3A_399 : memref<10240x32xf32, #tpu.memory_space<vmem_shared>>)
        %add3A_400 = arith.constant 8 : i32
        %add3A_401 = arith.addi %mul3A_168, %add3A_400 : i32
        %add3A_402 = arith.constant 6 : i32
        %add3A_403 = arith.addi %add3A_401, %add3A_402 : i32
        %dma_start3A_404 = arith.constant 0 : i32
        %dma_start3A_405 = tpu.memref_slice %arg6[%add3A_403, %dma_start3A_404] : memref<80x125xi32, #tpu.memory_space<vmem>> -> memref<1x125xi32, #tpu.memory_space<vmem>>
        %dma_start3A_406 = tpu.memref_squeeze %dma_start3A_405 : memref<1x125xi32, #tpu.memory_space<vmem>> -> memref<125xi32, #tpu.memory_space<vmem>>
        %dma_start3A_407 = arith.constant 0 : i32
        %dma_start3A_408 = arith.constant 0 : i32
        %dma_start3A_409 = tpu.memref_slice %arg2[%dma_start3A_407, %dma_start3A_408] : memref<10000x32xf32, #tpu.memory_space<hbm>> -> memref<10000x32xf32, #tpu.memory_space<hbm>>
        tpu.enqueue_indirect_dma source(%dma_start3A_409 : memref<10000x32xf32, #tpu.memory_space<hbm>>) target(%arg14 : memref<125x32xf32, #tpu.memory_space<vmem>>) offsets(%dma_start3A_406 : memref<125xi32, #tpu.memory_space<vmem>>) semaphore(%arg24 : memref<!tpu.dma_semaphore, #tpu.memory_space<semaphore_mem>>)
        %dma_wait3A_410 = arith.constant 0 : i32
        %dma_wait3A_411 = arith.constant 0 : i32
        %dma_wait3A_412 = tpu.memref_slice %arg7[%dma_wait3A_410, %dma_wait3A_411] : memref<80x125xi32, #tpu.memory_space<vmem>> -> memref<1x125xi32, #tpu.memory_space<vmem>>
        %dma_wait3A_413 = tpu.memref_squeeze %dma_wait3A_412 : memref<1x125xi32, #tpu.memory_space<vmem>> -> memref<125xi32, #tpu.memory_space<vmem>>
        %dma_wait3A_414 = arith.constant 0 : i32
        %dma_wait3A_415 = arith.constant 0 : i32
        %dma_wait3A_416 = tpu.memref_slice %arg17[%dma_wait3A_414, %dma_wait3A_415] : memref<10240x32xf32, #tpu.memory_space<vmem_shared>> -> memref<10240x32xf32, #tpu.memory_space<vmem_shared>>
        tpu.wait_indirect_dma semaphore(%arg33 : memref<!tpu.dma_semaphore, #tpu.memory_space<semaphore_mem>>) src(%arg15 : memref<125x32xf32, #tpu.memory_space<vmem>>) dst(%dma_wait3A_416 : memref<10240x32xf32, #tpu.memory_space<vmem_shared>>)
        %add3A_417 = arith.constant 8 : i32
        %add3A_418 = arith.addi %mul3A_168, %add3A_417 : i32
        %add3A_419 = arith.constant 7 : i32
        %add3A_420 = arith.addi %add3A_418, %add3A_419 : i32
        %dma_start3A_421 = arith.constant 0 : i32
        %dma_start3A_422 = tpu.memref_slice %arg6[%add3A_420, %dma_start3A_421] : memref<80x125xi32, #tpu.memory_space<vmem>> -> memref<1x125xi32, #tpu.memory_space<vmem>>
        %dma_start3A_423 = tpu.memref_squeeze %dma_start3A_422 : memref<1x125xi32, #tpu.memory_space<vmem>> -> memref<125xi32, #tpu.memory_space<vmem>>
        %dma_start3A_424 = arith.constant 0 : i32
        %dma_start3A_425 = arith.constant 0 : i32
        %dma_start3A_426 = tpu.memref_slice %arg2[%dma_start3A_424, %dma_start3A_425] : memref<10000x32xf32, #tpu.memory_space<hbm>> -> memref<10000x32xf32, #tpu.memory_space<hbm>>
        tpu.enqueue_indirect_dma source(%dma_start3A_426 : memref<10000x32xf32, #tpu.memory_space<hbm>>) target(%arg15 : memref<125x32xf32, #tpu.memory_space<vmem>>) offsets(%dma_start3A_423 : memref<125xi32, #tpu.memory_space<vmem>>) semaphore(%arg25 : memref<!tpu.dma_semaphore, #tpu.memory_space<semaphore_mem>>)
      } else {
      }
    }
    %scan3A_89 = arith.constant 10 : i32
    %dma_wait3A = arith.constant 0 : i32
    %dma_wait3A_90 = arith.constant 0 : i32
    %dma_wait3A_91 = tpu.memref_slice %arg7[%dma_wait3A, %dma_wait3A_90] : memref<80x125xi32, #tpu.memory_space<vmem>> -> memref<1x125xi32, #tpu.memory_space<vmem>>
    %dma_wait3A_92 = tpu.memref_squeeze %dma_wait3A_91 : memref<1x125xi32, #tpu.memory_space<vmem>> -> memref<125xi32, #tpu.memory_space<vmem>>
    %dma_wait3A_93 = arith.constant 0 : i32
    %dma_wait3A_94 = arith.constant 0 : i32
    %dma_wait3A_95 = tpu.memref_slice %arg17[%dma_wait3A_93, %dma_wait3A_94] : memref<10240x32xf32, #tpu.memory_space<vmem_shared>> -> memref<10240x32xf32, #tpu.memory_space<vmem_shared>>
    tpu.wait_indirect_dma semaphore(%arg26 : memref<!tpu.dma_semaphore, #tpu.memory_space<semaphore_mem>>) src(%arg8 : memref<125x32xf32, #tpu.memory_space<vmem>>) dst(%dma_wait3A_95 : memref<10240x32xf32, #tpu.memory_space<vmem_shared>>)
    %dma_wait3A_96 = arith.constant 0 : i32
    %dma_wait3A_97 = arith.constant 0 : i32
    %dma_wait3A_98 = tpu.memref_slice %arg7[%dma_wait3A_96, %dma_wait3A_97] : memref<80x125xi32, #tpu.memory_space<vmem>> -> memref<1x125xi32, #tpu.memory_space<vmem>>
    %dma_wait3A_99 = tpu.memref_squeeze %dma_wait3A_98 : memref<1x125xi32, #tpu.memory_space<vmem>> -> memref<125xi32, #tpu.memory_space<vmem>>
    %dma_wait3A_100 = arith.constant 0 : i32
    %dma_wait3A_101 = arith.constant 0 : i32
    %dma_wait3A_102 = tpu.memref_slice %arg17[%dma_wait3A_100, %dma_wait3A_101] : memref<10240x32xf32, #tpu.memory_space<vmem_shared>> -> memref<10240x32xf32, #tpu.memory_space<vmem_shared>>
    tpu.wait_indirect_dma semaphore(%arg27 : memref<!tpu.dma_semaphore, #tpu.memory_space<semaphore_mem>>) src(%arg9 : memref<125x32xf32, #tpu.memory_space<vmem>>) dst(%dma_wait3A_102 : memref<10240x32xf32, #tpu.memory_space<vmem_shared>>)
    %dma_wait3A_103 = arith.constant 0 : i32
    %dma_wait3A_104 = arith.constant 0 : i32
    %dma_wait3A_105 = tpu.memref_slice %arg7[%dma_wait3A_103, %dma_wait3A_104] : memref<80x125xi32, #tpu.memory_space<vmem>> -> memref<1x125xi32, #tpu.memory_space<vmem>>
    %dma_wait3A_106 = tpu.memref_squeeze %dma_wait3A_105 : memref<1x125xi32, #tpu.memory_space<vmem>> -> memref<125xi32, #tpu.memory_space<vmem>>
    %dma_wait3A_107 = arith.constant 0 : i32
    %dma_wait3A_108 = arith.constant 0 : i32
    %dma_wait3A_109 = tpu.memref_slice %arg17[%dma_wait3A_107, %dma_wait3A_108] : memref<10240x32xf32, #tpu.memory_space<vmem_shared>> -> memref<10240x32xf32, #tpu.memory_space<vmem_shared>>
    tpu.wait_indirect_dma semaphore(%arg28 : memref<!tpu.dma_semaphore, #tpu.memory_space<semaphore_mem>>) src(%arg10 : memref<125x32xf32, #tpu.memory_space<vmem>>) dst(%dma_wait3A_109 : memref<10240x32xf32, #tpu.memory_space<vmem_shared>>)
    %dma_wait3A_110 = arith.constant 0 : i32
    %dma_wait3A_111 = arith.constant 0 : i32
    %dma_wait3A_112 = tpu.memref_slice %arg7[%dma_wait3A_110, %dma_wait3A_111] : memref<80x125xi32, #tpu.memory_space<vmem>> -> memref<1x125xi32, #tpu.memory_space<vmem>>
    %dma_wait3A_113 = tpu.memref_squeeze %dma_wait3A_112 : memref<1x125xi32, #tpu.memory_space<vmem>> -> memref<125xi32, #tpu.memory_space<vmem>>
    %dma_wait3A_114 = arith.constant 0 : i32
    %dma_wait3A_115 = arith.constant 0 : i32
    %dma_wait3A_116 = tpu.memref_slice %arg17[%dma_wait3A_114, %dma_wait3A_115] : memref<10240x32xf32, #tpu.memory_space<vmem_shared>> -> memref<10240x32xf32, #tpu.memory_space<vmem_shared>>
    tpu.wait_indirect_dma semaphore(%arg29 : memref<!tpu.dma_semaphore, #tpu.memory_space<semaphore_mem>>) src(%arg11 : memref<125x32xf32, #tpu.memory_space<vmem>>) dst(%dma_wait3A_116 : memref<10240x32xf32, #tpu.memory_space<vmem_shared>>)
    %dma_wait3A_117 = arith.constant 0 : i32
    %dma_wait3A_118 = arith.constant 0 : i32
    %dma_wait3A_119 = tpu.memref_slice %arg7[%dma_wait3A_117, %dma_wait3A_118] : memref<80x125xi32, #tpu.memory_space<vmem>> -> memref<1x125xi32, #tpu.memory_space<vmem>>
    %dma_wait3A_120 = tpu.memref_squeeze %dma_wait3A_119 : memref<1x125xi32, #tpu.memory_space<vmem>> -> memref<125xi32, #tpu.memory_space<vmem>>
    %dma_wait3A_121 = arith.constant 0 : i32
    %dma_wait3A_122 = arith.constant 0 : i32
    %dma_wait3A_123 = tpu.memref_slice %arg17[%dma_wait3A_121, %dma_wait3A_122] : memref<10240x32xf32, #tpu.memory_space<vmem_shared>> -> memref<10240x32xf32, #tpu.memory_space<vmem_shared>>
    tpu.wait_indirect_dma semaphore(%arg30 : memref<!tpu.dma_semaphore, #tpu.memory_space<semaphore_mem>>) src(%arg12 : memref<125x32xf32, #tpu.memory_space<vmem>>) dst(%dma_wait3A_123 : memref<10240x32xf32, #tpu.memory_space<vmem_shared>>)
    %dma_wait3A_124 = arith.constant 0 : i32
    %dma_wait3A_125 = arith.constant 0 : i32
    %dma_wait3A_126 = tpu.memref_slice %arg7[%dma_wait3A_124, %dma_wait3A_125] : memref<80x125xi32, #tpu.memory_space<vmem>> -> memref<1x125xi32, #tpu.memory_space<vmem>>
    %dma_wait3A_127 = tpu.memref_squeeze %dma_wait3A_126 : memref<1x125xi32, #tpu.memory_space<vmem>> -> memref<125xi32, #tpu.memory_space<vmem>>
    %dma_wait3A_128 = arith.constant 0 : i32
    %dma_wait3A_129 = arith.constant 0 : i32
    %dma_wait3A_130 = tpu.memref_slice %arg17[%dma_wait3A_128, %dma_wait3A_129] : memref<10240x32xf32, #tpu.memory_space<vmem_shared>> -> memref<10240x32xf32, #tpu.memory_space<vmem_shared>>
    tpu.wait_indirect_dma semaphore(%arg31 : memref<!tpu.dma_semaphore, #tpu.memory_space<semaphore_mem>>) src(%arg13 : memref<125x32xf32, #tpu.memory_space<vmem>>) dst(%dma_wait3A_130 : memref<10240x32xf32, #tpu.memory_space<vmem_shared>>)
    %dma_wait3A_131 = arith.constant 0 : i32
    %dma_wait3A_132 = arith.constant 0 : i32
    %dma_wait3A_133 = tpu.memref_slice %arg7[%dma_wait3A_131, %dma_wait3A_132] : memref<80x125xi32, #tpu.memory_space<vmem>> -> memref<1x125xi32, #tpu.memory_space<vmem>>
    %dma_wait3A_134 = tpu.memref_squeeze %dma_wait3A_133 : memref<1x125xi32, #tpu.memory_space<vmem>> -> memref<125xi32, #tpu.memory_space<vmem>>
    %dma_wait3A_135 = arith.constant 0 : i32
    %dma_wait3A_136 = arith.constant 0 : i32
    %dma_wait3A_137 = tpu.memref_slice %arg17[%dma_wait3A_135, %dma_wait3A_136] : memref<10240x32xf32, #tpu.memory_space<vmem_shared>> -> memref<10240x32xf32, #tpu.memory_space<vmem_shared>>
    tpu.wait_indirect_dma semaphore(%arg32 : memref<!tpu.dma_semaphore, #tpu.memory_space<semaphore_mem>>) src(%arg14 : memref<125x32xf32, #tpu.memory_space<vmem>>) dst(%dma_wait3A_137 : memref<10240x32xf32, #tpu.memory_space<vmem_shared>>)
    %dma_wait3A_138 = arith.constant 0 : i32
    %dma_wait3A_139 = arith.constant 0 : i32
    %dma_wait3A_140 = tpu.memref_slice %arg7[%dma_wait3A_138, %dma_wait3A_139] : memref<80x125xi32, #tpu.memory_space<vmem>> -> memref<1x125xi32, #tpu.memory_space<vmem>>
    %dma_wait3A_141 = tpu.memref_squeeze %dma_wait3A_140 : memref<1x125xi32, #tpu.memory_space<vmem>> -> memref<125xi32, #tpu.memory_space<vmem>>
    %dma_wait3A_142 = arith.constant 0 : i32
    %dma_wait3A_143 = arith.constant 0 : i32
    %dma_wait3A_144 = tpu.memref_slice %arg17[%dma_wait3A_142, %dma_wait3A_143] : memref<10240x32xf32, #tpu.memory_space<vmem_shared>> -> memref<10240x32xf32, #tpu.memory_space<vmem_shared>>
    tpu.wait_indirect_dma semaphore(%arg33 : memref<!tpu.dma_semaphore, #tpu.memory_space<semaphore_mem>>) src(%arg15 : memref<125x32xf32, #tpu.memory_space<vmem>>) dst(%dma_wait3A_144 : memref<10240x32xf32, #tpu.memory_space<vmem_shared>>)
    %barrier3A_145 = arith.constant 0 : index
    tpu.barrier barrier_id(%barrier3A_145)
    %mul3A_146 = arith.constant 640 : i32
    %mul3A_147 = arith.muli %arg1, %mul3A_146 : i32
    %add3A_148 = arith.constant 0 : i32
    %add3A_149 = arith.addi %mul3A_147, %add3A_148 : i32
    "tpu.region"() ({
      %run_scoped3A = tpu.sem_alloc : memref<!tpu.dma_semaphore, #tpu.memory_space<semaphore_mem>>
      %dma_start3A_166 = arith.constant 0 : i32
      %dma_start3A_167 = arith.constant 0 : i32
      %dma_start3A_168 = tpu.memref_slice %arg5[%arg0, %dma_start3A_166, %dma_start3A_167] : memref<2x10240x32xf32, #tpu.memory_space<hbm>> -> memref<1x10240x32xf32, #tpu.memory_space<hbm>>
      %dma_start3A_169 = tpu.memref_squeeze %dma_start3A_168 : memref<1x10240x32xf32, #tpu.memory_space<hbm>> -> memref<10240x32xf32, #tpu.memory_space<hbm>>
      %dma_start3A_170 = arith.constant 0 : i32
      %dma_start3A_171 = tpu.memref_slice %dma_start3A_169[%add3A_149, %dma_start3A_170] : memref<10240x32xf32, #tpu.memory_space<hbm>> -> memref<128x32xf32, #tpu.memory_space<hbm>>
      %dma_start3A_172 = arith.constant 0 : i32
      %dma_start3A_173 = tpu.memref_slice %arg17[%add3A_149, %dma_start3A_172] : memref<10240x32xf32, #tpu.memory_space<vmem_shared>> -> memref<128x32xf32, #tpu.memory_space<vmem_shared>>
      tpu.enqueue_dma source(%dma_start3A_173 : memref<128x32xf32, #tpu.memory_space<vmem_shared>>) target(%dma_start3A_171 : memref<128x32xf32, #tpu.memory_space<hbm>>) target_semaphore(%run_scoped3A : memref<!tpu.dma_semaphore, #tpu.memory_space<semaphore_mem>>)
      %dma_wait3A_174 = arith.constant 0 : i32
      %dma_wait3A_175 = arith.constant 0 : i32
      %dma_wait3A_176 = tpu.memref_slice %arg5[%arg0, %dma_wait3A_174, %dma_wait3A_175] : memref<2x10240x32xf32, #tpu.memory_space<hbm>> -> memref<1x10240x32xf32, #tpu.memory_space<hbm>>
      %dma_wait3A_177 = tpu.memref_squeeze %dma_wait3A_176 : memref<1x10240x32xf32, #tpu.memory_space<hbm>> -> memref<10240x32xf32, #tpu.memory_space<hbm>>
      %dma_wait3A_178 = arith.constant 0 : i32
      %dma_wait3A_179 = tpu.memref_slice %dma_wait3A_177[%add3A_149, %dma_wait3A_178] : memref<10240x32xf32, #tpu.memory_space<hbm>> -> memref<128x32xf32, #tpu.memory_space<hbm>>
      %dma_wait3A_180 = arith.constant 0 : i32
      %dma_wait3A_181 = tpu.memref_slice %arg17[%add3A_149, %dma_wait3A_180] : memref<10240x32xf32, #tpu.memory_space<vmem_shared>> -> memref<128x32xf32, #tpu.memory_space<vmem_shared>>
      tpu.wait_dma2 semaphore(%run_scoped3A : memref<!tpu.dma_semaphore, #tpu.memory_space<semaphore_mem>>) src(%dma_wait3A_181 : memref<128x32xf32, #tpu.memory_space<vmem_shared>>) dst(%dma_wait3A_179 : memref<128x32xf32, #tpu.memory_space<hbm>>)
      tpu.yield
    }) : () -> ()
    %mul3A_150 = arith.constant 640 : i32
    %mul3A_151 = arith.muli %arg1, %mul3A_150 : i32
    %add3A_152 = arith.constant 128 : i32
    %add3A_153 = arith.addi %mul3A_151, %add3A_152 : i32
    "tpu.region"() ({
      %run_scoped3A = tpu.sem_alloc : memref<!tpu.dma_semaphore, #tpu.memory_space<semaphore_mem>>
      %dma_start3A_166 = arith.constant 0 : i32
      %dma_start3A_167 = arith.constant 0 : i32
      %dma_start3A_168 = tpu.memref_slice %arg5[%arg0, %dma_start3A_166, %dma_start3A_167] : memref<2x10240x32xf32, #tpu.memory_space<hbm>> -> memref<1x10240x32xf32, #tpu.memory_space<hbm>>
      %dma_start3A_169 = tpu.memref_squeeze %dma_start3A_168 : memref<1x10240x32xf32, #tpu.memory_space<hbm>> -> memref<10240x32xf32, #tpu.memory_space<hbm>>
      %dma_start3A_170 = arith.constant 0 : i32
      %dma_start3A_171 = tpu.memref_slice %dma_start3A_169[%add3A_153, %dma_start3A_170] : memref<10240x32xf32, #tpu.memory_space<hbm>> -> memref<128x32xf32, #tpu.memory_space<hbm>>
      %dma_start3A_172 = arith.constant 0 : i32
      %dma_start3A_173 = tpu.memref_slice %arg17[%add3A_153, %dma_start3A_172] : memref<10240x32xf32, #tpu.memory_space<vmem_shared>> -> memref<128x32xf32, #tpu.memory_space<vmem_shared>>
      tpu.enqueue_dma source(%dma_start3A_173 : memref<128x32xf32, #tpu.memory_space<vmem_shared>>) target(%dma_start3A_171 : memref<128x32xf32, #tpu.memory_space<hbm>>) target_semaphore(%run_scoped3A : memref<!tpu.dma_semaphore, #tpu.memory_space<semaphore_mem>>)
      %dma_wait3A_174 = arith.constant 0 : i32
      %dma_wait3A_175 = arith.constant 0 : i32
      %dma_wait3A_176 = tpu.memref_slice %arg5[%arg0, %dma_wait3A_174, %dma_wait3A_175] : memref<2x10240x32xf32, #tpu.memory_space<hbm>> -> memref<1x10240x32xf32, #tpu.memory_space<hbm>>
      %dma_wait3A_177 = tpu.memref_squeeze %dma_wait3A_176 : memref<1x10240x32xf32, #tpu.memory_space<hbm>> -> memref<10240x32xf32, #tpu.memory_space<hbm>>
      %dma_wait3A_178 = arith.constant 0 : i32
      %dma_wait3A_179 = tpu.memref_slice %dma_wait3A_177[%add3A_153, %dma_wait3A_178] : memref<10240x32xf32, #tpu.memory_space<hbm>> -> memref<128x32xf32, #tpu.memory_space<hbm>>
      %dma_wait3A_180 = arith.constant 0 : i32
      %dma_wait3A_181 = tpu.memref_slice %arg17[%add3A_153, %dma_wait3A_180] : memref<10240x32xf32, #tpu.memory_space<vmem_shared>> -> memref<128x32xf32, #tpu.memory_space<vmem_shared>>
      tpu.wait_dma2 semaphore(%run_scoped3A : memref<!tpu.dma_semaphore, #tpu.memory_space<semaphore_mem>>) src(%dma_wait3A_181 : memref<128x32xf32, #tpu.memory_space<vmem_shared>>) dst(%dma_wait3A_179 : memref<128x32xf32, #tpu.memory_space<hbm>>)
      tpu.yield
    }) : () -> ()
    %mul3A_154 = arith.constant 640 : i32
    %mul3A_155 = arith.muli %arg1, %mul3A_154 : i32
    %add3A_156 = arith.constant 256 : i32
    %add3A_157 = arith.addi %mul3A_155, %add3A_156 : i32
    "tpu.region"() ({
      %run_scoped3A = tpu.sem_alloc : memref<!tpu.dma_semaphore, #tpu.memory_space<semaphore_mem>>
      %dma_start3A_166 = arith.constant 0 : i32
      %dma_start3A_167 = arith.constant 0 : i32
      %dma_start3A_168 = tpu.memref_slice %arg5[%arg0, %dma_start3A_166, %dma_start3A_167] : memref<2x10240x32xf32, #tpu.memory_space<hbm>> -> memref<1x10240x32xf32, #tpu.memory_space<hbm>>
      %dma_start3A_169 = tpu.memref_squeeze %dma_start3A_168 : memref<1x10240x32xf32, #tpu.memory_space<hbm>> -> memref<10240x32xf32, #tpu.memory_space<hbm>>
      %dma_start3A_170 = arith.constant 0 : i32
      %dma_start3A_171 = tpu.memref_slice %dma_start3A_169[%add3A_157, %dma_start3A_170] : memref<10240x32xf32, #tpu.memory_space<hbm>> -> memref<128x32xf32, #tpu.memory_space<hbm>>
      %dma_start3A_172 = arith.constant 0 : i32
      %dma_start3A_173 = tpu.memref_slice %arg17[%add3A_157, %dma_start3A_172] : memref<10240x32xf32, #tpu.memory_space<vmem_shared>> -> memref<128x32xf32, #tpu.memory_space<vmem_shared>>
      tpu.enqueue_dma source(%dma_start3A_173 : memref<128x32xf32, #tpu.memory_space<vmem_shared>>) target(%dma_start3A_171 : memref<128x32xf32, #tpu.memory_space<hbm>>) target_semaphore(%run_scoped3A : memref<!tpu.dma_semaphore, #tpu.memory_space<semaphore_mem>>)
      %dma_wait3A_174 = arith.constant 0 : i32
      %dma_wait3A_175 = arith.constant 0 : i32
      %dma_wait3A_176 = tpu.memref_slice %arg5[%arg0, %dma_wait3A_174, %dma_wait3A_175] : memref<2x10240x32xf32, #tpu.memory_space<hbm>> -> memref<1x10240x32xf32, #tpu.memory_space<hbm>>
      %dma_wait3A_177 = tpu.memref_squeeze %dma_wait3A_176 : memref<1x10240x32xf32, #tpu.memory_space<hbm>> -> memref<10240x32xf32, #tpu.memory_space<hbm>>
      %dma_wait3A_178 = arith.constant 0 : i32
      %dma_wait3A_179 = tpu.memref_slice %dma_wait3A_177[%add3A_157, %dma_wait3A_178] : memref<10240x32xf32, #tpu.memory_space<hbm>> -> memref<128x32xf32, #tpu.memory_space<hbm>>
      %dma_wait3A_180 = arith.constant 0 : i32
      %dma_wait3A_181 = tpu.memref_slice %arg17[%add3A_157, %dma_wait3A_180] : memref<10240x32xf32, #tpu.memory_space<vmem_shared>> -> memref<128x32xf32, #tpu.memory_space<vmem_shared>>
      tpu.wait_dma2 semaphore(%run_scoped3A : memref<!tpu.dma_semaphore, #tpu.memory_space<semaphore_mem>>) src(%dma_wait3A_181 : memref<128x32xf32, #tpu.memory_space<vmem_shared>>) dst(%dma_wait3A_179 : memref<128x32xf32, #tpu.memory_space<hbm>>)
      tpu.yield
    }) : () -> ()
    %mul3A_158 = arith.constant 640 : i32
    %mul3A_159 = arith.muli %arg1, %mul3A_158 : i32
    %add3A_160 = arith.constant 384 : i32
    %add3A_161 = arith.addi %mul3A_159, %add3A_160 : i32
    "tpu.region"() ({
      %run_scoped3A = tpu.sem_alloc : memref<!tpu.dma_semaphore, #tpu.memory_space<semaphore_mem>>
      %dma_start3A_166 = arith.constant 0 : i32
      %dma_start3A_167 = arith.constant 0 : i32
      %dma_start3A_168 = tpu.memref_slice %arg5[%arg0, %dma_start3A_166, %dma_start3A_167] : memref<2x10240x32xf32, #tpu.memory_space<hbm>> -> memref<1x10240x32xf32, #tpu.memory_space<hbm>>
      %dma_start3A_169 = tpu.memref_squeeze %dma_start3A_168 : memref<1x10240x32xf32, #tpu.memory_space<hbm>> -> memref<10240x32xf32, #tpu.memory_space<hbm>>
      %dma_start3A_170 = arith.constant 0 : i32
      %dma_start3A_171 = tpu.memref_slice %dma_start3A_169[%add3A_161, %dma_start3A_170] : memref<10240x32xf32, #tpu.memory_space<hbm>> -> memref<128x32xf32, #tpu.memory_space<hbm>>
      %dma_start3A_172 = arith.constant 0 : i32
      %dma_start3A_173 = tpu.memref_slice %arg17[%add3A_161, %dma_start3A_172] : memref<10240x32xf32, #tpu.memory_space<vmem_shared>> -> memref<128x32xf32, #tpu.memory_space<vmem_shared>>
      tpu.enqueue_dma source(%dma_start3A_173 : memref<128x32xf32, #tpu.memory_space<vmem_shared>>) target(%dma_start3A_171 : memref<128x32xf32, #tpu.memory_space<hbm>>) target_semaphore(%run_scoped3A : memref<!tpu.dma_semaphore, #tpu.memory_space<semaphore_mem>>)
      %dma_wait3A_174 = arith.constant 0 : i32
      %dma_wait3A_175 = arith.constant 0 : i32
      %dma_wait3A_176 = tpu.memref_slice %arg5[%arg0, %dma_wait3A_174, %dma_wait3A_175] : memref<2x10240x32xf32, #tpu.memory_space<hbm>> -> memref<1x10240x32xf32, #tpu.memory_space<hbm>>
      %dma_wait3A_177 = tpu.memref_squeeze %dma_wait3A_176 : memref<1x10240x32xf32, #tpu.memory_space<hbm>> -> memref<10240x32xf32, #tpu.memory_space<hbm>>
      %dma_wait3A_178 = arith.constant 0 : i32
      %dma_wait3A_179 = tpu.memref_slice %dma_wait3A_177[%add3A_161, %dma_wait3A_178] : memref<10240x32xf32, #tpu.memory_space<hbm>> -> memref<128x32xf32, #tpu.memory_space<hbm>>
      %dma_wait3A_180 = arith.constant 0 : i32
      %dma_wait3A_181 = tpu.memref_slice %arg17[%add3A_161, %dma_wait3A_180] : memref<10240x32xf32, #tpu.memory_space<vmem_shared>> -> memref<128x32xf32, #tpu.memory_space<vmem_shared>>
      tpu.wait_dma2 semaphore(%run_scoped3A : memref<!tpu.dma_semaphore, #tpu.memory_space<semaphore_mem>>) src(%dma_wait3A_181 : memref<128x32xf32, #tpu.memory_space<vmem_shared>>) dst(%dma_wait3A_179 : memref<128x32xf32, #tpu.memory_space<hbm>>)
      tpu.yield
    }) : () -> ()
    %mul3A_162 = arith.constant 640 : i32
    %mul3A_163 = arith.muli %arg1, %mul3A_162 : i32
    %add3A_164 = arith.constant 512 : i32
    %add3A_165 = arith.addi %mul3A_163, %add3A_164 : i32
    "tpu.region"() ({
      %run_scoped3A = tpu.sem_alloc : memref<!tpu.dma_semaphore, #tpu.memory_space<semaphore_mem>>
      %dma_start3A_166 = arith.constant 0 : i32
      %dma_start3A_167 = arith.constant 0 : i32
      %dma_start3A_168 = tpu.memref_slice %arg5[%arg0, %dma_start3A_166, %dma_start3A_167] : memref<2x10240x32xf32, #tpu.memory_space<hbm>> -> memref<1x10240x32xf32, #tpu.memory_space<hbm>>
      %dma_start3A_169 = tpu.memref_squeeze %dma_start3A_168 : memref<1x10240x32xf32, #tpu.memory_space<hbm>> -> memref<10240x32xf32, #tpu.memory_space<hbm>>
      %dma_start3A_170 = arith.constant 0 : i32
      %dma_start3A_171 = tpu.memref_slice %dma_start3A_169[%add3A_165, %dma_start3A_170] : memref<10240x32xf32, #tpu.memory_space<hbm>> -> memref<128x32xf32, #tpu.memory_space<hbm>>
      %dma_start3A_172 = arith.constant 0 : i32
      %dma_start3A_173 = tpu.memref_slice %arg17[%add3A_165, %dma_start3A_172] : memref<10240x32xf32, #tpu.memory_space<vmem_shared>> -> memref<128x32xf32, #tpu.memory_space<vmem_shared>>
      tpu.enqueue_dma source(%dma_start3A_173 : memref<128x32xf32, #tpu.memory_space<vmem_shared>>) target(%dma_start3A_171 : memref<128x32xf32, #tpu.memory_space<hbm>>) target_semaphore(%run_scoped3A : memref<!tpu.dma_semaphore, #tpu.memory_space<semaphore_mem>>)
      %dma_wait3A_174 = arith.constant 0 : i32
      %dma_wait3A_175 = arith.constant 0 : i32
      %dma_wait3A_176 = tpu.memref_slice %arg5[%arg0, %dma_wait3A_174, %dma_wait3A_175] : memref<2x10240x32xf32, #tpu.memory_space<hbm>> -> memref<1x10240x32xf32, #tpu.memory_space<hbm>>
      %dma_wait3A_177 = tpu.memref_squeeze %dma_wait3A_176 : memref<1x10240x32xf32, #tpu.memory_space<hbm>> -> memref<10240x32xf32, #tpu.memory_space<hbm>>
      %dma_wait3A_178 = arith.constant 0 : i32
      %dma_wait3A_179 = tpu.memref_slice %dma_wait3A_177[%add3A_165, %dma_wait3A_178] : memref<10240x32xf32, #tpu.memory_space<hbm>> -> memref<128x32xf32, #tpu.memory_space<hbm>>
      %dma_wait3A_180 = arith.constant 0 : i32
      %dma_wait3A_181 = tpu.memref_slice %arg17[%add3A_165, %dma_wait3A_180] : memref<10240x32xf32, #tpu.memory_space<vmem_shared>> -> memref<128x32xf32, #tpu.memory_space<vmem_shared>>
      tpu.wait_dma2 semaphore(%run_scoped3A : memref<!tpu.dma_semaphore, #tpu.memory_space<semaphore_mem>>) src(%dma_wait3A_181 : memref<128x32xf32, #tpu.memory_space<vmem_shared>>) dst(%dma_wait3A_179 : memref<128x32xf32, #tpu.memory_space<hbm>>)
      tpu.yield
    }) : () -> ()
    return
  }
}

#map = affine_map<(d0, d1) -> (0, 0)>
#map1 = affine_map<(d0, d1) -> (0, 0, 0)>
module attributes {stable_mosaic.version = 14 : i64} {
  func.func @body(%arg0: i32, %arg1: i32, %arg2: memref<10000x48xf32, #tpu.memory_space<hbm>>, %arg3: memref<2560x125xi32, #tpu.memory_space<hbm>>, %arg4: memref<2560x125xi32, #tpu.memory_space<hbm>>, %arg5: memref<2x10240x48xf32, #tpu.memory_space<hbm>>, %arg6: memref<80x125xi32, #tpu.memory_space<vmem>>, %arg7: memref<80x125xi32, #tpu.memory_space<vmem>>, %arg8: memref<125x48xf32, #tpu.memory_space<vmem>>, %arg9: memref<125x48xf32, #tpu.memory_space<vmem>>, %arg10: memref<125x48xf32, #tpu.memory_space<vmem>>, %arg11: memref<125x48xf32, #tpu.memory_space<vmem>>, %arg12: memref<125x48xf32, #tpu.memory_space<vmem>>, %arg13: memref<125x48xf32, #tpu.memory_space<vmem>>, %arg14: memref<125x48xf32, #tpu.memory_space<vmem>>, %arg15: memref<125x48xf32, #tpu.memory_space<vmem>>, %arg16: memref<128x48xf32, #tpu.memory_space<vmem>>, %arg17: memref<10240x48xf32, #tpu.memory_space<vmem_shared>>, %arg18: memref<!tpu.dma_semaphore, #tpu.memory_space<semaphore_mem>>, %arg19: memref<!tpu.dma_semaphore, #tpu.memory_space<semaphore_mem>>, %arg20: memref<!tpu.dma_semaphore, #tpu.memory_space<semaphore_mem>>, %arg21: memref<!tpu.dma_semaphore, #tpu.memory_space<semaphore_mem>>, %arg22: memref<!tpu.dma_semaphore, #tpu.memory_space<semaphore_mem>>, %arg23: memref<!tpu.dma_semaphore, #tpu.memory_space<semaphore_mem>>, %arg24: memref<!tpu.dma_semaphore, #tpu.memory_space<semaphore_mem>>, %arg25: memref<!tpu.dma_semaphore, #tpu.memory_space<semaphore_mem>>, %arg26: memref<!tpu.dma_semaphore, #tpu.memory_space<semaphore_mem>>, %arg27: memref<!tpu.dma_semaphore, #tpu.memory_space<semaphore_mem>>, %arg28: memref<!tpu.dma_semaphore, #tpu.memory_space<semaphore_mem>>, %arg29: memref<!tpu.dma_semaphore, #tpu.memory_space<semaphore_mem>>, %arg30: memref<!tpu.dma_semaphore, #tpu.memory_space<semaphore_mem>>, %arg31: memref<!tpu.dma_semaphore, #tpu.memory_space<semaphore_mem>>, %arg32: memref<!tpu.dma_semaphore, #tpu.memory_space<semaphore_mem>>, %arg33: memref<!tpu.dma_semaphore, #tpu.memory_space<semaphore_mem>>) attributes {dimension_semantics = [#tpu.dimension_semantics<core_parallel>, #tpu.dimension_semantics<subcore_parallel>], iteration_bounds = array<i64: 2, 16>, scalar_prefetch = 0 : i64, scratch_operands = 28 : i64, tpu.core_type = #tpu.core_type<sc_vector_subcore>, window_params = [{transform_indices = #map}, {transform_indices = #map}, {transform_indices = #map}, {transform_indices = #map1}]} {
    %mul3A = arith.constant 16 : i32
    %mul3A_0 = arith.muli %arg0, %mul3A : i32
    %add3A = arith.addi %mul3A_0, %arg1 : i32
    %mul3A_1 = arith.constant 80 : i32
    %mul3A_2 = arith.muli %add3A, %mul3A_1 : i32
    "tpu.region"() ({
      %run_scoped3A = tpu.sem_alloc : memref<!tpu.dma_semaphore, #tpu.memory_space<semaphore_mem>>
      %dma_start3A_166 = arith.constant 0 : i32
      %dma_start3A_167 = tpu.memref_slice %arg3[%mul3A_2, %dma_start3A_166] : memref<2560x125xi32, #tpu.memory_space<hbm>> -> memref<80x125xi32, #tpu.memory_space<hbm>>
      %dma_start3A_168 = arith.constant 0 : i32
      %dma_start3A_169 = tpu.memref_slice %arg3[%mul3A_2, %dma_start3A_168] : memref<2560x125xi32, #tpu.memory_space<hbm>> -> memref<80x125xi32, #tpu.memory_space<hbm>>
      tpu.enqueue_dma source(%dma_start3A_169 : memref<80x125xi32, #tpu.memory_space<hbm>>) target(%arg6 : memref<80x125xi32, #tpu.memory_space<vmem>>) target_semaphore(%run_scoped3A : memref<!tpu.dma_semaphore, #tpu.memory_space<semaphore_mem>>)
      %dma_wait3A_170 = arith.constant 0 : i32
      %dma_wait3A_171 = tpu.memref_slice %arg3[%mul3A_2, %dma_wait3A_170] : memref<2560x125xi32, #tpu.memory_space<hbm>> -> memref<80x125xi32, #tpu.memory_space<hbm>>
      %dma_wait3A_172 = arith.constant 0 : i32
      %dma_wait3A_173 = tpu.memref_slice %arg3[%mul3A_2, %dma_wait3A_172] : memref<2560x125xi32, #tpu.memory_space<hbm>> -> memref<80x125xi32, #tpu.memory_space<hbm>>
      tpu.wait_dma2 semaphore(%run_scoped3A : memref<!tpu.dma_semaphore, #tpu.memory_space<semaphore_mem>>) src(%dma_wait3A_173 : memref<80x125xi32, #tpu.memory_space<hbm>>) dst(%arg6 : memref<80x125xi32, #tpu.memory_space<vmem>>)
      tpu.yield
    }) : () -> ()
    "tpu.region"() ({
      %run_scoped3A = tpu.sem_alloc : memref<!tpu.dma_semaphore, #tpu.memory_space<semaphore_mem>>
      %dma_start3A_166 = arith.constant 0 : i32
      %dma_start3A_167 = tpu.memref_slice %arg4[%mul3A_2, %dma_start3A_166] : memref<2560x125xi32, #tpu.memory_space<hbm>> -> memref<80x125xi32, #tpu.memory_space<hbm>>
      %dma_start3A_168 = arith.constant 0 : i32
      %dma_start3A_169 = tpu.memref_slice %arg4[%mul3A_2, %dma_start3A_168] : memref<2560x125xi32, #tpu.memory_space<hbm>> -> memref<80x125xi32, #tpu.memory_space<hbm>>
      tpu.enqueue_dma source(%dma_start3A_169 : memref<80x125xi32, #tpu.memory_space<hbm>>) target(%arg7 : memref<80x125xi32, #tpu.memory_space<vmem>>) target_semaphore(%run_scoped3A : memref<!tpu.dma_semaphore, #tpu.memory_space<semaphore_mem>>)
      %dma_wait3A_170 = arith.constant 0 : i32
      %dma_wait3A_171 = tpu.memref_slice %arg4[%mul3A_2, %dma_wait3A_170] : memref<2560x125xi32, #tpu.memory_space<hbm>> -> memref<80x125xi32, #tpu.memory_space<hbm>>
      %dma_wait3A_172 = arith.constant 0 : i32
      %dma_wait3A_173 = tpu.memref_slice %arg4[%mul3A_2, %dma_wait3A_172] : memref<2560x125xi32, #tpu.memory_space<hbm>> -> memref<80x125xi32, #tpu.memory_space<hbm>>
      tpu.wait_dma2 semaphore(%run_scoped3A : memref<!tpu.dma_semaphore, #tpu.memory_space<semaphore_mem>>) src(%dma_wait3A_173 : memref<80x125xi32, #tpu.memory_space<hbm>>) dst(%arg7 : memref<80x125xi32, #tpu.memory_space<vmem>>)
      tpu.yield
    }) : () -> ()
    %broadcast_in_dim3A = arith.constant 0.000000e+00 : f32
    %broadcast_in_dim3A_3 = vector.broadcast %broadcast_in_dim3A : f32 to vector<16xf32>
    %scan3A = arith.constant 0 : i32
    %scan3A_4 = arith.constant 0 : i32
    %scan3A_5 = arith.constant 128 : i32
    %scan3A_6 = arith.addi %scan3A_4, %scan3A_5 : i32
    %scan3A_7 = arith.constant 1 : i32
    scf.for %scan3A_166 = %scan3A_4 to %scan3A_6 step %scan3A_7  : i32 {
      %swap3A = arith.index_cast %scan3A_166 : i32 to index
      %swap3A_167 = arith.constant 0 : index
      %swap3A_168 = tpu.vector_load %arg16[%swap3A, %swap3A_167] {strides = array<i32>} : memref<128x48xf32, #tpu.memory_space<vmem>>, vector<1x16xf32>,
      %swap3A_169 = vector.shape_cast %swap3A_168 : vector<1x16xf32> to vector<16xf32>
      %swap3A_170 = vector.shape_cast %broadcast_in_dim3A_3 : vector<16xf32> to vector<1x16xf32>
      tpu.vector_store %arg16[%swap3A, %swap3A_167], %swap3A_170 {strides = array<i32>} : memref<128x48xf32, #tpu.memory_space<vmem>>, vector<1x16xf32>,
      %swap3A_171 = arith.index_cast %scan3A_166 : i32 to index
      %swap3A_172 = arith.constant 16 : index
      %swap3A_173 = tpu.vector_load %arg16[%swap3A_171, %swap3A_172] {strides = array<i32>} : memref<128x48xf32, #tpu.memory_space<vmem>>, vector<1x16xf32>,
      %swap3A_174 = vector.shape_cast %swap3A_173 : vector<1x16xf32> to vector<16xf32>
      %swap3A_175 = vector.shape_cast %broadcast_in_dim3A_3 : vector<16xf32> to vector<1x16xf32>
      tpu.vector_store %arg16[%swap3A_171, %swap3A_172], %swap3A_175 {strides = array<i32>} : memref<128x48xf32, #tpu.memory_space<vmem>>, vector<1x16xf32>,
      %swap3A_176 = arith.index_cast %scan3A_166 : i32 to index
      %swap3A_177 = arith.constant 32 : index
      %swap3A_178 = tpu.vector_load %arg16[%swap3A_176, %swap3A_177] {strides = array<i32>} : memref<128x48xf32, #tpu.memory_space<vmem>>, vector<1x16xf32>,
      %swap3A_179 = vector.shape_cast %swap3A_178 : vector<1x16xf32> to vector<16xf32>
      %swap3A_180 = vector.shape_cast %broadcast_in_dim3A_3 : vector<16xf32> to vector<1x16xf32>
      tpu.vector_store %arg16[%swap3A_176, %swap3A_177], %swap3A_180 {strides = array<i32>} : memref<128x48xf32, #tpu.memory_space<vmem>>, vector<1x16xf32>,
    }
    %scan3A_8 = arith.constant 128 : i32
    %mul3A_9 = arith.constant 640 : i32
    %mul3A_10 = arith.muli %arg1, %mul3A_9 : i32
    %add3A_11 = arith.constant 0 : i32
    %add3A_12 = arith.addi %mul3A_10, %add3A_11 : i32
    "tpu.region"() ({
      %run_scoped3A = tpu.sem_alloc : memref<!tpu.dma_semaphore, #tpu.memory_space<semaphore_mem>>
      %dma_start3A_166 = arith.constant 0 : i32
      %dma_start3A_167 = tpu.memref_slice %arg17[%add3A_12, %dma_start3A_166] : memref<10240x48xf32, #tpu.memory_space<vmem_shared>> -> memref<128x48xf32, #tpu.memory_space<vmem_shared>>
      %dma_start3A_168 = arith.constant 0 : i32
      %dma_start3A_169 = tpu.memref_slice %arg17[%add3A_12, %dma_start3A_168] : memref<10240x48xf32, #tpu.memory_space<vmem_shared>> -> memref<128x48xf32, #tpu.memory_space<vmem_shared>>
      tpu.enqueue_dma source(%arg16 : memref<128x48xf32, #tpu.memory_space<vmem>>) target(%dma_start3A_169 : memref<128x48xf32, #tpu.memory_space<vmem_shared>>) target_semaphore(%run_scoped3A : memref<!tpu.dma_semaphore, #tpu.memory_space<semaphore_mem>>)
      %dma_wait3A_170 = arith.constant 0 : i32
      %dma_wait3A_171 = tpu.memref_slice %arg17[%add3A_12, %dma_wait3A_170] : memref<10240x48xf32, #tpu.memory_space<vmem_shared>> -> memref<128x48xf32, #tpu.memory_space<vmem_shared>>
      %dma_wait3A_172 = arith.constant 0 : i32
      %dma_wait3A_173 = tpu.memref_slice %arg17[%add3A_12, %dma_wait3A_172] : memref<10240x48xf32, #tpu.memory_space<vmem_shared>> -> memref<128x48xf32, #tpu.memory_space<vmem_shared>>
      tpu.wait_dma2 semaphore(%run_scoped3A : memref<!tpu.dma_semaphore, #tpu.memory_space<semaphore_mem>>) src(%arg16 : memref<128x48xf32, #tpu.memory_space<vmem>>) dst(%dma_wait3A_173 : memref<128x48xf32, #tpu.memory_space<vmem_shared>>)
      tpu.yield
    }) : () -> ()
    %mul3A_13 = arith.constant 640 : i32
    %mul3A_14 = arith.muli %arg1, %mul3A_13 : i32
    %add3A_15 = arith.constant 128 : i32
    %add3A_16 = arith.addi %mul3A_14, %add3A_15 : i32
    "tpu.region"() ({
      %run_scoped3A = tpu.sem_alloc : memref<!tpu.dma_semaphore, #tpu.memory_space<semaphore_mem>>
      %dma_start3A_166 = arith.constant 0 : i32
      %dma_start3A_167 = tpu.memref_slice %arg17[%add3A_16, %dma_start3A_166] : memref<10240x48xf32, #tpu.memory_space<vmem_shared>> -> memref<128x48xf32, #tpu.memory_space<vmem_shared>>
      %dma_start3A_168 = arith.constant 0 : i32
      %dma_start3A_169 = tpu.memref_slice %arg17[%add3A_16, %dma_start3A_168] : memref<10240x48xf32, #tpu.memory_space<vmem_shared>> -> memref<128x48xf32, #tpu.memory_space<vmem_shared>>
      tpu.enqueue_dma source(%arg16 : memref<128x48xf32, #tpu.memory_space<vmem>>) target(%dma_start3A_169 : memref<128x48xf32, #tpu.memory_space<vmem_shared>>) target_semaphore(%run_scoped3A : memref<!tpu.dma_semaphore, #tpu.memory_space<semaphore_mem>>)
      %dma_wait3A_170 = arith.constant 0 : i32
      %dma_wait3A_171 = tpu.memref_slice %arg17[%add3A_16, %dma_wait3A_170] : memref<10240x48xf32, #tpu.memory_space<vmem_shared>> -> memref<128x48xf32, #tpu.memory_space<vmem_shared>>
      %dma_wait3A_172 = arith.constant 0 : i32
      %dma_wait3A_173 = tpu.memref_slice %arg17[%add3A_16, %dma_wait3A_172] : memref<10240x48xf32, #tpu.memory_space<vmem_shared>> -> memref<128x48xf32, #tpu.memory_space<vmem_shared>>
      tpu.wait_dma2 semaphore(%run_scoped3A : memref<!tpu.dma_semaphore, #tpu.memory_space<semaphore_mem>>) src(%arg16 : memref<128x48xf32, #tpu.memory_space<vmem>>) dst(%dma_wait3A_173 : memref<128x48xf32, #tpu.memory_space<vmem_shared>>)
      tpu.yield
    }) : () -> ()
    %mul3A_17 = arith.constant 640 : i32
    %mul3A_18 = arith.muli %arg1, %mul3A_17 : i32
    %add3A_19 = arith.constant 256 : i32
    %add3A_20 = arith.addi %mul3A_18, %add3A_19 : i32
    "tpu.region"() ({
      %run_scoped3A = tpu.sem_alloc : memref<!tpu.dma_semaphore, #tpu.memory_space<semaphore_mem>>
      %dma_start3A_166 = arith.constant 0 : i32
      %dma_start3A_167 = tpu.memref_slice %arg17[%add3A_20, %dma_start3A_166] : memref<10240x48xf32, #tpu.memory_space<vmem_shared>> -> memref<128x48xf32, #tpu.memory_space<vmem_shared>>
      %dma_start3A_168 = arith.constant 0 : i32
      %dma_start3A_169 = tpu.memref_slice %arg17[%add3A_20, %dma_start3A_168] : memref<10240x48xf32, #tpu.memory_space<vmem_shared>> -> memref<128x48xf32, #tpu.memory_space<vmem_shared>>
      tpu.enqueue_dma source(%arg16 : memref<128x48xf32, #tpu.memory_space<vmem>>) target(%dma_start3A_169 : memref<128x48xf32, #tpu.memory_space<vmem_shared>>) target_semaphore(%run_scoped3A : memref<!tpu.dma_semaphore, #tpu.memory_space<semaphore_mem>>)
      %dma_wait3A_170 = arith.constant 0 : i32
      %dma_wait3A_171 = tpu.memref_slice %arg17[%add3A_20, %dma_wait3A_170] : memref<10240x48xf32, #tpu.memory_space<vmem_shared>> -> memref<128x48xf32, #tpu.memory_space<vmem_shared>>
      %dma_wait3A_172 = arith.constant 0 : i32
      %dma_wait3A_173 = tpu.memref_slice %arg17[%add3A_20, %dma_wait3A_172] : memref<10240x48xf32, #tpu.memory_space<vmem_shared>> -> memref<128x48xf32, #tpu.memory_space<vmem_shared>>
      tpu.wait_dma2 semaphore(%run_scoped3A : memref<!tpu.dma_semaphore, #tpu.memory_space<semaphore_mem>>) src(%arg16 : memref<128x48xf32, #tpu.memory_space<vmem>>) dst(%dma_wait3A_173 : memref<128x48xf32, #tpu.memory_space<vmem_shared>>)
      tpu.yield
    }) : () -> ()
    %mul3A_21 = arith.constant 640 : i32
    %mul3A_22 = arith.muli %arg1, %mul3A_21 : i32
    %add3A_23 = arith.constant 384 : i32
    %add3A_24 = arith.addi %mul3A_22, %add3A_23 : i32
    "tpu.region"() ({
      %run_scoped3A = tpu.sem_alloc : memref<!tpu.dma_semaphore, #tpu.memory_space<semaphore_mem>>
      %dma_start3A_166 = arith.constant 0 : i32
      %dma_start3A_167 = tpu.memref_slice %arg17[%add3A_24, %dma_start3A_166] : memref<10240x48xf32, #tpu.memory_space<vmem_shared>> -> memref<128x48xf32, #tpu.memory_space<vmem_shared>>
      %dma_start3A_168 = arith.constant 0 : i32
      %dma_start3A_169 = tpu.memref_slice %arg17[%add3A_24, %dma_start3A_168] : memref<10240x48xf32, #tpu.memory_space<vmem_shared>> -> memref<128x48xf32, #tpu.memory_space<vmem_shared>>
      tpu.enqueue_dma source(%arg16 : memref<128x48xf32, #tpu.memory_space<vmem>>) target(%dma_start3A_169 : memref<128x48xf32, #tpu.memory_space<vmem_shared>>) target_semaphore(%run_scoped3A : memref<!tpu.dma_semaphore, #tpu.memory_space<semaphore_mem>>)
      %dma_wait3A_170 = arith.constant 0 : i32
      %dma_wait3A_171 = tpu.memref_slice %arg17[%add3A_24, %dma_wait3A_170] : memref<10240x48xf32, #tpu.memory_space<vmem_shared>> -> memref<128x48xf32, #tpu.memory_space<vmem_shared>>
      %dma_wait3A_172 = arith.constant 0 : i32
      %dma_wait3A_173 = tpu.memref_slice %arg17[%add3A_24, %dma_wait3A_172] : memref<10240x48xf32, #tpu.memory_space<vmem_shared>> -> memref<128x48xf32, #tpu.memory_space<vmem_shared>>
      tpu.wait_dma2 semaphore(%run_scoped3A : memref<!tpu.dma_semaphore, #tpu.memory_space<semaphore_mem>>) src(%arg16 : memref<128x48xf32, #tpu.memory_space<vmem>>) dst(%dma_wait3A_173 : memref<128x48xf32, #tpu.memory_space<vmem_shared>>)
      tpu.yield
    }) : () -> ()
    %mul3A_25 = arith.constant 640 : i32
    %mul3A_26 = arith.muli %arg1, %mul3A_25 : i32
    %add3A_27 = arith.constant 512 : i32
    %add3A_28 = arith.addi %mul3A_26, %add3A_27 : i32
    "tpu.region"() ({
      %run_scoped3A = tpu.sem_alloc : memref<!tpu.dma_semaphore, #tpu.memory_space<semaphore_mem>>
      %dma_start3A_166 = arith.constant 0 : i32
      %dma_start3A_167 = tpu.memref_slice %arg17[%add3A_28, %dma_start3A_166] : memref<10240x48xf32, #tpu.memory_space<vmem_shared>> -> memref<128x48xf32, #tpu.memory_space<vmem_shared>>
      %dma_start3A_168 = arith.constant 0 : i32
      %dma_start3A_169 = tpu.memref_slice %arg17[%add3A_28, %dma_start3A_168] : memref<10240x48xf32, #tpu.memory_space<vmem_shared>> -> memref<128x48xf32, #tpu.memory_space<vmem_shared>>
      tpu.enqueue_dma source(%arg16 : memref<128x48xf32, #tpu.memory_space<vmem>>) target(%dma_start3A_169 : memref<128x48xf32, #tpu.memory_space<vmem_shared>>) target_semaphore(%run_scoped3A : memref<!tpu.dma_semaphore, #tpu.memory_space<semaphore_mem>>)
      %dma_wait3A_170 = arith.constant 0 : i32
      %dma_wait3A_171 = tpu.memref_slice %arg17[%add3A_28, %dma_wait3A_170] : memref<10240x48xf32, #tpu.memory_space<vmem_shared>> -> memref<128x48xf32, #tpu.memory_space<vmem_shared>>
      %dma_wait3A_172 = arith.constant 0 : i32
      %dma_wait3A_173 = tpu.memref_slice %arg17[%add3A_28, %dma_wait3A_172] : memref<10240x48xf32, #tpu.memory_space<vmem_shared>> -> memref<128x48xf32, #tpu.memory_space<vmem_shared>>
      tpu.wait_dma2 semaphore(%run_scoped3A : memref<!tpu.dma_semaphore, #tpu.memory_space<semaphore_mem>>) src(%arg16 : memref<128x48xf32, #tpu.memory_space<vmem>>) dst(%dma_wait3A_173 : memref<128x48xf32, #tpu.memory_space<vmem_shared>>)
      tpu.yield
    }) : () -> ()
    %barrier3A = arith.constant 0 : index
    tpu.barrier barrier_id(%barrier3A)
    %dma_start3A = arith.constant 0 : i32
    %dma_start3A_29 = arith.constant 0 : i32
    %dma_start3A_30 = tpu.memref_slice %arg6[%dma_start3A, %dma_start3A_29] : memref<80x125xi32, #tpu.memory_space<vmem>> -> memref<1x125xi32, #tpu.memory_space<vmem>>
    %dma_start3A_31 = tpu.memref_squeeze %dma_start3A_30 : memref<1x125xi32, #tpu.memory_space<vmem>> -> memref<125xi32, #tpu.memory_space<vmem>>
    %dma_start3A_32 = arith.constant 0 : i32
    %dma_start3A_33 = arith.constant 0 : i32
    %dma_start3A_34 = tpu.memref_slice %arg2[%dma_start3A_32, %dma_start3A_33] : memref<10000x48xf32, #tpu.memory_space<hbm>> -> memref<10000x48xf32, #tpu.memory_space<hbm>>
    tpu.enqueue_indirect_dma source(%dma_start3A_34 : memref<10000x48xf32, #tpu.memory_space<hbm>>) target(%arg8 : memref<125x48xf32, #tpu.memory_space<vmem>>) offsets(%dma_start3A_31 : memref<125xi32, #tpu.memory_space<vmem>>) semaphore(%arg18 : memref<!tpu.dma_semaphore, #tpu.memory_space<semaphore_mem>>)
    %dma_start3A_35 = arith.constant 1 : i32
    %dma_start3A_36 = arith.constant 0 : i32
    %dma_start3A_37 = tpu.memref_slice %arg6[%dma_start3A_35, %dma_start3A_36] : memref<80x125xi32, #tpu.memory_space<vmem>> -> memref<1x125xi32, #tpu.memory_space<vmem>>
    %dma_start3A_38 = tpu.memref_squeeze %dma_start3A_37 : memref<1x125xi32, #tpu.memory_space<vmem>> -> memref<125xi32, #tpu.memory_space<vmem>>
    %dma_start3A_39 = arith.constant 0 : i32
    %dma_start3A_40 = arith.constant 0 : i32
    %dma_start3A_41 = tpu.memref_slice %arg2[%dma_start3A_39, %dma_start3A_40] : memref<10000x48xf32, #tpu.memory_space<hbm>> -> memref<10000x48xf32, #tpu.memory_space<hbm>>
    tpu.enqueue_indirect_dma source(%dma_start3A_41 : memref<10000x48xf32, #tpu.memory_space<hbm>>) target(%arg9 : memref<125x48xf32, #tpu.memory_space<vmem>>) offsets(%dma_start3A_38 : memref<125xi32, #tpu.memory_space<vmem>>) semaphore(%arg19 : memref<!tpu.dma_semaphore, #tpu.memory_space<semaphore_mem>>)
    %dma_start3A_42 = arith.constant 2 : i32
    %dma_start3A_43 = arith.constant 0 : i32
    %dma_start3A_44 = tpu.memref_slice %arg6[%dma_start3A_42, %dma_start3A_43] : memref<80x125xi32, #tpu.memory_space<vmem>> -> memref<1x125xi32, #tpu.memory_space<vmem>>
    %dma_start3A_45 = tpu.memref_squeeze %dma_start3A_44 : memref<1x125xi32, #tpu.memory_space<vmem>> -> memref<125xi32, #tpu.memory_space<vmem>>
    %dma_start3A_46 = arith.constant 0 : i32
    %dma_start3A_47 = arith.constant 0 : i32
    %dma_start3A_48 = tpu.memref_slice %arg2[%dma_start3A_46, %dma_start3A_47] : memref<10000x48xf32, #tpu.memory_space<hbm>> -> memref<10000x48xf32, #tpu.memory_space<hbm>>
    tpu.enqueue_indirect_dma source(%dma_start3A_48 : memref<10000x48xf32, #tpu.memory_space<hbm>>) target(%arg10 : memref<125x48xf32, #tpu.memory_space<vmem>>) offsets(%dma_start3A_45 : memref<125xi32, #tpu.memory_space<vmem>>) semaphore(%arg20 : memref<!tpu.dma_semaphore, #tpu.memory_space<semaphore_mem>>)
    %dma_start3A_49 = arith.constant 3 : i32
    %dma_start3A_50 = arith.constant 0 : i32
    %dma_start3A_51 = tpu.memref_slice %arg6[%dma_start3A_49, %dma_start3A_50] : memref<80x125xi32, #tpu.memory_space<vmem>> -> memref<1x125xi32, #tpu.memory_space<vmem>>
    %dma_start3A_52 = tpu.memref_squeeze %dma_start3A_51 : memref<1x125xi32, #tpu.memory_space<vmem>> -> memref<125xi32, #tpu.memory_space<vmem>>
    %dma_start3A_53 = arith.constant 0 : i32
    %dma_start3A_54 = arith.constant 0 : i32
    %dma_start3A_55 = tpu.memref_slice %arg2[%dma_start3A_53, %dma_start3A_54] : memref<10000x48xf32, #tpu.memory_space<hbm>> -> memref<10000x48xf32, #tpu.memory_space<hbm>>
    tpu.enqueue_indirect_dma source(%dma_start3A_55 : memref<10000x48xf32, #tpu.memory_space<hbm>>) target(%arg11 : memref<125x48xf32, #tpu.memory_space<vmem>>) offsets(%dma_start3A_52 : memref<125xi32, #tpu.memory_space<vmem>>) semaphore(%arg21 : memref<!tpu.dma_semaphore, #tpu.memory_space<semaphore_mem>>)
    %dma_start3A_56 = arith.constant 4 : i32
    %dma_start3A_57 = arith.constant 0 : i32
    %dma_start3A_58 = tpu.memref_slice %arg6[%dma_start3A_56, %dma_start3A_57] : memref<80x125xi32, #tpu.memory_space<vmem>> -> memref<1x125xi32, #tpu.memory_space<vmem>>
    %dma_start3A_59 = tpu.memref_squeeze %dma_start3A_58 : memref<1x125xi32, #tpu.memory_space<vmem>> -> memref<125xi32, #tpu.memory_space<vmem>>
    %dma_start3A_60 = arith.constant 0 : i32
    %dma_start3A_61 = arith.constant 0 : i32
    %dma_start3A_62 = tpu.memref_slice %arg2[%dma_start3A_60, %dma_start3A_61] : memref<10000x48xf32, #tpu.memory_space<hbm>> -> memref<10000x48xf32, #tpu.memory_space<hbm>>
    tpu.enqueue_indirect_dma source(%dma_start3A_62 : memref<10000x48xf32, #tpu.memory_space<hbm>>) target(%arg12 : memref<125x48xf32, #tpu.memory_space<vmem>>) offsets(%dma_start3A_59 : memref<125xi32, #tpu.memory_space<vmem>>) semaphore(%arg22 : memref<!tpu.dma_semaphore, #tpu.memory_space<semaphore_mem>>)
    %dma_start3A_63 = arith.constant 5 : i32
    %dma_start3A_64 = arith.constant 0 : i32
    %dma_start3A_65 = tpu.memref_slice %arg6[%dma_start3A_63, %dma_start3A_64] : memref<80x125xi32, #tpu.memory_space<vmem>> -> memref<1x125xi32, #tpu.memory_space<vmem>>
    %dma_start3A_66 = tpu.memref_squeeze %dma_start3A_65 : memref<1x125xi32, #tpu.memory_space<vmem>> -> memref<125xi32, #tpu.memory_space<vmem>>
    %dma_start3A_67 = arith.constant 0 : i32
    %dma_start3A_68 = arith.constant 0 : i32
    %dma_start3A_69 = tpu.memref_slice %arg2[%dma_start3A_67, %dma_start3A_68] : memref<10000x48xf32, #tpu.memory_space<hbm>> -> memref<10000x48xf32, #tpu.memory_space<hbm>>
    tpu.enqueue_indirect_dma source(%dma_start3A_69 : memref<10000x48xf32, #tpu.memory_space<hbm>>) target(%arg13 : memref<125x48xf32, #tpu.memory_space<vmem>>) offsets(%dma_start3A_66 : memref<125xi32, #tpu.memory_space<vmem>>) semaphore(%arg23 : memref<!tpu.dma_semaphore, #tpu.memory_space<semaphore_mem>>)
    %dma_start3A_70 = arith.constant 6 : i32
    %dma_start3A_71 = arith.constant 0 : i32
    %dma_start3A_72 = tpu.memref_slice %arg6[%dma_start3A_70, %dma_start3A_71] : memref<80x125xi32, #tpu.memory_space<vmem>> -> memref<1x125xi32, #tpu.memory_space<vmem>>
    %dma_start3A_73 = tpu.memref_squeeze %dma_start3A_72 : memref<1x125xi32, #tpu.memory_space<vmem>> -> memref<125xi32, #tpu.memory_space<vmem>>
    %dma_start3A_74 = arith.constant 0 : i32
    %dma_start3A_75 = arith.constant 0 : i32
    %dma_start3A_76 = tpu.memref_slice %arg2[%dma_start3A_74, %dma_start3A_75] : memref<10000x48xf32, #tpu.memory_space<hbm>> -> memref<10000x48xf32, #tpu.memory_space<hbm>>
    tpu.enqueue_indirect_dma source(%dma_start3A_76 : memref<10000x48xf32, #tpu.memory_space<hbm>>) target(%arg14 : memref<125x48xf32, #tpu.memory_space<vmem>>) offsets(%dma_start3A_73 : memref<125xi32, #tpu.memory_space<vmem>>) semaphore(%arg24 : memref<!tpu.dma_semaphore, #tpu.memory_space<semaphore_mem>>)
    %dma_start3A_77 = arith.constant 7 : i32
    %dma_start3A_78 = arith.constant 0 : i32
    %dma_start3A_79 = tpu.memref_slice %arg6[%dma_start3A_77, %dma_start3A_78] : memref<80x125xi32, #tpu.memory_space<vmem>> -> memref<1x125xi32, #tpu.memory_space<vmem>>
    %dma_start3A_80 = tpu.memref_squeeze %dma_start3A_79 : memref<1x125xi32, #tpu.memory_space<vmem>> -> memref<125xi32, #tpu.memory_space<vmem>>
    %dma_start3A_81 = arith.constant 0 : i32
    %dma_start3A_82 = arith.constant 0 : i32
    %dma_start3A_83 = tpu.memref_slice %arg2[%dma_start3A_81, %dma_start3A_82] : memref<10000x48xf32, #tpu.memory_space<hbm>> -> memref<10000x48xf32, #tpu.memory_space<hbm>>
    tpu.enqueue_indirect_dma source(%dma_start3A_83 : memref<10000x48xf32, #tpu.memory_space<hbm>>) target(%arg15 : memref<125x48xf32, #tpu.memory_space<vmem>>) offsets(%dma_start3A_80 : memref<125xi32, #tpu.memory_space<vmem>>) semaphore(%arg25 : memref<!tpu.dma_semaphore, #tpu.memory_space<semaphore_mem>>)
    %scan3A_84 = arith.constant 0 : i32
    %scan3A_85 = arith.constant 0 : i32
    %scan3A_86 = arith.constant 10 : i32
    %scan3A_87 = arith.addi %scan3A_85, %scan3A_86 : i32
    %scan3A_88 = arith.constant 1 : i32
    scf.for %scan3A_166 = %scan3A_85 to %scan3A_87 step %scan3A_88  : i32 {
      %mul3A_167 = arith.constant 8 : i32
      %mul3A_168 = arith.muli %mul3A_167, %scan3A_166 : i32
      %dma_wait3A_169 = arith.constant 0 : i32
      %dma_wait3A_170 = arith.constant 0 : i32
      %dma_wait3A_171 = tpu.memref_slice %arg6[%dma_wait3A_169, %dma_wait3A_170] : memref<80x125xi32, #tpu.memory_space<vmem>> -> memref<1x125xi32, #tpu.memory_space<vmem>>
      %dma_wait3A_172 = tpu.memref_squeeze %dma_wait3A_171 : memref<1x125xi32, #tpu.memory_space<vmem>> -> memref<125xi32, #tpu.memory_space<vmem>>
      %dma_wait3A_173 = arith.constant 0 : i32
      %dma_wait3A_174 = arith.constant 0 : i32
      %dma_wait3A_175 = tpu.memref_slice %arg2[%dma_wait3A_173, %dma_wait3A_174] : memref<10000x48xf32, #tpu.memory_space<hbm>> -> memref<10000x48xf32, #tpu.memory_space<hbm>>
      tpu.wait_indirect_dma semaphore(%arg18 : memref<!tpu.dma_semaphore, #tpu.memory_space<semaphore_mem>>) src(%dma_wait3A_175 : memref<10000x48xf32, #tpu.memory_space<hbm>>) dst(%arg8 : memref<125x48xf32, #tpu.memory_space<vmem>>)
      %add3A_176 = arith.constant 0 : i32
      %add3A_177 = arith.addi %mul3A_168, %add3A_176 : i32
      %dma_start3A_178 = arith.constant 0 : i32
      %dma_start3A_179 = tpu.memref_slice %arg7[%add3A_177, %dma_start3A_178] : memref<80x125xi32, #tpu.memory_space<vmem>> -> memref<1x125xi32, #tpu.memory_space<vmem>>
      %dma_start3A_180 = tpu.memref_squeeze %dma_start3A_179 : memref<1x125xi32, #tpu.memory_space<vmem>> -> memref<125xi32, #tpu.memory_space<vmem>>
      %dma_start3A_181 = arith.constant 0 : i32
      %dma_start3A_182 = arith.constant 0 : i32
      %dma_start3A_183 = tpu.memref_slice %arg17[%dma_start3A_181, %dma_start3A_182] : memref<10240x48xf32, #tpu.memory_space<vmem_shared>> -> memref<10240x48xf32, #tpu.memory_space<vmem_shared>>
      tpu.enqueue_indirect_dma source(%arg8 : memref<125x48xf32, #tpu.memory_space<vmem>>) target(%dma_start3A_183 : memref<10240x48xf32, #tpu.memory_space<vmem_shared>>) offsets(%dma_start3A_180 : memref<125xi32, #tpu.memory_space<vmem>>) semaphore(%arg26 : memref<!tpu.dma_semaphore, #tpu.memory_space<semaphore_mem>>) {add = true}
      %dma_wait3A_184 = arith.constant 0 : i32
      %dma_wait3A_185 = arith.constant 0 : i32
      %dma_wait3A_186 = tpu.memref_slice %arg6[%dma_wait3A_184, %dma_wait3A_185] : memref<80x125xi32, #tpu.memory_space<vmem>> -> memref<1x125xi32, #tpu.memory_space<vmem>>
      %dma_wait3A_187 = tpu.memref_squeeze %dma_wait3A_186 : memref<1x125xi32, #tpu.memory_space<vmem>> -> memref<125xi32, #tpu.memory_space<vmem>>
      %dma_wait3A_188 = arith.constant 0 : i32
      %dma_wait3A_189 = arith.constant 0 : i32
      %dma_wait3A_190 = tpu.memref_slice %arg2[%dma_wait3A_188, %dma_wait3A_189] : memref<10000x48xf32, #tpu.memory_space<hbm>> -> memref<10000x48xf32, #tpu.memory_space<hbm>>
      tpu.wait_indirect_dma semaphore(%arg19 : memref<!tpu.dma_semaphore, #tpu.memory_space<semaphore_mem>>) src(%dma_wait3A_190 : memref<10000x48xf32, #tpu.memory_space<hbm>>) dst(%arg9 : memref<125x48xf32, #tpu.memory_space<vmem>>)
      %add3A_191 = arith.constant 1 : i32
      %add3A_192 = arith.addi %mul3A_168, %add3A_191 : i32
      %dma_start3A_193 = arith.constant 0 : i32
      %dma_start3A_194 = tpu.memref_slice %arg7[%add3A_192, %dma_start3A_193] : memref<80x125xi32, #tpu.memory_space<vmem>> -> memref<1x125xi32, #tpu.memory_space<vmem>>
      %dma_start3A_195 = tpu.memref_squeeze %dma_start3A_194 : memref<1x125xi32, #tpu.memory_space<vmem>> -> memref<125xi32, #tpu.memory_space<vmem>>
      %dma_start3A_196 = arith.constant 0 : i32
      %dma_start3A_197 = arith.constant 0 : i32
      %dma_start3A_198 = tpu.memref_slice %arg17[%dma_start3A_196, %dma_start3A_197] : memref<10240x48xf32, #tpu.memory_space<vmem_shared>> -> memref<10240x48xf32, #tpu.memory_space<vmem_shared>>
      tpu.enqueue_indirect_dma source(%arg9 : memref<125x48xf32, #tpu.memory_space<vmem>>) target(%dma_start3A_198 : memref<10240x48xf32, #tpu.memory_space<vmem_shared>>) offsets(%dma_start3A_195 : memref<125xi32, #tpu.memory_space<vmem>>) semaphore(%arg27 : memref<!tpu.dma_semaphore, #tpu.memory_space<semaphore_mem>>) {add = true}
      %dma_wait3A_199 = arith.constant 0 : i32
      %dma_wait3A_200 = arith.constant 0 : i32
      %dma_wait3A_201 = tpu.memref_slice %arg6[%dma_wait3A_199, %dma_wait3A_200] : memref<80x125xi32, #tpu.memory_space<vmem>> -> memref<1x125xi32, #tpu.memory_space<vmem>>
      %dma_wait3A_202 = tpu.memref_squeeze %dma_wait3A_201 : memref<1x125xi32, #tpu.memory_space<vmem>> -> memref<125xi32, #tpu.memory_space<vmem>>
      %dma_wait3A_203 = arith.constant 0 : i32
      %dma_wait3A_204 = arith.constant 0 : i32
      %dma_wait3A_205 = tpu.memref_slice %arg2[%dma_wait3A_203, %dma_wait3A_204] : memref<10000x48xf32, #tpu.memory_space<hbm>> -> memref<10000x48xf32, #tpu.memory_space<hbm>>
      tpu.wait_indirect_dma semaphore(%arg20 : memref<!tpu.dma_semaphore, #tpu.memory_space<semaphore_mem>>) src(%dma_wait3A_205 : memref<10000x48xf32, #tpu.memory_space<hbm>>) dst(%arg10 : memref<125x48xf32, #tpu.memory_space<vmem>>)
      %add3A_206 = arith.constant 2 : i32
      %add3A_207 = arith.addi %mul3A_168, %add3A_206 : i32
      %dma_start3A_208 = arith.constant 0 : i32
      %dma_start3A_209 = tpu.memref_slice %arg7[%add3A_207, %dma_start3A_208] : memref<80x125xi32, #tpu.memory_space<vmem>> -> memref<1x125xi32, #tpu.memory_space<vmem>>
      %dma_start3A_210 = tpu.memref_squeeze %dma_start3A_209 : memref<1x125xi32, #tpu.memory_space<vmem>> -> memref<125xi32, #tpu.memory_space<vmem>>
      %dma_start3A_211 = arith.constant 0 : i32
      %dma_start3A_212 = arith.constant 0 : i32
      %dma_start3A_213 = tpu.memref_slice %arg17[%dma_start3A_211, %dma_start3A_212] : memref<10240x48xf32, #tpu.memory_space<vmem_shared>> -> memref<10240x48xf32, #tpu.memory_space<vmem_shared>>
      tpu.enqueue_indirect_dma source(%arg10 : memref<125x48xf32, #tpu.memory_space<vmem>>) target(%dma_start3A_213 : memref<10240x48xf32, #tpu.memory_space<vmem_shared>>) offsets(%dma_start3A_210 : memref<125xi32, #tpu.memory_space<vmem>>) semaphore(%arg28 : memref<!tpu.dma_semaphore, #tpu.memory_space<semaphore_mem>>) {add = true}
      %dma_wait3A_214 = arith.constant 0 : i32
      %dma_wait3A_215 = arith.constant 0 : i32
      %dma_wait3A_216 = tpu.memref_slice %arg6[%dma_wait3A_214, %dma_wait3A_215] : memref<80x125xi32, #tpu.memory_space<vmem>> -> memref<1x125xi32, #tpu.memory_space<vmem>>
      %dma_wait3A_217 = tpu.memref_squeeze %dma_wait3A_216 : memref<1x125xi32, #tpu.memory_space<vmem>> -> memref<125xi32, #tpu.memory_space<vmem>>
      %dma_wait3A_218 = arith.constant 0 : i32
      %dma_wait3A_219 = arith.constant 0 : i32
      %dma_wait3A_220 = tpu.memref_slice %arg2[%dma_wait3A_218, %dma_wait3A_219] : memref<10000x48xf32, #tpu.memory_space<hbm>> -> memref<10000x48xf32, #tpu.memory_space<hbm>>
      tpu.wait_indirect_dma semaphore(%arg21 : memref<!tpu.dma_semaphore, #tpu.memory_space<semaphore_mem>>) src(%dma_wait3A_220 : memref<10000x48xf32, #tpu.memory_space<hbm>>) dst(%arg11 : memref<125x48xf32, #tpu.memory_space<vmem>>)
      %add3A_221 = arith.constant 3 : i32
      %add3A_222 = arith.addi %mul3A_168, %add3A_221 : i32
      %dma_start3A_223 = arith.constant 0 : i32
      %dma_start3A_224 = tpu.memref_slice %arg7[%add3A_222, %dma_start3A_223] : memref<80x125xi32, #tpu.memory_space<vmem>> -> memref<1x125xi32, #tpu.memory_space<vmem>>
      %dma_start3A_225 = tpu.memref_squeeze %dma_start3A_224 : memref<1x125xi32, #tpu.memory_space<vmem>> -> memref<125xi32, #tpu.memory_space<vmem>>
      %dma_start3A_226 = arith.constant 0 : i32
      %dma_start3A_227 = arith.constant 0 : i32
      %dma_start3A_228 = tpu.memref_slice %arg17[%dma_start3A_226, %dma_start3A_227] : memref<10240x48xf32, #tpu.memory_space<vmem_shared>> -> memref<10240x48xf32, #tpu.memory_space<vmem_shared>>
      tpu.enqueue_indirect_dma source(%arg11 : memref<125x48xf32, #tpu.memory_space<vmem>>) target(%dma_start3A_228 : memref<10240x48xf32, #tpu.memory_space<vmem_shared>>) offsets(%dma_start3A_225 : memref<125xi32, #tpu.memory_space<vmem>>) semaphore(%arg29 : memref<!tpu.dma_semaphore, #tpu.memory_space<semaphore_mem>>) {add = true}
      %dma_wait3A_229 = arith.constant 0 : i32
      %dma_wait3A_230 = arith.constant 0 : i32
      %dma_wait3A_231 = tpu.memref_slice %arg6[%dma_wait3A_229, %dma_wait3A_230] : memref<80x125xi32, #tpu.memory_space<vmem>> -> memref<1x125xi32, #tpu.memory_space<vmem>>
      %dma_wait3A_232 = tpu.memref_squeeze %dma_wait3A_231 : memref<1x125xi32, #tpu.memory_space<vmem>> -> memref<125xi32, #tpu.memory_space<vmem>>
      %dma_wait3A_233 = arith.constant 0 : i32
      %dma_wait3A_234 = arith.constant 0 : i32
      %dma_wait3A_235 = tpu.memref_slice %arg2[%dma_wait3A_233, %dma_wait3A_234] : memref<10000x48xf32, #tpu.memory_space<hbm>> -> memref<10000x48xf32, #tpu.memory_space<hbm>>
      tpu.wait_indirect_dma semaphore(%arg22 : memref<!tpu.dma_semaphore, #tpu.memory_space<semaphore_mem>>) src(%dma_wait3A_235 : memref<10000x48xf32, #tpu.memory_space<hbm>>) dst(%arg12 : memref<125x48xf32, #tpu.memory_space<vmem>>)
      %add3A_236 = arith.constant 4 : i32
      %add3A_237 = arith.addi %mul3A_168, %add3A_236 : i32
      %dma_start3A_238 = arith.constant 0 : i32
      %dma_start3A_239 = tpu.memref_slice %arg7[%add3A_237, %dma_start3A_238] : memref<80x125xi32, #tpu.memory_space<vmem>> -> memref<1x125xi32, #tpu.memory_space<vmem>>
      %dma_start3A_240 = tpu.memref_squeeze %dma_start3A_239 : memref<1x125xi32, #tpu.memory_space<vmem>> -> memref<125xi32, #tpu.memory_space<vmem>>
      %dma_start3A_241 = arith.constant 0 : i32
      %dma_start3A_242 = arith.constant 0 : i32
      %dma_start3A_243 = tpu.memref_slice %arg17[%dma_start3A_241, %dma_start3A_242] : memref<10240x48xf32, #tpu.memory_space<vmem_shared>> -> memref<10240x48xf32, #tpu.memory_space<vmem_shared>>
      tpu.enqueue_indirect_dma source(%arg12 : memref<125x48xf32, #tpu.memory_space<vmem>>) target(%dma_start3A_243 : memref<10240x48xf32, #tpu.memory_space<vmem_shared>>) offsets(%dma_start3A_240 : memref<125xi32, #tpu.memory_space<vmem>>) semaphore(%arg30 : memref<!tpu.dma_semaphore, #tpu.memory_space<semaphore_mem>>) {add = true}
      %dma_wait3A_244 = arith.constant 0 : i32
      %dma_wait3A_245 = arith.constant 0 : i32
      %dma_wait3A_246 = tpu.memref_slice %arg6[%dma_wait3A_244, %dma_wait3A_245] : memref<80x125xi32, #tpu.memory_space<vmem>> -> memref<1x125xi32, #tpu.memory_space<vmem>>
      %dma_wait3A_247 = tpu.memref_squeeze %dma_wait3A_246 : memref<1x125xi32, #tpu.memory_space<vmem>> -> memref<125xi32, #tpu.memory_space<vmem>>
      %dma_wait3A_248 = arith.constant 0 : i32
      %dma_wait3A_249 = arith.constant 0 : i32
      %dma_wait3A_250 = tpu.memref_slice %arg2[%dma_wait3A_248, %dma_wait3A_249] : memref<10000x48xf32, #tpu.memory_space<hbm>> -> memref<10000x48xf32, #tpu.memory_space<hbm>>
      tpu.wait_indirect_dma semaphore(%arg23 : memref<!tpu.dma_semaphore, #tpu.memory_space<semaphore_mem>>) src(%dma_wait3A_250 : memref<10000x48xf32, #tpu.memory_space<hbm>>) dst(%arg13 : memref<125x48xf32, #tpu.memory_space<vmem>>)
      %add3A_251 = arith.constant 5 : i32
      %add3A_252 = arith.addi %mul3A_168, %add3A_251 : i32
      %dma_start3A_253 = arith.constant 0 : i32
      %dma_start3A_254 = tpu.memref_slice %arg7[%add3A_252, %dma_start3A_253] : memref<80x125xi32, #tpu.memory_space<vmem>> -> memref<1x125xi32, #tpu.memory_space<vmem>>
      %dma_start3A_255 = tpu.memref_squeeze %dma_start3A_254 : memref<1x125xi32, #tpu.memory_space<vmem>> -> memref<125xi32, #tpu.memory_space<vmem>>
      %dma_start3A_256 = arith.constant 0 : i32
      %dma_start3A_257 = arith.constant 0 : i32
      %dma_start3A_258 = tpu.memref_slice %arg17[%dma_start3A_256, %dma_start3A_257] : memref<10240x48xf32, #tpu.memory_space<vmem_shared>> -> memref<10240x48xf32, #tpu.memory_space<vmem_shared>>
      tpu.enqueue_indirect_dma source(%arg13 : memref<125x48xf32, #tpu.memory_space<vmem>>) target(%dma_start3A_258 : memref<10240x48xf32, #tpu.memory_space<vmem_shared>>) offsets(%dma_start3A_255 : memref<125xi32, #tpu.memory_space<vmem>>) semaphore(%arg31 : memref<!tpu.dma_semaphore, #tpu.memory_space<semaphore_mem>>) {add = true}
      %dma_wait3A_259 = arith.constant 0 : i32
      %dma_wait3A_260 = arith.constant 0 : i32
      %dma_wait3A_261 = tpu.memref_slice %arg6[%dma_wait3A_259, %dma_wait3A_260] : memref<80x125xi32, #tpu.memory_space<vmem>> -> memref<1x125xi32, #tpu.memory_space<vmem>>
      %dma_wait3A_262 = tpu.memref_squeeze %dma_wait3A_261 : memref<1x125xi32, #tpu.memory_space<vmem>> -> memref<125xi32, #tpu.memory_space<vmem>>
      %dma_wait3A_263 = arith.constant 0 : i32
      %dma_wait3A_264 = arith.constant 0 : i32
      %dma_wait3A_265 = tpu.memref_slice %arg2[%dma_wait3A_263, %dma_wait3A_264] : memref<10000x48xf32, #tpu.memory_space<hbm>> -> memref<10000x48xf32, #tpu.memory_space<hbm>>
      tpu.wait_indirect_dma semaphore(%arg24 : memref<!tpu.dma_semaphore, #tpu.memory_space<semaphore_mem>>) src(%dma_wait3A_265 : memref<10000x48xf32, #tpu.memory_space<hbm>>) dst(%arg14 : memref<125x48xf32, #tpu.memory_space<vmem>>)
      %add3A_266 = arith.constant 6 : i32
      %add3A_267 = arith.addi %mul3A_168, %add3A_266 : i32
      %dma_start3A_268 = arith.constant 0 : i32
      %dma_start3A_269 = tpu.memref_slice %arg7[%add3A_267, %dma_start3A_268] : memref<80x125xi32, #tpu.memory_space<vmem>> -> memref<1x125xi32, #tpu.memory_space<vmem>>
      %dma_start3A_270 = tpu.memref_squeeze %dma_start3A_269 : memref<1x125xi32, #tpu.memory_space<vmem>> -> memref<125xi32, #tpu.memory_space<vmem>>
      %dma_start3A_271 = arith.constant 0 : i32
      %dma_start3A_272 = arith.constant 0 : i32
      %dma_start3A_273 = tpu.memref_slice %arg17[%dma_start3A_271, %dma_start3A_272] : memref<10240x48xf32, #tpu.memory_space<vmem_shared>> -> memref<10240x48xf32, #tpu.memory_space<vmem_shared>>
      tpu.enqueue_indirect_dma source(%arg14 : memref<125x48xf32, #tpu.memory_space<vmem>>) target(%dma_start3A_273 : memref<10240x48xf32, #tpu.memory_space<vmem_shared>>) offsets(%dma_start3A_270 : memref<125xi32, #tpu.memory_space<vmem>>) semaphore(%arg32 : memref<!tpu.dma_semaphore, #tpu.memory_space<semaphore_mem>>) {add = true}
      %dma_wait3A_274 = arith.constant 0 : i32
      %dma_wait3A_275 = arith.constant 0 : i32
      %dma_wait3A_276 = tpu.memref_slice %arg6[%dma_wait3A_274, %dma_wait3A_275] : memref<80x125xi32, #tpu.memory_space<vmem>> -> memref<1x125xi32, #tpu.memory_space<vmem>>
      %dma_wait3A_277 = tpu.memref_squeeze %dma_wait3A_276 : memref<1x125xi32, #tpu.memory_space<vmem>> -> memref<125xi32, #tpu.memory_space<vmem>>
      %dma_wait3A_278 = arith.constant 0 : i32
      %dma_wait3A_279 = arith.constant 0 : i32
      %dma_wait3A_280 = tpu.memref_slice %arg2[%dma_wait3A_278, %dma_wait3A_279] : memref<10000x48xf32, #tpu.memory_space<hbm>> -> memref<10000x48xf32, #tpu.memory_space<hbm>>
      tpu.wait_indirect_dma semaphore(%arg25 : memref<!tpu.dma_semaphore, #tpu.memory_space<semaphore_mem>>) src(%dma_wait3A_280 : memref<10000x48xf32, #tpu.memory_space<hbm>>) dst(%arg15 : memref<125x48xf32, #tpu.memory_space<vmem>>)
      %add3A_281 = arith.constant 7 : i32
      %add3A_282 = arith.addi %mul3A_168, %add3A_281 : i32
      %dma_start3A_283 = arith.constant 0 : i32
      %dma_start3A_284 = tpu.memref_slice %arg7[%add3A_282, %dma_start3A_283] : memref<80x125xi32, #tpu.memory_space<vmem>> -> memref<1x125xi32, #tpu.memory_space<vmem>>
      %dma_start3A_285 = tpu.memref_squeeze %dma_start3A_284 : memref<1x125xi32, #tpu.memory_space<vmem>> -> memref<125xi32, #tpu.memory_space<vmem>>
      %dma_start3A_286 = arith.constant 0 : i32
      %dma_start3A_287 = arith.constant 0 : i32
      %dma_start3A_288 = tpu.memref_slice %arg17[%dma_start3A_286, %dma_start3A_287] : memref<10240x48xf32, #tpu.memory_space<vmem_shared>> -> memref<10240x48xf32, #tpu.memory_space<vmem_shared>>
      tpu.enqueue_indirect_dma source(%arg15 : memref<125x48xf32, #tpu.memory_space<vmem>>) target(%dma_start3A_288 : memref<10240x48xf32, #tpu.memory_space<vmem_shared>>) offsets(%dma_start3A_285 : memref<125xi32, #tpu.memory_space<vmem>>) semaphore(%arg33 : memref<!tpu.dma_semaphore, #tpu.memory_space<semaphore_mem>>) {add = true}
      %lt3A = arith.constant 9 : i32
      %lt3A_289 = arith.cmpi slt, %scan3A_166, %lt3A : i32
      %convert_element_type3A = arith.extui %lt3A_289 : i1 to i32
      %cond3A = arith.constant 0 : i32
      %cond3A_290 = arith.cmpi ne, %convert_element_type3A, %cond3A : i32
      scf.if %cond3A_290 {
        %dma_wait3A_291 = arith.constant 0 : i32
        %dma_wait3A_292 = arith.constant 0 : i32
        %dma_wait3A_293 = tpu.memref_slice %arg7[%dma_wait3A_291, %dma_wait3A_292] : memref<80x125xi32, #tpu.memory_space<vmem>> -> memref<1x125xi32, #tpu.memory_space<vmem>>
        %dma_wait3A_294 = tpu.memref_squeeze %dma_wait3A_293 : memref<1x125xi32, #tpu.memory_space<vmem>> -> memref<125xi32, #tpu.memory_space<vmem>>
        %dma_wait3A_295 = arith.constant 0 : i32
        %dma_wait3A_296 = arith.constant 0 : i32
        %dma_wait3A_297 = tpu.memref_slice %arg17[%dma_wait3A_295, %dma_wait3A_296] : memref<10240x48xf32, #tpu.memory_space<vmem_shared>> -> memref<10240x48xf32, #tpu.memory_space<vmem_shared>>
        tpu.wait_indirect_dma semaphore(%arg26 : memref<!tpu.dma_semaphore, #tpu.memory_space<semaphore_mem>>) src(%arg8 : memref<125x48xf32, #tpu.memory_space<vmem>>) dst(%dma_wait3A_297 : memref<10240x48xf32, #tpu.memory_space<vmem_shared>>)
        %add3A_298 = arith.constant 8 : i32
        %add3A_299 = arith.addi %mul3A_168, %add3A_298 : i32
        %add3A_300 = arith.constant 0 : i32
        %add3A_301 = arith.addi %add3A_299, %add3A_300 : i32
        %dma_start3A_302 = arith.constant 0 : i32
        %dma_start3A_303 = tpu.memref_slice %arg6[%add3A_301, %dma_start3A_302] : memref<80x125xi32, #tpu.memory_space<vmem>> -> memref<1x125xi32, #tpu.memory_space<vmem>>
        %dma_start3A_304 = tpu.memref_squeeze %dma_start3A_303 : memref<1x125xi32, #tpu.memory_space<vmem>> -> memref<125xi32, #tpu.memory_space<vmem>>
        %dma_start3A_305 = arith.constant 0 : i32
        %dma_start3A_306 = arith.constant 0 : i32
        %dma_start3A_307 = tpu.memref_slice %arg2[%dma_start3A_305, %dma_start3A_306] : memref<10000x48xf32, #tpu.memory_space<hbm>> -> memref<10000x48xf32, #tpu.memory_space<hbm>>
        tpu.enqueue_indirect_dma source(%dma_start3A_307 : memref<10000x48xf32, #tpu.memory_space<hbm>>) target(%arg8 : memref<125x48xf32, #tpu.memory_space<vmem>>) offsets(%dma_start3A_304 : memref<125xi32, #tpu.memory_space<vmem>>) semaphore(%arg18 : memref<!tpu.dma_semaphore, #tpu.memory_space<semaphore_mem>>)
        %dma_wait3A_308 = arith.constant 0 : i32
        %dma_wait3A_309 = arith.constant 0 : i32
        %dma_wait3A_310 = tpu.memref_slice %arg7[%dma_wait3A_308, %dma_wait3A_309] : memref<80x125xi32, #tpu.memory_space<vmem>> -> memref<1x125xi32, #tpu.memory_space<vmem>>
        %dma_wait3A_311 = tpu.memref_squeeze %dma_wait3A_310 : memref<1x125xi32, #tpu.memory_space<vmem>> -> memref<125xi32, #tpu.memory_space<vmem>>
        %dma_wait3A_312 = arith.constant 0 : i32
        %dma_wait3A_313 = arith.constant 0 : i32
        %dma_wait3A_314 = tpu.memref_slice %arg17[%dma_wait3A_312, %dma_wait3A_313] : memref<10240x48xf32, #tpu.memory_space<vmem_shared>> -> memref<10240x48xf32, #tpu.memory_space<vmem_shared>>
        tpu.wait_indirect_dma semaphore(%arg27 : memref<!tpu.dma_semaphore, #tpu.memory_space<semaphore_mem>>) src(%arg9 : memref<125x48xf32, #tpu.memory_space<vmem>>) dst(%dma_wait3A_314 : memref<10240x48xf32, #tpu.memory_space<vmem_shared>>)
        %add3A_315 = arith.constant 8 : i32
        %add3A_316 = arith.addi %mul3A_168, %add3A_315 : i32
        %add3A_317 = arith.constant 1 : i32
        %add3A_318 = arith.addi %add3A_316, %add3A_317 : i32
        %dma_start3A_319 = arith.constant 0 : i32
        %dma_start3A_320 = tpu.memref_slice %arg6[%add3A_318, %dma_start3A_319] : memref<80x125xi32, #tpu.memory_space<vmem>> -> memref<1x125xi32, #tpu.memory_space<vmem>>
        %dma_start3A_321 = tpu.memref_squeeze %dma_start3A_320 : memref<1x125xi32, #tpu.memory_space<vmem>> -> memref<125xi32, #tpu.memory_space<vmem>>
        %dma_start3A_322 = arith.constant 0 : i32
        %dma_start3A_323 = arith.constant 0 : i32
        %dma_start3A_324 = tpu.memref_slice %arg2[%dma_start3A_322, %dma_start3A_323] : memref<10000x48xf32, #tpu.memory_space<hbm>> -> memref<10000x48xf32, #tpu.memory_space<hbm>>
        tpu.enqueue_indirect_dma source(%dma_start3A_324 : memref<10000x48xf32, #tpu.memory_space<hbm>>) target(%arg9 : memref<125x48xf32, #tpu.memory_space<vmem>>) offsets(%dma_start3A_321 : memref<125xi32, #tpu.memory_space<vmem>>) semaphore(%arg19 : memref<!tpu.dma_semaphore, #tpu.memory_space<semaphore_mem>>)
        %dma_wait3A_325 = arith.constant 0 : i32
        %dma_wait3A_326 = arith.constant 0 : i32
        %dma_wait3A_327 = tpu.memref_slice %arg7[%dma_wait3A_325, %dma_wait3A_326] : memref<80x125xi32, #tpu.memory_space<vmem>> -> memref<1x125xi32, #tpu.memory_space<vmem>>
        %dma_wait3A_328 = tpu.memref_squeeze %dma_wait3A_327 : memref<1x125xi32, #tpu.memory_space<vmem>> -> memref<125xi32, #tpu.memory_space<vmem>>
        %dma_wait3A_329 = arith.constant 0 : i32
        %dma_wait3A_330 = arith.constant 0 : i32
        %dma_wait3A_331 = tpu.memref_slice %arg17[%dma_wait3A_329, %dma_wait3A_330] : memref<10240x48xf32, #tpu.memory_space<vmem_shared>> -> memref<10240x48xf32, #tpu.memory_space<vmem_shared>>
        tpu.wait_indirect_dma semaphore(%arg28 : memref<!tpu.dma_semaphore, #tpu.memory_space<semaphore_mem>>) src(%arg10 : memref<125x48xf32, #tpu.memory_space<vmem>>) dst(%dma_wait3A_331 : memref<10240x48xf32, #tpu.memory_space<vmem_shared>>)
        %add3A_332 = arith.constant 8 : i32
        %add3A_333 = arith.addi %mul3A_168, %add3A_332 : i32
        %add3A_334 = arith.constant 2 : i32
        %add3A_335 = arith.addi %add3A_333, %add3A_334 : i32
        %dma_start3A_336 = arith.constant 0 : i32
        %dma_start3A_337 = tpu.memref_slice %arg6[%add3A_335, %dma_start3A_336] : memref<80x125xi32, #tpu.memory_space<vmem>> -> memref<1x125xi32, #tpu.memory_space<vmem>>
        %dma_start3A_338 = tpu.memref_squeeze %dma_start3A_337 : memref<1x125xi32, #tpu.memory_space<vmem>> -> memref<125xi32, #tpu.memory_space<vmem>>
        %dma_start3A_339 = arith.constant 0 : i32
        %dma_start3A_340 = arith.constant 0 : i32
        %dma_start3A_341 = tpu.memref_slice %arg2[%dma_start3A_339, %dma_start3A_340] : memref<10000x48xf32, #tpu.memory_space<hbm>> -> memref<10000x48xf32, #tpu.memory_space<hbm>>
        tpu.enqueue_indirect_dma source(%dma_start3A_341 : memref<10000x48xf32, #tpu.memory_space<hbm>>) target(%arg10 : memref<125x48xf32, #tpu.memory_space<vmem>>) offsets(%dma_start3A_338 : memref<125xi32, #tpu.memory_space<vmem>>) semaphore(%arg20 : memref<!tpu.dma_semaphore, #tpu.memory_space<semaphore_mem>>)
        %dma_wait3A_342 = arith.constant 0 : i32
        %dma_wait3A_343 = arith.constant 0 : i32
        %dma_wait3A_344 = tpu.memref_slice %arg7[%dma_wait3A_342, %dma_wait3A_343] : memref<80x125xi32, #tpu.memory_space<vmem>> -> memref<1x125xi32, #tpu.memory_space<vmem>>
        %dma_wait3A_345 = tpu.memref_squeeze %dma_wait3A_344 : memref<1x125xi32, #tpu.memory_space<vmem>> -> memref<125xi32, #tpu.memory_space<vmem>>
        %dma_wait3A_346 = arith.constant 0 : i32
        %dma_wait3A_347 = arith.constant 0 : i32
        %dma_wait3A_348 = tpu.memref_slice %arg17[%dma_wait3A_346, %dma_wait3A_347] : memref<10240x48xf32, #tpu.memory_space<vmem_shared>> -> memref<10240x48xf32, #tpu.memory_space<vmem_shared>>
        tpu.wait_indirect_dma semaphore(%arg29 : memref<!tpu.dma_semaphore, #tpu.memory_space<semaphore_mem>>) src(%arg11 : memref<125x48xf32, #tpu.memory_space<vmem>>) dst(%dma_wait3A_348 : memref<10240x48xf32, #tpu.memory_space<vmem_shared>>)
        %add3A_349 = arith.constant 8 : i32
        %add3A_350 = arith.addi %mul3A_168, %add3A_349 : i32
        %add3A_351 = arith.constant 3 : i32
        %add3A_352 = arith.addi %add3A_350, %add3A_351 : i32
        %dma_start3A_353 = arith.constant 0 : i32
        %dma_start3A_354 = tpu.memref_slice %arg6[%add3A_352, %dma_start3A_353] : memref<80x125xi32, #tpu.memory_space<vmem>> -> memref<1x125xi32, #tpu.memory_space<vmem>>
        %dma_start3A_355 = tpu.memref_squeeze %dma_start3A_354 : memref<1x125xi32, #tpu.memory_space<vmem>> -> memref<125xi32, #tpu.memory_space<vmem>>
        %dma_start3A_356 = arith.constant 0 : i32
        %dma_start3A_357 = arith.constant 0 : i32
        %dma_start3A_358 = tpu.memref_slice %arg2[%dma_start3A_356, %dma_start3A_357] : memref<10000x48xf32, #tpu.memory_space<hbm>> -> memref<10000x48xf32, #tpu.memory_space<hbm>>
        tpu.enqueue_indirect_dma source(%dma_start3A_358 : memref<10000x48xf32, #tpu.memory_space<hbm>>) target(%arg11 : memref<125x48xf32, #tpu.memory_space<vmem>>) offsets(%dma_start3A_355 : memref<125xi32, #tpu.memory_space<vmem>>) semaphore(%arg21 : memref<!tpu.dma_semaphore, #tpu.memory_space<semaphore_mem>>)
        %dma_wait3A_359 = arith.constant 0 : i32
        %dma_wait3A_360 = arith.constant 0 : i32
        %dma_wait3A_361 = tpu.memref_slice %arg7[%dma_wait3A_359, %dma_wait3A_360] : memref<80x125xi32, #tpu.memory_space<vmem>> -> memref<1x125xi32, #tpu.memory_space<vmem>>
        %dma_wait3A_362 = tpu.memref_squeeze %dma_wait3A_361 : memref<1x125xi32, #tpu.memory_space<vmem>> -> memref<125xi32, #tpu.memory_space<vmem>>
        %dma_wait3A_363 = arith.constant 0 : i32
        %dma_wait3A_364 = arith.constant 0 : i32
        %dma_wait3A_365 = tpu.memref_slice %arg17[%dma_wait3A_363, %dma_wait3A_364] : memref<10240x48xf32, #tpu.memory_space<vmem_shared>> -> memref<10240x48xf32, #tpu.memory_space<vmem_shared>>
        tpu.wait_indirect_dma semaphore(%arg30 : memref<!tpu.dma_semaphore, #tpu.memory_space<semaphore_mem>>) src(%arg12 : memref<125x48xf32, #tpu.memory_space<vmem>>) dst(%dma_wait3A_365 : memref<10240x48xf32, #tpu.memory_space<vmem_shared>>)
        %add3A_366 = arith.constant 8 : i32
        %add3A_367 = arith.addi %mul3A_168, %add3A_366 : i32
        %add3A_368 = arith.constant 4 : i32
        %add3A_369 = arith.addi %add3A_367, %add3A_368 : i32
        %dma_start3A_370 = arith.constant 0 : i32
        %dma_start3A_371 = tpu.memref_slice %arg6[%add3A_369, %dma_start3A_370] : memref<80x125xi32, #tpu.memory_space<vmem>> -> memref<1x125xi32, #tpu.memory_space<vmem>>
        %dma_start3A_372 = tpu.memref_squeeze %dma_start3A_371 : memref<1x125xi32, #tpu.memory_space<vmem>> -> memref<125xi32, #tpu.memory_space<vmem>>
        %dma_start3A_373 = arith.constant 0 : i32
        %dma_start3A_374 = arith.constant 0 : i32
        %dma_start3A_375 = tpu.memref_slice %arg2[%dma_start3A_373, %dma_start3A_374] : memref<10000x48xf32, #tpu.memory_space<hbm>> -> memref<10000x48xf32, #tpu.memory_space<hbm>>
        tpu.enqueue_indirect_dma source(%dma_start3A_375 : memref<10000x48xf32, #tpu.memory_space<hbm>>) target(%arg12 : memref<125x48xf32, #tpu.memory_space<vmem>>) offsets(%dma_start3A_372 : memref<125xi32, #tpu.memory_space<vmem>>) semaphore(%arg22 : memref<!tpu.dma_semaphore, #tpu.memory_space<semaphore_mem>>)
        %dma_wait3A_376 = arith.constant 0 : i32
        %dma_wait3A_377 = arith.constant 0 : i32
        %dma_wait3A_378 = tpu.memref_slice %arg7[%dma_wait3A_376, %dma_wait3A_377] : memref<80x125xi32, #tpu.memory_space<vmem>> -> memref<1x125xi32, #tpu.memory_space<vmem>>
        %dma_wait3A_379 = tpu.memref_squeeze %dma_wait3A_378 : memref<1x125xi32, #tpu.memory_space<vmem>> -> memref<125xi32, #tpu.memory_space<vmem>>
        %dma_wait3A_380 = arith.constant 0 : i32
        %dma_wait3A_381 = arith.constant 0 : i32
        %dma_wait3A_382 = tpu.memref_slice %arg17[%dma_wait3A_380, %dma_wait3A_381] : memref<10240x48xf32, #tpu.memory_space<vmem_shared>> -> memref<10240x48xf32, #tpu.memory_space<vmem_shared>>
        tpu.wait_indirect_dma semaphore(%arg31 : memref<!tpu.dma_semaphore, #tpu.memory_space<semaphore_mem>>) src(%arg13 : memref<125x48xf32, #tpu.memory_space<vmem>>) dst(%dma_wait3A_382 : memref<10240x48xf32, #tpu.memory_space<vmem_shared>>)
        %add3A_383 = arith.constant 8 : i32
        %add3A_384 = arith.addi %mul3A_168, %add3A_383 : i32
        %add3A_385 = arith.constant 5 : i32
        %add3A_386 = arith.addi %add3A_384, %add3A_385 : i32
        %dma_start3A_387 = arith.constant 0 : i32
        %dma_start3A_388 = tpu.memref_slice %arg6[%add3A_386, %dma_start3A_387] : memref<80x125xi32, #tpu.memory_space<vmem>> -> memref<1x125xi32, #tpu.memory_space<vmem>>
        %dma_start3A_389 = tpu.memref_squeeze %dma_start3A_388 : memref<1x125xi32, #tpu.memory_space<vmem>> -> memref<125xi32, #tpu.memory_space<vmem>>
        %dma_start3A_390 = arith.constant 0 : i32
        %dma_start3A_391 = arith.constant 0 : i32
        %dma_start3A_392 = tpu.memref_slice %arg2[%dma_start3A_390, %dma_start3A_391] : memref<10000x48xf32, #tpu.memory_space<hbm>> -> memref<10000x48xf32, #tpu.memory_space<hbm>>
        tpu.enqueue_indirect_dma source(%dma_start3A_392 : memref<10000x48xf32, #tpu.memory_space<hbm>>) target(%arg13 : memref<125x48xf32, #tpu.memory_space<vmem>>) offsets(%dma_start3A_389 : memref<125xi32, #tpu.memory_space<vmem>>) semaphore(%arg23 : memref<!tpu.dma_semaphore, #tpu.memory_space<semaphore_mem>>)
        %dma_wait3A_393 = arith.constant 0 : i32
        %dma_wait3A_394 = arith.constant 0 : i32
        %dma_wait3A_395 = tpu.memref_slice %arg7[%dma_wait3A_393, %dma_wait3A_394] : memref<80x125xi32, #tpu.memory_space<vmem>> -> memref<1x125xi32, #tpu.memory_space<vmem>>
        %dma_wait3A_396 = tpu.memref_squeeze %dma_wait3A_395 : memref<1x125xi32, #tpu.memory_space<vmem>> -> memref<125xi32, #tpu.memory_space<vmem>>
        %dma_wait3A_397 = arith.constant 0 : i32
        %dma_wait3A_398 = arith.constant 0 : i32
        %dma_wait3A_399 = tpu.memref_slice %arg17[%dma_wait3A_397, %dma_wait3A_398] : memref<10240x48xf32, #tpu.memory_space<vmem_shared>> -> memref<10240x48xf32, #tpu.memory_space<vmem_shared>>
        tpu.wait_indirect_dma semaphore(%arg32 : memref<!tpu.dma_semaphore, #tpu.memory_space<semaphore_mem>>) src(%arg14 : memref<125x48xf32, #tpu.memory_space<vmem>>) dst(%dma_wait3A_399 : memref<10240x48xf32, #tpu.memory_space<vmem_shared>>)
        %add3A_400 = arith.constant 8 : i32
        %add3A_401 = arith.addi %mul3A_168, %add3A_400 : i32
        %add3A_402 = arith.constant 6 : i32
        %add3A_403 = arith.addi %add3A_401, %add3A_402 : i32
        %dma_start3A_404 = arith.constant 0 : i32
        %dma_start3A_405 = tpu.memref_slice %arg6[%add3A_403, %dma_start3A_404] : memref<80x125xi32, #tpu.memory_space<vmem>> -> memref<1x125xi32, #tpu.memory_space<vmem>>
        %dma_start3A_406 = tpu.memref_squeeze %dma_start3A_405 : memref<1x125xi32, #tpu.memory_space<vmem>> -> memref<125xi32, #tpu.memory_space<vmem>>
        %dma_start3A_407 = arith.constant 0 : i32
        %dma_start3A_408 = arith.constant 0 : i32
        %dma_start3A_409 = tpu.memref_slice %arg2[%dma_start3A_407, %dma_start3A_408] : memref<10000x48xf32, #tpu.memory_space<hbm>> -> memref<10000x48xf32, #tpu.memory_space<hbm>>
        tpu.enqueue_indirect_dma source(%dma_start3A_409 : memref<10000x48xf32, #tpu.memory_space<hbm>>) target(%arg14 : memref<125x48xf32, #tpu.memory_space<vmem>>) offsets(%dma_start3A_406 : memref<125xi32, #tpu.memory_space<vmem>>) semaphore(%arg24 : memref<!tpu.dma_semaphore, #tpu.memory_space<semaphore_mem>>)
        %dma_wait3A_410 = arith.constant 0 : i32
        %dma_wait3A_411 = arith.constant 0 : i32
        %dma_wait3A_412 = tpu.memref_slice %arg7[%dma_wait3A_410, %dma_wait3A_411] : memref<80x125xi32, #tpu.memory_space<vmem>> -> memref<1x125xi32, #tpu.memory_space<vmem>>
        %dma_wait3A_413 = tpu.memref_squeeze %dma_wait3A_412 : memref<1x125xi32, #tpu.memory_space<vmem>> -> memref<125xi32, #tpu.memory_space<vmem>>
        %dma_wait3A_414 = arith.constant 0 : i32
        %dma_wait3A_415 = arith.constant 0 : i32
        %dma_wait3A_416 = tpu.memref_slice %arg17[%dma_wait3A_414, %dma_wait3A_415] : memref<10240x48xf32, #tpu.memory_space<vmem_shared>> -> memref<10240x48xf32, #tpu.memory_space<vmem_shared>>
        tpu.wait_indirect_dma semaphore(%arg33 : memref<!tpu.dma_semaphore, #tpu.memory_space<semaphore_mem>>) src(%arg15 : memref<125x48xf32, #tpu.memory_space<vmem>>) dst(%dma_wait3A_416 : memref<10240x48xf32, #tpu.memory_space<vmem_shared>>)
        %add3A_417 = arith.constant 8 : i32
        %add3A_418 = arith.addi %mul3A_168, %add3A_417 : i32
        %add3A_419 = arith.constant 7 : i32
        %add3A_420 = arith.addi %add3A_418, %add3A_419 : i32
        %dma_start3A_421 = arith.constant 0 : i32
        %dma_start3A_422 = tpu.memref_slice %arg6[%add3A_420, %dma_start3A_421] : memref<80x125xi32, #tpu.memory_space<vmem>> -> memref<1x125xi32, #tpu.memory_space<vmem>>
        %dma_start3A_423 = tpu.memref_squeeze %dma_start3A_422 : memref<1x125xi32, #tpu.memory_space<vmem>> -> memref<125xi32, #tpu.memory_space<vmem>>
        %dma_start3A_424 = arith.constant 0 : i32
        %dma_start3A_425 = arith.constant 0 : i32
        %dma_start3A_426 = tpu.memref_slice %arg2[%dma_start3A_424, %dma_start3A_425] : memref<10000x48xf32, #tpu.memory_space<hbm>> -> memref<10000x48xf32, #tpu.memory_space<hbm>>
        tpu.enqueue_indirect_dma source(%dma_start3A_426 : memref<10000x48xf32, #tpu.memory_space<hbm>>) target(%arg15 : memref<125x48xf32, #tpu.memory_space<vmem>>) offsets(%dma_start3A_423 : memref<125xi32, #tpu.memory_space<vmem>>) semaphore(%arg25 : memref<!tpu.dma_semaphore, #tpu.memory_space<semaphore_mem>>)
      } else {
      }
    }
    %scan3A_89 = arith.constant 10 : i32
    %dma_wait3A = arith.constant 0 : i32
    %dma_wait3A_90 = arith.constant 0 : i32
    %dma_wait3A_91 = tpu.memref_slice %arg7[%dma_wait3A, %dma_wait3A_90] : memref<80x125xi32, #tpu.memory_space<vmem>> -> memref<1x125xi32, #tpu.memory_space<vmem>>
    %dma_wait3A_92 = tpu.memref_squeeze %dma_wait3A_91 : memref<1x125xi32, #tpu.memory_space<vmem>> -> memref<125xi32, #tpu.memory_space<vmem>>
    %dma_wait3A_93 = arith.constant 0 : i32
    %dma_wait3A_94 = arith.constant 0 : i32
    %dma_wait3A_95 = tpu.memref_slice %arg17[%dma_wait3A_93, %dma_wait3A_94] : memref<10240x48xf32, #tpu.memory_space<vmem_shared>> -> memref<10240x48xf32, #tpu.memory_space<vmem_shared>>
    tpu.wait_indirect_dma semaphore(%arg26 : memref<!tpu.dma_semaphore, #tpu.memory_space<semaphore_mem>>) src(%arg8 : memref<125x48xf32, #tpu.memory_space<vmem>>) dst(%dma_wait3A_95 : memref<10240x48xf32, #tpu.memory_space<vmem_shared>>)
    %dma_wait3A_96 = arith.constant 0 : i32
    %dma_wait3A_97 = arith.constant 0 : i32
    %dma_wait3A_98 = tpu.memref_slice %arg7[%dma_wait3A_96, %dma_wait3A_97] : memref<80x125xi32, #tpu.memory_space<vmem>> -> memref<1x125xi32, #tpu.memory_space<vmem>>
    %dma_wait3A_99 = tpu.memref_squeeze %dma_wait3A_98 : memref<1x125xi32, #tpu.memory_space<vmem>> -> memref<125xi32, #tpu.memory_space<vmem>>
    %dma_wait3A_100 = arith.constant 0 : i32
    %dma_wait3A_101 = arith.constant 0 : i32
    %dma_wait3A_102 = tpu.memref_slice %arg17[%dma_wait3A_100, %dma_wait3A_101] : memref<10240x48xf32, #tpu.memory_space<vmem_shared>> -> memref<10240x48xf32, #tpu.memory_space<vmem_shared>>
    tpu.wait_indirect_dma semaphore(%arg27 : memref<!tpu.dma_semaphore, #tpu.memory_space<semaphore_mem>>) src(%arg9 : memref<125x48xf32, #tpu.memory_space<vmem>>) dst(%dma_wait3A_102 : memref<10240x48xf32, #tpu.memory_space<vmem_shared>>)
    %dma_wait3A_103 = arith.constant 0 : i32
    %dma_wait3A_104 = arith.constant 0 : i32
    %dma_wait3A_105 = tpu.memref_slice %arg7[%dma_wait3A_103, %dma_wait3A_104] : memref<80x125xi32, #tpu.memory_space<vmem>> -> memref<1x125xi32, #tpu.memory_space<vmem>>
    %dma_wait3A_106 = tpu.memref_squeeze %dma_wait3A_105 : memref<1x125xi32, #tpu.memory_space<vmem>> -> memref<125xi32, #tpu.memory_space<vmem>>
    %dma_wait3A_107 = arith.constant 0 : i32
    %dma_wait3A_108 = arith.constant 0 : i32
    %dma_wait3A_109 = tpu.memref_slice %arg17[%dma_wait3A_107, %dma_wait3A_108] : memref<10240x48xf32, #tpu.memory_space<vmem_shared>> -> memref<10240x48xf32, #tpu.memory_space<vmem_shared>>
    tpu.wait_indirect_dma semaphore(%arg28 : memref<!tpu.dma_semaphore, #tpu.memory_space<semaphore_mem>>) src(%arg10 : memref<125x48xf32, #tpu.memory_space<vmem>>) dst(%dma_wait3A_109 : memref<10240x48xf32, #tpu.memory_space<vmem_shared>>)
    %dma_wait3A_110 = arith.constant 0 : i32
    %dma_wait3A_111 = arith.constant 0 : i32
    %dma_wait3A_112 = tpu.memref_slice %arg7[%dma_wait3A_110, %dma_wait3A_111] : memref<80x125xi32, #tpu.memory_space<vmem>> -> memref<1x125xi32, #tpu.memory_space<vmem>>
    %dma_wait3A_113 = tpu.memref_squeeze %dma_wait3A_112 : memref<1x125xi32, #tpu.memory_space<vmem>> -> memref<125xi32, #tpu.memory_space<vmem>>
    %dma_wait3A_114 = arith.constant 0 : i32
    %dma_wait3A_115 = arith.constant 0 : i32
    %dma_wait3A_116 = tpu.memref_slice %arg17[%dma_wait3A_114, %dma_wait3A_115] : memref<10240x48xf32, #tpu.memory_space<vmem_shared>> -> memref<10240x48xf32, #tpu.memory_space<vmem_shared>>
    tpu.wait_indirect_dma semaphore(%arg29 : memref<!tpu.dma_semaphore, #tpu.memory_space<semaphore_mem>>) src(%arg11 : memref<125x48xf32, #tpu.memory_space<vmem>>) dst(%dma_wait3A_116 : memref<10240x48xf32, #tpu.memory_space<vmem_shared>>)
    %dma_wait3A_117 = arith.constant 0 : i32
    %dma_wait3A_118 = arith.constant 0 : i32
    %dma_wait3A_119 = tpu.memref_slice %arg7[%dma_wait3A_117, %dma_wait3A_118] : memref<80x125xi32, #tpu.memory_space<vmem>> -> memref<1x125xi32, #tpu.memory_space<vmem>>
    %dma_wait3A_120 = tpu.memref_squeeze %dma_wait3A_119 : memref<1x125xi32, #tpu.memory_space<vmem>> -> memref<125xi32, #tpu.memory_space<vmem>>
    %dma_wait3A_121 = arith.constant 0 : i32
    %dma_wait3A_122 = arith.constant 0 : i32
    %dma_wait3A_123 = tpu.memref_slice %arg17[%dma_wait3A_121, %dma_wait3A_122] : memref<10240x48xf32, #tpu.memory_space<vmem_shared>> -> memref<10240x48xf32, #tpu.memory_space<vmem_shared>>
    tpu.wait_indirect_dma semaphore(%arg30 : memref<!tpu.dma_semaphore, #tpu.memory_space<semaphore_mem>>) src(%arg12 : memref<125x48xf32, #tpu.memory_space<vmem>>) dst(%dma_wait3A_123 : memref<10240x48xf32, #tpu.memory_space<vmem_shared>>)
    %dma_wait3A_124 = arith.constant 0 : i32
    %dma_wait3A_125 = arith.constant 0 : i32
    %dma_wait3A_126 = tpu.memref_slice %arg7[%dma_wait3A_124, %dma_wait3A_125] : memref<80x125xi32, #tpu.memory_space<vmem>> -> memref<1x125xi32, #tpu.memory_space<vmem>>
    %dma_wait3A_127 = tpu.memref_squeeze %dma_wait3A_126 : memref<1x125xi32, #tpu.memory_space<vmem>> -> memref<125xi32, #tpu.memory_space<vmem>>
    %dma_wait3A_128 = arith.constant 0 : i32
    %dma_wait3A_129 = arith.constant 0 : i32
    %dma_wait3A_130 = tpu.memref_slice %arg17[%dma_wait3A_128, %dma_wait3A_129] : memref<10240x48xf32, #tpu.memory_space<vmem_shared>> -> memref<10240x48xf32, #tpu.memory_space<vmem_shared>>
    tpu.wait_indirect_dma semaphore(%arg31 : memref<!tpu.dma_semaphore, #tpu.memory_space<semaphore_mem>>) src(%arg13 : memref<125x48xf32, #tpu.memory_space<vmem>>) dst(%dma_wait3A_130 : memref<10240x48xf32, #tpu.memory_space<vmem_shared>>)
    %dma_wait3A_131 = arith.constant 0 : i32
    %dma_wait3A_132 = arith.constant 0 : i32
    %dma_wait3A_133 = tpu.memref_slice %arg7[%dma_wait3A_131, %dma_wait3A_132] : memref<80x125xi32, #tpu.memory_space<vmem>> -> memref<1x125xi32, #tpu.memory_space<vmem>>
    %dma_wait3A_134 = tpu.memref_squeeze %dma_wait3A_133 : memref<1x125xi32, #tpu.memory_space<vmem>> -> memref<125xi32, #tpu.memory_space<vmem>>
    %dma_wait3A_135 = arith.constant 0 : i32
    %dma_wait3A_136 = arith.constant 0 : i32
    %dma_wait3A_137 = tpu.memref_slice %arg17[%dma_wait3A_135, %dma_wait3A_136] : memref<10240x48xf32, #tpu.memory_space<vmem_shared>> -> memref<10240x48xf32, #tpu.memory_space<vmem_shared>>
    tpu.wait_indirect_dma semaphore(%arg32 : memref<!tpu.dma_semaphore, #tpu.memory_space<semaphore_mem>>) src(%arg14 : memref<125x48xf32, #tpu.memory_space<vmem>>) dst(%dma_wait3A_137 : memref<10240x48xf32, #tpu.memory_space<vmem_shared>>)
    %dma_wait3A_138 = arith.constant 0 : i32
    %dma_wait3A_139 = arith.constant 0 : i32
    %dma_wait3A_140 = tpu.memref_slice %arg7[%dma_wait3A_138, %dma_wait3A_139] : memref<80x125xi32, #tpu.memory_space<vmem>> -> memref<1x125xi32, #tpu.memory_space<vmem>>
    %dma_wait3A_141 = tpu.memref_squeeze %dma_wait3A_140 : memref<1x125xi32, #tpu.memory_space<vmem>> -> memref<125xi32, #tpu.memory_space<vmem>>
    %dma_wait3A_142 = arith.constant 0 : i32
    %dma_wait3A_143 = arith.constant 0 : i32
    %dma_wait3A_144 = tpu.memref_slice %arg17[%dma_wait3A_142, %dma_wait3A_143] : memref<10240x48xf32, #tpu.memory_space<vmem_shared>> -> memref<10240x48xf32, #tpu.memory_space<vmem_shared>>
    tpu.wait_indirect_dma semaphore(%arg33 : memref<!tpu.dma_semaphore, #tpu.memory_space<semaphore_mem>>) src(%arg15 : memref<125x48xf32, #tpu.memory_space<vmem>>) dst(%dma_wait3A_144 : memref<10240x48xf32, #tpu.memory_space<vmem_shared>>)
    %barrier3A_145 = arith.constant 0 : index
    tpu.barrier barrier_id(%barrier3A_145)
    %mul3A_146 = arith.constant 640 : i32
    %mul3A_147 = arith.muli %arg1, %mul3A_146 : i32
    %add3A_148 = arith.constant 0 : i32
    %add3A_149 = arith.addi %mul3A_147, %add3A_148 : i32
    "tpu.region"() ({
      %run_scoped3A = tpu.sem_alloc : memref<!tpu.dma_semaphore, #tpu.memory_space<semaphore_mem>>
      %dma_start3A_166 = arith.constant 0 : i32
      %dma_start3A_167 = arith.constant 0 : i32
      %dma_start3A_168 = tpu.memref_slice %arg5[%arg0, %dma_start3A_166, %dma_start3A_167] : memref<2x10240x48xf32, #tpu.memory_space<hbm>> -> memref<1x10240x48xf32, #tpu.memory_space<hbm>>
      %dma_start3A_169 = tpu.memref_squeeze %dma_start3A_168 : memref<1x10240x48xf32, #tpu.memory_space<hbm>> -> memref<10240x48xf32, #tpu.memory_space<hbm>>
      %dma_start3A_170 = arith.constant 0 : i32
      %dma_start3A_171 = tpu.memref_slice %dma_start3A_169[%add3A_149, %dma_start3A_170] : memref<10240x48xf32, #tpu.memory_space<hbm>> -> memref<128x48xf32, #tpu.memory_space<hbm>>
      %dma_start3A_172 = arith.constant 0 : i32
      %dma_start3A_173 = tpu.memref_slice %arg17[%add3A_149, %dma_start3A_172] : memref<10240x48xf32, #tpu.memory_space<vmem_shared>> -> memref<128x48xf32, #tpu.memory_space<vmem_shared>>
      tpu.enqueue_dma source(%dma_start3A_173 : memref<128x48xf32, #tpu.memory_space<vmem_shared>>) target(%dma_start3A_171 : memref<128x48xf32, #tpu.memory_space<hbm>>) target_semaphore(%run_scoped3A : memref<!tpu.dma_semaphore, #tpu.memory_space<semaphore_mem>>)
      %dma_wait3A_174 = arith.constant 0 : i32
      %dma_wait3A_175 = arith.constant 0 : i32
      %dma_wait3A_176 = tpu.memref_slice %arg5[%arg0, %dma_wait3A_174, %dma_wait3A_175] : memref<2x10240x48xf32, #tpu.memory_space<hbm>> -> memref<1x10240x48xf32, #tpu.memory_space<hbm>>
      %dma_wait3A_177 = tpu.memref_squeeze %dma_wait3A_176 : memref<1x10240x48xf32, #tpu.memory_space<hbm>> -> memref<10240x48xf32, #tpu.memory_space<hbm>>
      %dma_wait3A_178 = arith.constant 0 : i32
      %dma_wait3A_179 = tpu.memref_slice %dma_wait3A_177[%add3A_149, %dma_wait3A_178] : memref<10240x48xf32, #tpu.memory_space<hbm>> -> memref<128x48xf32, #tpu.memory_space<hbm>>
      %dma_wait3A_180 = arith.constant 0 : i32
      %dma_wait3A_181 = tpu.memref_slice %arg17[%add3A_149, %dma_wait3A_180] : memref<10240x48xf32, #tpu.memory_space<vmem_shared>> -> memref<128x48xf32, #tpu.memory_space<vmem_shared>>
      tpu.wait_dma2 semaphore(%run_scoped3A : memref<!tpu.dma_semaphore, #tpu.memory_space<semaphore_mem>>) src(%dma_wait3A_181 : memref<128x48xf32, #tpu.memory_space<vmem_shared>>) dst(%dma_wait3A_179 : memref<128x48xf32, #tpu.memory_space<hbm>>)
      tpu.yield
    }) : () -> ()
    %mul3A_150 = arith.constant 640 : i32
    %mul3A_151 = arith.muli %arg1, %mul3A_150 : i32
    %add3A_152 = arith.constant 128 : i32
    %add3A_153 = arith.addi %mul3A_151, %add3A_152 : i32
    "tpu.region"() ({
      %run_scoped3A = tpu.sem_alloc : memref<!tpu.dma_semaphore, #tpu.memory_space<semaphore_mem>>
      %dma_start3A_166 = arith.constant 0 : i32
      %dma_start3A_167 = arith.constant 0 : i32
      %dma_start3A_168 = tpu.memref_slice %arg5[%arg0, %dma_start3A_166, %dma_start3A_167] : memref<2x10240x48xf32, #tpu.memory_space<hbm>> -> memref<1x10240x48xf32, #tpu.memory_space<hbm>>
      %dma_start3A_169 = tpu.memref_squeeze %dma_start3A_168 : memref<1x10240x48xf32, #tpu.memory_space<hbm>> -> memref<10240x48xf32, #tpu.memory_space<hbm>>
      %dma_start3A_170 = arith.constant 0 : i32
      %dma_start3A_171 = tpu.memref_slice %dma_start3A_169[%add3A_153, %dma_start3A_170] : memref<10240x48xf32, #tpu.memory_space<hbm>> -> memref<128x48xf32, #tpu.memory_space<hbm>>
      %dma_start3A_172 = arith.constant 0 : i32
      %dma_start3A_173 = tpu.memref_slice %arg17[%add3A_153, %dma_start3A_172] : memref<10240x48xf32, #tpu.memory_space<vmem_shared>> -> memref<128x48xf32, #tpu.memory_space<vmem_shared>>
      tpu.enqueue_dma source(%dma_start3A_173 : memref<128x48xf32, #tpu.memory_space<vmem_shared>>) target(%dma_start3A_171 : memref<128x48xf32, #tpu.memory_space<hbm>>) target_semaphore(%run_scoped3A : memref<!tpu.dma_semaphore, #tpu.memory_space<semaphore_mem>>)
      %dma_wait3A_174 = arith.constant 0 : i32
      %dma_wait3A_175 = arith.constant 0 : i32
      %dma_wait3A_176 = tpu.memref_slice %arg5[%arg0, %dma_wait3A_174, %dma_wait3A_175] : memref<2x10240x48xf32, #tpu.memory_space<hbm>> -> memref<1x10240x48xf32, #tpu.memory_space<hbm>>
      %dma_wait3A_177 = tpu.memref_squeeze %dma_wait3A_176 : memref<1x10240x48xf32, #tpu.memory_space<hbm>> -> memref<10240x48xf32, #tpu.memory_space<hbm>>
      %dma_wait3A_178 = arith.constant 0 : i32
      %dma_wait3A_179 = tpu.memref_slice %dma_wait3A_177[%add3A_153, %dma_wait3A_178] : memref<10240x48xf32, #tpu.memory_space<hbm>> -> memref<128x48xf32, #tpu.memory_space<hbm>>
      %dma_wait3A_180 = arith.constant 0 : i32
      %dma_wait3A_181 = tpu.memref_slice %arg17[%add3A_153, %dma_wait3A_180] : memref<10240x48xf32, #tpu.memory_space<vmem_shared>> -> memref<128x48xf32, #tpu.memory_space<vmem_shared>>
      tpu.wait_dma2 semaphore(%run_scoped3A : memref<!tpu.dma_semaphore, #tpu.memory_space<semaphore_mem>>) src(%dma_wait3A_181 : memref<128x48xf32, #tpu.memory_space<vmem_shared>>) dst(%dma_wait3A_179 : memref<128x48xf32, #tpu.memory_space<hbm>>)
      tpu.yield
    }) : () -> ()
    %mul3A_154 = arith.constant 640 : i32
    %mul3A_155 = arith.muli %arg1, %mul3A_154 : i32
    %add3A_156 = arith.constant 256 : i32
    %add3A_157 = arith.addi %mul3A_155, %add3A_156 : i32
    "tpu.region"() ({
      %run_scoped3A = tpu.sem_alloc : memref<!tpu.dma_semaphore, #tpu.memory_space<semaphore_mem>>
      %dma_start3A_166 = arith.constant 0 : i32
      %dma_start3A_167 = arith.constant 0 : i32
      %dma_start3A_168 = tpu.memref_slice %arg5[%arg0, %dma_start3A_166, %dma_start3A_167] : memref<2x10240x48xf32, #tpu.memory_space<hbm>> -> memref<1x10240x48xf32, #tpu.memory_space<hbm>>
      %dma_start3A_169 = tpu.memref_squeeze %dma_start3A_168 : memref<1x10240x48xf32, #tpu.memory_space<hbm>> -> memref<10240x48xf32, #tpu.memory_space<hbm>>
      %dma_start3A_170 = arith.constant 0 : i32
      %dma_start3A_171 = tpu.memref_slice %dma_start3A_169[%add3A_157, %dma_start3A_170] : memref<10240x48xf32, #tpu.memory_space<hbm>> -> memref<128x48xf32, #tpu.memory_space<hbm>>
      %dma_start3A_172 = arith.constant 0 : i32
      %dma_start3A_173 = tpu.memref_slice %arg17[%add3A_157, %dma_start3A_172] : memref<10240x48xf32, #tpu.memory_space<vmem_shared>> -> memref<128x48xf32, #tpu.memory_space<vmem_shared>>
      tpu.enqueue_dma source(%dma_start3A_173 : memref<128x48xf32, #tpu.memory_space<vmem_shared>>) target(%dma_start3A_171 : memref<128x48xf32, #tpu.memory_space<hbm>>) target_semaphore(%run_scoped3A : memref<!tpu.dma_semaphore, #tpu.memory_space<semaphore_mem>>)
      %dma_wait3A_174 = arith.constant 0 : i32
      %dma_wait3A_175 = arith.constant 0 : i32
      %dma_wait3A_176 = tpu.memref_slice %arg5[%arg0, %dma_wait3A_174, %dma_wait3A_175] : memref<2x10240x48xf32, #tpu.memory_space<hbm>> -> memref<1x10240x48xf32, #tpu.memory_space<hbm>>
      %dma_wait3A_177 = tpu.memref_squeeze %dma_wait3A_176 : memref<1x10240x48xf32, #tpu.memory_space<hbm>> -> memref<10240x48xf32, #tpu.memory_space<hbm>>
      %dma_wait3A_178 = arith.constant 0 : i32
      %dma_wait3A_179 = tpu.memref_slice %dma_wait3A_177[%add3A_157, %dma_wait3A_178] : memref<10240x48xf32, #tpu.memory_space<hbm>> -> memref<128x48xf32, #tpu.memory_space<hbm>>
      %dma_wait3A_180 = arith.constant 0 : i32
      %dma_wait3A_181 = tpu.memref_slice %arg17[%add3A_157, %dma_wait3A_180] : memref<10240x48xf32, #tpu.memory_space<vmem_shared>> -> memref<128x48xf32, #tpu.memory_space<vmem_shared>>
      tpu.wait_dma2 semaphore(%run_scoped3A : memref<!tpu.dma_semaphore, #tpu.memory_space<semaphore_mem>>) src(%dma_wait3A_181 : memref<128x48xf32, #tpu.memory_space<vmem_shared>>) dst(%dma_wait3A_179 : memref<128x48xf32, #tpu.memory_space<hbm>>)
      tpu.yield
    }) : () -> ()
    %mul3A_158 = arith.constant 640 : i32
    %mul3A_159 = arith.muli %arg1, %mul3A_158 : i32
    %add3A_160 = arith.constant 384 : i32
    %add3A_161 = arith.addi %mul3A_159, %add3A_160 : i32
    "tpu.region"() ({
      %run_scoped3A = tpu.sem_alloc : memref<!tpu.dma_semaphore, #tpu.memory_space<semaphore_mem>>
      %dma_start3A_166 = arith.constant 0 : i32
      %dma_start3A_167 = arith.constant 0 : i32
      %dma_start3A_168 = tpu.memref_slice %arg5[%arg0, %dma_start3A_166, %dma_start3A_167] : memref<2x10240x48xf32, #tpu.memory_space<hbm>> -> memref<1x10240x48xf32, #tpu.memory_space<hbm>>
      %dma_start3A_169 = tpu.memref_squeeze %dma_start3A_168 : memref<1x10240x48xf32, #tpu.memory_space<hbm>> -> memref<10240x48xf32, #tpu.memory_space<hbm>>
      %dma_start3A_170 = arith.constant 0 : i32
      %dma_start3A_171 = tpu.memref_slice %dma_start3A_169[%add3A_161, %dma_start3A_170] : memref<10240x48xf32, #tpu.memory_space<hbm>> -> memref<128x48xf32, #tpu.memory_space<hbm>>
      %dma_start3A_172 = arith.constant 0 : i32
      %dma_start3A_173 = tpu.memref_slice %arg17[%add3A_161, %dma_start3A_172] : memref<10240x48xf32, #tpu.memory_space<vmem_shared>> -> memref<128x48xf32, #tpu.memory_space<vmem_shared>>
      tpu.enqueue_dma source(%dma_start3A_173 : memref<128x48xf32, #tpu.memory_space<vmem_shared>>) target(%dma_start3A_171 : memref<128x48xf32, #tpu.memory_space<hbm>>) target_semaphore(%run_scoped3A : memref<!tpu.dma_semaphore, #tpu.memory_space<semaphore_mem>>)
      %dma_wait3A_174 = arith.constant 0 : i32
      %dma_wait3A_175 = arith.constant 0 : i32
      %dma_wait3A_176 = tpu.memref_slice %arg5[%arg0, %dma_wait3A_174, %dma_wait3A_175] : memref<2x10240x48xf32, #tpu.memory_space<hbm>> -> memref<1x10240x48xf32, #tpu.memory_space<hbm>>
      %dma_wait3A_177 = tpu.memref_squeeze %dma_wait3A_176 : memref<1x10240x48xf32, #tpu.memory_space<hbm>> -> memref<10240x48xf32, #tpu.memory_space<hbm>>
      %dma_wait3A_178 = arith.constant 0 : i32
      %dma_wait3A_179 = tpu.memref_slice %dma_wait3A_177[%add3A_161, %dma_wait3A_178] : memref<10240x48xf32, #tpu.memory_space<hbm>> -> memref<128x48xf32, #tpu.memory_space<hbm>>
      %dma_wait3A_180 = arith.constant 0 : i32
      %dma_wait3A_181 = tpu.memref_slice %arg17[%add3A_161, %dma_wait3A_180] : memref<10240x48xf32, #tpu.memory_space<vmem_shared>> -> memref<128x48xf32, #tpu.memory_space<vmem_shared>>
      tpu.wait_dma2 semaphore(%run_scoped3A : memref<!tpu.dma_semaphore, #tpu.memory_space<semaphore_mem>>) src(%dma_wait3A_181 : memref<128x48xf32, #tpu.memory_space<vmem_shared>>) dst(%dma_wait3A_179 : memref<128x48xf32, #tpu.memory_space<hbm>>)
      tpu.yield
    }) : () -> ()
    %mul3A_162 = arith.constant 640 : i32
    %mul3A_163 = arith.muli %arg1, %mul3A_162 : i32
    %add3A_164 = arith.constant 512 : i32
    %add3A_165 = arith.addi %mul3A_163, %add3A_164 : i32
    "tpu.region"() ({
      %run_scoped3A = tpu.sem_alloc : memref<!tpu.dma_semaphore, #tpu.memory_space<semaphore_mem>>
      %dma_start3A_166 = arith.constant 0 : i32
      %dma_start3A_167 = arith.constant 0 : i32
      %dma_start3A_168 = tpu.memref_slice %arg5[%arg0, %dma_start3A_166, %dma_start3A_167] : memref<2x10240x48xf32, #tpu.memory_space<hbm>> -> memref<1x10240x48xf32, #tpu.memory_space<hbm>>
      %dma_start3A_169 = tpu.memref_squeeze %dma_start3A_168 : memref<1x10240x48xf32, #tpu.memory_space<hbm>> -> memref<10240x48xf32, #tpu.memory_space<hbm>>
      %dma_start3A_170 = arith.constant 0 : i32
      %dma_start3A_171 = tpu.memref_slice %dma_start3A_169[%add3A_165, %dma_start3A_170] : memref<10240x48xf32, #tpu.memory_space<hbm>> -> memref<128x48xf32, #tpu.memory_space<hbm>>
      %dma_start3A_172 = arith.constant 0 : i32
      %dma_start3A_173 = tpu.memref_slice %arg17[%add3A_165, %dma_start3A_172] : memref<10240x48xf32, #tpu.memory_space<vmem_shared>> -> memref<128x48xf32, #tpu.memory_space<vmem_shared>>
      tpu.enqueue_dma source(%dma_start3A_173 : memref<128x48xf32, #tpu.memory_space<vmem_shared>>) target(%dma_start3A_171 : memref<128x48xf32, #tpu.memory_space<hbm>>) target_semaphore(%run_scoped3A : memref<!tpu.dma_semaphore, #tpu.memory_space<semaphore_mem>>)
      %dma_wait3A_174 = arith.constant 0 : i32
      %dma_wait3A_175 = arith.constant 0 : i32
      %dma_wait3A_176 = tpu.memref_slice %arg5[%arg0, %dma_wait3A_174, %dma_wait3A_175] : memref<2x10240x48xf32, #tpu.memory_space<hbm>> -> memref<1x10240x48xf32, #tpu.memory_space<hbm>>
      %dma_wait3A_177 = tpu.memref_squeeze %dma_wait3A_176 : memref<1x10240x48xf32, #tpu.memory_space<hbm>> -> memref<10240x48xf32, #tpu.memory_space<hbm>>
      %dma_wait3A_178 = arith.constant 0 : i32
      %dma_wait3A_179 = tpu.memref_slice %dma_wait3A_177[%add3A_165, %dma_wait3A_178] : memref<10240x48xf32, #tpu.memory_space<hbm>> -> memref<128x48xf32, #tpu.memory_space<hbm>>
      %dma_wait3A_180 = arith.constant 0 : i32
      %dma_wait3A_181 = tpu.memref_slice %arg17[%add3A_165, %dma_wait3A_180] : memref<10240x48xf32, #tpu.memory_space<vmem_shared>> -> memref<128x48xf32, #tpu.memory_space<vmem_shared>>
      tpu.wait_dma2 semaphore(%run_scoped3A : memref<!tpu.dma_semaphore, #tpu.memory_space<semaphore_mem>>) src(%dma_wait3A_181 : memref<128x48xf32, #tpu.memory_space<vmem_shared>>) dst(%dma_wait3A_179 : memref<128x48xf32, #tpu.memory_space<hbm>>)
      tpu.yield
    }) : () -> ()
    return
  }
}

module attributes {stable_mosaic.version = 14 : i64} {
  func.func @body(%arg0: i32, %arg1: memref<2x5000x16xf32, #tpu.memory_space<vmem>>, %arg2: memref<5000x128xf32, #tpu.memory_space<vmem>>, %arg3: memref<128x32xf32, #tpu.memory_space<vmem>>, %arg4: memref<5000x32xf32, #tpu.memory_space<vmem>>, %arg5: memref<5000x16xf32, #tpu.memory_space<vmem>>) attributes {dimension_semantics = [#tpu.dimension_semantics<arbitrary>], iteration_bounds = array<i64: 2>, scalar_prefetch = 0 : i64, scratch_operands = 0 : i64, tpu.core_type = #tpu.core_type<tc>, window_params = [{transform_indices = @transform_0, window_bounds = array<i64: 2, 5000, 16>}, {transform_indices = @transform_1, window_bounds = array<i64: 5000, 128>}, {pipeline_mode = #tpu.pipeline_mode<synchronous>, transform_indices = @transform_2, window_bounds = array<i64: 128, 32>}, {transform_indices = @transform_3, window_bounds = array<i64: 5000, 32>}, {transform_indices = @transform_4, window_bounds = array<i64: 5000, 16>}]} {
    %get3A = arith.constant 0 : index
    %get3A_0 = arith.constant 0 : index
    %get3A_1 = arith.constant 0 : index
    %get3A_2 = vector.load %arg1[%get3A, %get3A_0, %get3A_1] : memref<2x5000x16xf32, #tpu.memory_space<vmem>>, vector<1x5000x16xf32>
    %get3A_3 = vector.shape_cast %get3A_2 : vector<1x5000x16xf32> to vector<5000x16xf32>
    %get3A_4 = arith.constant 1 : index
    %get3A_5 = arith.constant 0 : index
    %get3A_6 = arith.constant 0 : index
    %get3A_7 = vector.load %arg1[%get3A_4, %get3A_5, %get3A_6] : memref<2x5000x16xf32, #tpu.memory_space<vmem>>, vector<1x5000x16xf32>
    %get3A_8 = vector.shape_cast %get3A_7 : vector<1x5000x16xf32> to vector<5000x16xf32>
    %add3A = arith.addf %get3A_3, %get3A_8 : vector<5000x16xf32>
    %max3A = arith.constant 1.000000e+00 : f32
    %max3A_9 = vector.broadcast %max3A : f32 to vector<5000x16xf32>
    %max3A_10 = arith.maximumf %add3A, %max3A_9 : vector<5000x16xf32>
    %rsqrt3A = math.rsqrt %max3A_10 : vector<5000x16xf32>
    %mul3A = arith.constant 5.000000e-01 : f32
    %mul3A_11 = vector.broadcast %mul3A : f32 to vector<5000x16xf32>
    %mul3A_12 = arith.mulf %mul3A_11, %max3A_10 : vector<5000x16xf32>
    %mul3A_13 = arith.mulf %mul3A_12, %rsqrt3A : vector<5000x16xf32>
    %mul3A_14 = arith.mulf %mul3A_13, %rsqrt3A : vector<5000x16xf32>
    %sub3A = arith.constant 1.500000e+00 : f32
    %sub3A_15 = vector.broadcast %sub3A : f32 to vector<5000x16xf32>
    %sub3A_16 = arith.subf %sub3A_15, %mul3A_14 : vector<5000x16xf32>
    %mul3A_17 = arith.mulf %rsqrt3A, %sub3A_16 : vector<5000x16xf32>
    %swap3A = arith.constant 0 : index
    %swap3A_18 = arith.constant 0 : index
    %swap3A_19 = vector.load %arg5[%swap3A, %swap3A_18] : memref<5000x16xf32, #tpu.memory_space<vmem>>, vector<5000x16xf32>
    tpu.vector_store %arg5[%swap3A, %swap3A_18], %mul3A_17 {strides = array<i32>} : memref<5000x16xf32, #tpu.memory_space<vmem>>, vector<5000x16xf32>,
    %get3A_20 = arith.constant 0 : index
    %get3A_21 = arith.constant 0 : index
    %get3A_22 = vector.load %arg2[%get3A_20, %get3A_21] : memref<5000x128xf32, #tpu.memory_space<vmem>>, vector<5000x128xf32>
    %get3A_23 = arith.constant 0 : index
    %get3A_24 = arith.constant 0 : index
    %get3A_25 = vector.load %arg3[%get3A_23, %get3A_24] : memref<128x32xf32, #tpu.memory_space<vmem>>, vector<128x32xf32>
    %dot_general3A = arith.constant dense<0.000000e+00> : vector<5000x32xf32>
    %dot_general3A_26 = tpu.matmul %get3A_22, %get3A_25, %dot_general3A {dimension_numbers = #tpu.dot_dimension_numbers<[1], [0], [0], [1], [0, 0, 1, 1], [], []>, transpose_lhs_hint = false} : vector<5000x128xf32>, vector<128x32xf32>, vector<5000x32xf32> -> vector<5000x32xf32>
    %slice3A = vector.extract_strided_slice %mul3A_17 {offsets = [0, 0], sizes = [5000, 1], strides = [1, 1]} : vector<5000x16xf32> to vector<5000x1xf32>
    %mul3A_27 = vector.broadcast %slice3A : vector<5000x1xf32> to vector<5000x32xf32>
    %mul3A_28 = arith.mulf %dot_general3A_26, %mul3A_27 : vector<5000x32xf32>
    %swap3A_29 = arith.constant 0 : index
    %swap3A_30 = arith.constant 0 : index
    %swap3A_31 = vector.load %arg4[%swap3A_29, %swap3A_30] : memref<5000x32xf32, #tpu.memory_space<vmem>>, vector<5000x32xf32>
    tpu.vector_store %arg4[%swap3A_29, %swap3A_30], %mul3A_28 {strides = array<i32>} : memref<5000x32xf32, #tpu.memory_space<vmem>>, vector<5000x32xf32>,
    return
  }
  func.func @transform_0(%arg0: i32) -> (i32, i32, i32) {
    %c0_i32 = arith.constant 0 : i32
    %c0_i32_0 = arith.constant 0 : i32
    %c0_i32_1 = arith.constant 0 : i32
    return %c0_i32, %arg0, %c0_i32_0 : i32, i32, i32
  }
  func.func @transform_1(%arg0: i32) -> (i32, i32) {
    %c0_i32 = arith.constant 0 : i32
    %c0_i32_0 = arith.constant 0 : i32
    return %arg0, %c0_i32 : i32, i32
  }
  func.func @transform_2(%arg0: i32) -> (i32, i32) {
    %c0_i32 = arith.constant 0 : i32
    %c0_i32_0 = arith.constant 0 : i32
    %c0_i32_1 = arith.constant 0 : i32
    return %c0_i32, %c0_i32_0 : i32, i32
  }
  func.func @transform_3(%arg0: i32) -> (i32, i32) {
    %c0_i32 = arith.constant 0 : i32
    %c0_i32_0 = arith.constant 0 : i32
    return %arg0, %c0_i32 : i32, i32
  }
  func.func @transform_4(%arg0: i32) -> (i32, i32) {
    %c0_i32 = arith.constant 0 : i32
    %c0_i32_0 = arith.constant 0 : i32
    return %arg0, %c0_i32 : i32, i32
  }
}

module attributes {stable_mosaic.version = 14 : i64} {
  func.func @body(%arg0: i32, %arg1: memref<2x5000x32xf32, #tpu.memory_space<vmem>>, %arg2: memref<5000x16xf32, #tpu.memory_space<vmem>>, %arg3: memref<32x48xf32, #tpu.memory_space<vmem>>, %arg4: memref<1x32xf32, #tpu.memory_space<vmem>>, %arg5: memref<5000x48xf32, #tpu.memory_space<vmem>>) attributes {dimension_semantics = [#tpu.dimension_semantics<arbitrary>], iteration_bounds = array<i64: 2>, scalar_prefetch = 0 : i64, scratch_operands = 0 : i64, tpu.core_type = #tpu.core_type<tc>, window_params = [{transform_indices = @transform_0, window_bounds = array<i64: 2, 5000, 32>}, {transform_indices = @transform_1, window_bounds = array<i64: 5000, 16>}, {pipeline_mode = #tpu.pipeline_mode<synchronous>, transform_indices = @transform_2, window_bounds = array<i64: 32, 48>}, {pipeline_mode = #tpu.pipeline_mode<synchronous>, transform_indices = @transform_3, window_bounds = array<i64: 1, 32>}, {transform_indices = @transform_4, window_bounds = array<i64: 5000, 48>}]} {
    %get3A = arith.constant 0 : index
    %get3A_0 = arith.constant 0 : index
    %get3A_1 = vector.load %arg2[%get3A, %get3A_0] : memref<5000x16xf32, #tpu.memory_space<vmem>>, vector<5000x16xf32>
    %slice3A = vector.extract_strided_slice %get3A_1 {offsets = [0, 0], sizes = [5000, 1], strides = [1, 1]} : vector<5000x16xf32> to vector<5000x1xf32>
    %get3A_2 = arith.constant 0 : index
    %get3A_3 = arith.constant 0 : index
    %get3A_4 = arith.constant 0 : index
    %get3A_5 = vector.load %arg1[%get3A_2, %get3A_3, %get3A_4] : memref<2x5000x32xf32, #tpu.memory_space<vmem>>, vector<1x5000x32xf32>
    %get3A_6 = vector.shape_cast %get3A_5 : vector<1x5000x32xf32> to vector<5000x32xf32>
    %get3A_7 = arith.constant 1 : index
    %get3A_8 = arith.constant 0 : index
    %get3A_9 = arith.constant 0 : index
    %get3A_10 = vector.load %arg1[%get3A_7, %get3A_8, %get3A_9] : memref<2x5000x32xf32, #tpu.memory_space<vmem>>, vector<1x5000x32xf32>
    %get3A_11 = vector.shape_cast %get3A_10 : vector<1x5000x32xf32> to vector<5000x32xf32>
    %add3A = arith.addf %get3A_6, %get3A_11 : vector<5000x32xf32>
    %mul3A = vector.broadcast %slice3A : vector<5000x1xf32> to vector<5000x32xf32>
    %mul3A_12 = arith.mulf %mul3A, %add3A : vector<5000x32xf32>
    %get3A_13 = arith.constant 0 : index
    %get3A_14 = arith.constant 0 : index
    %get3A_15 = vector.load %arg4[%get3A_13, %get3A_14] : memref<1x32xf32, #tpu.memory_space<vmem>>, vector<1x32xf32>
    %add3A_16 = vector.broadcast %get3A_15 : vector<1x32xf32> to vector<5000x32xf32>
    %add3A_17 = arith.addf %mul3A_12, %add3A_16 : vector<5000x32xf32>
    %max3A = arith.constant 0.000000e+00 : f32
    %max3A_18 = vector.broadcast %max3A : f32 to vector<5000x32xf32>
    %max3A_19 = arith.maximumf %add3A_17, %max3A_18 : vector<5000x32xf32>
    %get3A_20 = arith.constant 0 : index
    %get3A_21 = arith.constant 0 : index
    %get3A_22 = vector.load %arg3[%get3A_20, %get3A_21] : memref<32x48xf32, #tpu.memory_space<vmem>>, vector<32x48xf32>
    %dot_general3A = arith.constant dense<0.000000e+00> : vector<5000x48xf32>
    %dot_general3A_23 = tpu.matmul %max3A_19, %get3A_22, %dot_general3A {dimension_numbers = #tpu.dot_dimension_numbers<[1], [0], [0], [1], [0, 0, 1, 1], [], []>, transpose_lhs_hint = false} : vector<5000x32xf32>, vector<32x48xf32>, vector<5000x48xf32> -> vector<5000x48xf32>
    %slice3A_24 = vector.extract_strided_slice %get3A_1 {offsets = [0, 0], sizes = [5000, 1], strides = [1, 1]} : vector<5000x16xf32> to vector<5000x1xf32>
    %mul3A_25 = vector.broadcast %slice3A_24 : vector<5000x1xf32> to vector<5000x48xf32>
    %mul3A_26 = arith.mulf %dot_general3A_23, %mul3A_25 : vector<5000x48xf32>
    %swap3A = arith.constant 0 : index
    %swap3A_27 = arith.constant 0 : index
    %swap3A_28 = vector.load %arg5[%swap3A, %swap3A_27] : memref<5000x48xf32, #tpu.memory_space<vmem>>, vector<5000x48xf32>
    tpu.vector_store %arg5[%swap3A, %swap3A_27], %mul3A_26 {strides = array<i32>} : memref<5000x48xf32, #tpu.memory_space<vmem>>, vector<5000x48xf32>,
    return
  }
  func.func @transform_0(%arg0: i32) -> (i32, i32, i32) {
    %c0_i32 = arith.constant 0 : i32
    %c0_i32_0 = arith.constant 0 : i32
    %c0_i32_1 = arith.constant 0 : i32
    return %c0_i32, %arg0, %c0_i32_0 : i32, i32, i32
  }
  func.func @transform_1(%arg0: i32) -> (i32, i32) {
    %c0_i32 = arith.constant 0 : i32
    %c0_i32_0 = arith.constant 0 : i32
    return %arg0, %c0_i32 : i32, i32
  }
  func.func @transform_2(%arg0: i32) -> (i32, i32) {
    %c0_i32 = arith.constant 0 : i32
    %c0_i32_0 = arith.constant 0 : i32
    %c0_i32_1 = arith.constant 0 : i32
    return %c0_i32, %c0_i32_0 : i32, i32
  }
  func.func @transform_3(%arg0: i32) -> (i32, i32) {
    %c0_i32 = arith.constant 0 : i32
    %c0_i32_0 = arith.constant 0 : i32
    %c0_i32_1 = arith.constant 0 : i32
    return %c0_i32, %c0_i32_0 : i32, i32
  }
  func.func @transform_4(%arg0: i32) -> (i32, i32) {
    %c0_i32 = arith.constant 0 : i32
    %c0_i32_0 = arith.constant 0 : i32
    return %arg0, %c0_i32 : i32, i32
  }
}

module attributes {stable_mosaic.version = 14 : i64} {
  func.func @body(%arg0: i32, %arg1: memref<2x5000x48xf32, #tpu.memory_space<vmem>>, %arg2: memref<5000x16xf32, #tpu.memory_space<vmem>>, %arg3: memref<48x16xf32, #tpu.memory_space<vmem>>, %arg4: memref<1x48xf32, #tpu.memory_space<vmem>>, %arg5: memref<5000x16xf32, #tpu.memory_space<vmem>>) attributes {dimension_semantics = [#tpu.dimension_semantics<arbitrary>], iteration_bounds = array<i64: 2>, scalar_prefetch = 0 : i64, scratch_operands = 0 : i64, tpu.core_type = #tpu.core_type<tc>, window_params = [{transform_indices = @transform_0, window_bounds = array<i64: 2, 5000, 48>}, {transform_indices = @transform_1, window_bounds = array<i64: 5000, 16>}, {pipeline_mode = #tpu.pipeline_mode<synchronous>, transform_indices = @transform_2, window_bounds = array<i64: 48, 16>}, {pipeline_mode = #tpu.pipeline_mode<synchronous>, transform_indices = @transform_3, window_bounds = array<i64: 1, 48>}, {transform_indices = @transform_4, window_bounds = array<i64: 5000, 16>}]} {
    %get3A = arith.constant 0 : index
    %get3A_0 = arith.constant 0 : index
    %get3A_1 = vector.load %arg2[%get3A, %get3A_0] : memref<5000x16xf32, #tpu.memory_space<vmem>>, vector<5000x16xf32>
    %slice3A = vector.extract_strided_slice %get3A_1 {offsets = [0, 0], sizes = [5000, 1], strides = [1, 1]} : vector<5000x16xf32> to vector<5000x1xf32>
    %get3A_2 = arith.constant 0 : index
    %get3A_3 = arith.constant 0 : index
    %get3A_4 = arith.constant 0 : index
    %get3A_5 = vector.load %arg1[%get3A_2, %get3A_3, %get3A_4] : memref<2x5000x48xf32, #tpu.memory_space<vmem>>, vector<1x5000x48xf32>
    %get3A_6 = vector.shape_cast %get3A_5 : vector<1x5000x48xf32> to vector<5000x48xf32>
    %get3A_7 = arith.constant 1 : index
    %get3A_8 = arith.constant 0 : index
    %get3A_9 = arith.constant 0 : index
    %get3A_10 = vector.load %arg1[%get3A_7, %get3A_8, %get3A_9] : memref<2x5000x48xf32, #tpu.memory_space<vmem>>, vector<1x5000x48xf32>
    %get3A_11 = vector.shape_cast %get3A_10 : vector<1x5000x48xf32> to vector<5000x48xf32>
    %add3A = arith.addf %get3A_6, %get3A_11 : vector<5000x48xf32>
    %mul3A = vector.broadcast %slice3A : vector<5000x1xf32> to vector<5000x48xf32>
    %mul3A_12 = arith.mulf %mul3A, %add3A : vector<5000x48xf32>
    %get3A_13 = arith.constant 0 : index
    %get3A_14 = arith.constant 0 : index
    %get3A_15 = vector.load %arg4[%get3A_13, %get3A_14] : memref<1x48xf32, #tpu.memory_space<vmem>>, vector<1x48xf32>
    %add3A_16 = vector.broadcast %get3A_15 : vector<1x48xf32> to vector<5000x48xf32>
    %add3A_17 = arith.addf %mul3A_12, %add3A_16 : vector<5000x48xf32>
    %max3A = arith.constant 0.000000e+00 : f32
    %max3A_18 = vector.broadcast %max3A : f32 to vector<5000x48xf32>
    %max3A_19 = arith.maximumf %add3A_17, %max3A_18 : vector<5000x48xf32>
    %get3A_20 = arith.constant 0 : index
    %get3A_21 = arith.constant 0 : index
    %get3A_22 = vector.load %arg3[%get3A_20, %get3A_21] : memref<48x16xf32, #tpu.memory_space<vmem>>, vector<48x16xf32>
    %dot_general3A = arith.constant dense<0.000000e+00> : vector<5000x16xf32>
    %dot_general3A_23 = tpu.matmul %max3A_19, %get3A_22, %dot_general3A {dimension_numbers = #tpu.dot_dimension_numbers<[1], [0], [0], [1], [0, 0, 1, 1], [], []>, transpose_lhs_hint = false} : vector<5000x48xf32>, vector<48x16xf32>, vector<5000x16xf32> -> vector<5000x16xf32>
    %slice3A_24 = vector.extract_strided_slice %get3A_1 {offsets = [0, 0], sizes = [5000, 1], strides = [1, 1]} : vector<5000x16xf32> to vector<5000x1xf32>
    %mul3A_25 = vector.broadcast %slice3A_24 : vector<5000x1xf32> to vector<5000x16xf32>
    %mul3A_26 = arith.mulf %dot_general3A_23, %mul3A_25 : vector<5000x16xf32>
    %swap3A = arith.constant 0 : index
    %swap3A_27 = arith.constant 0 : index
    %swap3A_28 = vector.load %arg5[%swap3A, %swap3A_27] : memref<5000x16xf32, #tpu.memory_space<vmem>>, vector<5000x16xf32>
    tpu.vector_store %arg5[%swap3A, %swap3A_27], %mul3A_26 {strides = array<i32>} : memref<5000x16xf32, #tpu.memory_space<vmem>>, vector<5000x16xf32>,
    return
  }
  func.func @transform_0(%arg0: i32) -> (i32, i32, i32) {
    %c0_i32 = arith.constant 0 : i32
    %c0_i32_0 = arith.constant 0 : i32
    %c0_i32_1 = arith.constant 0 : i32
    return %c0_i32, %arg0, %c0_i32_0 : i32, i32, i32
  }
  func.func @transform_1(%arg0: i32) -> (i32, i32) {
    %c0_i32 = arith.constant 0 : i32
    %c0_i32_0 = arith.constant 0 : i32
    return %arg0, %c0_i32 : i32, i32
  }
  func.func @transform_2(%arg0: i32) -> (i32, i32) {
    %c0_i32 = arith.constant 0 : i32
    %c0_i32_0 = arith.constant 0 : i32
    %c0_i32_1 = arith.constant 0 : i32
    return %c0_i32, %c0_i32_0 : i32, i32
  }
  func.func @transform_3(%arg0: i32) -> (i32, i32) {
    %c0_i32 = arith.constant 0 : i32
    %c0_i32_0 = arith.constant 0 : i32
    %c0_i32_1 = arith.constant 0 : i32
    return %c0_i32, %c0_i32_0 : i32, i32
  }
  func.func @transform_4(%arg0: i32) -> (i32, i32) {
    %c0_i32 = arith.constant 0 : i32
    %c0_i32_0 = arith.constant 0 : i32
    return %arg0, %c0_i32 : i32, i32
  }
}

module attributes {stable_mosaic.version = 14 : i64} {
  func.func @body(%arg0: i32, %arg1: memref<2x5000x16xf32, #tpu.memory_space<vmem>>, %arg2: memref<5000x16xf32, #tpu.memory_space<vmem>>, %arg3: memref<1x16xf32, #tpu.memory_space<vmem>>, %arg4: memref<5000x16xf32, #tpu.memory_space<vmem>>) attributes {dimension_semantics = [#tpu.dimension_semantics<arbitrary>], iteration_bounds = array<i64: 2>, scalar_prefetch = 0 : i64, scratch_operands = 0 : i64, tpu.core_type = #tpu.core_type<tc>, window_params = [{transform_indices = @transform_0, window_bounds = array<i64: 2, 5000, 16>}, {transform_indices = @transform_1, window_bounds = array<i64: 5000, 16>}, {pipeline_mode = #tpu.pipeline_mode<synchronous>, transform_indices = @transform_2, window_bounds = array<i64: 1, 16>}, {transform_indices = @transform_3, window_bounds = array<i64: 5000, 16>}]} {
    %get3A = arith.constant 0 : index
    %get3A_0 = arith.constant 0 : index
    %get3A_1 = vector.load %arg2[%get3A, %get3A_0] : memref<5000x16xf32, #tpu.memory_space<vmem>>, vector<5000x16xf32>
    %slice3A = vector.extract_strided_slice %get3A_1 {offsets = [0, 0], sizes = [5000, 1], strides = [1, 1]} : vector<5000x16xf32> to vector<5000x1xf32>
    %get3A_2 = arith.constant 0 : index
    %get3A_3 = arith.constant 0 : index
    %get3A_4 = arith.constant 0 : index
    %get3A_5 = vector.load %arg1[%get3A_2, %get3A_3, %get3A_4] : memref<2x5000x16xf32, #tpu.memory_space<vmem>>, vector<1x5000x16xf32>
    %get3A_6 = vector.shape_cast %get3A_5 : vector<1x5000x16xf32> to vector<5000x16xf32>
    %get3A_7 = arith.constant 1 : index
    %get3A_8 = arith.constant 0 : index
    %get3A_9 = arith.constant 0 : index
    %get3A_10 = vector.load %arg1[%get3A_7, %get3A_8, %get3A_9] : memref<2x5000x16xf32, #tpu.memory_space<vmem>>, vector<1x5000x16xf32>
    %get3A_11 = vector.shape_cast %get3A_10 : vector<1x5000x16xf32> to vector<5000x16xf32>
    %add3A = arith.addf %get3A_6, %get3A_11 : vector<5000x16xf32>
    %mul3A = vector.broadcast %slice3A : vector<5000x1xf32> to vector<5000x16xf32>
    %mul3A_12 = arith.mulf %mul3A, %add3A : vector<5000x16xf32>
    %get3A_13 = arith.constant 0 : index
    %get3A_14 = arith.constant 0 : index
    %get3A_15 = vector.load %arg3[%get3A_13, %get3A_14] : memref<1x16xf32, #tpu.memory_space<vmem>>, vector<1x16xf32>
    %add3A_16 = vector.broadcast %get3A_15 : vector<1x16xf32> to vector<5000x16xf32>
    %add3A_17 = arith.addf %mul3A_12, %add3A_16 : vector<5000x16xf32>
    %swap3A = arith.constant 0 : index
    %swap3A_18 = arith.constant 0 : index
    %swap3A_19 = vector.load %arg4[%swap3A, %swap3A_18] : memref<5000x16xf32, #tpu.memory_space<vmem>>, vector<5000x16xf32>
    tpu.vector_store %arg4[%swap3A, %swap3A_18], %add3A_17 {strides = array<i32>} : memref<5000x16xf32, #tpu.memory_space<vmem>>, vector<5000x16xf32>,
    return
  }
  func.func @transform_0(%arg0: i32) -> (i32, i32, i32) {
    %c0_i32 = arith.constant 0 : i32
    %c0_i32_0 = arith.constant 0 : i32
    %c0_i32_1 = arith.constant 0 : i32
    return %c0_i32, %arg0, %c0_i32_0 : i32, i32, i32
  }
  func.func @transform_1(%arg0: i32) -> (i32, i32) {
    %c0_i32 = arith.constant 0 : i32
    %c0_i32_0 = arith.constant 0 : i32
    return %arg0, %c0_i32 : i32, i32
  }
  func.func @transform_2(%arg0: i32) -> (i32, i32) {
    %c0_i32 = arith.constant 0 : i32
    %c0_i32_0 = arith.constant 0 : i32
    %c0_i32_1 = arith.constant 0 : i32
    return %c0_i32, %c0_i32_0 : i32, i32
  }
  func.func @transform_3(%arg0: i32) -> (i32, i32) {
    %c0_i32 = arith.constant 0 : i32
    %c0_i32_0 = arith.constant 0 : i32
    return %arg0, %c0_i32 : i32, i32
  }
}

</mosaic_0001>

<sc_bundles>
// kernel: kernel.10.cloned.1.call-start
scs
__scs_entry_jumppad:
0x0: {  	(pc) =	sbr.rel $0x88, $3  }
0x1: {  	(tag) =	ssettag $0x0;
	lr =	simm.s32 $0x1  }
0x2: {  	[smem:$0x3F99] =	sst lr;
	_ =	strace $0xD0000000  }
0x3: {  	_ = 	snop  }
0x4: {  	_ = 	snop  }
0x5: {  	_ = 	snop  }
0x6: {  	_ = 	snop  }
0x7: {  	_ = 	snop  }
__scs_overlays_trampoline_lowered:
0x8: {  	[smem:$0x3FA8] =	sst s0  }
0x9: {  	[smem:$0x3FA9] =	sst s1  }
0xa: {  	[smem:$0x3FAA] =	sst s2  }
0xb: {  	[smem:$0x3FAB] =	sst s3  }
0xc: {  	[smem:$0x3FAC] =	sst s4  }
0xd: {  	[smem:$0x3FAD] =	sst s5  }
0xe: {  	[smem:$0x3FAE] =	sst s6  }
0xf: {  	[smem:$0x3FAF] =	sst s7  }
0x10: {  	[smem:$0x3FB0] =	sst s8  }
0x11: {  	[smem:$0x3FB1] =	sst s9;
	s0 =	simm.s32 @!p0 $0x0  }
0x12: {  	s1 =	sld [smem:$0x3F97];
	s0 =	simm.s32 @p0 $0x1  }
0x13: {  	[smem:$0x3FB2] =	sst s0;
	s0 =	simm.s32 @!p1 $0x0  }
0x14: {  	s2 =	sld [smem:$0x3F96];
	s0 =	simm.s32 @p1 $0x1  }
0x15: {  	[smem:$0x3FB3] =	sst s0;
	s0 =	simm.s32 @!p2 $0x0  }
0x16: {  	s3 =	sld [smem:$0x3FDB];
	s0 =	simm.s32 @p2 $0x1  }
0x17: {  	s4 =	simm.s32 $0x1BF5;
	[smem:$0x3FB5] =	sst s0  }
0x18: {  	s0 =	sld [smem:$0x3F98];
	_ =	swait.ge [sflag:s4], $0x0  }
0x19: {  	s7 =	sld [smem:$0x3F99]  }
0x1a: {  	s8 =	sadd.s32 $0xFFFFE003, lr  }
0x1b: {  	s9 =	sadd.s32 $0xFFFFFEF7, lr;
	s5 =	simm.s32 $0xFFFFFFFF;
	p2 =	slt.u32 s8, $0xFFFFF086  }
0x1c: {  	p1 =	slt.u32 s9, $0xF7A;
	s5 =	simm.s32 @!p2 $0x0  }
0x1d: {  	s5 =	simm.s32 @p1 $0x1;
	p0 =	seq.s32 s7, s2  }
0x1e: {  	s7 =	smul.u32 @!p0 $0xF7A, s2;
	p2 =	seq.s32 @!p0 s5, $0x0  }
0x1f: {  	s9 =	smul.u32 $0xF7A, s1;
	s8 =	simm.s32 @!p0 $0x1BF5;
	p2 =	por !p2, p0  }
0x20: {  	[sflag:s8] =	ssyncset.s32 @!p0 $0xFFFFF086;
	s6 =	sadd.s32 @!p0 s3, s7;
	s7 =	simm.s32 @!p0 $0x108  }
0x21: {  	s3 =	sadd.s32 s3, s9;
	s6 =	sadd.s32 @!p0 $0x88, s6;
	s7 =	simm.s32 @p2 $0x1082  }
0x22: {  	[simem:s7], [sflag:s8] =	dma.local @!p0 [hbm:s6], $0xF7A  }
0x23: {  	s9 =	sor.u32 $0xD0000000, s2;
	s6 =	simm.s32 $0x108;
	_ =	swait.ge @!p0 [sflag:s8], $0x0  }
0x24: {  	s3 =	sadd.s32 $0x88, s3;
	s6 =	simm.s32 @!p1 $0x1082;
	[sflag:s4] =	ssyncset.s32 $0xFFFFF086  }
0x25: {  	[simem:s6], [sflag:s4] =	dma.local [hbm:s3], $0xF7A  }
0x26: {  	[smem:$0x3F99] =	sst s1;
	(tag) =	ssettag s2;
	_ =	strace s9  }
0x27: {  	s1 =	sld [smem:$0x3FA9]  }
0x28: {  	s2 =	sld [smem:$0x3FAA]  }
0x29: {  	s4 =	sld [smem:$0x3FAC]  }
0x2a: {  	p0 =	seq.s32 s5, $0x0;
	s5 =	sld [smem:$0x3FAD]  }
0x2b: {  	s6 =	sld [smem:$0x3FAE]  }
0x2c: {  	s7 =	sld [smem:$0x3FAF]  }
0x2d: {  	s3 =	simm.s32 $0x108;
	s8 =	sld [smem:$0x3FB0]  }
0x2e: {  	s3 =	simm.s32 @!p0 $0x1082;
	s9 =	sld [smem:$0x3FB1]  }
0x2f: {  	lr =	sadd.s32 s0, s3;
	s0 =	sld [smem:$0x3FA8]  }
0x30: {  	s3 =	sld [smem:$0x3FAB]  }
0x31: {  	[smem:$0x3FB4] =	sst s10  }
0x32: {  	s10 =	sld [smem:$0x3FB2];
	_ =	sdelay $0x3  }
0x33: {  	p0 =	seq.s32 s10, $0x1;
	s10 =	sld [smem:$0x3FB4];
	_ =	sdelay $0x3  }
0x34: {  	[smem:$0x3FB4] =	sst s10  }
0x35: {  	s10 =	sld [smem:$0x3FB3];
	_ =	sdelay $0x3  }
0x36: {  	p1 =	seq.s32 s10, $0x1;
	s10 =	sld [smem:$0x3FB4];
	_ =	sdelay $0x3  }
0x37: {  	[smem:$0x3FB4] =	sst s10  }
0x38: {  	s10 =	sld [smem:$0x3FB5]  }
0x39: {  	_ = 	snop;
	(pc) =	sbr.ind lr, $3  }
0x3a: {  	_ = 	snop  }
0x3b: {  	_ = 	snop  }
0x3c: {  	p2 =	seq.s32 s10, $0x1;
	s10 =	sld [smem:$0x3FB4]  }
0x3d: {  	_ =	shalt  }
0x3e: {  	_ =	shalt  }
0x3f: {  	_ =	shalt  }
0x40: {  	_ =	shalt  }
0x41: {  	_ =	shalt  }
0x42: {  	_ =	shalt  }
0x43: {  	_ =	shalt  }
0x44: {  	_ =	shalt  }
0x45: {  	_ =	shalt  }
0x46: {  	_ =	shalt  }
0x47: {  	_ =	shalt  }
0x48: {  	_ =	shalt  }
0x49: {  	_ =	shalt  }
0x4a: {  	_ =	shalt  }
0x4b: {  	_ =	shalt  }
0x4c: {  	_ =	shalt  }
0x4d: {  	_ =	shalt  }
0x4e: {  	_ =	shalt  }
0x4f: {  	_ =	shalt  }
0x50: {  	_ =	shalt  }
0x51: {  	_ =	shalt  }
0x52: {  	_ =	shalt  }
0x53: {  	_ =	shalt  }
0x54: {  	_ =	shalt  }
0x55: {  	_ =	shalt  }
0x56: {  	_ =	shalt  }
0x57: {  	_ =	shalt  }
0x58: {  	_ =	shalt  }
0x59: {  	_ =	shalt  }
0x5a: {  	_ =	shalt  }
0x5b: {  	_ =	shalt  }
0x5c: {  	_ =	shalt  }
0x5d: {  	_ =	shalt  }
0x5e: {  	_ =	shalt  }
0x5f: {  	_ =	shalt  }
0x60: {  	_ =	shalt  }
0x61: {  	_ =	shalt  }
0x62: {  	_ =	shalt  }
0x63: {  	_ =	shalt  }
0x64: {  	_ =	shalt  }
0x65: {  	_ =	shalt  }
0x66: {  	_ =	shalt  }
0x67: {  	_ =	shalt  }
0x68: {  	_ =	shalt  }
0x69: {  	_ =	shalt  }
0x6a: {  	_ =	shalt  }
0x6b: {  	_ =	shalt  }
0x6c: {  	_ =	shalt  }
0x6d: {  	_ =	shalt  }
0x6e: {  	_ =	shalt  }
0x6f: {  	_ =	shalt  }
0x70: {  	_ =	shalt  }
0x71: {  	_ =	shalt  }
0x72: {  	_ =	shalt  }
0x73: {  	_ =	shalt  }
0x74: {  	_ =	shalt  }
0x75: {  	_ =	shalt  }
0x76: {  	_ =	shalt  }
0x77: {  	_ =	shalt  }
0x78: {  	_ =	shalt  }
0x79: {  	_ =	shalt  }
0x7a: {  	_ =	shalt  }
0x7b: {  	_ =	shalt  }
0x7c: {  	_ =	shalt  }
0x7d: {  	_ =	shalt  }
0x7e: {  	_ =	shalt  }
0x7f: {  	_ =	shalt  }
0x80: {  	_ =	shalt  }
0x81: {  	_ =	shalt  }
0x82: {  	_ =	shalt  }
0x83: {  	_ =	shalt  }
0x84: {  	_ =	shalt  }
0x85: {  	_ =	shalt  }
0x86: {  	_ =	shalt  }
0x87: {  	_ =	shalt  }
.Lfunc_end0:
.L_simem_size_0:
called_computation_lowered:
.L_overlay_start_0:
0x88: {  	s2 =	sld [smem:$0x3FD9]  }
0x89: {  	s3 =	sld [smem:$0x3FFE];
	_ =	sdelay $0x1  }
0x8a: {  	s1 =	srdreg.scid  }
0x8b: {  	s0 =	sand.u32 $0x1, s1  }
0x8c: {  	s16 =	sshll.u32 s0, $0xA;
	s2 =	sadd.s32 s3, s2  }
0x8d: {  	s2 =	sadd.s32 s2, s16  }
0x8e: {  	[smem:$0x3FC0] =	sst s2  }
0x8f: {  	_ = 	snop  }
0x90: {  	(tm) =	ssettm $0x1  }
0x91: {  	s17 =	sld [smem:$0x3FFB];
	_ =	sdelay $0x3  }
0x92: {  	_ =	strace s17  }
0x93: {  	s2 =	sld [smem:$0x3FFC];
	_ =	sdelay $0x3  }
0x94: {  	_ =	strace s2  }
0x95: {  	s2 =	sld [smem:$0x3FFD];
	_ =	sdelay $0x3  }
0x96: {  	_ =	strace s2  }
0x97: {  	_ =	strace $0x8FFFFFFF  }
0x98: {  	s18 =	sld [smem:$0x3FDB];
	_ =	sdelay $0x1  }
0x99: {  	s19 =	simm.s32 $_scs_section_size  }
0x9a: {  	s4 =	simm.s32 $_size__tile_overlayer_lowered;
	s5 =	simm.s32 $_tile_overlayer_lowered  }
0x9b: {  	s22 =	simm.s32 $0x1BFF;
	s21 =	sshll.u32 s5, $0x1;
	s2 =	sadd.s32 s19, s18  }
0x9c: {  	s6 =	simm.s32 $0x0;
	s20 =	sshll.u32 s4, $0x1;
	s4 =	sadd.s32 s21, s2  }
0x9d: {  	[timem:s6], [sflag:s22] =	dma.local [hbm:s4], s20  }
0x9e: {  	_ =	swait.ge [sflag:s22], s20  }
0x9f: {  	s3 =	ssub.s32 $0x0, s20;
	[sflag:s22] =	ssyncset.done $0x0  }
0xa0: {  	[sflag:s22] =	ssyncadd.s32 s3;
	_ =	sdelay $0x1  }
0xa1: {  	s23 =	simm.s32 $0x1B8B  }
0xa2: {  	_ =	swait.ge [sflag:s23], $0x1  }
0xa3: {  	[sflag:s23] =	ssyncset.done $0x0  }
0xa4: {  	s25 =	simm.s32 $0x1B8E;
	s24 =	sld [smem:$0x3FFE];
	[sflag:s23] =	ssyncadd.s32 $0xFFFFFFFF  }
0xa5: {  	s26 =	simm.s32 $execute0_lowered;
	[smem:$0x3FD2] =	sst s25  }
0xa6: {  	s4 =	sshll.u32 s26, $0x1;
	_ =	strace $0x80000046;
	[dreg:$0x1] =	wrdreg $0xFFFFFFFF  }
0xa7: {  	s28 =	simm.s32 $_size_execute0_lowered;
	s2 =	sadd.s32 s2, s4;
	[dreg:$0x0] =	wrdreg $0x0  }
0xa8: {  	s4 =	sshll.u32 s28, $0x1;
	[dreg:$0x2] =	wrdreg s2  }
0xa9: {  	[dreg:$0x3] =	wrdreg s4  }
0xaa: {  	[dreg:$0x4] =	wrdreg $0xC0  }
0xab: {  	_ =	task [dreg:s6], $0x5FFFF  }
0xac: {  	[dreg:$0x1] =	wrdreg $0xFFFFFFFF  }
0xad: {  	[dreg:$0x0] =	wrdreg $0x60  }
0xae: {  	[dreg:$0x2] =	wrdreg s24  }
0xaf: {  	[dreg:$0x3] =	wrdreg $0x37D00  }
0xb0: {  	[dreg:$0x4] =	wrdreg $0x9  }
0xb1: {  	_ =	task.clear_ibuf [dreg:s6], $0x5FFFF;
	_ =	strace $0x90000046  }
0xb2: {  	s29 =	simm.s32 $0x9;
	_ =	strace $0x80000048  }
0xb3: {  	_ =	swait.ge [sflag:s29], $0x1  }
0xb4: {  	[sflag:s29] =	ssyncadd.s32 $0xFFFFFFFF  }
0xb5: {  	_ =	strace $0x90000048  }
0xb6: {  	_ =	sfence  }
0xb7: {  	s30 =	sld [smem:$0x0];
	_ =	sdelay $0x2  }
0xb8: {  	s31 =	sshll.u32 s1, $0xD;
	s1 =	sshrl.u32 s1, $0x2  }
0xb9: {  	s3 =	sand.u32 $0x4000, s31;
	s1 =	sadd.s32 s1, s30  }
0xba: {  	s0 =	sor.u32 s3, s0;
	s1 =	sshll.u32 s1, $0x11  }
0xbb: {  	s0 =	sor.u32 s1, s0  }
0xbc: {  	s0 =	sadd.s32 $0x8F2B, s0  }
0xbd: {  	[sflag:s0] =	ssyncadd.remote.s32 $0x1  }
0xbe: {  	_ =	sfence.sel $0xFFFF  }
0xbf: {  	[dreg:$0x0] =	wrdreg $0xFFFFFFFF;
	(pc) =	sbr.abs _section_cstart, $3  }
0xc0: {  	[dreg:$0x1] =	wrdreg $0xFFFFFFFF  }
0xc1: {  	_ =	task.clear_ibuf [dreg:s6], $0x2FFFF;
	_ =	strace $0x9FFFFFFF  }
0xc2: {  	(tm) =	ssettm $0x7FFFFFFF  }
0xc3: {  	_ =	shalt  }
tec
execute0_lowered:
.L_overlay_start_1:
0x0: {  	(tag) =	ssettag $0x1  }
0x1: {  	s0 =	srdreg.scid;
	s5 =	rddreg [dreg:$0x0]  }
0x2: {  	s2 =	rddreg [dreg:$0x1];
	s3 =	simm.s32 $0x0;
	s17 =	simm.s32 $0x180  }
0x3: {  	s18 =	simm.s32 $0x1;
	s19 =	simm.s32 $0x2;
	s26 =	simm.s32 $0x4  }
0x4: {  	s28 =	simm.s32 $0x0;
	s4 =	sand.u32 $0x1, s0;
	s0 =	stileid.u32  }
0x5: {  	[smem:$0x7FF] =	sst s3;
	s1 =	sshll.u32 s4, $0x4;
	s7 =	smul.u32 $0x5000, s4  }
0x6: {  	s4 =	ssub.s32 $0x2, s4;
	s10 =	smul.u32 $0x2800, s0;
	s1 =	sor.u32 s0, s1  }
0x7: {  	s8 =	sshrl.u32 s4, $0x1;
	s6 =	smul.u32 $0x500, s1;
	s1 =	rddreg [dreg:$0x2]  }
0x8: {  	_ =	strace $0x80000047;
	s11 =	sadd.s32 s7, s5;
	s12 =	ssub.s32 s4, s8  }
0x9: {  	s13 =	sadd.s32 $0x800, s10;
	s14 =	sadd.s32 $0x1000, s10;
	s15 =	sadd.s32 $0x1800, s10  }
0xa: {  	s16 =	sadd.s32 $0x2000, s10;
	s20 =	sshrl.u32 s10, $0x3;
	s7 =	sadd.s32 s14, s2  }
0xb: {  	s8 =	sadd.s32 s15, s2;
	s9 =	sadd.s32 s16, s2;
	s24 =	sadd.s32 $0xBE00, s11  }
0xc: {  	s21 =	sshrl.u32 s13, $0x3;
	s22 =	sshrl.u32 s14, $0x3;
	s23 =	sshrl.u32 s15, $0x3  }
0xd: {  	s25 =	sshrl.u32 s16, $0x3;
	s11 =	simm.s32 $0x5;
	s14 =	simm.s32 $0x2800  }
0xe: {  	s15 =	simm.s32 $0x80;
	s16 =	simm.s32 $0x100;
	s6 =	sadd.s32 s6, s5  }
0xf: {  	s5 =	sadd.s32 s10, s2;
	s10 =	smax.u32 s12, $0x1;
	s12 =	simm.s32 $0x2FD0  }
0x10: {  	s20 =	sadd.s32 s20, s24;
	s21 =	sadd.s32 s21, s24;
	s22 =	sadd.s32 s22, s24  }
0x11: {  	s23 =	sadd.s32 s23, s24;
	s24 =	sadd.s32 s25, s24;
	s25 =	simm.s32 $0x3  }
0x12: {  	v0 =	vimm.f32 $0.0e+00;
	v1 =	vimm.f32 $1.000000000e+00;
	s4 =	sadd.s32 $0x1E00, s6;
	s6 =	sadd.s32 s13, s2;
	s13 =	simm.s32 $0x7D  }
.LBB2_1:
0x13: {  	[tilespmem:s3], [sflag:$0x5] =	stream.linear.gather [hbm4b:s4+s3], $0x2800, $0x38;
	[tilespmem:$0x5FD0] =	vst v63  }
0x14: {  	_ =	swait.ge [sflag:s11], $0x2800  }
0x15: {  	[sflag:s11] =	ssyncset.done $0x0  }
0x16: {  	s29 =	simm.s32 $0x0;
	[sflag:s11] =	ssyncadd.s32 $0xFFFFD800  }
.LBB2_2:
0x17: {  	p0 =	sne.s32 s29, $0x1FC0  }
.Ltmp0:
0x18: {  	_ = 	snop;
	(pc) =	sbr.rel @p0 .LBB2_2-.Ltmp0, $3  }
0x19: {  	_ =	sdelay $0x1  }
0x1a: {  	s30 =	sshra.s32 s29, $0x2  }
0x1b: {  	s29 =	sadd.s32 $0x40, s29;
	[tilespmem:s30+$0x2FD0] =	vst v0  }
0x1c: {  	s29 =	simm.s32 $0x40;
	s30 =	simm.s32 $0x0  }
.LBB2_4:
0x1d: {  	p0 =	sne.s32 s29, $0x1F00;
	[tilespmem:s30+$0x2800] =	vst v1;
	s30 =	smov.u32 s29;
	s29 =	sadd.s32 $0x40, s29  }
.Ltmp1:
0x1e: {  	(pc) =	sbr.rel @p0 .LBB2_4-.Ltmp1, $2  }
0x1f: {  	_ =	sdelay $0x2  }
0x20: {  	s30 =	sshra.s32 s30, $0x2  }
0x21: {  	[tilespmem:s30+$0x2800] =	vst v1  }
0x22: {  	[spmem:s5] =	stream.linear.scatter [tilespmem:s12], [sflag:$0x5], $0x800, $0x38;
	[tilespmem:$0x5FD0] =	vst v63  }
0x23: {  	_ =	swait.ge [sflag:s11], $0x800  }
0x24: {  	[sflag:s11] =	ssyncset.done $0x0  }
0x25: {  	[sflag:s11] =	ssyncadd.s32 $0xFFFFF800  }
0x26: {  	[spmem:s6] =	stream.linear.scatter [tilespmem:s12], [sflag:$0x5], $0x800, $0x38;
	[tilespmem:$0x5FD0] =	vst v63  }
0x27: {  	_ =	swait.ge [sflag:s11], $0x800  }
0x28: {  	[sflag:s11] =	ssyncset.done $0x0  }
0x29: {  	[sflag:s11] =	ssyncadd.s32 $0xFFFFF800  }
0x2a: {  	[spmem:s7] =	stream.linear.scatter [tilespmem:s12], [sflag:$0x5], $0x800, $0x38;
	[tilespmem:$0x5FD0] =	vst v63  }
0x2b: {  	_ =	swait.ge [sflag:s11], $0x800  }
0x2c: {  	[sflag:s11] =	ssyncset.done $0x0  }
0x2d: {  	[sflag:s11] =	ssyncadd.s32 $0xFFFFF800  }
0x2e: {  	[spmem:s8] =	stream.linear.scatter [tilespmem:s12], [sflag:$0x5], $0x800, $0x38;
	[tilespmem:$0x5FD0] =	vst v63  }
0x2f: {  	_ =	swait.ge [sflag:s11], $0x800  }
0x30: {  	[sflag:s11] =	ssyncset.done $0x0  }
0x31: {  	[sflag:s11] =	ssyncadd.s32 $0xFFFFF800  }
0x32: {  	[spmem:s9] =	stream.linear.scatter [tilespmem:s12], [sflag:$0x5], $0x800, $0x38;
	[tilespmem:$0x5FD0] =	vst v63  }
0x33: {  	_ =	swait.ge [sflag:s11], $0x800  }
0x34: {  	[sflag:s11] =	ssyncset.done $0x0  }
0x35: {  	[sflag:s11] =	ssyncadd.s32 $0xFFFFF800  }
0x36: {  	[bflag:$0x0] =	sbarrier.arrive $0xFFFF  }
0x37: {  	[spmem:s2] =	stream.indirect.scatter.add.f32 [tilespmem:s14], [sflag:$0x1], $0x10, s3, s13, $0xb8;
	[tilespmem:$0x5FD0] =	vst v63  }
0x38: {  	_ = 	snop  }
0x39: {  	[spmem:s2] =	stream.indirect.scatter.add.f32 [tilespmem:s14], [sflag:$0x2], $0x10, s15, s13, $0xb8;
	[tilespmem:$0x5FD0] =	vst v63  }
0x3a: {  	_ = 	snop  }
0x3b: {  	[spmem:s2] =	stream.indirect.scatter.add.f32 [tilespmem:s14], [sflag:$0x3], $0x10, s16, s13, $0xb8;
	[tilespmem:$0x5FD0] =	vst v63  }
0x3c: {  	_ = 	snop  }
0x3d: {  	[spmem:s2] =	stream.indirect.scatter.add.f32 [tilespmem:s14], [sflag:$0x4], $0x10, s17, s13, $0xb8;
	[tilespmem:$0x5FD0] =	vst v63  }
0x3e: {  	_ =	swait.ge [sflag:s18], $0x7D0  }
0x3f: {  	[sflag:s18] =	ssyncset.done $0x0  }
0x40: {  	s29 =	simm.s32 $0x200;
	[sflag:s18] =	ssyncadd.s32 $0xFFFFF830  }
0x41: {  	[spmem:s2] =	stream.indirect.scatter.add.f32 [tilespmem:s14], [sflag:$0x1], $0x10, s29, s13, $0xb8;
	[tilespmem:$0x5FD0] =	vst v63  }
0x42: {  	_ =	swait.ge [sflag:s19], $0x7D0  }
0x43: {  	[sflag:s19] =	ssyncset.done $0x0  }
0x44: {  	s29 =	simm.s32 $0x280;
	[sflag:s19] =	ssyncadd.s32 $0xFFFFF830  }
0x45: {  	[spmem:s2] =	stream.indirect.scatter.add.f32 [tilespmem:s14], [sflag:$0x2], $0x10, s29, s13, $0xb8;
	[tilespmem:$0x5FD0] =	vst v63  }
0x46: {  	_ =	swait.ge [sflag:s25], $0x7D0  }
0x47: {  	[sflag:s25] =	ssyncset.done $0x0  }
0x48: {  	s29 =	simm.s32 $0x300;
	[sflag:s25] =	ssyncadd.s32 $0xFFFFF830  }
0x49: {  	[spmem:s2] =	stream.indirect.scatter.add.f32 [tilespmem:s14], [sflag:$0x3], $0x10, s29, s13, $0xb8;
	[tilespmem:$0x5FD0] =	vst v63  }
0x4a: {  	_ =	swait.ge [sflag:s26], $0x7D0  }
0x4b: {  	[sflag:s26] =	ssyncset.done $0x0  }
0x4c: {  	s30 =	simm.s32 $0x380;
	s29 =	simm.s32 $0xFFFF7000;
	[sflag:s26] =	ssyncadd.s32 $0xFFFFF830  }
.LBB2_6:
0x4d: {  	[spmem:s2] =	stream.indirect.scatter.add.f32 [tilespmem:s14], [sflag:$0x4], $0x10, s30, s13, $0xb8;
	[tilespmem:$0x5FD0] =	vst v63  }
0x4e: {  	s30 =	smov.u32 s29  }
0x4f: {  	p0 =	sne.s32 s29, $0xFFFFF800;
	s29 =	sadd.s32 $0x800, s29;
	_ =	swait.ge [sflag:s18], $0x7D0  }
0x50: {  	s30 =	sshra.s32 s30, $0x2;
	[sflag:s18] =	ssyncset.done $0x0  }
0x51: {  	s31 =	sadd.s32 $0x2800, s30;
	[sflag:s18] =	ssyncadd.s32 $0xFFFFF830  }
0x52: {  	[spmem:s2] =	stream.indirect.scatter.add.f32 [tilespmem:s14], [sflag:$0x1], $0x10, s31, s13, $0xb8;
	[tilespmem:$0x5FD0] =	vst v63  }
0x53: {  	_ =	swait.ge [sflag:s19], $0x7D0  }
0x54: {  	[sflag:s19] =	ssyncset.done $0x0  }
0x55: {  	s31 =	sadd.s32 $0x2880, s30;
	[sflag:s19] =	ssyncadd.s32 $0xFFFFF830  }
0x56: {  	[spmem:s2] =	stream.indirect.scatter.add.f32 [tilespmem:s14], [sflag:$0x2], $0x10, s31, s13, $0xb8;
	[tilespmem:$0x5FD0] =	vst v63  }
0x57: {  	_ =	swait.ge [sflag:s25], $0x7D0  }
0x58: {  	[sflag:s25] =	ssyncset.done $0x0  }
.Ltmp2:
0x59: {  	s31 =	sadd.s32 $0x2900, s30;
	[sflag:s25] =	ssyncadd.s32 $0xFFFFF830;
	(pc) =	sbr.rel @p0 .LBB2_6-.Ltmp2, $4  }
0x5a: {  	[spmem:s2] =	stream.indirect.scatter.add.f32 [tilespmem:s14], [sflag:$0x3], $0x10, s31, s13, $0xb8;
	[tilespmem:$0x5FD0] =	vst v63  }
0x5b: {  	_ =	swait.ge [sflag:s26], $0x7D0  }
0x5c: {  	[sflag:s26] =	ssyncset.done $0x0  }
0x5d: {  	s30 =	sadd.s32 $0x2980, s30;
	[sflag:s26] =	ssyncadd.s32 $0xFFFFF830  }
0x5e: {  	[spmem:s2] =	stream.indirect.scatter.add.f32 [tilespmem:s14], [sflag:$0x4], $0x10, s30, s13, $0xb8;
	[tilespmem:$0x5FD0] =	vst v63  }
0x5f: {  	_ =	swait.ge [sflag:s18], $0x7D0  }
0x60: {  	[sflag:s18] =	ssyncset.done $0x0  }
0x61: {  	[sflag:s18] =	ssyncadd.s32 $0xFFFFF830  }
0x62: {  	_ =	swait.ge [sflag:s19], $0x7D0  }
0x63: {  	[sflag:s19] =	ssyncset.done $0x0  }
0x64: {  	[sflag:s19] =	ssyncadd.s32 $0xFFFFF830  }
0x65: {  	_ =	swait.ge [sflag:s25], $0x7D0  }
0x66: {  	[sflag:s25] =	ssyncset.done $0x0  }
0x67: {  	[sflag:s25] =	ssyncadd.s32 $0xFFFFF830  }
0x68: {  	_ =	swait.ge [sflag:s26], $0x7D0  }
0x69: {  	[sflag:s26] =	ssyncset.done $0x0  }
0x6a: {  	s29 =	sshll.u32 s0, $0x6;
	[sflag:s26] =	ssyncadd.s32 $0xFFFFF830  }
0x6b: {  	s31 =	sshrl.u32 s5, $0x3;
	s29 =	sor.u32 $0x1C05, s29;
	[bflag:$0x0] =	sbarrier.arrive $0xFFFF  }
0x6c: {  	[hbm:s20], [sflag:s29] =	dma.local [spmem:s31], $0x100  }
0x6d: {  	_ =	swait.ge [sflag:s11], $0x100  }
0x6e: {  	[sflag:s11] =	ssyncset.done $0x0  }
0x6f: {  	s31 =	sshrl.u32 s6, $0x3;
	[sflag:s11] =	ssyncadd.s32 $0xFFFFFF00  }
0x70: {  	[hbm:s21], [sflag:s29] =	dma.local [spmem:s31], $0x100  }
0x71: {  	_ =	swait.ge [sflag:s11], $0x100  }
0x72: {  	[sflag:s11] =	ssyncset.done $0x0  }
0x73: {  	s31 =	sshrl.u32 s7, $0x3;
	[sflag:s11] =	ssyncadd.s32 $0xFFFFFF00  }
0x74: {  	[hbm:s22], [sflag:s29] =	dma.local [spmem:s31], $0x100  }
0x75: {  	_ =	swait.ge [sflag:s11], $0x100  }
0x76: {  	[sflag:s11] =	ssyncset.done $0x0  }
0x77: {  	s31 =	sshrl.u32 s8, $0x3;
	[sflag:s11] =	ssyncadd.s32 $0xFFFFFF00  }
0x78: {  	[hbm:s23], [sflag:s29] =	dma.local [spmem:s31], $0x100  }
0x79: {  	s28 =	sadd.s32 $0x1, s28;
	_ =	swait.ge [sflag:s11], $0x100  }
0x7a: {  	p0 =	sne.s32 s28, s10;
	[sflag:s11] =	ssyncset.done $0x0  }
.Ltmp3:
0x7b: {  	s31 =	sshrl.u32 s9, $0x3;
	[sflag:s11] =	ssyncadd.s32 $0xFFFFFF00;
	(pc) =	sbr.rel @p0 .LBB2_1-.Ltmp3, $4  }
0x7c: {  	[hbm:s24], [sflag:s29] =	dma.local [spmem:s31], $0x100  }
0x7d: {  	_ =	swait.ge [sflag:s11], $0x100  }
0x7e: {  	[sflag:s11] =	ssyncset.done $0x0  }
0x7f: {  	[sflag:s11] =	ssyncadd.s32 $0xFFFFFF00  }
0x80: {  	_ =	sfence.sel $0x180000  }
0x81: {  	[bflag:$0x0] =	sbarrier.arrive $0xFFFF  }
0x82: {  	p0 =	sne.s32 s0, $0x0;
	_ =	strace $0x90000047  }
0x83: {  	s0 =	sadd.s32 @!p0 $0x100000, s1;
	[bflag:$0x2] =	sbarrier.arrive $0xFFFF  }
0x84: {  	[sflag:s0] =	ssyncadd.tile.s32 @!p0 $0x1;
	_ =	shalt  }
.Lfunc_end2:
_tile_overlayer_lowered:
.L_overlay_start_2:
0x85: {  	(tag) =	ssettag $0x2  }
0x86: {  	s0 =	rddreg [dreg:$0x0];
	s2 =	stileid.u32  }
0x87: {  	s1 =	rddreg [dreg:$0x1];
	p0 =	sne.s32 s2, $0x0  }
0x88: {  	s3 =	rddreg [dreg:$0x2];
	[bflag:$0x3] =	sbarrier.arrive $0xFFFF;
	s2 =	simm.s32 @!p0 $0x1C05  }
0x89: {  	[timem:s3], [sflag:s2] =	dma.local @!p0 [hbm:s0], s1  }
0x8a: {  	s0 =	simm.s32 @!p0 $0x5  }
0x8b: {  	_ =	swait.ge @!p0 [sflag:s0], s1  }
0x8c: {  	s1 =	ssub.s32 @!p0 $0x0, s1;
	[sflag:s0] =	ssyncset.done @!p0 $0x0  }
0x8d: {  	[sflag:s0] =	ssyncadd.s32 @!p0 s1  }
0x8e: {  	[bflag:$0x3] =	sbarrier.arrive $0xFFFF  }
0x8f: {  	_ =	shalt  }

// kernel: kernel.13.cloned.1.call-start
scs
__scs_entry_jumppad:
0x0: {  	(pc) =	sbr.rel $0x88, $3  }
0x1: {  	(tag) =	ssettag $0x0;
	lr =	simm.s32 $0x1  }
0x2: {  	[smem:$0x3F99] =	sst lr;
	_ =	strace $0xD0000000  }
0x3: {  	_ = 	snop  }
0x4: {  	_ = 	snop  }
0x5: {  	_ = 	snop  }
0x6: {  	_ = 	snop  }
0x7: {  	_ = 	snop  }
__scs_overlays_trampoline_lowered:
0x8: {  	[smem:$0x3FA8] =	sst s0  }
0x9: {  	[smem:$0x3FA9] =	sst s1  }
0xa: {  	[smem:$0x3FAA] =	sst s2  }
0xb: {  	[smem:$0x3FAB] =	sst s3  }
0xc: {  	[smem:$0x3FAC] =	sst s4  }
0xd: {  	[smem:$0x3FAD] =	sst s5  }
0xe: {  	[smem:$0x3FAE] =	sst s6  }
0xf: {  	[smem:$0x3FAF] =	sst s7  }
0x10: {  	[smem:$0x3FB0] =	sst s8  }
0x11: {  	[smem:$0x3FB1] =	sst s9;
	s0 =	simm.s32 @!p0 $0x0  }
0x12: {  	s1 =	sld [smem:$0x3F97];
	s0 =	simm.s32 @p0 $0x1  }
0x13: {  	[smem:$0x3FB2] =	sst s0;
	s0 =	simm.s32 @!p1 $0x0  }
0x14: {  	s2 =	sld [smem:$0x3F96];
	s0 =	simm.s32 @p1 $0x1  }
0x15: {  	[smem:$0x3FB3] =	sst s0;
	s0 =	simm.s32 @!p2 $0x0  }
0x16: {  	s3 =	sld [smem:$0x3FDB];
	s0 =	simm.s32 @p2 $0x1  }
0x17: {  	s4 =	simm.s32 $0x1BF5;
	[smem:$0x3FB5] =	sst s0  }
0x18: {  	s0 =	sld [smem:$0x3F98];
	_ =	swait.ge [sflag:s4], $0x0  }
0x19: {  	s7 =	sld [smem:$0x3F99]  }
0x1a: {  	s8 =	sadd.s32 $0xFFFFE003, lr  }
0x1b: {  	s9 =	sadd.s32 $0xFFFFFEF7, lr;
	s5 =	simm.s32 $0xFFFFFFFF;
	p2 =	slt.u32 s8, $0xFFFFF086  }
0x1c: {  	p1 =	slt.u32 s9, $0xF7A;
	s5 =	simm.s32 @!p2 $0x0  }
0x1d: {  	s5 =	simm.s32 @p1 $0x1;
	p0 =	seq.s32 s7, s2  }
0x1e: {  	s7 =	smul.u32 @!p0 $0xF7A, s2;
	p2 =	seq.s32 @!p0 s5, $0x0  }
0x1f: {  	s9 =	smul.u32 $0xF7A, s1;
	s8 =	simm.s32 @!p0 $0x1BF5;
	p2 =	por !p2, p0  }
0x20: {  	[sflag:s8] =	ssyncset.s32 @!p0 $0xFFFFF086;
	s6 =	sadd.s32 @!p0 s3, s7;
	s7 =	simm.s32 @!p0 $0x108  }
0x21: {  	s3 =	sadd.s32 s3, s9;
	s6 =	sadd.s32 @!p0 $0x88, s6;
	s7 =	simm.s32 @p2 $0x1082  }
0x22: {  	[simem:s7], [sflag:s8] =	dma.local @!p0 [hbm:s6], $0xF7A  }
0x23: {  	s9 =	sor.u32 $0xD0000000, s2;
	s6 =	simm.s32 $0x108;
	_ =	swait.ge @!p0 [sflag:s8], $0x0  }
0x24: {  	s3 =	sadd.s32 $0x88, s3;
	s6 =	simm.s32 @!p1 $0x1082;
	[sflag:s4] =	ssyncset.s32 $0xFFFFF086  }
0x25: {  	[simem:s6], [sflag:s4] =	dma.local [hbm:s3], $0xF7A  }
0x26: {  	[smem:$0x3F99] =	sst s1;
	(tag) =	ssettag s2;
	_ =	strace s9  }
0x27: {  	s1 =	sld [smem:$0x3FA9]  }
0x28: {  	s2 =	sld [smem:$0x3FAA]  }
0x29: {  	s4 =	sld [smem:$0x3FAC]  }
0x2a: {  	p0 =	seq.s32 s5, $0x0;
	s5 =	sld [smem:$0x3FAD]  }
0x2b: {  	s6 =	sld [smem:$0x3FAE]  }
0x2c: {  	s7 =	sld [smem:$0x3FAF]  }
0x2d: {  	s3 =	simm.s32 $0x108;
	s8 =	sld [smem:$0x3FB0]  }
0x2e: {  	s3 =	simm.s32 @!p0 $0x1082;
	s9 =	sld [smem:$0x3FB1]  }
0x2f: {  	lr =	sadd.s32 s0, s3;
	s0 =	sld [smem:$0x3FA8]  }
0x30: {  	s3 =	sld [smem:$0x3FAB]  }
0x31: {  	[smem:$0x3FB4] =	sst s10  }
0x32: {  	s10 =	sld [smem:$0x3FB2];
	_ =	sdelay $0x3  }
0x33: {  	p0 =	seq.s32 s10, $0x1;
	s10 =	sld [smem:$0x3FB4];
	_ =	sdelay $0x3  }
0x34: {  	[smem:$0x3FB4] =	sst s10  }
0x35: {  	s10 =	sld [smem:$0x3FB3];
	_ =	sdelay $0x3  }
0x36: {  	p1 =	seq.s32 s10, $0x1;
	s10 =	sld [smem:$0x3FB4];
	_ =	sdelay $0x3  }
0x37: {  	[smem:$0x3FB4] =	sst s10  }
0x38: {  	s10 =	sld [smem:$0x3FB5]  }
0x39: {  	_ = 	snop;
	(pc) =	sbr.ind lr, $3  }
0x3a: {  	_ = 	snop  }
0x3b: {  	_ = 	snop  }
0x3c: {  	p2 =	seq.s32 s10, $0x1;
	s10 =	sld [smem:$0x3FB4]  }
0x3d: {  	_ =	shalt  }
0x3e: {  	_ =	shalt  }
0x3f: {  	_ =	shalt  }
0x40: {  	_ =	shalt  }
0x41: {  	_ =	shalt  }
0x42: {  	_ =	shalt  }
0x43: {  	_ =	shalt  }
0x44: {  	_ =	shalt  }
0x45: {  	_ =	shalt  }
0x46: {  	_ =	shalt  }
0x47: {  	_ =	shalt  }
0x48: {  	_ =	shalt  }
0x49: {  	_ =	shalt  }
0x4a: {  	_ =	shalt  }
0x4b: {  	_ =	shalt  }
0x4c: {  	_ =	shalt  }
0x4d: {  	_ =	shalt  }
0x4e: {  	_ =	shalt  }
0x4f: {  	_ =	shalt  }
0x50: {  	_ =	shalt  }
0x51: {  	_ =	shalt  }
0x52: {  	_ =	shalt  }
0x53: {  	_ =	shalt  }
0x54: {  	_ =	shalt  }
0x55: {  	_ =	shalt  }
0x56: {  	_ =	shalt  }
0x57: {  	_ =	shalt  }
0x58: {  	_ =	shalt  }
0x59: {  	_ =	shalt  }
0x5a: {  	_ =	shalt  }
0x5b: {  	_ =	shalt  }
0x5c: {  	_ =	shalt  }
0x5d: {  	_ =	shalt  }
0x5e: {  	_ =	shalt  }
0x5f: {  	_ =	shalt  }
0x60: {  	_ =	shalt  }
0x61: {  	_ =	shalt  }
0x62: {  	_ =	shalt  }
0x63: {  	_ =	shalt  }
0x64: {  	_ =	shalt  }
0x65: {  	_ =	shalt  }
0x66: {  	_ =	shalt  }
0x67: {  	_ =	shalt  }
0x68: {  	_ =	shalt  }
0x69: {  	_ =	shalt  }
0x6a: {  	_ =	shalt  }
0x6b: {  	_ =	shalt  }
0x6c: {  	_ =	shalt  }
0x6d: {  	_ =	shalt  }
0x6e: {  	_ =	shalt  }
0x6f: {  	_ =	shalt  }
0x70: {  	_ =	shalt  }
0x71: {  	_ =	shalt  }
0x72: {  	_ =	shalt  }
0x73: {  	_ =	shalt  }
0x74: {  	_ =	shalt  }
0x75: {  	_ =	shalt  }
0x76: {  	_ =	shalt  }
0x77: {  	_ =	shalt  }
0x78: {  	_ =	shalt  }
0x79: {  	_ =	shalt  }
0x7a: {  	_ =	shalt  }
0x7b: {  	_ =	shalt  }
0x7c: {  	_ =	shalt  }
0x7d: {  	_ =	shalt  }
0x7e: {  	_ =	shalt  }
0x7f: {  	_ =	shalt  }
0x80: {  	_ =	shalt  }
0x81: {  	_ =	shalt  }
0x82: {  	_ =	shalt  }
0x83: {  	_ =	shalt  }
0x84: {  	_ =	shalt  }
0x85: {  	_ =	shalt  }
0x86: {  	_ =	shalt  }
0x87: {  	_ =	shalt  }
.Lfunc_end0:
.L_simem_size_0:
called_computation.1_lowered:
.L_overlay_start_0:
0x88: {  	s2 =	sld [smem:$0x3FD9]  }
0x89: {  	s3 =	sld [smem:$0x3FFE];
	_ =	sdelay $0x1  }
0x8a: {  	s1 =	srdreg.scid  }
0x8b: {  	s0 =	sand.u32 $0x1, s1  }
0x8c: {  	s16 =	sshll.u32 s0, $0xA;
	s2 =	sadd.s32 s3, s2  }
0x8d: {  	s2 =	sadd.s32 s2, s16  }
0x8e: {  	[smem:$0x3FC0] =	sst s2  }
0x8f: {  	_ = 	snop  }
0x90: {  	(tm) =	ssettm $0x1  }
0x91: {  	s17 =	sld [smem:$0x3FFB];
	_ =	sdelay $0x3  }
0x92: {  	_ =	strace s17  }
0x93: {  	s2 =	sld [smem:$0x3FFC];
	_ =	sdelay $0x3  }
0x94: {  	_ =	strace s2  }
0x95: {  	s2 =	sld [smem:$0x3FFD];
	_ =	sdelay $0x3  }
0x96: {  	_ =	strace s2  }
0x97: {  	_ =	strace $0x8FFFFFFF  }
0x98: {  	s18 =	sld [smem:$0x3FDB];
	_ =	sdelay $0x1  }
0x99: {  	s19 =	simm.s32 $_scs_section_size  }
0x9a: {  	s4 =	simm.s32 $_size__tile_overlayer_lowered;
	s5 =	simm.s32 $_tile_overlayer_lowered  }
0x9b: {  	s22 =	simm.s32 $0x1BFF;
	s21 =	sshll.u32 s5, $0x1;
	s2 =	sadd.s32 s19, s18  }
0x9c: {  	s6 =	simm.s32 $0x0;
	s20 =	sshll.u32 s4, $0x1;
	s4 =	sadd.s32 s21, s2  }
0x9d: {  	[timem:s6], [sflag:s22] =	dma.local [hbm:s4], s20  }
0x9e: {  	_ =	swait.ge [sflag:s22], s20  }
0x9f: {  	s3 =	ssub.s32 $0x0, s20;
	[sflag:s22] =	ssyncset.done $0x0  }
0xa0: {  	[sflag:s22] =	ssyncadd.s32 s3;
	_ =	sdelay $0x1  }
0xa1: {  	s23 =	simm.s32 $0x1B8B  }
0xa2: {  	_ =	swait.ge [sflag:s23], $0x1  }
0xa3: {  	[sflag:s23] =	ssyncset.done $0x0  }
0xa4: {  	s25 =	simm.s32 $0x1B8E;
	s24 =	sld [smem:$0x3FFE];
	[sflag:s23] =	ssyncadd.s32 $0xFFFFFFFF  }
0xa5: {  	s26 =	simm.s32 $execute0_lowered;
	[smem:$0x3FD2] =	sst s25  }
0xa6: {  	s4 =	sshll.u32 s26, $0x1;
	_ =	strace $0x80000049;
	[dreg:$0x1] =	wrdreg $0xFFFFFFFF  }
0xa7: {  	s28 =	simm.s32 $_size_execute0_lowered;
	s2 =	sadd.s32 s2, s4;
	[dreg:$0x0] =	wrdreg $0x0  }
0xa8: {  	s4 =	sshll.u32 s28, $0x1;
	[dreg:$0x2] =	wrdreg s2  }
0xa9: {  	[dreg:$0x3] =	wrdreg s4  }
0xaa: {  	[dreg:$0x4] =	wrdreg $0xC0  }
0xab: {  	_ =	task [dreg:s6], $0x5FFFF  }
0xac: {  	[dreg:$0x1] =	wrdreg $0xFFFFFFFF  }
0xad: {  	[dreg:$0x0] =	wrdreg $0x60  }
0xae: {  	[dreg:$0x2] =	wrdreg s24  }
0xaf: {  	[dreg:$0x3] =	wrdreg $0xDD000  }
0xb0: {  	[dreg:$0x4] =	wrdreg $0x9  }
0xb1: {  	_ =	task.clear_ibuf [dreg:s6], $0x5FFFF;
	_ =	strace $0x90000049  }
0xb2: {  	s29 =	simm.s32 $0x9;
	_ =	strace $0x8000004B  }
0xb3: {  	_ =	swait.ge [sflag:s29], $0x1  }
0xb4: {  	[sflag:s29] =	ssyncadd.s32 $0xFFFFFFFF  }
0xb5: {  	_ =	strace $0x9000004B  }
0xb6: {  	_ =	sfence  }
0xb7: {  	s30 =	sld [smem:$0x0];
	_ =	sdelay $0x2  }
0xb8: {  	s31 =	sshll.u32 s1, $0xD;
	s1 =	sshrl.u32 s1, $0x2  }
0xb9: {  	s3 =	sand.u32 $0x4000, s31;
	s1 =	sadd.s32 s1, s30  }
0xba: {  	s0 =	sor.u32 s3, s0;
	s1 =	sshll.u32 s1, $0x11  }
0xbb: {  	s0 =	sor.u32 s1, s0  }
0xbc: {  	s0 =	sadd.s32 $0x8F2B, s0  }
0xbd: {  	[sflag:s0] =	ssyncadd.remote.s32 $0x1  }
0xbe: {  	_ =	sfence.sel $0xFFFF  }
0xbf: {  	[dreg:$0x0] =	wrdreg $0xFFFFFFFF;
	(pc) =	sbr.abs _section_cstart, $3  }
0xc0: {  	[dreg:$0x1] =	wrdreg $0xFFFFFFFF  }
0xc1: {  	_ =	task.clear_ibuf [dreg:s6], $0x2FFFF;
	_ =	strace $0x9FFFFFFF  }
0xc2: {  	(tm) =	ssettm $0x7FFFFFFF  }
0xc3: {  	_ =	shalt  }
tec
execute0_lowered:
.L_overlay_start_1:
0x0: {  	(tag) =	ssettag $0x1  }
0x1: {  	s0 =	rddreg [dreg:$0x0]  }
0x2: {  	s1 =	rddreg [dreg:$0x1];
	s2 =	srdreg.scid;
	s4 =	simm.s32 $0x0  }
0x3: {  	s7 =	stileid.u32;
	s13 =	simm.s32 $0x11;
	s29 =	simm.s32 $0x7EE0  }
0x4: {  	s31 =	simm.s32 $0x8E80;
	s14 =	simm.s32 $0x9E20;
	s28 =	simm.s32 $0xBD60  }
0x5: {  	s30 =	simm.s32 $0x1;
	s12 =	simm.s32 $0x8;
	s11 =	simm.s32 $0x0  }
0x6: {  	s2 =	sand.u32 $0x1, s2;
	[smem:$0x7FF] =	sst s4;
	s4 =	sadd.s32 $0xBE00, s0  }
0x7: {  	s3 =	sshll.u32 s2, $0x4;
	s5 =	smul.u32 $0xA000, s2;
	s2 =	ssub.s32 $0x2, s2  }
0x8: {  	s3 =	sor.u32 s7, s3;
	s6 =	sshrl.u32 s2, $0x1;
	s7 =	smul.u32 $0x5000, s7  }
0x9: {  	_ =	strace $0x8000004A;
	s3 =	smul.u32 $0x500, s3;
	s2 =	ssub.s32 s2, s6  }
0xa: {  	s16 =	sadd.s32 s7, s1;
	s17 =	sadd.s32 $0x1000, s7;
	s19 =	sadd.s32 $0x2000, s7  }
0xb: {  	s20 =	sadd.s32 $0x3000, s7;
	s22 =	sadd.s32 $0x4000, s7;
	s7 =	sshrl.u32 s7, $0x3  }
0xc: {  	s2 =	smax.u32 s2, $0x1;
	s3 =	sadd.s32 s3, s0;
	s0 =	sadd.s32 s5, s0  }
0xd: {  	[dreg:$0x5] =	wrdreg s16;
	s18 =	sadd.s32 s17, s1;
	s8 =	sadd.s32 s19, s1  }
0xe: {  	s21 =	sadd.s32 s20, s1;
	s9 =	sadd.s32 s22, s1;
	[dreg:$0xa] =	wrdreg s2  }
0xf: {  	s5 =	sshrl.u32 s19, $0x3;
	s6 =	sshrl.u32 s20, $0x3;
	[dreg:$0x6] =	wrdreg s18  }
0x10: {  	s16 =	simm.s32 $0x7D;
	s19 =	simm.s32 $0x5FA0;
	[dreg:$0x7] =	wrdreg s8  }
0x11: {  	s2 =	simm.s32 $0x3;
	s20 =	simm.s32 $0x9;
	[dreg:$0x8] =	wrdreg s21  }
0x12: {  	s15 =	sadd.s32 $0x15E00, s3;
	s3 =	sadd.s32 $0x1E00, s3;
	[dreg:$0x9] =	wrdreg s9  }
0x13: {  	s0 =	sadd.s32 $0x1FE00, s0;
	s8 =	sshrl.u32 s22, $0x3;
	s18 =	simm.s32 $0xADC0  }
0x14: {  	s21 =	simm.s32 $0xA;
	s22 =	simm.s32 $0xB;
	[dreg:$0x3] =	wrdreg s15  }
0x15: {  	s9 =	simm.s32 $0x10;
	[dreg:$0x4] =	wrdreg s3;
	s3 =	sshrl.u32 s17, $0x3  }
0x16: {  	s17 =	simm.s32 $0x5000;
	s23 =	sadd.s32 s7, s0;
	s25 =	sadd.s32 s5, s0  }
0x17: {  	s26 =	sadd.s32 s6, s0;
	s5 =	simm.s32 $0x6;
	[dreg:$0xb] =	wrdreg s23  }
0x18: {  	s6 =	simm.s32 $0x7;
	s7 =	simm.s32 $0xE;
	[dreg:$0xd] =	wrdreg s25  }
0x19: {  	s24 =	sadd.s32 s3, s0;
	[dreg:$0xe] =	wrdreg s26;
	s0 =	sadd.s32 s8, s0  }
0x1a: {  	s26 =	simm.s32 $0x6F40;
	s25 =	simm.s32 $0x4;
	s3 =	simm.s32 $0x5  }
0x1b: {  	s23 =	simm.s32 $0xC;
	s8 =	simm.s32 $0xF;
	[dreg:$0xc] =	wrdreg s24  }
0x1c: {  	v0 =	vimm.f32 $0.0e+00;
	[dreg:$0xf] =	wrdreg s0;
	s0 =	simm.s32 $0x2;
	s24 =	simm.s32 $0xD  }
.LBB2_1:
0x1d: {  	[dreg:$0x10] =	wrdreg s11  }
0x1e: {  	s10 =	simm.s32 $0x0;
	s15 =	rddreg [dreg:$0x3]  }
0x1f: {  	[tilespmem:s10], [sflag:$0x11] =	stream.linear.gather [hbm4b:s15+s10], $0x2800, $0x38;
	[tilespmem:$0x12D00] =	vst v63  }
0x20: {  	_ =	swait.ge [sflag:s13], $0x2800  }
0x21: {  	[sflag:s13] =	ssyncset.done $0x0  }
0x22: {  	s15 =	simm.s32 $0x2800;
	s11 =	rddreg [dreg:$0x4];
	[sflag:s13] =	ssyncadd.s32 $0xFFFFD800  }
0x23: {  	[tilespmem:s15], [sflag:$0x11] =	stream.linear.gather [hbm4b:s11+s10], $0x2800, $0x38;
	[tilespmem:$0x12D00] =	vst v63  }
0x24: {  	_ =	swait.ge [sflag:s13], $0x2800  }
0x25: {  	[sflag:s13] =	ssyncset.done $0x0  }
0x26: {  	s11 =	simm.s32 $0x80;
	s15 =	simm.s32 $0x0;
	[sflag:s13] =	ssyncadd.s32 $0xFFFFD800  }
.LBB2_2:
0x27: {  	p0 =	sne.s32 s11, $0x3F80;
	[tilespmem:s15+$0xCD00] =	vst v0;
	s10 =	smov.u32 s11;
	s11 =	sadd.s32 $0x80, s11  }
.Ltmp0:
0x28: {  	[tilespmem:s15+$0xCD10] =	vst v0;
	(pc) =	sbr.rel @p0 .LBB2_2-.Ltmp0, $2  }
0x29: {  	_ =	sdelay $0x2  }
0x2a: {  	s15 =	sshra.s32 s10, $0x2  }
0x2b: {  	[tilespmem:s15+$0xCD00] =	vst v0  }
0x2c: {  	[tilespmem:s15+$0xCD10] =	vst v0;
	s10 =	rddreg [dreg:$0x5];
	s11 =	simm.s32 $0xCD00  }
0x2d: {  	[spmem:s10] =	stream.linear.scatter [tilespmem:s11], [sflag:$0x11], $0x1000, $0x38;
	[tilespmem:$0x12D00] =	vst v63  }
0x2e: {  	_ =	swait.ge [sflag:s13], $0x1000  }
0x2f: {  	[sflag:s13] =	ssyncset.done $0x0  }
0x30: {  	s15 =	rddreg [dreg:$0x6];
	[sflag:s13] =	ssyncadd.s32 $0xFFFFF000  }
0x31: {  	[spmem:s15] =	stream.linear.scatter [tilespmem:s11], [sflag:$0x11], $0x1000, $0x38;
	[tilespmem:$0x12D00] =	vst v63  }
0x32: {  	_ =	swait.ge [sflag:s13], $0x1000  }
0x33: {  	[sflag:s13] =	ssyncset.done $0x0  }
0x34: {  	s15 =	rddreg [dreg:$0x7];
	[sflag:s13] =	ssyncadd.s32 $0xFFFFF000  }
0x35: {  	[spmem:s15] =	stream.linear.scatter [tilespmem:s11], [sflag:$0x11], $0x1000, $0x38;
	[tilespmem:$0x12D00] =	vst v63  }
0x36: {  	_ =	swait.ge [sflag:s13], $0x1000  }
0x37: {  	[sflag:s13] =	ssyncset.done $0x0  }
0x38: {  	s15 =	rddreg [dreg:$0x8];
	[sflag:s13] =	ssyncadd.s32 $0xFFFFF000  }
0x39: {  	[spmem:s15] =	stream.linear.scatter [tilespmem:s11], [sflag:$0x11], $0x1000, $0x38;
	[tilespmem:$0x12D00] =	vst v63  }
0x3a: {  	_ =	swait.ge [sflag:s13], $0x1000  }
0x3b: {  	[sflag:s13] =	ssyncset.done $0x0  }
0x3c: {  	s15 =	rddreg [dreg:$0x9];
	[sflag:s13] =	ssyncadd.s32 $0xFFFFF000  }
0x3d: {  	[spmem:s15] =	stream.linear.scatter [tilespmem:s11], [sflag:$0x11], $0x1000, $0x38;
	[tilespmem:$0x12D00] =	vst v63  }
0x3e: {  	_ =	swait.ge [sflag:s13], $0x1000  }
0x3f: {  	[sflag:s13] =	ssyncset.done $0x0  }
0x40: {  	[sflag:s13] =	ssyncadd.s32 $0xFFFFF000  }
0x41: {  	s15 =	simm.s32 $0x0;
	[bflag:$0x0] =	sbarrier.arrive $0xFFFF  }
0x42: {  	[tilespmem:s17], [sflag:$0x1] =	stream.indirect.gather [hbm4b:s4+s16], $0x20, s15, s16, $0xb8;
	[tilespmem:$0x12D00] =	vst v63  }
0x43: {  	s11 =	simm.s32 $0x80  }
0x44: {  	[tilespmem:s19], [sflag:$0x2] =	stream.indirect.gather [hbm4b:s4+s16], $0x20, s11, s16, $0xb8;
	[tilespmem:$0x12D00] =	vst v63  }
0x45: {  	s15 =	simm.s32 $0x100  }
0x46: {  	[tilespmem:s26], [sflag:$0x3] =	stream.indirect.gather [hbm4b:s4+s16], $0x20, s15, s16, $0xb8;
	[tilespmem:$0x12D00] =	vst v63  }
0x47: {  	s11 =	simm.s32 $0x180  }
0x48: {  	[tilespmem:s29], [sflag:$0x4] =	stream.indirect.gather [hbm4b:s4+s16], $0x20, s11, s16, $0xb8;
	[tilespmem:$0x12D00] =	vst v63  }
0x49: {  	s15 =	simm.s32 $0x200  }
0x4a: {  	[tilespmem:s31], [sflag:$0x5] =	stream.indirect.gather [hbm4b:s4+s16], $0x20, s15, s16, $0xb8;
	[tilespmem:$0x12D00] =	vst v63  }
0x4b: {  	s11 =	simm.s32 $0x280  }
0x4c: {  	[tilespmem:s14], [sflag:$0x6] =	stream.indirect.gather [hbm4b:s4+s16], $0x20, s11, s16, $0xb8;
	[tilespmem:$0x12D00] =	vst v63  }
0x4d: {  	s15 =	simm.s32 $0x300  }
0x4e: {  	[tilespmem:s18], [sflag:$0x7] =	stream.indirect.gather [hbm4b:s4+s16], $0x20, s15, s16, $0xb8;
	[tilespmem:$0x12D00] =	vst v63  }
0x4f: {  	s11 =	simm.s32 $0x380  }
0x50: {  	[tilespmem:s28], [sflag:$0x8] =	stream.indirect.gather [hbm4b:s4+s16], $0x20, s11, s16, $0xb8;
	[tilespmem:$0x12D00] =	vst v63  }
0x51: {  	_ =	swait.ge [sflag:s30], $0xFA0  }
0x52: {  	[sflag:s30] =	ssyncset.done $0x0  }
0x53: {  	s15 =	simm.s32 $0x2800;
	[sflag:s30] =	ssyncadd.s32 $0xFFFFF060  }
0x54: {  	[spmem:s1] =	stream.indirect.scatter.add.f32 [tilespmem:s17], [sflag:$0x9], $0x20, s15, s16, $0xb8;
	[tilespmem:$0x12D00] =	vst v63  }
0x55: {  	_ =	swait.ge [sflag:s0], $0xFA0  }
0x56: {  	[sflag:s0] =	ssyncset.done $0x0  }
0x57: {  	s11 =	simm.s32 $0x2880;
	[sflag:s0] =	ssyncadd.s32 $0xFFFFF060  }
0x58: {  	[spmem:s1] =	stream.indirect.scatter.add.f32 [tilespmem:s19], [sflag:$0xA], $0x20, s11, s16, $0xb8;
	[tilespmem:$0x12D00] =	vst v63  }
0x59: {  	_ =	swait.ge [sflag:s2], $0xFA0  }
0x5a: {  	[sflag:s2] =	ssyncset.done $0x0  }
0x5b: {  	s15 =	simm.s32 $0x2900;
	[sflag:s2] =	ssyncadd.s32 $0xFFFFF060  }
0x5c: {  	[spmem:s1] =	stream.indirect.scatter.add.f32 [tilespmem:s26], [sflag:$0xB], $0x20, s15, s16, $0xb8;
	[tilespmem:$0x12D00] =	vst v63  }
0x5d: {  	_ =	swait.ge [sflag:s25], $0xFA0  }
0x5e: {  	[sflag:s25] =	ssyncset.done $0x0  }
0x5f: {  	s11 =	simm.s32 $0x2980;
	[sflag:s25] =	ssyncadd.s32 $0xFFFFF060  }
0x60: {  	[spmem:s1] =	stream.indirect.scatter.add.f32 [tilespmem:s29], [sflag:$0xC], $0x20, s11, s16, $0xb8;
	[tilespmem:$0x12D00] =	vst v63  }
0x61: {  	_ =	swait.ge [sflag:s3], $0xFA0  }
0x62: {  	[sflag:s3] =	ssyncset.done $0x0  }
0x63: {  	s15 =	simm.s32 $0x2A00;
	[sflag:s3] =	ssyncadd.s32 $0xFFFFF060  }
0x64: {  	[spmem:s1] =	stream.indirect.scatter.add.f32 [tilespmem:s31], [sflag:$0xD], $0x20, s15, s16, $0xb8;
	[tilespmem:$0x12D00] =	vst v63  }
0x65: {  	_ =	swait.ge [sflag:s5], $0xFA0  }
0x66: {  	[sflag:s5] =	ssyncset.done $0x0  }
0x67: {  	s11 =	simm.s32 $0x2A80;
	[sflag:s5] =	ssyncadd.s32 $0xFFFFF060  }
0x68: {  	[spmem:s1] =	stream.indirect.scatter.add.f32 [tilespmem:s14], [sflag:$0xE], $0x20, s11, s16, $0xb8;
	[tilespmem:$0x12D00] =	vst v63  }
0x69: {  	_ =	swait.ge [sflag:s6], $0xFA0  }
0x6a: {  	[sflag:s6] =	ssyncset.done $0x0  }
0x6b: {  	s15 =	simm.s32 $0x2B00;
	[sflag:s6] =	ssyncadd.s32 $0xFFFFF060  }
0x6c: {  	[spmem:s1] =	stream.indirect.scatter.add.f32 [tilespmem:s18], [sflag:$0xF], $0x20, s15, s16, $0xb8;
	[tilespmem:$0x12D00] =	vst v63  }
0x6d: {  	_ =	swait.ge [sflag:s12], $0xFA0  }
0x6e: {  	[sflag:s12] =	ssyncset.done $0x0  }
0x6f: {  	s11 =	simm.s32 $0x2B80;
	[sflag:s12] =	ssyncadd.s32 $0xFFFFF060  }
0x70: {  	[spmem:s1] =	stream.indirect.scatter.add.f32 [tilespmem:s28], [sflag:$0x10], $0x20, s11, s16, $0xb8;
	[tilespmem:$0x12D00] =	vst v63  }
0x71: {  	_ =	swait.ge [sflag:s20], $0xFA0  }
0x72: {  	[sflag:s20] =	ssyncset.done $0x0  }
0x73: {  	s15 =	simm.s32 $0x400;
	[sflag:s20] =	ssyncadd.s32 $0xFFFFF060  }
0x74: {  	[tilespmem:s17], [sflag:$0x1] =	stream.indirect.gather [hbm4b:s4+s16], $0x20, s15, s16, $0xb8;
	[tilespmem:$0x12D00] =	vst v63  }
0x75: {  	_ =	swait.ge [sflag:s21], $0xFA0  }
0x76: {  	[sflag:s21] =	ssyncset.done $0x0  }
0x77: {  	s11 =	simm.s32 $0x480;
	[sflag:s21] =	ssyncadd.s32 $0xFFFFF060  }
0x78: {  	[tilespmem:s19], [sflag:$0x2] =	stream.indirect.gather [hbm4b:s4+s16], $0x20, s11, s16, $0xb8;
	[tilespmem:$0x12D00] =	vst v63  }
0x79: {  	_ =	swait.ge [sflag:s22], $0xFA0  }
0x7a: {  	[sflag:s22] =	ssyncset.done $0x0  }
0x7b: {  	s15 =	simm.s32 $0x500;
	[sflag:s22] =	ssyncadd.s32 $0xFFFFF060  }
0x7c: {  	[tilespmem:s26], [sflag:$0x3] =	stream.indirect.gather [hbm4b:s4+s16], $0x20, s15, s16, $0xb8;
	[tilespmem:$0x12D00] =	vst v63  }
0x7d: {  	_ =	swait.ge [sflag:s23], $0xFA0  }
0x7e: {  	[sflag:s23] =	ssyncset.done $0x0  }
0x7f: {  	s11 =	simm.s32 $0x580;
	[sflag:s23] =	ssyncadd.s32 $0xFFFFF060  }
0x80: {  	[tilespmem:s29], [sflag:$0x4] =	stream.indirect.gather [hbm4b:s4+s16], $0x20, s11, s16, $0xb8;
	[tilespmem:$0x12D00] =	vst v63  }
0x81: {  	_ =	swait.ge [sflag:s24], $0xFA0  }
0x82: {  	[sflag:s24] =	ssyncset.done $0x0  }
0x83: {  	s15 =	simm.s32 $0x600;
	[sflag:s24] =	ssyncadd.s32 $0xFFFFF060  }
0x84: {  	[tilespmem:s31], [sflag:$0x5] =	stream.indirect.gather [hbm4b:s4+s16], $0x20, s15, s16, $0xb8;
	[tilespmem:$0x12D00] =	vst v63  }
0x85: {  	_ =	swait.ge [sflag:s7], $0xFA0  }
0x86: {  	[sflag:s7] =	ssyncset.done $0x0  }
0x87: {  	s11 =	simm.s32 $0x680;
	[sflag:s7] =	ssyncadd.s32 $0xFFFFF060  }
0x88: {  	[tilespmem:s14], [sflag:$0x6] =	stream.indirect.gather [hbm4b:s4+s16], $0x20, s11, s16, $0xb8;
	[tilespmem:$0x12D00] =	vst v63  }
0x89: {  	_ =	swait.ge [sflag:s8], $0xFA0  }
0x8a: {  	[sflag:s8] =	ssyncset.done $0x0  }
0x8b: {  	s15 =	simm.s32 $0x700;
	[sflag:s8] =	ssyncadd.s32 $0xFFFFF060  }
0x8c: {  	[tilespmem:s18], [sflag:$0x7] =	stream.indirect.gather [hbm4b:s4+s16], $0x20, s15, s16, $0xb8;
	[tilespmem:$0x12D00] =	vst v63  }
0x8d: {  	_ =	swait.ge [sflag:s9], $0xFA0  }
0x8e: {  	[sflag:s9] =	ssyncset.done $0x0  }
0x8f: {  	s11 =	simm.s32 $0x1000;
	s15 =	simm.s32 $0x780;
	[sflag:s9] =	ssyncadd.s32 $0xFFFFF060  }
.LBB2_4:
0x90: {  	[tilespmem:s28], [sflag:$0x8] =	stream.indirect.gather [hbm4b:s4+s16], $0x20, s15, s16, $0xb8;
	[tilespmem:$0x12D00] =	vst v63  }
0x91: {  	s10 =	smov.u32 s11  }
0x92: {  	p0 =	sne.s32 s11, $0x8000;
	s11 =	sadd.s32 $0x1000, s11;
	_ =	swait.ge [sflag:s30], $0xFA0  }
0x93: {  	s15 =	sshra.s32 s10, $0x2;
	[sflag:s30] =	ssyncset.done $0x0  }
0x94: {  	s10 =	sadd.s32 $0x2800, s15;
	[sflag:s30] =	ssyncadd.s32 $0xFFFFF060  }
0x95: {  	[spmem:s1] =	stream.indirect.scatter.add.f32 [tilespmem:s17], [sflag:$0x9], $0x20, s10, s16, $0xb8;
	[tilespmem:$0x12D00] =	vst v63  }
0x96: {  	_ =	swait.ge [sflag:s0], $0xFA0  }
0x97: {  	[sflag:s0] =	ssyncset.done $0x0  }
0x98: {  	s10 =	sadd.s32 $0x2880, s15;
	[sflag:s0] =	ssyncadd.s32 $0xFFFFF060  }
0x99: {  	[spmem:s1] =	stream.indirect.scatter.add.f32 [tilespmem:s19], [sflag:$0xA], $0x20, s10, s16, $0xb8;
	[tilespmem:$0x12D00] =	vst v63  }
0x9a: {  	_ =	swait.ge [sflag:s2], $0xFA0  }
0x9b: {  	[sflag:s2] =	ssyncset.done $0x0  }
0x9c: {  	s10 =	sadd.s32 $0x2900, s15;
	[sflag:s2] =	ssyncadd.s32 $0xFFFFF060  }
0x9d: {  	[spmem:s1] =	stream.indirect.scatter.add.f32 [tilespmem:s26], [sflag:$0xB], $0x20, s10, s16, $0xb8;
	[tilespmem:$0x12D00] =	vst v63  }
0x9e: {  	_ =	swait.ge [sflag:s25], $0xFA0  }
0x9f: {  	[sflag:s25] =	ssyncset.done $0x0  }
0xa0: {  	s10 =	sadd.s32 $0x2980, s15;
	[sflag:s25] =	ssyncadd.s32 $0xFFFFF060  }
0xa1: {  	[spmem:s1] =	stream.indirect.scatter.add.f32 [tilespmem:s29], [sflag:$0xC], $0x20, s10, s16, $0xb8;
	[tilespmem:$0x12D00] =	vst v63  }
0xa2: {  	_ =	swait.ge [sflag:s3], $0xFA0  }
0xa3: {  	[sflag:s3] =	ssyncset.done $0x0  }
0xa4: {  	s10 =	sadd.s32 $0x2A00, s15;
	[sflag:s3] =	ssyncadd.s32 $0xFFFFF060  }
0xa5: {  	[spmem:s1] =	stream.indirect.scatter.add.f32 [tilespmem:s31], [sflag:$0xD], $0x20, s10, s16, $0xb8;
	[tilespmem:$0x12D00] =	vst v63  }
0xa6: {  	_ =	swait.ge [sflag:s5], $0xFA0  }
0xa7: {  	[sflag:s5] =	ssyncset.done $0x0  }
0xa8: {  	s10 =	sadd.s32 $0x2A80, s15;
	[sflag:s5] =	ssyncadd.s32 $0xFFFFF060  }
0xa9: {  	[spmem:s1] =	stream.indirect.scatter.add.f32 [tilespmem:s14], [sflag:$0xE], $0x20, s10, s16, $0xb8;
	[tilespmem:$0x12D00] =	vst v63  }
0xaa: {  	_ =	swait.ge [sflag:s6], $0xFA0  }
0xab: {  	[sflag:s6] =	ssyncset.done $0x0  }
0xac: {  	s10 =	sadd.s32 $0x2B00, s15;
	[sflag:s6] =	ssyncadd.s32 $0xFFFFF060  }
0xad: {  	[spmem:s1] =	stream.indirect.scatter.add.f32 [tilespmem:s18], [sflag:$0xF], $0x20, s10, s16, $0xb8;
	[tilespmem:$0x12D00] =	vst v63  }
0xae: {  	_ =	swait.ge [sflag:s12], $0xFA0  }
0xaf: {  	[sflag:s12] =	ssyncset.done $0x0  }
0xb0: {  	s10 =	sadd.s32 $0x2B80, s15;
	[sflag:s12] =	ssyncadd.s32 $0xFFFFF060  }
0xb1: {  	[spmem:s1] =	stream.indirect.scatter.add.f32 [tilespmem:s28], [sflag:$0x10], $0x20, s10, s16, $0xb8;
	[tilespmem:$0x12D00] =	vst v63  }
0xb2: {  	_ =	swait.ge [sflag:s20], $0xFA0  }
0xb3: {  	[sflag:s20] =	ssyncset.done $0x0  }
0xb4: {  	s10 =	sadd.s32 $0x400, s15;
	[sflag:s20] =	ssyncadd.s32 $0xFFFFF060  }
0xb5: {  	[tilespmem:s17], [sflag:$0x1] =	stream.indirect.gather [hbm4b:s4+s16], $0x20, s10, s16, $0xb8;
	[tilespmem:$0x12D00] =	vst v63  }
0xb6: {  	_ =	swait.ge [sflag:s21], $0xFA0  }
0xb7: {  	[sflag:s21] =	ssyncset.done $0x0  }
0xb8: {  	s10 =	sadd.s32 $0x480, s15;
	[sflag:s21] =	ssyncadd.s32 $0xFFFFF060  }
0xb9: {  	[tilespmem:s19], [sflag:$0x2] =	stream.indirect.gather [hbm4b:s4+s16], $0x20, s10, s16, $0xb8;
	[tilespmem:$0x12D00] =	vst v63  }
0xba: {  	_ =	swait.ge [sflag:s22], $0xFA0  }
0xbb: {  	[sflag:s22] =	ssyncset.done $0x0  }
0xbc: {  	s10 =	sadd.s32 $0x500, s15;
	[sflag:s22] =	ssyncadd.s32 $0xFFFFF060  }
0xbd: {  	[tilespmem:s26], [sflag:$0x3] =	stream.indirect.gather [hbm4b:s4+s16], $0x20, s10, s16, $0xb8;
	[tilespmem:$0x12D00] =	vst v63  }
0xbe: {  	_ =	swait.ge [sflag:s23], $0xFA0  }
0xbf: {  	[sflag:s23] =	ssyncset.done $0x0  }
0xc0: {  	s10 =	sadd.s32 $0x580, s15;
	[sflag:s23] =	ssyncadd.s32 $0xFFFFF060  }
0xc1: {  	[tilespmem:s29], [sflag:$0x4] =	stream.indirect.gather [hbm4b:s4+s16], $0x20, s10, s16, $0xb8;
	[tilespmem:$0x12D00] =	vst v63  }
0xc2: {  	_ =	swait.ge [sflag:s24], $0xFA0  }
0xc3: {  	[sflag:s24] =	ssyncset.done $0x0  }
0xc4: {  	s10 =	sadd.s32 $0x600, s15;
	[sflag:s24] =	ssyncadd.s32 $0xFFFFF060  }
0xc5: {  	[tilespmem:s31], [sflag:$0x5] =	stream.indirect.gather [hbm4b:s4+s16], $0x20, s10, s16, $0xb8;
	[tilespmem:$0x12D00] =	vst v63  }
0xc6: {  	_ =	swait.ge [sflag:s7], $0xFA0  }
0xc7: {  	[sflag:s7] =	ssyncset.done $0x0  }
0xc8: {  	s10 =	sadd.s32 $0x680, s15;
	[sflag:s7] =	ssyncadd.s32 $0xFFFFF060  }
0xc9: {  	[tilespmem:s14], [sflag:$0x6] =	stream.indirect.gather [hbm4b:s4+s16], $0x20, s10, s16, $0xb8;
	[tilespmem:$0x12D00] =	vst v63  }
0xca: {  	_ =	swait.ge [sflag:s8], $0xFA0  }
0xcb: {  	[sflag:s8] =	ssyncset.done $0x0  }
.Ltmp1:
0xcc: {  	s10 =	sadd.s32 $0x700, s15;
	[sflag:s8] =	ssyncadd.s32 $0xFFFFF060;
	(pc) =	sbr.rel @p0 .LBB2_4-.Ltmp1, $4  }
0xcd: {  	[tilespmem:s18], [sflag:$0x7] =	stream.indirect.gather [hbm4b:s4+s16], $0x20, s10, s16, $0xb8;
	[tilespmem:$0x12D00] =	vst v63  }
0xce: {  	_ =	swait.ge [sflag:s9], $0xFA0  }
0xcf: {  	[sflag:s9] =	ssyncset.done $0x0  }
0xd0: {  	s15 =	sadd.s32 $0x780, s15;
	[sflag:s9] =	ssyncadd.s32 $0xFFFFF060  }
0xd1: {  	[tilespmem:s28], [sflag:$0x8] =	stream.indirect.gather [hbm4b:s4+s16], $0x20, s15, s16, $0xb8;
	[tilespmem:$0x12D00] =	vst v63  }
0xd2: {  	_ =	swait.ge [sflag:s30], $0xFA0  }
0xd3: {  	[sflag:s30] =	ssyncset.done $0x0  }
0xd4: {  	s10 =	simm.s32 $0x4C00;
	[sflag:s30] =	ssyncadd.s32 $0xFFFFF060  }
0xd5: {  	[spmem:s1] =	stream.indirect.scatter.add.f32 [tilespmem:s17], [sflag:$0x9], $0x20, s10, s16, $0xb8;
	[tilespmem:$0x12D00] =	vst v63  }
0xd6: {  	_ =	swait.ge [sflag:s0], $0xFA0  }
0xd7: {  	[sflag:s0] =	ssyncset.done $0x0  }
0xd8: {  	s15 =	simm.s32 $0x4C80;
	[sflag:s0] =	ssyncadd.s32 $0xFFFFF060  }
0xd9: {  	[spmem:s1] =	stream.indirect.scatter.add.f32 [tilespmem:s19], [sflag:$0xA], $0x20, s15, s16, $0xb8;
	[tilespmem:$0x12D00] =	vst v63  }
0xda: {  	_ =	swait.ge [sflag:s2], $0xFA0  }
0xdb: {  	[sflag:s2] =	ssyncset.done $0x0  }
0xdc: {  	s11 =	simm.s32 $0x4D00;
	[sflag:s2] =	ssyncadd.s32 $0xFFFFF060  }
0xdd: {  	[spmem:s1] =	stream.indirect.scatter.add.f32 [tilespmem:s26], [sflag:$0xB], $0x20, s11, s16, $0xb8;
	[tilespmem:$0x12D00] =	vst v63  }
0xde: {  	_ =	swait.ge [sflag:s25], $0xFA0  }
0xdf: {  	[sflag:s25] =	ssyncset.done $0x0  }
0xe0: {  	s15 =	simm.s32 $0x4D80;
	[sflag:s25] =	ssyncadd.s32 $0xFFFFF060  }
0xe1: {  	[spmem:s1] =	stream.indirect.scatter.add.f32 [tilespmem:s29], [sflag:$0xC], $0x20, s15, s16, $0xb8;
	[tilespmem:$0x12D00] =	vst v63  }
0xe2: {  	_ =	swait.ge [sflag:s3], $0xFA0  }
0xe3: {  	[sflag:s3] =	ssyncset.done $0x0  }
0xe4: {  	s11 =	simm.s32 $0x4E00;
	[sflag:s3] =	ssyncadd.s32 $0xFFFFF060  }
0xe5: {  	[spmem:s1] =	stream.indirect.scatter.add.f32 [tilespmem:s31], [sflag:$0xD], $0x20, s11, s16, $0xb8;
	[tilespmem:$0x12D00] =	vst v63  }
0xe6: {  	_ =	swait.ge [sflag:s5], $0xFA0  }
0xe7: {  	[sflag:s5] =	ssyncset.done $0x0  }
0xe8: {  	s15 =	simm.s32 $0x4E80;
	[sflag:s5] =	ssyncadd.s32 $0xFFFFF060  }
0xe9: {  	[spmem:s1] =	stream.indirect.scatter.add.f32 [tilespmem:s14], [sflag:$0xE], $0x20, s15, s16, $0xb8;
	[tilespmem:$0x12D00] =	vst v63  }
0xea: {  	_ =	swait.ge [sflag:s6], $0xFA0  }
0xeb: {  	[sflag:s6] =	ssyncset.done $0x0  }
0xec: {  	s11 =	simm.s32 $0x4F00;
	[sflag:s6] =	ssyncadd.s32 $0xFFFFF060  }
0xed: {  	[spmem:s1] =	stream.indirect.scatter.add.f32 [tilespmem:s18], [sflag:$0xF], $0x20, s11, s16, $0xb8;
	[tilespmem:$0x12D00] =	vst v63  }
0xee: {  	_ =	swait.ge [sflag:s12], $0xFA0  }
0xef: {  	[sflag:s12] =	ssyncset.done $0x0  }
0xf0: {  	s15 =	simm.s32 $0x4F80;
	[sflag:s12] =	ssyncadd.s32 $0xFFFFF060  }
0xf1: {  	[spmem:s1] =	stream.indirect.scatter.add.f32 [tilespmem:s28], [sflag:$0x10], $0x20, s15, s16, $0xb8;
	[tilespmem:$0x12D00] =	vst v63  }
0xf2: {  	_ =	swait.ge [sflag:s20], $0xFA0  }
0xf3: {  	[sflag:s20] =	ssyncset.done $0x0  }
0xf4: {  	[sflag:s20] =	ssyncadd.s32 $0xFFFFF060  }
0xf5: {  	_ =	swait.ge [sflag:s21], $0xFA0  }
0xf6: {  	[sflag:s21] =	ssyncset.done $0x0  }
0xf7: {  	[sflag:s21] =	ssyncadd.s32 $0xFFFFF060  }
0xf8: {  	_ =	swait.ge [sflag:s22], $0xFA0  }
0xf9: {  	[sflag:s22] =	ssyncset.done $0x0  }
0xfa: {  	[sflag:s22] =	ssyncadd.s32 $0xFFFFF060  }
0xfb: {  	_ =	swait.ge [sflag:s23], $0xFA0  }
0xfc: {  	[sflag:s23] =	ssyncset.done $0x0  }
0xfd: {  	[sflag:s23] =	ssyncadd.s32 $0xFFFFF060  }
0xfe: {  	_ =	swait.ge [sflag:s24], $0xFA0  }
0xff: {  	[sflag:s24] =	ssyncset.done $0x0  }
0x100: {  	[sflag:s24] =	ssyncadd.s32 $0xFFFFF060  }
0x101: {  	_ =	swait.ge [sflag:s7], $0xFA0  }
0x102: {  	[sflag:s7] =	ssyncset.done $0x0  }
0x103: {  	[sflag:s7] =	ssyncadd.s32 $0xFFFFF060  }
0x104: {  	_ =	swait.ge [sflag:s8], $0xFA0  }
0x105: {  	[sflag:s8] =	ssyncset.done $0x0  }
0x106: {  	[sflag:s8] =	ssyncadd.s32 $0xFFFFF060  }
0x107: {  	_ =	swait.ge [sflag:s9], $0xFA0  }
0x108: {  	[sflag:s9] =	ssyncset.done $0x0  }
0x109: {  	[sflag:s9] =	ssyncadd.s32 $0xFFFFF060  }
0x10a: {  	s11 =	stileid.u32;
	[bflag:$0x0] =	sbarrier.arrive $0xFFFF  }
0x10b: {  	s10 =	sshll.u32 s11, $0x6;
	s11 =	rddreg [dreg:$0x5]  }
0x10c: {  	s10 =	sor.u32 $0x1C11, s10;
	s15 =	rddreg [dreg:$0xb];
	s11 =	sshrl.u32 s11, $0x3  }
0x10d: {  	[hbm:s15], [sflag:s10] =	dma.local [spmem:s11], $0x200  }
0x10e: {  	_ =	swait.ge [sflag:s13], $0x200  }
0x10f: {  	[sflag:s13] =	ssyncset.done $0x0;
	s15 =	rddreg [dreg:$0x6]  }
0x110: {  	[sflag:s13] =	ssyncadd.s32 $0xFFFFFE00;
	s11 =	sshrl.u32 s15, $0x3;
	s15 =	rddreg [dreg:$0xc]  }
0x111: {  	[hbm:s15], [sflag:s10] =	dma.local [spmem:s11], $0x200  }
0x112: {  	_ =	swait.ge [sflag:s13], $0x200  }
0x113: {  	[sflag:s13] =	ssyncset.done $0x0;
	s15 =	rddreg [dreg:$0x7]  }
0x114: {  	[sflag:s13] =	ssyncadd.s32 $0xFFFFFE00;
	s11 =	sshrl.u32 s15, $0x3;
	s15 =	rddreg [dreg:$0xd]  }
0x115: {  	[hbm:s15], [sflag:s10] =	dma.local [spmem:s11], $0x200  }
0x116: {  	_ =	swait.ge [sflag:s13], $0x200  }
0x117: {  	[sflag:s13] =	ssyncset.done $0x0;
	s15 =	rddreg [dreg:$0x8]  }
0x118: {  	[sflag:s13] =	ssyncadd.s32 $0xFFFFFE00;
	s11 =	sshrl.u32 s15, $0x3;
	s15 =	rddreg [dreg:$0xe]  }
0x119: {  	[hbm:s15], [sflag:s10] =	dma.local [spmem:s11], $0x200  }
0x11a: {  	_ =	swait.ge [sflag:s13], $0x200  }
0x11b: {  	[sflag:s13] =	ssyncset.done $0x0;
	s15 =	rddreg [dreg:$0x9]  }
0x11c: {  	[sflag:s13] =	ssyncadd.s32 $0xFFFFFE00;
	s11 =	sshrl.u32 s15, $0x3;
	s15 =	rddreg [dreg:$0xf]  }
0x11d: {  	[hbm:s15], [sflag:s10] =	dma.local [spmem:s11], $0x200  }
0x11e: {  	_ =	swait.ge [sflag:s13], $0x200  }
0x11f: {  	s10 =	rddreg [dreg:$0x10]  }
0x120: {  	s15 =	rddreg [dreg:$0xa];
	s11 =	sadd.s32 $0x1, s10  }
0x121: {  	p0 =	sne.s32 s11, s15  }
.Ltmp2:
0x122: {  	_ = 	snop;
	(pc) =	sbr.rel @p0 .LBB2_1-.Ltmp2, $3  }
0x123: {  	_ =	sdelay $0x1  }
0x124: {  	[sflag:s13] =	ssyncset.done $0x0  }
0x125: {  	[sflag:s13] =	ssyncadd.s32 $0xFFFFFE00  }
0x126: {  	_ =	sfence.sel $0x180000  }
0x127: {  	[bflag:$0x0] =	sbarrier.arrive $0xFFFF  }
0x128: {  	_ =	strace $0x9000004A  }
0x129: {  	s0 =	stileid.u32;
	[bflag:$0x2] =	sbarrier.arrive $0xFFFF  }
0x12a: {  	p0 =	sne.s32 s0, $0x0;
	s0 =	rddreg [dreg:$0x2]  }
0x12b: {  	s0 =	sadd.s32 @!p0 $0x100000, s0  }
0x12c: {  	[sflag:s0] =	ssyncadd.tile.s32 @!p0 $0x1;
	_ =	shalt  }
.Lfunc_end2:
_tile_overlayer_lowered:
.L_overlay_start_2:
0x12d: {  	(tag) =	ssettag $0x2  }
0x12e: {  	s0 =	rddreg [dreg:$0x0];
	s2 =	stileid.u32  }
0x12f: {  	s1 =	rddreg [dreg:$0x1];
	p0 =	sne.s32 s2, $0x0  }
0x130: {  	s3 =	rddreg [dreg:$0x2];
	[bflag:$0x3] =	sbarrier.arrive $0xFFFF;
	s2 =	simm.s32 @!p0 $0x1C11  }
0x131: {  	[timem:s3], [sflag:s2] =	dma.local @!p0 [hbm:s0], s1  }
0x132: {  	s0 =	simm.s32 @!p0 $0x11  }
0x133: {  	_ =	swait.ge @!p0 [sflag:s0], s1  }
0x134: {  	s1 =	ssub.s32 @!p0 $0x0, s1;
	[sflag:s0] =	ssyncset.done @!p0 $0x0  }
0x135: {  	[sflag:s0] =	ssyncadd.s32 @!p0 s1  }
0x136: {  	[bflag:$0x3] =	sbarrier.arrive $0xFFFF  }
0x137: {  	_ =	shalt  }

// kernel: kernel.16.cloned.1.call-start
scs
__scs_entry_jumppad:
0x0: {  	(pc) =	sbr.rel $0x88, $3  }
0x1: {  	(tag) =	ssettag $0x0;
	lr =	simm.s32 $0x1  }
0x2: {  	[smem:$0x3F99] =	sst lr;
	_ =	strace $0xD0000000  }
0x3: {  	_ = 	snop  }
0x4: {  	_ = 	snop  }
0x5: {  	_ = 	snop  }
0x6: {  	_ = 	snop  }
0x7: {  	_ = 	snop  }
__scs_overlays_trampoline_lowered:
0x8: {  	[smem:$0x3FA8] =	sst s0  }
0x9: {  	[smem:$0x3FA9] =	sst s1  }
0xa: {  	[smem:$0x3FAA] =	sst s2  }
0xb: {  	[smem:$0x3FAB] =	sst s3  }
0xc: {  	[smem:$0x3FAC] =	sst s4  }
0xd: {  	[smem:$0x3FAD] =	sst s5  }
0xe: {  	[smem:$0x3FAE] =	sst s6  }
0xf: {  	[smem:$0x3FAF] =	sst s7  }
0x10: {  	[smem:$0x3FB0] =	sst s8  }
0x11: {  	[smem:$0x3FB1] =	sst s9;
	s0 =	simm.s32 @!p0 $0x0  }
0x12: {  	s1 =	sld [smem:$0x3F97];
	s0 =	simm.s32 @p0 $0x1  }
0x13: {  	[smem:$0x3FB2] =	sst s0;
	s0 =	simm.s32 @!p1 $0x0  }
0x14: {  	s2 =	sld [smem:$0x3F96];
	s0 =	simm.s32 @p1 $0x1  }
0x15: {  	[smem:$0x3FB3] =	sst s0;
	s0 =	simm.s32 @!p2 $0x0  }
0x16: {  	s3 =	sld [smem:$0x3FDB];
	s0 =	simm.s32 @p2 $0x1  }
0x17: {  	s4 =	simm.s32 $0x1BF5;
	[smem:$0x3FB5] =	sst s0  }
0x18: {  	s0 =	sld [smem:$0x3F98];
	_ =	swait.ge [sflag:s4], $0x0  }
0x19: {  	s7 =	sld [smem:$0x3F99]  }
0x1a: {  	s8 =	sadd.s32 $0xFFFFE003, lr  }
0x1b: {  	s9 =	sadd.s32 $0xFFFFFEF7, lr;
	s5 =	simm.s32 $0xFFFFFFFF;
	p2 =	slt.u32 s8, $0xFFFFF086  }
0x1c: {  	p1 =	slt.u32 s9, $0xF7A;
	s5 =	simm.s32 @!p2 $0x0  }
0x1d: {  	s5 =	simm.s32 @p1 $0x1;
	p0 =	seq.s32 s7, s2  }
0x1e: {  	s7 =	smul.u32 @!p0 $0xF7A, s2;
	p2 =	seq.s32 @!p0 s5, $0x0  }
0x1f: {  	s9 =	smul.u32 $0xF7A, s1;
	s8 =	simm.s32 @!p0 $0x1BF5;
	p2 =	por !p2, p0  }
0x20: {  	[sflag:s8] =	ssyncset.s32 @!p0 $0xFFFFF086;
	s6 =	sadd.s32 @!p0 s3, s7;
	s7 =	simm.s32 @!p0 $0x108  }
0x21: {  	s3 =	sadd.s32 s3, s9;
	s6 =	sadd.s32 @!p0 $0x88, s6;
	s7 =	simm.s32 @p2 $0x1082  }
0x22: {  	[simem:s7], [sflag:s8] =	dma.local @!p0 [hbm:s6], $0xF7A  }
0x23: {  	s9 =	sor.u32 $0xD0000000, s2;
	s6 =	simm.s32 $0x108;
	_ =	swait.ge @!p0 [sflag:s8], $0x0  }
0x24: {  	s3 =	sadd.s32 $0x88, s3;
	s6 =	simm.s32 @!p1 $0x1082;
	[sflag:s4] =	ssyncset.s32 $0xFFFFF086  }
0x25: {  	[simem:s6], [sflag:s4] =	dma.local [hbm:s3], $0xF7A  }
0x26: {  	[smem:$0x3F99] =	sst s1;
	(tag) =	ssettag s2;
	_ =	strace s9  }
0x27: {  	s1 =	sld [smem:$0x3FA9]  }
0x28: {  	s2 =	sld [smem:$0x3FAA]  }
0x29: {  	s4 =	sld [smem:$0x3FAC]  }
0x2a: {  	p0 =	seq.s32 s5, $0x0;
	s5 =	sld [smem:$0x3FAD]  }
0x2b: {  	s6 =	sld [smem:$0x3FAE]  }
0x2c: {  	s7 =	sld [smem:$0x3FAF]  }
0x2d: {  	s3 =	simm.s32 $0x108;
	s8 =	sld [smem:$0x3FB0]  }
0x2e: {  	s3 =	simm.s32 @!p0 $0x1082;
	s9 =	sld [smem:$0x3FB1]  }
0x2f: {  	lr =	sadd.s32 s0, s3;
	s0 =	sld [smem:$0x3FA8]  }
0x30: {  	s3 =	sld [smem:$0x3FAB]  }
0x31: {  	[smem:$0x3FB4] =	sst s10  }
0x32: {  	s10 =	sld [smem:$0x3FB2];
	_ =	sdelay $0x3  }
0x33: {  	p0 =	seq.s32 s10, $0x1;
	s10 =	sld [smem:$0x3FB4];
	_ =	sdelay $0x3  }
0x34: {  	[smem:$0x3FB4] =	sst s10  }
0x35: {  	s10 =	sld [smem:$0x3FB3];
	_ =	sdelay $0x3  }
0x36: {  	p1 =	seq.s32 s10, $0x1;
	s10 =	sld [smem:$0x3FB4];
	_ =	sdelay $0x3  }
0x37: {  	[smem:$0x3FB4] =	sst s10  }
0x38: {  	s10 =	sld [smem:$0x3FB5]  }
0x39: {  	_ = 	snop;
	(pc) =	sbr.ind lr, $3  }
0x3a: {  	_ = 	snop  }
0x3b: {  	_ = 	snop  }
0x3c: {  	p2 =	seq.s32 s10, $0x1;
	s10 =	sld [smem:$0x3FB4]  }
0x3d: {  	_ =	shalt  }
0x3e: {  	_ =	shalt  }
0x3f: {  	_ =	shalt  }
0x40: {  	_ =	shalt  }
0x41: {  	_ =	shalt  }
0x42: {  	_ =	shalt  }
0x43: {  	_ =	shalt  }
0x44: {  	_ =	shalt  }
0x45: {  	_ =	shalt  }
0x46: {  	_ =	shalt  }
0x47: {  	_ =	shalt  }
0x48: {  	_ =	shalt  }
0x49: {  	_ =	shalt  }
0x4a: {  	_ =	shalt  }
0x4b: {  	_ =	shalt  }
0x4c: {  	_ =	shalt  }
0x4d: {  	_ =	shalt  }
0x4e: {  	_ =	shalt  }
0x4f: {  	_ =	shalt  }
0x50: {  	_ =	shalt  }
0x51: {  	_ =	shalt  }
0x52: {  	_ =	shalt  }
0x53: {  	_ =	shalt  }
0x54: {  	_ =	shalt  }
0x55: {  	_ =	shalt  }
0x56: {  	_ =	shalt  }
0x57: {  	_ =	shalt  }
0x58: {  	_ =	shalt  }
0x59: {  	_ =	shalt  }
0x5a: {  	_ =	shalt  }
0x5b: {  	_ =	shalt  }
0x5c: {  	_ =	shalt  }
0x5d: {  	_ =	shalt  }
0x5e: {  	_ =	shalt  }
0x5f: {  	_ =	shalt  }
0x60: {  	_ =	shalt  }
0x61: {  	_ =	shalt  }
0x62: {  	_ =	shalt  }
0x63: {  	_ =	shalt  }
0x64: {  	_ =	shalt  }
0x65: {  	_ =	shalt  }
0x66: {  	_ =	shalt  }
0x67: {  	_ =	shalt  }
0x68: {  	_ =	shalt  }
0x69: {  	_ =	shalt  }
0x6a: {  	_ =	shalt  }
0x6b: {  	_ =	shalt  }
0x6c: {  	_ =	shalt  }
0x6d: {  	_ =	shalt  }
0x6e: {  	_ =	shalt  }
0x6f: {  	_ =	shalt  }
0x70: {  	_ =	shalt  }
0x71: {  	_ =	shalt  }
0x72: {  	_ =	shalt  }
0x73: {  	_ =	shalt  }
0x74: {  	_ =	shalt  }
0x75: {  	_ =	shalt  }
0x76: {  	_ =	shalt  }
0x77: {  	_ =	shalt  }
0x78: {  	_ =	shalt  }
0x79: {  	_ =	shalt  }
0x7a: {  	_ =	shalt  }
0x7b: {  	_ =	shalt  }
0x7c: {  	_ =	shalt  }
0x7d: {  	_ =	shalt  }
0x7e: {  	_ =	shalt  }
0x7f: {  	_ =	shalt  }
0x80: {  	_ =	shalt  }
0x81: {  	_ =	shalt  }
0x82: {  	_ =	shalt  }
0x83: {  	_ =	shalt  }
0x84: {  	_ =	shalt  }
0x85: {  	_ =	shalt  }
0x86: {  	_ =	shalt  }
0x87: {  	_ =	shalt  }
.Lfunc_end0:
.L_simem_size_0:
called_computation.2_lowered:
.L_overlay_start_0:
0x88: {  	s2 =	sld [smem:$0x3FD9]  }
0x89: {  	s3 =	sld [smem:$0x3FFE];
	_ =	sdelay $0x1  }
0x8a: {  	s1 =	srdreg.scid  }
0x8b: {  	s0 =	sand.u32 $0x1, s1  }
0x8c: {  	s16 =	sshll.u32 s0, $0xA;
	s2 =	sadd.s32 s3, s2  }
0x8d: {  	s2 =	sadd.s32 s2, s16  }
0x8e: {  	[smem:$0x3FC0] =	sst s2  }
0x8f: {  	_ = 	snop  }
0x90: {  	(tm) =	ssettm $0x1  }
0x91: {  	s17 =	sld [smem:$0x3FFB];
	_ =	sdelay $0x3  }
0x92: {  	_ =	strace s17  }
0x93: {  	s2 =	sld [smem:$0x3FFC];
	_ =	sdelay $0x3  }
0x94: {  	_ =	strace s2  }
0x95: {  	s2 =	sld [smem:$0x3FFD];
	_ =	sdelay $0x3  }
0x96: {  	_ =	strace s2  }
0x97: {  	_ =	strace $0x8FFFFFFF  }
0x98: {  	s18 =	sld [smem:$0x3FDB];
	_ =	sdelay $0x1  }
0x99: {  	s19 =	simm.s32 $_scs_section_size  }
0x9a: {  	s4 =	simm.s32 $_size__tile_overlayer_lowered;
	s5 =	simm.s32 $_tile_overlayer_lowered  }
0x9b: {  	s22 =	simm.s32 $0x1BFF;
	s21 =	sshll.u32 s5, $0x1;
	s2 =	sadd.s32 s19, s18  }
0x9c: {  	s6 =	simm.s32 $0x0;
	s20 =	sshll.u32 s4, $0x1;
	s4 =	sadd.s32 s21, s2  }
0x9d: {  	[timem:s6], [sflag:s22] =	dma.local [hbm:s4], s20  }
0x9e: {  	_ =	swait.ge [sflag:s22], s20  }
0x9f: {  	s3 =	ssub.s32 $0x0, s20;
	[sflag:s22] =	ssyncset.done $0x0  }
0xa0: {  	[sflag:s22] =	ssyncadd.s32 s3;
	_ =	sdelay $0x1  }
0xa1: {  	s23 =	simm.s32 $0x1B8B  }
0xa2: {  	_ =	swait.ge [sflag:s23], $0x1  }
0xa3: {  	[sflag:s23] =	ssyncset.done $0x0  }
0xa4: {  	s25 =	simm.s32 $0x1B8E;
	s24 =	sld [smem:$0x3FFE];
	[sflag:s23] =	ssyncadd.s32 $0xFFFFFFFF  }
0xa5: {  	s26 =	simm.s32 $execute0_lowered;
	[smem:$0x3FD2] =	sst s25  }
0xa6: {  	s4 =	sshll.u32 s26, $0x1;
	_ =	strace $0x8000004C;
	[dreg:$0x1] =	wrdreg $0xFFFFFFFF  }
0xa7: {  	s28 =	simm.s32 $_size_execute0_lowered;
	s2 =	sadd.s32 s2, s4;
	[dreg:$0x0] =	wrdreg $0x0  }
0xa8: {  	s4 =	sshll.u32 s28, $0x1;
	[dreg:$0x2] =	wrdreg s2  }
0xa9: {  	[dreg:$0x3] =	wrdreg s4  }
0xaa: {  	[dreg:$0x4] =	wrdreg $0xC0  }
0xab: {  	_ =	task [dreg:s6], $0x5FFFF  }
0xac: {  	[dreg:$0x1] =	wrdreg $0xFFFFFFFF  }
0xad: {  	[dreg:$0x0] =	wrdreg $0x60  }
0xae: {  	[dreg:$0x2] =	wrdreg s24  }
0xaf: {  	[dreg:$0x3] =	wrdreg $0x123800  }
0xb0: {  	[dreg:$0x4] =	wrdreg $0x9  }
0xb1: {  	_ =	task.clear_ibuf [dreg:s6], $0x5FFFF;
	_ =	strace $0x9000004C  }
0xb2: {  	s29 =	simm.s32 $0x9;
	_ =	strace $0x8000004E  }
0xb3: {  	_ =	swait.ge [sflag:s29], $0x1  }
0xb4: {  	[sflag:s29] =	ssyncadd.s32 $0xFFFFFFFF  }
0xb5: {  	_ =	strace $0x9000004E  }
0xb6: {  	_ =	sfence  }
0xb7: {  	s30 =	sld [smem:$0x0];
	_ =	sdelay $0x2  }
0xb8: {  	s31 =	sshll.u32 s1, $0xD;
	s1 =	sshrl.u32 s1, $0x2  }
0xb9: {  	s3 =	sand.u32 $0x4000, s31;
	s1 =	sadd.s32 s1, s30  }
0xba: {  	s0 =	sor.u32 s3, s0;
	s1 =	sshll.u32 s1, $0x11  }
0xbb: {  	s0 =	sor.u32 s1, s0  }
0xbc: {  	s0 =	sadd.s32 $0x8F2B, s0  }
0xbd: {  	[sflag:s0] =	ssyncadd.remote.s32 $0x1  }
0xbe: {  	_ =	sfence.sel $0xFFFF  }
0xbf: {  	[dreg:$0x0] =	wrdreg $0xFFFFFFFF;
	(pc) =	sbr.abs _section_cstart, $3  }
0xc0: {  	[dreg:$0x1] =	wrdreg $0xFFFFFFFF  }
0xc1: {  	_ =	task.clear_ibuf [dreg:s6], $0x2FFFF;
	_ =	strace $0x9FFFFFFF  }
0xc2: {  	(tm) =	ssettm $0x7FFFFFFF  }
0xc3: {  	_ =	shalt  }
tec
execute0_lowered:
.L_overlay_start_1:
0x0: {  	(tag) =	ssettag $0x1  }
0x1: {  	s0 =	rddreg [dreg:$0x0]  }
0x2: {  	s1 =	rddreg [dreg:$0x1];
	s2 =	srdreg.scid;
	s4 =	simm.s32 $0x0  }
0x3: {  	s7 =	stileid.u32;
	s13 =	simm.s32 $0x11;
	s29 =	simm.s32 $0x9650  }
0x4: {  	s31 =	simm.s32 $0xADC0;
	s14 =	simm.s32 $0xC530;
	s28 =	simm.s32 $0xF410  }
0x5: {  	s30 =	simm.s32 $0x1;
	s12 =	simm.s32 $0x8;
	s11 =	simm.s32 $0x0  }
0x6: {  	s2 =	sand.u32 $0x1, s2;
	[smem:$0x7FF] =	sst s4;
	s4 =	sadd.s32 $0x1FE00, s0  }
0x7: {  	s3 =	sshll.u32 s2, $0x4;
	s5 =	smul.u32 $0xF000, s2;
	s2 =	ssub.s32 $0x2, s2  }
0x8: {  	s3 =	sor.u32 s7, s3;
	s6 =	sshrl.u32 s2, $0x1;
	s7 =	smul.u32 $0x7800, s7  }
0x9: {  	_ =	strace $0x8000004D;
	s3 =	smul.u32 $0x500, s3;
	s2 =	ssub.s32 s2, s6  }
0xa: {  	s16 =	sadd.s32 s7, s1;
	s17 =	sadd.s32 $0x1800, s7;
	s19 =	sadd.s32 $0x3000, s7  }
0xb: {  	s20 =	sadd.s32 $0x4800, s7;
	s22 =	sadd.s32 $0x6000, s7;
	s7 =	sshrl.u32 s7, $0x3  }
0xc: {  	s2 =	smax.u32 s2, $0x1;
	s3 =	sadd.s32 s3, s0;
	s0 =	sadd.s32 s5, s0  }
0xd: {  	[dreg:$0x5] =	wrdreg s16;
	s18 =	sadd.s32 s17, s1;
	s8 =	sadd.s32 s19, s1  }
0xe: {  	s21 =	sadd.s32 s20, s1;
	s9 =	sadd.s32 s22, s1;
	[dreg:$0xa] =	wrdreg s2  }
0xf: {  	s5 =	sshrl.u32 s19, $0x3;
	s6 =	sshrl.u32 s20, $0x3;
	[dreg:$0x6] =	wrdreg s18  }
0x10: {  	s16 =	simm.s32 $0x7D;
	s19 =	simm.s32 $0x6770;
	[dreg:$0x7] =	wrdreg s8  }
0x11: {  	s2 =	simm.s32 $0x3;
	s20 =	simm.s32 $0x9;
	[dreg:$0x8] =	wrdreg s21  }
0x12: {  	s15 =	sadd.s32 $0x15E00, s3;
	s3 =	sadd.s32 $0x1E00, s3;
	[dreg:$0x9] =	wrdreg s9  }
0x13: {  	s0 =	sadd.s32 $0x2EA00, s0;
	s8 =	sshrl.u32 s22, $0x3;
	s18 =	simm.s32 $0xDCA0  }
0x14: {  	s21 =	simm.s32 $0xA;
	s22 =	simm.s32 $0xB;
	[dreg:$0x3] =	wrdreg s15  }
0x15: {  	s9 =	simm.s32 $0x10;
	[dreg:$0x4] =	wrdreg s3;
	s3 =	sshrl.u32 s17, $0x3  }
0x16: {  	s17 =	simm.s32 $0x5000;
	s23 =	sadd.s32 s7, s0;
	s25 =	sadd.s32 s5, s0  }
0x17: {  	s26 =	sadd.s32 s6, s0;
	s5 =	simm.s32 $0x6;
	[dreg:$0xb] =	wrdreg s23  }
0x18: {  	s6 =	simm.s32 $0x7;
	s7 =	simm.s32 $0xE;
	[dreg:$0xd] =	wrdreg s25  }
0x19: {  	s24 =	sadd.s32 s3, s0;
	[dreg:$0xe] =	wrdreg s26;
	s0 =	sadd.s32 s8, s0  }
0x1a: {  	s26 =	simm.s32 $0x7EE0;
	s25 =	simm.s32 $0x4;
	s3 =	simm.s32 $0x5  }
0x1b: {  	s23 =	simm.s32 $0xC;
	s8 =	simm.s32 $0xF;
	[dreg:$0xc] =	wrdreg s24  }
0x1c: {  	v0 =	vimm.f32 $0.0e+00;
	[dreg:$0xf] =	wrdreg s0;
	s0 =	simm.s32 $0x2;
	s24 =	simm.s32 $0xD  }
.LBB2_1:
0x1d: {  	[dreg:$0x10] =	wrdreg s11  }
0x1e: {  	s10 =	simm.s32 $0x0;
	s15 =	rddreg [dreg:$0x3]  }
0x1f: {  	[tilespmem:s10], [sflag:$0x11] =	stream.linear.gather [hbm4b:s15+s10], $0x2800, $0x38;
	[tilespmem:$0x19B80] =	vst v63  }
0x20: {  	_ =	swait.ge [sflag:s13], $0x2800  }
0x21: {  	[sflag:s13] =	ssyncset.done $0x0  }
0x22: {  	s15 =	simm.s32 $0x2800;
	s11 =	rddreg [dreg:$0x4];
	[sflag:s13] =	ssyncadd.s32 $0xFFFFD800  }
0x23: {  	[tilespmem:s15], [sflag:$0x11] =	stream.linear.gather [hbm4b:s11+s10], $0x2800, $0x38;
	[tilespmem:$0x19B80] =	vst v63  }
0x24: {  	_ =	swait.ge [sflag:s13], $0x2800  }
0x25: {  	[sflag:s13] =	ssyncset.done $0x0  }
0x26: {  	s11 =	simm.s32 $0xC0;
	s15 =	simm.s32 $0x0;
	[sflag:s13] =	ssyncadd.s32 $0xFFFFD800  }
.LBB2_2:
0x27: {  	p0 =	sne.s32 s11, $0x5F40;
	[tilespmem:s15+$0x10BA0] =	vst v0;
	s10 =	smov.u32 s11;
	s11 =	sadd.s32 $0xC0, s11  }
.Ltmp0:
0x28: {  	[tilespmem:s15+$0x10B80] =	vst v0;
	(pc) =	sbr.rel @p0 .LBB2_2-.Ltmp0, $2  }
0x29: {  	[tilespmem:s15+$0x10B90] =	vst v0;
	_ =	sdelay $0x2  }
0x2a: {  	s15 =	sshra.s32 s10, $0x2  }
0x2b: {  	[tilespmem:s15+$0x10BA0] =	vst v0  }
0x2c: {  	[tilespmem:s15+$0x10B80] =	vst v0  }
0x2d: {  	[tilespmem:s15+$0x10B90] =	vst v0;
	s10 =	rddreg [dreg:$0x5];
	s11 =	simm.s32 $0x10B80  }
0x2e: {  	[spmem:s10] =	stream.linear.scatter [tilespmem:s11], [sflag:$0x11], $0x1800, $0x38;
	[tilespmem:$0x19B80] =	vst v63  }
0x2f: {  	_ =	swait.ge [sflag:s13], $0x1800  }
0x30: {  	[sflag:s13] =	ssyncset.done $0x0  }
0x31: {  	s15 =	rddreg [dreg:$0x6];
	[sflag:s13] =	ssyncadd.s32 $0xFFFFE800  }
0x32: {  	[spmem:s15] =	stream.linear.scatter [tilespmem:s11], [sflag:$0x11], $0x1800, $0x38;
	[tilespmem:$0x19B80] =	vst v63  }
0x33: {  	_ =	swait.ge [sflag:s13], $0x1800  }
0x34: {  	[sflag:s13] =	ssyncset.done $0x0  }
0x35: {  	s15 =	rddreg [dreg:$0x7];
	[sflag:s13] =	ssyncadd.s32 $0xFFFFE800  }
0x36: {  	[spmem:s15] =	stream.linear.scatter [tilespmem:s11], [sflag:$0x11], $0x1800, $0x38;
	[tilespmem:$0x19B80] =	vst v63  }
0x37: {  	_ =	swait.ge [sflag:s13], $0x1800  }
0x38: {  	[sflag:s13] =	ssyncset.done $0x0  }
0x39: {  	s15 =	rddreg [dreg:$0x8];
	[sflag:s13] =	ssyncadd.s32 $0xFFFFE800  }
0x3a: {  	[spmem:s15] =	stream.linear.scatter [tilespmem:s11], [sflag:$0x11], $0x1800, $0x38;
	[tilespmem:$0x19B80] =	vst v63  }
0x3b: {  	_ =	swait.ge [sflag:s13], $0x1800  }
0x3c: {  	[sflag:s13] =	ssyncset.done $0x0  }
0x3d: {  	s15 =	rddreg [dreg:$0x9];
	[sflag:s13] =	ssyncadd.s32 $0xFFFFE800  }
0x3e: {  	[spmem:s15] =	stream.linear.scatter [tilespmem:s11], [sflag:$0x11], $0x1800, $0x38;
	[tilespmem:$0x19B80] =	vst v63  }
0x3f: {  	_ =	swait.ge [sflag:s13], $0x1800  }
0x40: {  	[sflag:s13] =	ssyncset.done $0x0  }
0x41: {  	[sflag:s13] =	ssyncadd.s32 $0xFFFFE800  }
0x42: {  	s15 =	simm.s32 $0x0;
	[bflag:$0x0] =	sbarrier.arrive $0xFFFF  }
0x43: {  	[tilespmem:s17], [sflag:$0x1] =	stream.indirect.gather [hbm4b:s4+s16], $0x30, s15, s16, $0xb8;
	[tilespmem:$0x19B80] =	vst v63  }
0x44: {  	s11 =	simm.s32 $0x80  }
0x45: {  	[tilespmem:s19], [sflag:$0x2] =	stream.indirect.gather [hbm4b:s4+s16], $0x30, s11, s16, $0xb8;
	[tilespmem:$0x19B80] =	vst v63  }
0x46: {  	s15 =	simm.s32 $0x100  }
0x47: {  	[tilespmem:s26], [sflag:$0x3] =	stream.indirect.gather [hbm4b:s4+s16], $0x30, s15, s16, $0xb8;
	[tilespmem:$0x19B80] =	vst v63  }
0x48: {  	s11 =	simm.s32 $0x180  }
0x49: {  	[tilespmem:s29], [sflag:$0x4] =	stream.indirect.gather [hbm4b:s4+s16], $0x30, s11, s16, $0xb8;
	[tilespmem:$0x19B80] =	vst v63  }
0x4a: {  	s15 =	simm.s32 $0x200  }
0x4b: {  	[tilespmem:s31], [sflag:$0x5] =	stream.indirect.gather [hbm4b:s4+s16], $0x30, s15, s16, $0xb8;
	[tilespmem:$0x19B80] =	vst v63  }
0x4c: {  	s11 =	simm.s32 $0x280  }
0x4d: {  	[tilespmem:s14], [sflag:$0x6] =	stream.indirect.gather [hbm4b:s4+s16], $0x30, s11, s16, $0xb8;
	[tilespmem:$0x19B80] =	vst v63  }
0x4e: {  	s15 =	simm.s32 $0x300  }
0x4f: {  	[tilespmem:s18], [sflag:$0x7] =	stream.indirect.gather [hbm4b:s4+s16], $0x30, s15, s16, $0xb8;
	[tilespmem:$0x19B80] =	vst v63  }
0x50: {  	s11 =	simm.s32 $0x380  }
0x51: {  	[tilespmem:s28], [sflag:$0x8] =	stream.indirect.gather [hbm4b:s4+s16], $0x30, s11, s16, $0xb8;
	[tilespmem:$0x19B80] =	vst v63  }
0x52: {  	_ =	swait.ge [sflag:s30], $0x1770  }
0x53: {  	[sflag:s30] =	ssyncset.done $0x0  }
0x54: {  	s15 =	simm.s32 $0x2800;
	[sflag:s30] =	ssyncadd.s32 $0xFFFFE890  }
0x55: {  	[spmem:s1] =	stream.indirect.scatter.add.f32 [tilespmem:s17], [sflag:$0x9], $0x30, s15, s16, $0xb8;
	[tilespmem:$0x19B80] =	vst v63  }
0x56: {  	_ =	swait.ge [sflag:s0], $0x1770  }
0x57: {  	[sflag:s0] =	ssyncset.done $0x0  }
0x58: {  	s11 =	simm.s32 $0x2880;
	[sflag:s0] =	ssyncadd.s32 $0xFFFFE890  }
0x59: {  	[spmem:s1] =	stream.indirect.scatter.add.f32 [tilespmem:s19], [sflag:$0xA], $0x30, s11, s16, $0xb8;
	[tilespmem:$0x19B80] =	vst v63  }
0x5a: {  	_ =	swait.ge [sflag:s2], $0x1770  }
0x5b: {  	[sflag:s2] =	ssyncset.done $0x0  }
0x5c: {  	s15 =	simm.s32 $0x2900;
	[sflag:s2] =	ssyncadd.s32 $0xFFFFE890  }
0x5d: {  	[spmem:s1] =	stream.indirect.scatter.add.f32 [tilespmem:s26], [sflag:$0xB], $0x30, s15, s16, $0xb8;
	[tilespmem:$0x19B80] =	vst v63  }
0x5e: {  	_ =	swait.ge [sflag:s25], $0x1770  }
0x5f: {  	[sflag:s25] =	ssyncset.done $0x0  }
0x60: {  	s11 =	simm.s32 $0x2980;
	[sflag:s25] =	ssyncadd.s32 $0xFFFFE890  }
0x61: {  	[spmem:s1] =	stream.indirect.scatter.add.f32 [tilespmem:s29], [sflag:$0xC], $0x30, s11, s16, $0xb8;
	[tilespmem:$0x19B80] =	vst v63  }
0x62: {  	_ =	swait.ge [sflag:s3], $0x1770  }
0x63: {  	[sflag:s3] =	ssyncset.done $0x0  }
0x64: {  	s15 =	simm.s32 $0x2A00;
	[sflag:s3] =	ssyncadd.s32 $0xFFFFE890  }
0x65: {  	[spmem:s1] =	stream.indirect.scatter.add.f32 [tilespmem:s31], [sflag:$0xD], $0x30, s15, s16, $0xb8;
	[tilespmem:$0x19B80] =	vst v63  }
0x66: {  	_ =	swait.ge [sflag:s5], $0x1770  }
0x67: {  	[sflag:s5] =	ssyncset.done $0x0  }
0x68: {  	s11 =	simm.s32 $0x2A80;
	[sflag:s5] =	ssyncadd.s32 $0xFFFFE890  }
0x69: {  	[spmem:s1] =	stream.indirect.scatter.add.f32 [tilespmem:s14], [sflag:$0xE], $0x30, s11, s16, $0xb8;
	[tilespmem:$0x19B80] =	vst v63  }
0x6a: {  	_ =	swait.ge [sflag:s6], $0x1770  }
0x6b: {  	[sflag:s6] =	ssyncset.done $0x0  }
0x6c: {  	s15 =	simm.s32 $0x2B00;
	[sflag:s6] =	ssyncadd.s32 $0xFFFFE890  }
0x6d: {  	[spmem:s1] =	stream.indirect.scatter.add.f32 [tilespmem:s18], [sflag:$0xF], $0x30, s15, s16, $0xb8;
	[tilespmem:$0x19B80] =	vst v63  }
0x6e: {  	_ =	swait.ge [sflag:s12], $0x1770  }
0x6f: {  	[sflag:s12] =	ssyncset.done $0x0  }
0x70: {  	s11 =	simm.s32 $0x2B80;
	[sflag:s12] =	ssyncadd.s32 $0xFFFFE890  }
0x71: {  	[spmem:s1] =	stream.indirect.scatter.add.f32 [tilespmem:s28], [sflag:$0x10], $0x30, s11, s16, $0xb8;
	[tilespmem:$0x19B80] =	vst v63  }
0x72: {  	_ =	swait.ge [sflag:s20], $0x1770  }
0x73: {  	[sflag:s20] =	ssyncset.done $0x0  }
0x74: {  	s15 =	simm.s32 $0x400;
	[sflag:s20] =	ssyncadd.s32 $0xFFFFE890  }
0x75: {  	[tilespmem:s17], [sflag:$0x1] =	stream.indirect.gather [hbm4b:s4+s16], $0x30, s15, s16, $0xb8;
	[tilespmem:$0x19B80] =	vst v63  }
0x76: {  	_ =	swait.ge [sflag:s21], $0x1770  }
0x77: {  	[sflag:s21] =	ssyncset.done $0x0  }
0x78: {  	s11 =	simm.s32 $0x480;
	[sflag:s21] =	ssyncadd.s32 $0xFFFFE890  }
0x79: {  	[tilespmem:s19], [sflag:$0x2] =	stream.indirect.gather [hbm4b:s4+s16], $0x30, s11, s16, $0xb8;
	[tilespmem:$0x19B80] =	vst v63  }
0x7a: {  	_ =	swait.ge [sflag:s22], $0x1770  }
0x7b: {  	[sflag:s22] =	ssyncset.done $0x0  }
0x7c: {  	s15 =	simm.s32 $0x500;
	[sflag:s22] =	ssyncadd.s32 $0xFFFFE890  }
0x7d: {  	[tilespmem:s26], [sflag:$0x3] =	stream.indirect.gather [hbm4b:s4+s16], $0x30, s15, s16, $0xb8;
	[tilespmem:$0x19B80] =	vst v63  }
0x7e: {  	_ =	swait.ge [sflag:s23], $0x1770  }
0x7f: {  	[sflag:s23] =	ssyncset.done $0x0  }
0x80: {  	s11 =	simm.s32 $0x580;
	[sflag:s23] =	ssyncadd.s32 $0xFFFFE890  }
0x81: {  	[tilespmem:s29], [sflag:$0x4] =	stream.indirect.gather [hbm4b:s4+s16], $0x30, s11, s16, $0xb8;
	[tilespmem:$0x19B80] =	vst v63  }
0x82: {  	_ =	swait.ge [sflag:s24], $0x1770  }
0x83: {  	[sflag:s24] =	ssyncset.done $0x0  }
0x84: {  	s15 =	simm.s32 $0x600;
	[sflag:s24] =	ssyncadd.s32 $0xFFFFE890  }
0x85: {  	[tilespmem:s31], [sflag:$0x5] =	stream.indirect.gather [hbm4b:s4+s16], $0x30, s15, s16, $0xb8;
	[tilespmem:$0x19B80] =	vst v63  }
0x86: {  	_ =	swait.ge [sflag:s7], $0x1770  }
0x87: {  	[sflag:s7] =	ssyncset.done $0x0  }
0x88: {  	s11 =	simm.s32 $0x680;
	[sflag:s7] =	ssyncadd.s32 $0xFFFFE890  }
0x89: {  	[tilespmem:s14], [sflag:$0x6] =	stream.indirect.gather [hbm4b:s4+s16], $0x30, s11, s16, $0xb8;
	[tilespmem:$0x19B80] =	vst v63  }
0x8a: {  	_ =	swait.ge [sflag:s8], $0x1770  }
0x8b: {  	[sflag:s8] =	ssyncset.done $0x0  }
0x8c: {  	s15 =	simm.s32 $0x700;
	[sflag:s8] =	ssyncadd.s32 $0xFFFFE890  }
0x8d: {  	[tilespmem:s18], [sflag:$0x7] =	stream.indirect.gather [hbm4b:s4+s16], $0x30, s15, s16, $0xb8;
	[tilespmem:$0x19B80] =	vst v63  }
0x8e: {  	_ =	swait.ge [sflag:s9], $0x1770  }
0x8f: {  	[sflag:s9] =	ssyncset.done $0x0  }
0x90: {  	s11 =	simm.s32 $0x1000;
	s15 =	simm.s32 $0x780;
	[sflag:s9] =	ssyncadd.s32 $0xFFFFE890  }
.LBB2_4:
0x91: {  	[tilespmem:s28], [sflag:$0x8] =	stream.indirect.gather [hbm4b:s4+s16], $0x30, s15, s16, $0xb8;
	[tilespmem:$0x19B80] =	vst v63  }
0x92: {  	s10 =	smov.u32 s11  }
0x93: {  	p0 =	sne.s32 s11, $0x8000;
	s11 =	sadd.s32 $0x1000, s11;
	_ =	swait.ge [sflag:s30], $0x1770  }
0x94: {  	s15 =	sshra.s32 s10, $0x2;
	[sflag:s30] =	ssyncset.done $0x0  }
0x95: {  	s10 =	sadd.s32 $0x2800, s15;
	[sflag:s30] =	ssyncadd.s32 $0xFFFFE890  }
0x96: {  	[spmem:s1] =	stream.indirect.scatter.add.f32 [tilespmem:s17], [sflag:$0x9], $0x30, s10, s16, $0xb8;
	[tilespmem:$0x19B80] =	vst v63  }
0x97: {  	_ =	swait.ge [sflag:s0], $0x1770  }
0x98: {  	[sflag:s0] =	ssyncset.done $0x0  }
0x99: {  	s10 =	sadd.s32 $0x2880, s15;
	[sflag:s0] =	ssyncadd.s32 $0xFFFFE890  }
0x9a: {  	[spmem:s1] =	stream.indirect.scatter.add.f32 [tilespmem:s19], [sflag:$0xA], $0x30, s10, s16, $0xb8;
	[tilespmem:$0x19B80] =	vst v63  }
0x9b: {  	_ =	swait.ge [sflag:s2], $0x1770  }
0x9c: {  	[sflag:s2] =	ssyncset.done $0x0  }
0x9d: {  	s10 =	sadd.s32 $0x2900, s15;
	[sflag:s2] =	ssyncadd.s32 $0xFFFFE890  }
0x9e: {  	[spmem:s1] =	stream.indirect.scatter.add.f32 [tilespmem:s26], [sflag:$0xB], $0x30, s10, s16, $0xb8;
	[tilespmem:$0x19B80] =	vst v63  }
0x9f: {  	_ =	swait.ge [sflag:s25], $0x1770  }
0xa0: {  	[sflag:s25] =	ssyncset.done $0x0  }
0xa1: {  	s10 =	sadd.s32 $0x2980, s15;
	[sflag:s25] =	ssyncadd.s32 $0xFFFFE890  }
0xa2: {  	[spmem:s1] =	stream.indirect.scatter.add.f32 [tilespmem:s29], [sflag:$0xC], $0x30, s10, s16, $0xb8;
	[tilespmem:$0x19B80] =	vst v63  }
0xa3: {  	_ =	swait.ge [sflag:s3], $0x1770  }
0xa4: {  	[sflag:s3] =	ssyncset.done $0x0  }
0xa5: {  	s10 =	sadd.s32 $0x2A00, s15;
	[sflag:s3] =	ssyncadd.s32 $0xFFFFE890  }
0xa6: {  	[spmem:s1] =	stream.indirect.scatter.add.f32 [tilespmem:s31], [sflag:$0xD], $0x30, s10, s16, $0xb8;
	[tilespmem:$0x19B80] =	vst v63  }
0xa7: {  	_ =	swait.ge [sflag:s5], $0x1770  }
0xa8: {  	[sflag:s5] =	ssyncset.done $0x0  }
0xa9: {  	s10 =	sadd.s32 $0x2A80, s15;
	[sflag:s5] =	ssyncadd.s32 $0xFFFFE890  }
0xaa: {  	[spmem:s1] =	stream.indirect.scatter.add.f32 [tilespmem:s14], [sflag:$0xE], $0x30, s10, s16, $0xb8;
	[tilespmem:$0x19B80] =	vst v63  }
0xab: {  	_ =	swait.ge [sflag:s6], $0x1770  }
0xac: {  	[sflag:s6] =	ssyncset.done $0x0  }
0xad: {  	s10 =	sadd.s32 $0x2B00, s15;
	[sflag:s6] =	ssyncadd.s32 $0xFFFFE890  }
0xae: {  	[spmem:s1] =	stream.indirect.scatter.add.f32 [tilespmem:s18], [sflag:$0xF], $0x30, s10, s16, $0xb8;
	[tilespmem:$0x19B80] =	vst v63  }
0xaf: {  	_ =	swait.ge [sflag:s12], $0x1770  }
0xb0: {  	[sflag:s12] =	ssyncset.done $0x0  }
0xb1: {  	s10 =	sadd.s32 $0x2B80, s15;
	[sflag:s12] =	ssyncadd.s32 $0xFFFFE890  }
0xb2: {  	[spmem:s1] =	stream.indirect.scatter.add.f32 [tilespmem:s28], [sflag:$0x10], $0x30, s10, s16, $0xb8;
	[tilespmem:$0x19B80] =	vst v63  }
0xb3: {  	_ =	swait.ge [sflag:s20], $0x1770  }
0xb4: {  	[sflag:s20] =	ssyncset.done $0x0  }
0xb5: {  	s10 =	sadd.s32 $0x400, s15;
	[sflag:s20] =	ssyncadd.s32 $0xFFFFE890  }
0xb6: {  	[tilespmem:s17], [sflag:$0x1] =	stream.indirect.gather [hbm4b:s4+s16], $0x30, s10, s16, $0xb8;
	[tilespmem:$0x19B80] =	vst v63  }
0xb7: {  	_ =	swait.ge [sflag:s21], $0x1770  }
0xb8: {  	[sflag:s21] =	ssyncset.done $0x0  }
0xb9: {  	s10 =	sadd.s32 $0x480, s15;
	[sflag:s21] =	ssyncadd.s32 $0xFFFFE890  }
0xba: {  	[tilespmem:s19], [sflag:$0x2] =	stream.indirect.gather [hbm4b:s4+s16], $0x30, s10, s16, $0xb8;
	[tilespmem:$0x19B80] =	vst v63  }
0xbb: {  	_ =	swait.ge [sflag:s22], $0x1770  }
0xbc: {  	[sflag:s22] =	ssyncset.done $0x0  }
0xbd: {  	s10 =	sadd.s32 $0x500, s15;
	[sflag:s22] =	ssyncadd.s32 $0xFFFFE890  }
0xbe: {  	[tilespmem:s26], [sflag:$0x3] =	stream.indirect.gather [hbm4b:s4+s16], $0x30, s10, s16, $0xb8;
	[tilespmem:$0x19B80] =	vst v63  }
0xbf: {  	_ =	swait.ge [sflag:s23], $0x1770  }
0xc0: {  	[sflag:s23] =	ssyncset.done $0x0  }
0xc1: {  	s10 =	sadd.s32 $0x580, s15;
	[sflag:s23] =	ssyncadd.s32 $0xFFFFE890  }
0xc2: {  	[tilespmem:s29], [sflag:$0x4] =	stream.indirect.gather [hbm4b:s4+s16], $0x30, s10, s16, $0xb8;
	[tilespmem:$0x19B80] =	vst v63  }
0xc3: {  	_ =	swait.ge [sflag:s24], $0x1770  }
0xc4: {  	[sflag:s24] =	ssyncset.done $0x0  }
0xc5: {  	s10 =	sadd.s32 $0x600, s15;
	[sflag:s24] =	ssyncadd.s32 $0xFFFFE890  }
0xc6: {  	[tilespmem:s31], [sflag:$0x5] =	stream.indirect.gather [hbm4b:s4+s16], $0x30, s10, s16, $0xb8;
	[tilespmem:$0x19B80] =	vst v63  }
0xc7: {  	_ =	swait.ge [sflag:s7], $0x1770  }
0xc8: {  	[sflag:s7] =	ssyncset.done $0x0  }
0xc9: {  	s10 =	sadd.s32 $0x680, s15;
	[sflag:s7] =	ssyncadd.s32 $0xFFFFE890  }
0xca: {  	[tilespmem:s14], [sflag:$0x6] =	stream.indirect.gather [hbm4b:s4+s16], $0x30, s10, s16, $0xb8;
	[tilespmem:$0x19B80] =	vst v63  }
0xcb: {  	_ =	swait.ge [sflag:s8], $0x1770  }
0xcc: {  	[sflag:s8] =	ssyncset.done $0x0  }
.Ltmp1:
0xcd: {  	s10 =	sadd.s32 $0x700, s15;
	[sflag:s8] =	ssyncadd.s32 $0xFFFFE890;
	(pc) =	sbr.rel @p0 .LBB2_4-.Ltmp1, $4  }
0xce: {  	[tilespmem:s18], [sflag:$0x7] =	stream.indirect.gather [hbm4b:s4+s16], $0x30, s10, s16, $0xb8;
	[tilespmem:$0x19B80] =	vst v63  }
0xcf: {  	_ =	swait.ge [sflag:s9], $0x1770  }
0xd0: {  	[sflag:s9] =	ssyncset.done $0x0  }
0xd1: {  	s15 =	sadd.s32 $0x780, s15;
	[sflag:s9] =	ssyncadd.s32 $0xFFFFE890  }
0xd2: {  	[tilespmem:s28], [sflag:$0x8] =	stream.indirect.gather [hbm4b:s4+s16], $0x30, s15, s16, $0xb8;
	[tilespmem:$0x19B80] =	vst v63  }
0xd3: {  	_ =	swait.ge [sflag:s30], $0x1770  }
0xd4: {  	[sflag:s30] =	ssyncset.done $0x0  }
0xd5: {  	s10 =	simm.s32 $0x4C00;
	[sflag:s30] =	ssyncadd.s32 $0xFFFFE890  }
0xd6: {  	[spmem:s1] =	stream.indirect.scatter.add.f32 [tilespmem:s17], [sflag:$0x9], $0x30, s10, s16, $0xb8;
	[tilespmem:$0x19B80] =	vst v63  }
0xd7: {  	_ =	swait.ge [sflag:s0], $0x1770  }
0xd8: {  	[sflag:s0] =	ssyncset.done $0x0  }
0xd9: {  	s15 =	simm.s32 $0x4C80;
	[sflag:s0] =	ssyncadd.s32 $0xFFFFE890  }
0xda: {  	[spmem:s1] =	stream.indirect.scatter.add.f32 [tilespmem:s19], [sflag:$0xA], $0x30, s15, s16, $0xb8;
	[tilespmem:$0x19B80] =	vst v63  }
0xdb: {  	_ =	swait.ge [sflag:s2], $0x1770  }
0xdc: {  	[sflag:s2] =	ssyncset.done $0x0  }
0xdd: {  	s11 =	simm.s32 $0x4D00;
	[sflag:s2] =	ssyncadd.s32 $0xFFFFE890  }
0xde: {  	[spmem:s1] =	stream.indirect.scatter.add.f32 [tilespmem:s26], [sflag:$0xB], $0x30, s11, s16, $0xb8;
	[tilespmem:$0x19B80] =	vst v63  }
0xdf: {  	_ =	swait.ge [sflag:s25], $0x1770  }
0xe0: {  	[sflag:s25] =	ssyncset.done $0x0  }
0xe1: {  	s15 =	simm.s32 $0x4D80;
	[sflag:s25] =	ssyncadd.s32 $0xFFFFE890  }
0xe2: {  	[spmem:s1] =	stream.indirect.scatter.add.f32 [tilespmem:s29], [sflag:$0xC], $0x30, s15, s16, $0xb8;
	[tilespmem:$0x19B80] =	vst v63  }
0xe3: {  	_ =	swait.ge [sflag:s3], $0x1770  }
0xe4: {  	[sflag:s3] =	ssyncset.done $0x0  }
0xe5: {  	s11 =	simm.s32 $0x4E00;
	[sflag:s3] =	ssyncadd.s32 $0xFFFFE890  }
0xe6: {  	[spmem:s1] =	stream.indirect.scatter.add.f32 [tilespmem:s31], [sflag:$0xD], $0x30, s11, s16, $0xb8;
	[tilespmem:$0x19B80] =	vst v63  }
0xe7: {  	_ =	swait.ge [sflag:s5], $0x1770  }
0xe8: {  	[sflag:s5] =	ssyncset.done $0x0  }
0xe9: {  	s15 =	simm.s32 $0x4E80;
	[sflag:s5] =	ssyncadd.s32 $0xFFFFE890  }
0xea: {  	[spmem:s1] =	stream.indirect.scatter.add.f32 [tilespmem:s14], [sflag:$0xE], $0x30, s15, s16, $0xb8;
	[tilespmem:$0x19B80] =	vst v63  }
0xeb: {  	_ =	swait.ge [sflag:s6], $0x1770  }
0xec: {  	[sflag:s6] =	ssyncset.done $0x0  }
0xed: {  	s11 =	simm.s32 $0x4F00;
	[sflag:s6] =	ssyncadd.s32 $0xFFFFE890  }
0xee: {  	[spmem:s1] =	stream.indirect.scatter.add.f32 [tilespmem:s18], [sflag:$0xF], $0x30, s11, s16, $0xb8;
	[tilespmem:$0x19B80] =	vst v63  }
0xef: {  	_ =	swait.ge [sflag:s12], $0x1770  }
0xf0: {  	[sflag:s12] =	ssyncset.done $0x0  }
0xf1: {  	s15 =	simm.s32 $0x4F80;
	[sflag:s12] =	ssyncadd.s32 $0xFFFFE890  }
0xf2: {  	[spmem:s1] =	stream.indirect.scatter.add.f32 [tilespmem:s28], [sflag:$0x10], $0x30, s15, s16, $0xb8;
	[tilespmem:$0x19B80] =	vst v63  }
0xf3: {  	_ =	swait.ge [sflag:s20], $0x1770  }
0xf4: {  	[sflag:s20] =	ssyncset.done $0x0  }
0xf5: {  	[sflag:s20] =	ssyncadd.s32 $0xFFFFE890  }
0xf6: {  	_ =	swait.ge [sflag:s21], $0x1770  }
0xf7: {  	[sflag:s21] =	ssyncset.done $0x0  }
0xf8: {  	[sflag:s21] =	ssyncadd.s32 $0xFFFFE890  }
0xf9: {  	_ =	swait.ge [sflag:s22], $0x1770  }
0xfa: {  	[sflag:s22] =	ssyncset.done $0x0  }
0xfb: {  	[sflag:s22] =	ssyncadd.s32 $0xFFFFE890  }
0xfc: {  	_ =	swait.ge [sflag:s23], $0x1770  }
0xfd: {  	[sflag:s23] =	ssyncset.done $0x0  }
0xfe: {  	[sflag:s23] =	ssyncadd.s32 $0xFFFFE890  }
0xff: {  	_ =	swait.ge [sflag:s24], $0x1770  }
0x100: {  	[sflag:s24] =	ssyncset.done $0x0  }
0x101: {  	[sflag:s24] =	ssyncadd.s32 $0xFFFFE890  }
0x102: {  	_ =	swait.ge [sflag:s7], $0x1770  }
0x103: {  	[sflag:s7] =	ssyncset.done $0x0  }
0x104: {  	[sflag:s7] =	ssyncadd.s32 $0xFFFFE890  }
0x105: {  	_ =	swait.ge [sflag:s8], $0x1770  }
0x106: {  	[sflag:s8] =	ssyncset.done $0x0  }
0x107: {  	[sflag:s8] =	ssyncadd.s32 $0xFFFFE890  }
0x108: {  	_ =	swait.ge [sflag:s9], $0x1770  }
0x109: {  	[sflag:s9] =	ssyncset.done $0x0  }
0x10a: {  	[sflag:s9] =	ssyncadd.s32 $0xFFFFE890  }
0x10b: {  	s11 =	stileid.u32;
	[bflag:$0x0] =	sbarrier.arrive $0xFFFF  }
0x10c: {  	s10 =	sshll.u32 s11, $0x6;
	s11 =	rddreg [dreg:$0x5]  }
0x10d: {  	s10 =	sor.u32 $0x1C11, s10;
	s15 =	rddreg [dreg:$0xb];
	s11 =	sshrl.u32 s11, $0x3  }
0x10e: {  	[hbm:s15], [sflag:s10] =	dma.local [spmem:s11], $0x300  }
0x10f: {  	_ =	swait.ge [sflag:s13], $0x300  }
0x110: {  	[sflag:s13] =	ssyncset.done $0x0;
	s15 =	rddreg [dreg:$0x6]  }
0x111: {  	[sflag:s13] =	ssyncadd.s32 $0xFFFFFD00;
	s11 =	sshrl.u32 s15, $0x3;
	s15 =	rddreg [dreg:$0xc]  }
0x112: {  	[hbm:s15], [sflag:s10] =	dma.local [spmem:s11], $0x300  }
0x113: {  	_ =	swait.ge [sflag:s13], $0x300  }
0x114: {  	[sflag:s13] =	ssyncset.done $0x0;
	s15 =	rddreg [dreg:$0x7]  }
0x115: {  	[sflag:s13] =	ssyncadd.s32 $0xFFFFFD00;
	s11 =	sshrl.u32 s15, $0x3;
	s15 =	rddreg [dreg:$0xd]  }
0x116: {  	[hbm:s15], [sflag:s10] =	dma.local [spmem:s11], $0x300  }
0x117: {  	_ =	swait.ge [sflag:s13], $0x300  }
0x118: {  	[sflag:s13] =	ssyncset.done $0x0;
	s15 =	rddreg [dreg:$0x8]  }
0x119: {  	[sflag:s13] =	ssyncadd.s32 $0xFFFFFD00;
	s11 =	sshrl.u32 s15, $0x3;
	s15 =	rddreg [dreg:$0xe]  }
0x11a: {  	[hbm:s15], [sflag:s10] =	dma.local [spmem:s11], $0x300  }
0x11b: {  	_ =	swait.ge [sflag:s13], $0x300  }
0x11c: {  	[sflag:s13] =	ssyncset.done $0x0;
	s15 =	rddreg [dreg:$0x9]  }
0x11d: {  	[sflag:s13] =	ssyncadd.s32 $0xFFFFFD00;
	s11 =	sshrl.u32 s15, $0x3;
	s15 =	rddreg [dreg:$0xf]  }
0x11e: {  	[hbm:s15], [sflag:s10] =	dma.local [spmem:s11], $0x300  }
0x11f: {  	_ =	swait.ge [sflag:s13], $0x300  }
0x120: {  	s10 =	rddreg [dreg:$0x10]  }
0x121: {  	s15 =	rddreg [dreg:$0xa];
	s11 =	sadd.s32 $0x1, s10  }
0x122: {  	p0 =	sne.s32 s11, s15  }
.Ltmp2:
0x123: {  	_ = 	snop;
	(pc) =	sbr.rel @p0 .LBB2_1-.Ltmp2, $3  }
0x124: {  	_ =	sdelay $0x1  }
0x125: {  	[sflag:s13] =	ssyncset.done $0x0  }
0x126: {  	[sflag:s13] =	ssyncadd.s32 $0xFFFFFD00  }
0x127: {  	_ =	sfence.sel $0x180000  }
0x128: {  	[bflag:$0x0] =	sbarrier.arrive $0xFFFF  }
0x129: {  	_ =	strace $0x9000004D  }
0x12a: {  	s0 =	stileid.u32;
	[bflag:$0x2] =	sbarrier.arrive $0xFFFF  }
0x12b: {  	p0 =	sne.s32 s0, $0x0;
	s0 =	rddreg [dreg:$0x2]  }
0x12c: {  	s0 =	sadd.s32 @!p0 $0x100000, s0  }
0x12d: {  	[sflag:s0] =	ssyncadd.tile.s32 @!p0 $0x1;
	_ =	shalt  }
.Lfunc_end2:
_tile_overlayer_lowered:
.L_overlay_start_2:
0x12e: {  	(tag) =	ssettag $0x2  }
0x12f: {  	s0 =	rddreg [dreg:$0x0];
	s2 =	stileid.u32  }
0x130: {  	s1 =	rddreg [dreg:$0x1];
	p0 =	sne.s32 s2, $0x0  }
0x131: {  	s3 =	rddreg [dreg:$0x2];
	[bflag:$0x3] =	sbarrier.arrive $0xFFFF;
	s2 =	simm.s32 @!p0 $0x1C11  }
0x132: {  	[timem:s3], [sflag:s2] =	dma.local @!p0 [hbm:s0], s1  }
0x133: {  	s0 =	simm.s32 @!p0 $0x11  }
0x134: {  	_ =	swait.ge @!p0 [sflag:s0], s1  }
0x135: {  	s1 =	ssub.s32 @!p0 $0x0, s1;
	[sflag:s0] =	ssyncset.done @!p0 $0x0  }
0x136: {  	[sflag:s0] =	ssyncadd.s32 @!p0 s1  }
0x137: {  	[bflag:$0x3] =	sbarrier.arrive $0xFFFF  }
0x138: {  	_ =	shalt  }

// kernel: kernel.19.cloned.1.call-start
scs
__scs_entry_jumppad:
0x0: {  	(pc) =	sbr.rel $0x88, $3  }
0x1: {  	(tag) =	ssettag $0x0;
	lr =	simm.s32 $0x1  }
0x2: {  	[smem:$0x3F99] =	sst lr;
	_ =	strace $0xD0000000  }
0x3: {  	_ = 	snop  }
0x4: {  	_ = 	snop  }
0x5: {  	_ = 	snop  }
0x6: {  	_ = 	snop  }
0x7: {  	_ = 	snop  }
__scs_overlays_trampoline_lowered:
0x8: {  	[smem:$0x3FA8] =	sst s0  }
0x9: {  	[smem:$0x3FA9] =	sst s1  }
0xa: {  	[smem:$0x3FAA] =	sst s2  }
0xb: {  	[smem:$0x3FAB] =	sst s3  }
0xc: {  	[smem:$0x3FAC] =	sst s4  }
0xd: {  	[smem:$0x3FAD] =	sst s5  }
0xe: {  	[smem:$0x3FAE] =	sst s6  }
0xf: {  	[smem:$0x3FAF] =	sst s7  }
0x10: {  	[smem:$0x3FB0] =	sst s8  }
0x11: {  	[smem:$0x3FB1] =	sst s9;
	s0 =	simm.s32 @!p0 $0x0  }
0x12: {  	s1 =	sld [smem:$0x3F97];
	s0 =	simm.s32 @p0 $0x1  }
0x13: {  	[smem:$0x3FB2] =	sst s0;
	s0 =	simm.s32 @!p1 $0x0  }
0x14: {  	s2 =	sld [smem:$0x3F96];
	s0 =	simm.s32 @p1 $0x1  }
0x15: {  	[smem:$0x3FB3] =	sst s0;
	s0 =	simm.s32 @!p2 $0x0  }
0x16: {  	s3 =	sld [smem:$0x3FDB];
	s0 =	simm.s32 @p2 $0x1  }
0x17: {  	s4 =	simm.s32 $0x1BF5;
	[smem:$0x3FB5] =	sst s0  }
0x18: {  	s0 =	sld [smem:$0x3F98];
	_ =	swait.ge [sflag:s4], $0x0  }
0x19: {  	s7 =	sld [smem:$0x3F99]  }
0x1a: {  	s8 =	sadd.s32 $0xFFFFE003, lr  }
0x1b: {  	s9 =	sadd.s32 $0xFFFFFEF7, lr;
	s5 =	simm.s32 $0xFFFFFFFF;
	p2 =	slt.u32 s8, $0xFFFFF086  }
0x1c: {  	p1 =	slt.u32 s9, $0xF7A;
	s5 =	simm.s32 @!p2 $0x0  }
0x1d: {  	s5 =	simm.s32 @p1 $0x1;
	p0 =	seq.s32 s7, s2  }
0x1e: {  	s7 =	smul.u32 @!p0 $0xF7A, s2;
	p2 =	seq.s32 @!p0 s5, $0x0  }
0x1f: {  	s9 =	smul.u32 $0xF7A, s1;
	s8 =	simm.s32 @!p0 $0x1BF5;
	p2 =	por !p2, p0  }
0x20: {  	[sflag:s8] =	ssyncset.s32 @!p0 $0xFFFFF086;
	s6 =	sadd.s32 @!p0 s3, s7;
	s7 =	simm.s32 @!p0 $0x108  }
0x21: {  	s3 =	sadd.s32 s3, s9;
	s6 =	sadd.s32 @!p0 $0x88, s6;
	s7 =	simm.s32 @p2 $0x1082  }
0x22: {  	[simem:s7], [sflag:s8] =	dma.local @!p0 [hbm:s6], $0xF7A  }
0x23: {  	s9 =	sor.u32 $0xD0000000, s2;
	s6 =	simm.s32 $0x108;
	_ =	swait.ge @!p0 [sflag:s8], $0x0  }
0x24: {  	s3 =	sadd.s32 $0x88, s3;
	s6 =	simm.s32 @!p1 $0x1082;
	[sflag:s4] =	ssyncset.s32 $0xFFFFF086  }
0x25: {  	[simem:s6], [sflag:s4] =	dma.local [hbm:s3], $0xF7A  }
0x26: {  	[smem:$0x3F99] =	sst s1;
	(tag) =	ssettag s2;
	_ =	strace s9  }
0x27: {  	s1 =	sld [smem:$0x3FA9]  }
0x28: {  	s2 =	sld [smem:$0x3FAA]  }
0x29: {  	s4 =	sld [smem:$0x3FAC]  }
0x2a: {  	p0 =	seq.s32 s5, $0x0;
	s5 =	sld [smem:$0x3FAD]  }
0x2b: {  	s6 =	sld [smem:$0x3FAE]  }
0x2c: {  	s7 =	sld [smem:$0x3FAF]  }
0x2d: {  	s3 =	simm.s32 $0x108;
	s8 =	sld [smem:$0x3FB0]  }
0x2e: {  	s3 =	simm.s32 @!p0 $0x1082;
	s9 =	sld [smem:$0x3FB1]  }
0x2f: {  	lr =	sadd.s32 s0, s3;
	s0 =	sld [smem:$0x3FA8]  }
0x30: {  	s3 =	sld [smem:$0x3FAB]  }
0x31: {  	[smem:$0x3FB4] =	sst s10  }
0x32: {  	s10 =	sld [smem:$0x3FB2];
	_ =	sdelay $0x3  }
0x33: {  	p0 =	seq.s32 s10, $0x1;
	s10 =	sld [smem:$0x3FB4];
	_ =	sdelay $0x3  }
0x34: {  	[smem:$0x3FB4] =	sst s10  }
0x35: {  	s10 =	sld [smem:$0x3FB3];
	_ =	sdelay $0x3  }
0x36: {  	p1 =	seq.s32 s10, $0x1;
	s10 =	sld [smem:$0x3FB4];
	_ =	sdelay $0x3  }
0x37: {  	[smem:$0x3FB4] =	sst s10  }
0x38: {  	s10 =	sld [smem:$0x3FB5]  }
0x39: {  	_ = 	snop;
	(pc) =	sbr.ind lr, $3  }
0x3a: {  	_ = 	snop  }
0x3b: {  	_ = 	snop  }
0x3c: {  	p2 =	seq.s32 s10, $0x1;
	s10 =	sld [smem:$0x3FB4]  }
0x3d: {  	_ =	shalt  }
0x3e: {  	_ =	shalt  }
0x3f: {  	_ =	shalt  }
0x40: {  	_ =	shalt  }
0x41: {  	_ =	shalt  }
0x42: {  	_ =	shalt  }
0x43: {  	_ =	shalt  }
0x44: {  	_ =	shalt  }
0x45: {  	_ =	shalt  }
0x46: {  	_ =	shalt  }
0x47: {  	_ =	shalt  }
0x48: {  	_ =	shalt  }
0x49: {  	_ =	shalt  }
0x4a: {  	_ =	shalt  }
0x4b: {  	_ =	shalt  }
0x4c: {  	_ =	shalt  }
0x4d: {  	_ =	shalt  }
0x4e: {  	_ =	shalt  }
0x4f: {  	_ =	shalt  }
0x50: {  	_ =	shalt  }
0x51: {  	_ =	shalt  }
0x52: {  	_ =	shalt  }
0x53: {  	_ =	shalt  }
0x54: {  	_ =	shalt  }
0x55: {  	_ =	shalt  }
0x56: {  	_ =	shalt  }
0x57: {  	_ =	shalt  }
0x58: {  	_ =	shalt  }
0x59: {  	_ =	shalt  }
0x5a: {  	_ =	shalt  }
0x5b: {  	_ =	shalt  }
0x5c: {  	_ =	shalt  }
0x5d: {  	_ =	shalt  }
0x5e: {  	_ =	shalt  }
0x5f: {  	_ =	shalt  }
0x60: {  	_ =	shalt  }
0x61: {  	_ =	shalt  }
0x62: {  	_ =	shalt  }
0x63: {  	_ =	shalt  }
0x64: {  	_ =	shalt  }
0x65: {  	_ =	shalt  }
0x66: {  	_ =	shalt  }
0x67: {  	_ =	shalt  }
0x68: {  	_ =	shalt  }
0x69: {  	_ =	shalt  }
0x6a: {  	_ =	shalt  }
0x6b: {  	_ =	shalt  }
0x6c: {  	_ =	shalt  }
0x6d: {  	_ =	shalt  }
0x6e: {  	_ =	shalt  }
0x6f: {  	_ =	shalt  }
0x70: {  	_ =	shalt  }
0x71: {  	_ =	shalt  }
0x72: {  	_ =	shalt  }
0x73: {  	_ =	shalt  }
0x74: {  	_ =	shalt  }
0x75: {  	_ =	shalt  }
0x76: {  	_ =	shalt  }
0x77: {  	_ =	shalt  }
0x78: {  	_ =	shalt  }
0x79: {  	_ =	shalt  }
0x7a: {  	_ =	shalt  }
0x7b: {  	_ =	shalt  }
0x7c: {  	_ =	shalt  }
0x7d: {  	_ =	shalt  }
0x7e: {  	_ =	shalt  }
0x7f: {  	_ =	shalt  }
0x80: {  	_ =	shalt  }
0x81: {  	_ =	shalt  }
0x82: {  	_ =	shalt  }
0x83: {  	_ =	shalt  }
0x84: {  	_ =	shalt  }
0x85: {  	_ =	shalt  }
0x86: {  	_ =	shalt  }
0x87: {  	_ =	shalt  }
.Lfunc_end0:
.L_simem_size_0:
called_computation.3_lowered:
.L_overlay_start_0:
0x88: {  	s2 =	sld [smem:$0x3FD9]  }
0x89: {  	s3 =	sld [smem:$0x3FFE];
	_ =	sdelay $0x1  }
0x8a: {  	s1 =	srdreg.scid  }
0x8b: {  	s0 =	sand.u32 $0x1, s1  }
0x8c: {  	s16 =	sshll.u32 s0, $0xA;
	s2 =	sadd.s32 s3, s2  }
0x8d: {  	s2 =	sadd.s32 s2, s16  }
0x8e: {  	[smem:$0x3FC0] =	sst s2  }
0x8f: {  	_ = 	snop  }
0x90: {  	(tm) =	ssettm $0x1  }
0x91: {  	s17 =	sld [smem:$0x3FFB];
	_ =	sdelay $0x3  }
0x92: {  	_ =	strace s17  }
0x93: {  	s2 =	sld [smem:$0x3FFC];
	_ =	sdelay $0x3  }
0x94: {  	_ =	strace s2  }
0x95: {  	s2 =	sld [smem:$0x3FFD];
	_ =	sdelay $0x3  }
0x96: {  	_ =	strace s2  }
0x97: {  	_ =	strace $0x8FFFFFFF  }
0x98: {  	s18 =	sld [smem:$0x3FDB];
	_ =	sdelay $0x1  }
0x99: {  	s19 =	simm.s32 $_scs_section_size  }
0x9a: {  	s4 =	simm.s32 $_size__tile_overlayer_lowered;
	s5 =	simm.s32 $_tile_overlayer_lowered  }
0x9b: {  	s22 =	simm.s32 $0x1BFF;
	s21 =	sshll.u32 s5, $0x1;
	s2 =	sadd.s32 s19, s18  }
0x9c: {  	s6 =	simm.s32 $0x0;
	s20 =	sshll.u32 s4, $0x1;
	s4 =	sadd.s32 s21, s2  }
0x9d: {  	[timem:s6], [sflag:s22] =	dma.local [hbm:s4], s20  }
0x9e: {  	_ =	swait.ge [sflag:s22], s20  }
0x9f: {  	s3 =	ssub.s32 $0x0, s20;
	[sflag:s22] =	ssyncset.done $0x0  }
0xa0: {  	[sflag:s22] =	ssyncadd.s32 s3;
	_ =	sdelay $0x1  }
0xa1: {  	s23 =	simm.s32 $0x1B8B  }
0xa2: {  	_ =	swait.ge [sflag:s23], $0x1  }
0xa3: {  	[sflag:s23] =	ssyncset.done $0x0  }
0xa4: {  	s25 =	simm.s32 $0x1B8E;
	s24 =	sld [smem:$0x3FFE];
	[sflag:s23] =	ssyncadd.s32 $0xFFFFFFFF  }
0xa5: {  	s26 =	simm.s32 $execute0_lowered;
	[smem:$0x3FD2] =	sst s25  }
0xa6: {  	s4 =	sshll.u32 s26, $0x1;
	_ =	strace $0x8000004F;
	[dreg:$0x1] =	wrdreg $0xFFFFFFFF  }
0xa7: {  	s28 =	simm.s32 $_size_execute0_lowered;
	s2 =	sadd.s32 s2, s4;
	[dreg:$0x0] =	wrdreg $0x0  }
0xa8: {  	s4 =	sshll.u32 s28, $0x1;
	[dreg:$0x2] =	wrdreg s2  }
0xa9: {  	[dreg:$0x3] =	wrdreg s4  }
0xaa: {  	[dreg:$0x4] =	wrdreg $0xC0  }
0xab: {  	_ =	task [dreg:s6], $0x5FFFF  }
0xac: {  	[dreg:$0x1] =	wrdreg $0xFFFFFFFF  }
0xad: {  	[dreg:$0x0] =	wrdreg $0x60  }
0xae: {  	[dreg:$0x2] =	wrdreg s24  }
0xaf: {  	[dreg:$0x3] =	wrdreg $0x96800  }
0xb0: {  	[dreg:$0x4] =	wrdreg $0x9  }
0xb1: {  	_ =	task.clear_ibuf [dreg:s6], $0x5FFFF;
	_ =	strace $0x9000004F  }
0xb2: {  	s29 =	simm.s32 $0x9;
	_ =	strace $0x80000051  }
0xb3: {  	_ =	swait.ge [sflag:s29], $0x1  }
0xb4: {  	[sflag:s29] =	ssyncadd.s32 $0xFFFFFFFF  }
0xb5: {  	_ =	strace $0x90000051  }
0xb6: {  	_ =	sfence  }
0xb7: {  	s30 =	sld [smem:$0x0];
	_ =	sdelay $0x2  }
0xb8: {  	s31 =	sshll.u32 s1, $0xD;
	s1 =	sshrl.u32 s1, $0x2  }
0xb9: {  	s3 =	sand.u32 $0x4000, s31;
	s1 =	sadd.s32 s1, s30  }
0xba: {  	s0 =	sor.u32 s3, s0;
	s1 =	sshll.u32 s1, $0x11  }
0xbb: {  	s0 =	sor.u32 s1, s0  }
0xbc: {  	s0 =	sadd.s32 $0x8F2B, s0  }
0xbd: {  	[sflag:s0] =	ssyncadd.remote.s32 $0x1  }
0xbe: {  	_ =	sfence.sel $0xFFFF  }
0xbf: {  	[dreg:$0x0] =	wrdreg $0xFFFFFFFF;
	(pc) =	sbr.abs _section_cstart, $3  }
0xc0: {  	[dreg:$0x1] =	wrdreg $0xFFFFFFFF  }
0xc1: {  	_ =	task.clear_ibuf [dreg:s6], $0x2FFFF;
	_ =	strace $0x9FFFFFFF  }
0xc2: {  	(tm) =	ssettm $0x7FFFFFFF  }
0xc3: {  	_ =	shalt  }
tec
execute0_lowered:
.L_overlay_start_1:
0x0: {  	(tag) =	ssettag $0x1  }
0x1: {  	s0 =	rddreg [dreg:$0x0]  }
0x2: {  	s1 =	rddreg [dreg:$0x1];
	s2 =	srdreg.scid;
	s4 =	simm.s32 $0x0  }
0x3: {  	s7 =	stileid.u32;
	s13 =	simm.s32 $0x11;
	s29 =	simm.s32 $0x6770  }
0x4: {  	s31 =	simm.s32 $0x6F40;
	s14 =	simm.s32 $0x7710;
	s28 =	simm.s32 $0x86B0  }
0x5: {  	s30 =	simm.s32 $0x1;
	s12 =	simm.s32 $0x8;
	s11 =	simm.s32 $0x0  }
0x6: {  	s2 =	sand.u32 $0x1, s2;
	[smem:$0x7FF] =	sst s4;
	s4 =	sadd.s32 $0xBE00, s0  }
0x7: {  	s3 =	sshll.u32 s2, $0x4;
	s5 =	smul.u32 $0x5000, s2;
	s2 =	ssub.s32 $0x2, s2  }
0x8: {  	s3 =	sor.u32 s7, s3;
	s6 =	sshrl.u32 s2, $0x1;
	s7 =	smul.u32 $0x2800, s7  }
0x9: {  	_ =	strace $0x80000050;
	s3 =	smul.u32 $0x500, s3;
	s2 =	ssub.s32 s2, s6  }
0xa: {  	s16 =	sadd.s32 s7, s1;
	s17 =	sadd.s32 $0x800, s7;
	s19 =	sadd.s32 $0x1000, s7  }
0xb: {  	s20 =	sadd.s32 $0x1800, s7;
	s22 =	sadd.s32 $0x2000, s7;
	s7 =	sshrl.u32 s7, $0x3  }
0xc: {  	s2 =	smax.u32 s2, $0x1;
	s3 =	sadd.s32 s3, s0;
	s0 =	sadd.s32 s5, s0  }
0xd: {  	[dreg:$0x5] =	wrdreg s16;
	s18 =	sadd.s32 s17, s1;
	s8 =	sadd.s32 s19, s1  }
0xe: {  	s21 =	sadd.s32 s20, s1;
	s9 =	sadd.s32 s22, s1;
	[dreg:$0xa] =	wrdreg s2  }
0xf: {  	s5 =	sshrl.u32 s19, $0x3;
	s6 =	sshrl.u32 s20, $0x3;
	[dreg:$0x6] =	wrdreg s18  }
0x10: {  	s16 =	simm.s32 $0x7D;
	s19 =	simm.s32 $0x57D0;
	[dreg:$0x7] =	wrdreg s8  }
0x11: {  	s2 =	simm.s32 $0x3;
	s20 =	simm.s32 $0x9;
	[dreg:$0x8] =	wrdreg s21  }
0x12: {  	s15 =	sadd.s32 $0x15E00, s3;
	s3 =	sadd.s32 $0x1E00, s3;
	[dreg:$0x9] =	wrdreg s9  }
0x13: {  	s0 =	sadd.s32 $0x1FE00, s0;
	s8 =	sshrl.u32 s22, $0x3;
	s18 =	simm.s32 $0x7EE0  }
0x14: {  	s21 =	simm.s32 $0xA;
	s22 =	simm.s32 $0xB;
	[dreg:$0x3] =	wrdreg s15  }
0x15: {  	s9 =	simm.s32 $0x10;
	[dreg:$0x4] =	wrdreg s3;
	s3 =	sshrl.u32 s17, $0x3  }
0x16: {  	s17 =	simm.s32 $0x5000;
	s23 =	sadd.s32 s7, s0;
	s25 =	sadd.s32 s5, s0  }
0x17: {  	s26 =	sadd.s32 s6, s0;
	s5 =	simm.s32 $0x6;
	[dreg:$0xb] =	wrdreg s23  }
0x18: {  	s6 =	simm.s32 $0x7;
	s7 =	simm.s32 $0xE;
	[dreg:$0xd] =	wrdreg s25  }
0x19: {  	s24 =	sadd.s32 s3, s0;
	[dreg:$0xe] =	wrdreg s26;
	s0 =	sadd.s32 s8, s0  }
0x1a: {  	s26 =	simm.s32 $0x5FA0;
	s25 =	simm.s32 $0x4;
	s3 =	simm.s32 $0x5  }
0x1b: {  	s23 =	simm.s32 $0xC;
	s8 =	simm.s32 $0xF;
	[dreg:$0xc] =	wrdreg s24  }
0x1c: {  	v0 =	vimm.f32 $0.0e+00;
	[dreg:$0xf] =	wrdreg s0;
	s0 =	simm.s32 $0x2;
	s24 =	simm.s32 $0xD  }
.LBB2_1:
0x1d: {  	[dreg:$0x10] =	wrdreg s11  }
0x1e: {  	s10 =	simm.s32 $0x0;
	s15 =	rddreg [dreg:$0x3]  }
0x1f: {  	[tilespmem:s10], [sflag:$0x11] =	stream.linear.gather [hbm4b:s15+s10], $0x2800, $0x38;
	[tilespmem:$0xBE80] =	vst v63  }
0x20: {  	_ =	swait.ge [sflag:s13], $0x2800  }
0x21: {  	[sflag:s13] =	ssyncset.done $0x0  }
0x22: {  	s15 =	simm.s32 $0x2800;
	s11 =	rddreg [dreg:$0x4];
	[sflag:s13] =	ssyncadd.s32 $0xFFFFD800  }
0x23: {  	[tilespmem:s15], [sflag:$0x11] =	stream.linear.gather [hbm4b:s11+s10], $0x2800, $0x38;
	[tilespmem:$0xBE80] =	vst v63  }
0x24: {  	_ =	swait.ge [sflag:s13], $0x2800  }
0x25: {  	[sflag:s13] =	ssyncset.done $0x0  }
0x26: {  	s11 =	simm.s32 $0x40;
	s15 =	simm.s32 $0x0;
	[sflag:s13] =	ssyncadd.s32 $0xFFFFD800  }
.LBB2_2:
0x27: {  	p0 =	sne.s32 s11, $0x1FC0;
	[tilespmem:s15+$0x8E80] =	vst v0;
	s15 =	smov.u32 s11;
	s11 =	sadd.s32 $0x40, s11  }
.Ltmp0:
0x28: {  	(pc) =	sbr.rel @p0 .LBB2_2-.Ltmp0, $2  }
0x29: {  	_ =	sdelay $0x2  }
0x2a: {  	s15 =	sshra.s32 s15, $0x2  }
0x2b: {  	[tilespmem:s15+$0x8E80] =	vst v0;
	s10 =	rddreg [dreg:$0x5];
	s11 =	simm.s32 $0x8E80  }
0x2c: {  	[spmem:s10] =	stream.linear.scatter [tilespmem:s11], [sflag:$0x11], $0x800, $0x38;
	[tilespmem:$0xBE80] =	vst v63  }
0x2d: {  	_ =	swait.ge [sflag:s13], $0x800  }
0x2e: {  	[sflag:s13] =	ssyncset.done $0x0  }
0x2f: {  	s15 =	rddreg [dreg:$0x6];
	[sflag:s13] =	ssyncadd.s32 $0xFFFFF800  }
0x30: {  	[spmem:s15] =	stream.linear.scatter [tilespmem:s11], [sflag:$0x11], $0x800, $0x38;
	[tilespmem:$0xBE80] =	vst v63  }
0x31: {  	_ =	swait.ge [sflag:s13], $0x800  }
0x32: {  	[sflag:s13] =	ssyncset.done $0x0  }
0x33: {  	s15 =	rddreg [dreg:$0x7];
	[sflag:s13] =	ssyncadd.s32 $0xFFFFF800  }
0x34: {  	[spmem:s15] =	stream.linear.scatter [tilespmem:s11], [sflag:$0x11], $0x800, $0x38;
	[tilespmem:$0xBE80] =	vst v63  }
0x35: {  	_ =	swait.ge [sflag:s13], $0x800  }
0x36: {  	[sflag:s13] =	ssyncset.done $0x0  }
0x37: {  	s15 =	rddreg [dreg:$0x8];
	[sflag:s13] =	ssyncadd.s32 $0xFFFFF800  }
0x38: {  	[spmem:s15] =	stream.linear.scatter [tilespmem:s11], [sflag:$0x11], $0x800, $0x38;
	[tilespmem:$0xBE80] =	vst v63  }
0x39: {  	_ =	swait.ge [sflag:s13], $0x800  }
0x3a: {  	[sflag:s13] =	ssyncset.done $0x0  }
0x3b: {  	s15 =	rddreg [dreg:$0x9];
	[sflag:s13] =	ssyncadd.s32 $0xFFFFF800  }
0x3c: {  	[spmem:s15] =	stream.linear.scatter [tilespmem:s11], [sflag:$0x11], $0x800, $0x38;
	[tilespmem:$0xBE80] =	vst v63  }
0x3d: {  	_ =	swait.ge [sflag:s13], $0x800  }
0x3e: {  	[sflag:s13] =	ssyncset.done $0x0  }
0x3f: {  	[sflag:s13] =	ssyncadd.s32 $0xFFFFF800  }
0x40: {  	s10 =	simm.s32 $0x0;
	[bflag:$0x0] =	sbarrier.arrive $0xFFFF  }
0x41: {  	[tilespmem:s17], [sflag:$0x1] =	stream.indirect.gather [hbm4b:s4+s16], $0x10, s10, s16, $0xb8;
	[tilespmem:$0xBE80] =	vst v63  }
0x42: {  	s11 =	simm.s32 $0x80  }
0x43: {  	[tilespmem:s19], [sflag:$0x2] =	stream.indirect.gather [hbm4b:s4+s16], $0x10, s11, s16, $0xb8;
	[tilespmem:$0xBE80] =	vst v63  }
0x44: {  	s15 =	simm.s32 $0x100  }
0x45: {  	[tilespmem:s26], [sflag:$0x3] =	stream.indirect.gather [hbm4b:s4+s16], $0x10, s15, s16, $0xb8;
	[tilespmem:$0xBE80] =	vst v63  }
0x46: {  	s11 =	simm.s32 $0x180  }
0x47: {  	[tilespmem:s29], [sflag:$0x4] =	stream.indirect.gather [hbm4b:s4+s16], $0x10, s11, s16, $0xb8;
	[tilespmem:$0xBE80] =	vst v63  }
0x48: {  	s15 =	simm.s32 $0x200  }
0x49: {  	[tilespmem:s31], [sflag:$0x5] =	stream.indirect.gather [hbm4b:s4+s16], $0x10, s15, s16, $0xb8;
	[tilespmem:$0xBE80] =	vst v63  }
0x4a: {  	s11 =	simm.s32 $0x280  }
0x4b: {  	[tilespmem:s14], [sflag:$0x6] =	stream.indirect.gather [hbm4b:s4+s16], $0x10, s11, s16, $0xb8;
	[tilespmem:$0xBE80] =	vst v63  }
0x4c: {  	s15 =	simm.s32 $0x300  }
0x4d: {  	[tilespmem:s18], [sflag:$0x7] =	stream.indirect.gather [hbm4b:s4+s16], $0x10, s15, s16, $0xb8;
	[tilespmem:$0xBE80] =	vst v63  }
0x4e: {  	s11 =	simm.s32 $0x380  }
0x4f: {  	[tilespmem:s28], [sflag:$0x8] =	stream.indirect.gather [hbm4b:s4+s16], $0x10, s11, s16, $0xb8;
	[tilespmem:$0xBE80] =	vst v63  }
0x50: {  	_ =	swait.ge [sflag:s30], $0x7D0  }
0x51: {  	[sflag:s30] =	ssyncset.done $0x0  }
0x52: {  	s15 =	simm.s32 $0x2800;
	[sflag:s30] =	ssyncadd.s32 $0xFFFFF830  }
0x53: {  	[spmem:s1] =	stream.indirect.scatter.add.f32 [tilespmem:s17], [sflag:$0x9], $0x10, s15, s16, $0xb8;
	[tilespmem:$0xBE80] =	vst v63  }
0x54: {  	_ =	swait.ge [sflag:s0], $0x7D0  }
0x55: {  	[sflag:s0] =	ssyncset.done $0x0  }
0x56: {  	s10 =	simm.s32 $0x2880;
	[sflag:s0] =	ssyncadd.s32 $0xFFFFF830  }
0x57: {  	[spmem:s1] =	stream.indirect.scatter.add.f32 [tilespmem:s19], [sflag:$0xA], $0x10, s10, s16, $0xb8;
	[tilespmem:$0xBE80] =	vst v63  }
0x58: {  	_ =	swait.ge [sflag:s2], $0x7D0  }
0x59: {  	[sflag:s2] =	ssyncset.done $0x0  }
0x5a: {  	s15 =	simm.s32 $0x2900;
	[sflag:s2] =	ssyncadd.s32 $0xFFFFF830  }
0x5b: {  	[spmem:s1] =	stream.indirect.scatter.add.f32 [tilespmem:s26], [sflag:$0xB], $0x10, s15, s16, $0xb8;
	[tilespmem:$0xBE80] =	vst v63  }
0x5c: {  	_ =	swait.ge [sflag:s25], $0x7D0  }
0x5d: {  	[sflag:s25] =	ssyncset.done $0x0  }
0x5e: {  	s10 =	simm.s32 $0x2980;
	[sflag:s25] =	ssyncadd.s32 $0xFFFFF830  }
0x5f: {  	[spmem:s1] =	stream.indirect.scatter.add.f32 [tilespmem:s29], [sflag:$0xC], $0x10, s10, s16, $0xb8;
	[tilespmem:$0xBE80] =	vst v63  }
0x60: {  	_ =	swait.ge [sflag:s3], $0x7D0  }
0x61: {  	[sflag:s3] =	ssyncset.done $0x0  }
0x62: {  	s15 =	simm.s32 $0x2A00;
	[sflag:s3] =	ssyncadd.s32 $0xFFFFF830  }
0x63: {  	[spmem:s1] =	stream.indirect.scatter.add.f32 [tilespmem:s31], [sflag:$0xD], $0x10, s15, s16, $0xb8;
	[tilespmem:$0xBE80] =	vst v63  }
0x64: {  	_ =	swait.ge [sflag:s5], $0x7D0  }
0x65: {  	[sflag:s5] =	ssyncset.done $0x0  }
0x66: {  	s10 =	simm.s32 $0x2A80;
	[sflag:s5] =	ssyncadd.s32 $0xFFFFF830  }
0x67: {  	[spmem:s1] =	stream.indirect.scatter.add.f32 [tilespmem:s14], [sflag:$0xE], $0x10, s10, s16, $0xb8;
	[tilespmem:$0xBE80] =	vst v63  }
0x68: {  	_ =	swait.ge [sflag:s6], $0x7D0  }
0x69: {  	[sflag:s6] =	ssyncset.done $0x0  }
0x6a: {  	s15 =	simm.s32 $0x2B00;
	[sflag:s6] =	ssyncadd.s32 $0xFFFFF830  }
0x6b: {  	[spmem:s1] =	stream.indirect.scatter.add.f32 [tilespmem:s18], [sflag:$0xF], $0x10, s15, s16, $0xb8;
	[tilespmem:$0xBE80] =	vst v63  }
0x6c: {  	_ =	swait.ge [sflag:s12], $0x7D0  }
0x6d: {  	[sflag:s12] =	ssyncset.done $0x0  }
0x6e: {  	s10 =	simm.s32 $0x2B80;
	[sflag:s12] =	ssyncadd.s32 $0xFFFFF830  }
0x6f: {  	[spmem:s1] =	stream.indirect.scatter.add.f32 [tilespmem:s28], [sflag:$0x10], $0x10, s10, s16, $0xb8;
	[tilespmem:$0xBE80] =	vst v63  }
0x70: {  	_ =	swait.ge [sflag:s20], $0x7D0  }
0x71: {  	[sflag:s20] =	ssyncset.done $0x0  }
0x72: {  	s15 =	simm.s32 $0x400;
	[sflag:s20] =	ssyncadd.s32 $0xFFFFF830  }
0x73: {  	[tilespmem:s17], [sflag:$0x1] =	stream.indirect.gather [hbm4b:s4+s16], $0x10, s15, s16, $0xb8;
	[tilespmem:$0xBE80] =	vst v63  }
0x74: {  	_ =	swait.ge [sflag:s21], $0x7D0  }
0x75: {  	[sflag:s21] =	ssyncset.done $0x0  }
0x76: {  	s10 =	simm.s32 $0x480;
	[sflag:s21] =	ssyncadd.s32 $0xFFFFF830  }
0x77: {  	[tilespmem:s19], [sflag:$0x2] =	stream.indirect.gather [hbm4b:s4+s16], $0x10, s10, s16, $0xb8;
	[tilespmem:$0xBE80] =	vst v63  }
0x78: {  	_ =	swait.ge [sflag:s22], $0x7D0  }
0x79: {  	[sflag:s22] =	ssyncset.done $0x0  }
0x7a: {  	s15 =	simm.s32 $0x500;
	[sflag:s22] =	ssyncadd.s32 $0xFFFFF830  }
0x7b: {  	[tilespmem:s26], [sflag:$0x3] =	stream.indirect.gather [hbm4b:s4+s16], $0x10, s15, s16, $0xb8;
	[tilespmem:$0xBE80] =	vst v63  }
0x7c: {  	_ =	swait.ge [sflag:s23], $0x7D0  }
0x7d: {  	[sflag:s23] =	ssyncset.done $0x0  }
0x7e: {  	s10 =	simm.s32 $0x580;
	[sflag:s23] =	ssyncadd.s32 $0xFFFFF830  }
0x7f: {  	[tilespmem:s29], [sflag:$0x4] =	stream.indirect.gather [hbm4b:s4+s16], $0x10, s10, s16, $0xb8;
	[tilespmem:$0xBE80] =	vst v63  }
0x80: {  	_ =	swait.ge [sflag:s24], $0x7D0  }
0x81: {  	[sflag:s24] =	ssyncset.done $0x0  }
0x82: {  	s15 =	simm.s32 $0x600;
	[sflag:s24] =	ssyncadd.s32 $0xFFFFF830  }
0x83: {  	[tilespmem:s31], [sflag:$0x5] =	stream.indirect.gather [hbm4b:s4+s16], $0x10, s15, s16, $0xb8;
	[tilespmem:$0xBE80] =	vst v63  }
0x84: {  	_ =	swait.ge [sflag:s7], $0x7D0  }
0x85: {  	[sflag:s7] =	ssyncset.done $0x0  }
0x86: {  	s10 =	simm.s32 $0x680;
	[sflag:s7] =	ssyncadd.s32 $0xFFFFF830  }
0x87: {  	[tilespmem:s14], [sflag:$0x6] =	stream.indirect.gather [hbm4b:s4+s16], $0x10, s10, s16, $0xb8;
	[tilespmem:$0xBE80] =	vst v63  }
0x88: {  	_ =	swait.ge [sflag:s8], $0x7D0  }
0x89: {  	[sflag:s8] =	ssyncset.done $0x0  }
0x8a: {  	s15 =	simm.s32 $0x700;
	[sflag:s8] =	ssyncadd.s32 $0xFFFFF830  }
0x8b: {  	[tilespmem:s18], [sflag:$0x7] =	stream.indirect.gather [hbm4b:s4+s16], $0x10, s15, s16, $0xb8;
	[tilespmem:$0xBE80] =	vst v63  }
0x8c: {  	_ =	swait.ge [sflag:s9], $0x7D0  }
0x8d: {  	[sflag:s9] =	ssyncset.done $0x0  }
0x8e: {  	s11 =	simm.s32 $0x1000;
	s15 =	simm.s32 $0x780;
	[sflag:s9] =	ssyncadd.s32 $0xFFFFF830  }
.LBB2_4:
0x8f: {  	[tilespmem:s28], [sflag:$0x8] =	stream.indirect.gather [hbm4b:s4+s16], $0x10, s15, s16, $0xb8;
	[tilespmem:$0xBE80] =	vst v63  }
0x90: {  	s15 =	smov.u32 s11  }
0x91: {  	p0 =	sne.s32 s11, $0x8000;
	s11 =	sadd.s32 $0x1000, s11;
	_ =	swait.ge [sflag:s30], $0x7D0  }
0x92: {  	s15 =	sshra.s32 s15, $0x2;
	[sflag:s30] =	ssyncset.done $0x0  }
0x93: {  	s10 =	sadd.s32 $0x2800, s15;
	[sflag:s30] =	ssyncadd.s32 $0xFFFFF830  }
0x94: {  	[spmem:s1] =	stream.indirect.scatter.add.f32 [tilespmem:s17], [sflag:$0x9], $0x10, s10, s16, $0xb8;
	[tilespmem:$0xBE80] =	vst v63  }
0x95: {  	_ =	swait.ge [sflag:s0], $0x7D0  }
0x96: {  	[sflag:s0] =	ssyncset.done $0x0  }
0x97: {  	s10 =	sadd.s32 $0x2880, s15;
	[sflag:s0] =	ssyncadd.s32 $0xFFFFF830  }
0x98: {  	[spmem:s1] =	stream.indirect.scatter.add.f32 [tilespmem:s19], [sflag:$0xA], $0x10, s10, s16, $0xb8;
	[tilespmem:$0xBE80] =	vst v63  }
0x99: {  	_ =	swait.ge [sflag:s2], $0x7D0  }
0x9a: {  	[sflag:s2] =	ssyncset.done $0x0  }
0x9b: {  	s10 =	sadd.s32 $0x2900, s15;
	[sflag:s2] =	ssyncadd.s32 $0xFFFFF830  }
0x9c: {  	[spmem:s1] =	stream.indirect.scatter.add.f32 [tilespmem:s26], [sflag:$0xB], $0x10, s10, s16, $0xb8;
	[tilespmem:$0xBE80] =	vst v63  }
0x9d: {  	_ =	swait.ge [sflag:s25], $0x7D0  }
0x9e: {  	[sflag:s25] =	ssyncset.done $0x0  }
0x9f: {  	s10 =	sadd.s32 $0x2980, s15;
	[sflag:s25] =	ssyncadd.s32 $0xFFFFF830  }
0xa0: {  	[spmem:s1] =	stream.indirect.scatter.add.f32 [tilespmem:s29], [sflag:$0xC], $0x10, s10, s16, $0xb8;
	[tilespmem:$0xBE80] =	vst v63  }
0xa1: {  	_ =	swait.ge [sflag:s3], $0x7D0  }
0xa2: {  	[sflag:s3] =	ssyncset.done $0x0  }
0xa3: {  	s10 =	sadd.s32 $0x2A00, s15;
	[sflag:s3] =	ssyncadd.s32 $0xFFFFF830  }
0xa4: {  	[spmem:s1] =	stream.indirect.scatter.add.f32 [tilespmem:s31], [sflag:$0xD], $0x10, s10, s16, $0xb8;
	[tilespmem:$0xBE80] =	vst v63  }
0xa5: {  	_ =	swait.ge [sflag:s5], $0x7D0  }
0xa6: {  	[sflag:s5] =	ssyncset.done $0x0  }
0xa7: {  	s10 =	sadd.s32 $0x2A80, s15;
	[sflag:s5] =	ssyncadd.s32 $0xFFFFF830  }
0xa8: {  	[spmem:s1] =	stream.indirect.scatter.add.f32 [tilespmem:s14], [sflag:$0xE], $0x10, s10, s16, $0xb8;
	[tilespmem:$0xBE80] =	vst v63  }
0xa9: {  	_ =	swait.ge [sflag:s6], $0x7D0  }
0xaa: {  	[sflag:s6] =	ssyncset.done $0x0  }
0xab: {  	s10 =	sadd.s32 $0x2B00, s15;
	[sflag:s6] =	ssyncadd.s32 $0xFFFFF830  }
0xac: {  	[spmem:s1] =	stream.indirect.scatter.add.f32 [tilespmem:s18], [sflag:$0xF], $0x10, s10, s16, $0xb8;
	[tilespmem:$0xBE80] =	vst v63  }
0xad: {  	_ =	swait.ge [sflag:s12], $0x7D0  }
0xae: {  	[sflag:s12] =	ssyncset.done $0x0  }
0xaf: {  	s10 =	sadd.s32 $0x2B80, s15;
	[sflag:s12] =	ssyncadd.s32 $0xFFFFF830  }
0xb0: {  	[spmem:s1] =	stream.indirect.scatter.add.f32 [tilespmem:s28], [sflag:$0x10], $0x10, s10, s16, $0xb8;
	[tilespmem:$0xBE80] =	vst v63  }
0xb1: {  	_ =	swait.ge [sflag:s20], $0x7D0  }
0xb2: {  	[sflag:s20] =	ssyncset.done $0x0  }
0xb3: {  	s10 =	sadd.s32 $0x400, s15;
	[sflag:s20] =	ssyncadd.s32 $0xFFFFF830  }
0xb4: {  	[tilespmem:s17], [sflag:$0x1] =	stream.indirect.gather [hbm4b:s4+s16], $0x10, s10, s16, $0xb8;
	[tilespmem:$0xBE80] =	vst v63  }
0xb5: {  	_ =	swait.ge [sflag:s21], $0x7D0  }
0xb6: {  	[sflag:s21] =	ssyncset.done $0x0  }
0xb7: {  	s10 =	sadd.s32 $0x480, s15;
	[sflag:s21] =	ssyncadd.s32 $0xFFFFF830  }
0xb8: {  	[tilespmem:s19], [sflag:$0x2] =	stream.indirect.gather [hbm4b:s4+s16], $0x10, s10, s16, $0xb8;
	[tilespmem:$0xBE80] =	vst v63  }
0xb9: {  	_ =	swait.ge [sflag:s22], $0x7D0  }
0xba: {  	[sflag:s22] =	ssyncset.done $0x0  }
0xbb: {  	s10 =	sadd.s32 $0x500, s15;
	[sflag:s22] =	ssyncadd.s32 $0xFFFFF830  }
0xbc: {  	[tilespmem:s26], [sflag:$0x3] =	stream.indirect.gather [hbm4b:s4+s16], $0x10, s10, s16, $0xb8;
	[tilespmem:$0xBE80] =	vst v63  }
0xbd: {  	_ =	swait.ge [sflag:s23], $0x7D0  }
0xbe: {  	[sflag:s23] =	ssyncset.done $0x0  }
0xbf: {  	s10 =	sadd.s32 $0x580, s15;
	[sflag:s23] =	ssyncadd.s32 $0xFFFFF830  }
0xc0: {  	[tilespmem:s29], [sflag:$0x4] =	stream.indirect.gather [hbm4b:s4+s16], $0x10, s10, s16, $0xb8;
	[tilespmem:$0xBE80] =	vst v63  }
0xc1: {  	_ =	swait.ge [sflag:s24], $0x7D0  }
0xc2: {  	[sflag:s24] =	ssyncset.done $0x0  }
0xc3: {  	s10 =	sadd.s32 $0x600, s15;
	[sflag:s24] =	ssyncadd.s32 $0xFFFFF830  }
0xc4: {  	[tilespmem:s31], [sflag:$0x5] =	stream.indirect.gather [hbm4b:s4+s16], $0x10, s10, s16, $0xb8;
	[tilespmem:$0xBE80] =	vst v63  }
0xc5: {  	_ =	swait.ge [sflag:s7], $0x7D0  }
0xc6: {  	[sflag:s7] =	ssyncset.done $0x0  }
0xc7: {  	s10 =	sadd.s32 $0x680, s15;
	[sflag:s7] =	ssyncadd.s32 $0xFFFFF830  }
0xc8: {  	[tilespmem:s14], [sflag:$0x6] =	stream.indirect.gather [hbm4b:s4+s16], $0x10, s10, s16, $0xb8;
	[tilespmem:$0xBE80] =	vst v63  }
0xc9: {  	_ =	swait.ge [sflag:s8], $0x7D0  }
0xca: {  	[sflag:s8] =	ssyncset.done $0x0  }
.Ltmp1:
0xcb: {  	s10 =	sadd.s32 $0x700, s15;
	[sflag:s8] =	ssyncadd.s32 $0xFFFFF830;
	(pc) =	sbr.rel @p0 .LBB2_4-.Ltmp1, $4  }
0xcc: {  	[tilespmem:s18], [sflag:$0x7] =	stream.indirect.gather [hbm4b:s4+s16], $0x10, s10, s16, $0xb8;
	[tilespmem:$0xBE80] =	vst v63  }
0xcd: {  	_ =	swait.ge [sflag:s9], $0x7D0  }
0xce: {  	[sflag:s9] =	ssyncset.done $0x0  }
0xcf: {  	s15 =	sadd.s32 $0x780, s15;
	[sflag:s9] =	ssyncadd.s32 $0xFFFFF830  }
0xd0: {  	[tilespmem:s28], [sflag:$0x8] =	stream.indirect.gather [hbm4b:s4+s16], $0x10, s15, s16, $0xb8;
	[tilespmem:$0xBE80] =	vst v63  }
0xd1: {  	_ =	swait.ge [sflag:s30], $0x7D0  }
0xd2: {  	[sflag:s30] =	ssyncset.done $0x0  }
0xd3: {  	s10 =	simm.s32 $0x4C00;
	[sflag:s30] =	ssyncadd.s32 $0xFFFFF830  }
0xd4: {  	[spmem:s1] =	stream.indirect.scatter.add.f32 [tilespmem:s17], [sflag:$0x9], $0x10, s10, s16, $0xb8;
	[tilespmem:$0xBE80] =	vst v63  }
0xd5: {  	_ =	swait.ge [sflag:s0], $0x7D0  }
0xd6: {  	[sflag:s0] =	ssyncset.done $0x0  }
0xd7: {  	s15 =	simm.s32 $0x4C80;
	[sflag:s0] =	ssyncadd.s32 $0xFFFFF830  }
0xd8: {  	[spmem:s1] =	stream.indirect.scatter.add.f32 [tilespmem:s19], [sflag:$0xA], $0x10, s15, s16, $0xb8;
	[tilespmem:$0xBE80] =	vst v63  }
0xd9: {  	_ =	swait.ge [sflag:s2], $0x7D0  }
0xda: {  	[sflag:s2] =	ssyncset.done $0x0  }
0xdb: {  	s11 =	simm.s32 $0x4D00;
	[sflag:s2] =	ssyncadd.s32 $0xFFFFF830  }
0xdc: {  	[spmem:s1] =	stream.indirect.scatter.add.f32 [tilespmem:s26], [sflag:$0xB], $0x10, s11, s16, $0xb8;
	[tilespmem:$0xBE80] =	vst v63  }
0xdd: {  	_ =	swait.ge [sflag:s25], $0x7D0  }
0xde: {  	[sflag:s25] =	ssyncset.done $0x0  }
0xdf: {  	s15 =	simm.s32 $0x4D80;
	[sflag:s25] =	ssyncadd.s32 $0xFFFFF830  }
0xe0: {  	[spmem:s1] =	stream.indirect.scatter.add.f32 [tilespmem:s29], [sflag:$0xC], $0x10, s15, s16, $0xb8;
	[tilespmem:$0xBE80] =	vst v63  }
0xe1: {  	_ =	swait.ge [sflag:s3], $0x7D0  }
0xe2: {  	[sflag:s3] =	ssyncset.done $0x0  }
0xe3: {  	s11 =	simm.s32 $0x4E00;
	[sflag:s3] =	ssyncadd.s32 $0xFFFFF830  }
0xe4: {  	[spmem:s1] =	stream.indirect.scatter.add.f32 [tilespmem:s31], [sflag:$0xD], $0x10, s11, s16, $0xb8;
	[tilespmem:$0xBE80] =	vst v63  }
0xe5: {  	_ =	swait.ge [sflag:s5], $0x7D0  }
0xe6: {  	[sflag:s5] =	ssyncset.done $0x0  }
0xe7: {  	s15 =	simm.s32 $0x4E80;
	[sflag:s5] =	ssyncadd.s32 $0xFFFFF830  }
0xe8: {  	[spmem:s1] =	stream.indirect.scatter.add.f32 [tilespmem:s14], [sflag:$0xE], $0x10, s15, s16, $0xb8;
	[tilespmem:$0xBE80] =	vst v63  }
0xe9: {  	_ =	swait.ge [sflag:s6], $0x7D0  }
0xea: {  	[sflag:s6] =	ssyncset.done $0x0  }
0xeb: {  	s11 =	simm.s32 $0x4F00;
	[sflag:s6] =	ssyncadd.s32 $0xFFFFF830  }
0xec: {  	[spmem:s1] =	stream.indirect.scatter.add.f32 [tilespmem:s18], [sflag:$0xF], $0x10, s11, s16, $0xb8;
	[tilespmem:$0xBE80] =	vst v63  }
0xed: {  	_ =	swait.ge [sflag:s12], $0x7D0  }
0xee: {  	[sflag:s12] =	ssyncset.done $0x0  }
0xef: {  	s15 =	simm.s32 $0x4F80;
	[sflag:s12] =	ssyncadd.s32 $0xFFFFF830  }
0xf0: {  	[spmem:s1] =	stream.indirect.scatter.add.f32 [tilespmem:s28], [sflag:$0x10], $0x10, s15, s16, $0xb8;
	[tilespmem:$0xBE80] =	vst v63  }
0xf1: {  	_ =	swait.ge [sflag:s20], $0x7D0  }
0xf2: {  	[sflag:s20] =	ssyncset.done $0x0  }
0xf3: {  	[sflag:s20] =	ssyncadd.s32 $0xFFFFF830  }
0xf4: {  	_ =	swait.ge [sflag:s21], $0x7D0  }
0xf5: {  	[sflag:s21] =	ssyncset.done $0x0  }
0xf6: {  	[sflag:s21] =	ssyncadd.s32 $0xFFFFF830  }
0xf7: {  	_ =	swait.ge [sflag:s22], $0x7D0  }
0xf8: {  	[sflag:s22] =	ssyncset.done $0x0  }
0xf9: {  	[sflag:s22] =	ssyncadd.s32 $0xFFFFF830  }
0xfa: {  	_ =	swait.ge [sflag:s23], $0x7D0  }
0xfb: {  	[sflag:s23] =	ssyncset.done $0x0  }
0xfc: {  	[sflag:s23] =	ssyncadd.s32 $0xFFFFF830  }
0xfd: {  	_ =	swait.ge [sflag:s24], $0x7D0  }
0xfe: {  	[sflag:s24] =	ssyncset.done $0x0  }
0xff: {  	[sflag:s24] =	ssyncadd.s32 $0xFFFFF830  }
0x100: {  	_ =	swait.ge [sflag:s7], $0x7D0  }
0x101: {  	[sflag:s7] =	ssyncset.done $0x0  }
0x102: {  	[sflag:s7] =	ssyncadd.s32 $0xFFFFF830  }
0x103: {  	_ =	swait.ge [sflag:s8], $0x7D0  }
0x104: {  	[sflag:s8] =	ssyncset.done $0x0  }
0x105: {  	[sflag:s8] =	ssyncadd.s32 $0xFFFFF830  }
0x106: {  	_ =	swait.ge [sflag:s9], $0x7D0  }
0x107: {  	[sflag:s9] =	ssyncset.done $0x0  }
0x108: {  	[sflag:s9] =	ssyncadd.s32 $0xFFFFF830  }
0x109: {  	s11 =	stileid.u32;
	[bflag:$0x0] =	sbarrier.arrive $0xFFFF  }
0x10a: {  	s10 =	sshll.u32 s11, $0x6;
	s11 =	rddreg [dreg:$0x5]  }
0x10b: {  	s10 =	sor.u32 $0x1C11, s10;
	s15 =	rddreg [dreg:$0xb];
	s11 =	sshrl.u32 s11, $0x3  }
0x10c: {  	[hbm:s15], [sflag:s10] =	dma.local [spmem:s11], $0x100  }
0x10d: {  	_ =	swait.ge [sflag:s13], $0x100  }
0x10e: {  	[sflag:s13] =	ssyncset.done $0x0;
	s15 =	rddreg [dreg:$0x6]  }
0x10f: {  	[sflag:s13] =	ssyncadd.s32 $0xFFFFFF00;
	s11 =	sshrl.u32 s15, $0x3;
	s15 =	rddreg [dreg:$0xc]  }
0x110: {  	[hbm:s15], [sflag:s10] =	dma.local [spmem:s11], $0x100  }
0x111: {  	_ =	swait.ge [sflag:s13], $0x100  }
0x112: {  	[sflag:s13] =	ssyncset.done $0x0;
	s15 =	rddreg [dreg:$0x7]  }
0x113: {  	[sflag:s13] =	ssyncadd.s32 $0xFFFFFF00;
	s11 =	sshrl.u32 s15, $0x3;
	s15 =	rddreg [dreg:$0xd]  }
0x114: {  	[hbm:s15], [sflag:s10] =	dma.local [spmem:s11], $0x100  }
0x115: {  	_ =	swait.ge [sflag:s13], $0x100  }
0x116: {  	[sflag:s13] =	ssyncset.done $0x0;
	s15 =	rddreg [dreg:$0x8]  }
0x117: {  	[sflag:s13] =	ssyncadd.s32 $0xFFFFFF00;
	s11 =	sshrl.u32 s15, $0x3;
	s15 =	rddreg [dreg:$0xe]  }
0x118: {  	[hbm:s15], [sflag:s10] =	dma.local [spmem:s11], $0x100  }
0x119: {  	_ =	swait.ge [sflag:s13], $0x100  }
0x11a: {  	[sflag:s13] =	ssyncset.done $0x0;
	s15 =	rddreg [dreg:$0x9]  }
0x11b: {  	[sflag:s13] =	ssyncadd.s32 $0xFFFFFF00;
	s11 =	sshrl.u32 s15, $0x3;
	s15 =	rddreg [dreg:$0xf]  }
0x11c: {  	[hbm:s15], [sflag:s10] =	dma.local [spmem:s11], $0x100  }
0x11d: {  	_ =	swait.ge [sflag:s13], $0x100  }
0x11e: {  	s10 =	rddreg [dreg:$0x10]  }
0x11f: {  	s15 =	rddreg [dreg:$0xa];
	s11 =	sadd.s32 $0x1, s10  }
0x120: {  	p0 =	sne.s32 s11, s15  }
.Ltmp2:
0x121: {  	_ = 	snop;
	(pc) =	sbr.rel @p0 .LBB2_1-.Ltmp2, $3  }
0x122: {  	_ =	sdelay $0x1  }
0x123: {  	[sflag:s13] =	ssyncset.done $0x0  }
0x124: {  	[sflag:s13] =	ssyncadd.s32 $0xFFFFFF00  }
0x125: {  	_ =	sfence.sel $0x180000  }
0x126: {  	[bflag:$0x0] =	sbarrier.arrive $0xFFFF  }
0x127: {  	_ =	strace $0x90000050  }
0x128: {  	s0 =	stileid.u32;
	[bflag:$0x2] =	sbarrier.arrive $0xFFFF  }
0x129: {  	p0 =	sne.s32 s0, $0x0;
	s0 =	rddreg [dreg:$0x2]  }
0x12a: {  	s0 =	sadd.s32 @!p0 $0x100000, s0  }
0x12b: {  	[sflag:s0] =	ssyncadd.tile.s32 @!p0 $0x1;
	_ =	shalt  }
.Lfunc_end2:
_tile_overlayer_lowered:
.L_overlay_start_2:
0x12c: {  	(tag) =	ssettag $0x2  }
0x12d: {  	s0 =	rddreg [dreg:$0x0];
	s2 =	stileid.u32  }
0x12e: {  	s1 =	rddreg [dreg:$0x1];
	p0 =	sne.s32 s2, $0x0  }
0x12f: {  	s3 =	rddreg [dreg:$0x2];
	[bflag:$0x3] =	sbarrier.arrive $0xFFFF;
	s2 =	simm.s32 @!p0 $0x1C11  }
0x130: {  	[timem:s3], [sflag:s2] =	dma.local @!p0 [hbm:s0], s1  }
0x131: {  	s0 =	simm.s32 @!p0 $0x11  }
0x132: {  	_ =	swait.ge @!p0 [sflag:s0], s1  }
0x133: {  	s1 =	ssub.s32 @!p0 $0x0, s1;
	[sflag:s0] =	ssyncset.done @!p0 $0x0  }
0x134: {  	[sflag:s0] =	ssyncadd.s32 @!p0 s1  }
0x135: {  	[bflag:$0x3] =	sbarrier.arrive $0xFFFF  }
0x136: {  	_ =	shalt  }

</sc_bundles>
